<compile_context>
chip_gen: v7x
topology: tpu7x:2x2x1
jax: 0.10.2.dev20260603
libtpu: 0.0.44.dev20260713+nightly
codegen_flags: <defaults>
</compile_context>

<pallas_src>
import functools

import jax
import jax.numpy as jnp
from jax import lax
from jax.experimental import pallas as pl
from jax.experimental.pallas import tpu as pltpu
from jax.experimental.pallas import tpu_sc as plsc

NC = 2
NS = 16
L = 16
C = 128
F32 = jnp.float32

_SC_PARAMS = pltpu.CompilerParams(use_tc_tiling_on_sc=False,
                                  needs_layout_passes=False)


def _mesh():
    return plsc.VectorSubcoreMesh(core_axis_name="c", subcore_axis_name="s",
                                  num_cores=NC, num_subcores=NS)



def _sc_gs(n_pad, d, k):
    rps = n_pad // NS

    @functools.partial(
        pl.kernel,
        out_type=jax.ShapeDtypeStruct((NC, n_pad, d), F32),
        mesh=_mesh(),
        compiler_params=_SC_PARAMS,
        scratch_types=[
            pltpu.VMEM_SHARED((n_pad, d), F32),
            pltpu.VMEM_SHARED((n_pad, d), F32),
            pltpu.VMEM((k, C), jnp.int32),
            pltpu.VMEM((k, C), jnp.int32),
            pltpu.VMEM((C, d), F32),
            pltpu.VMEM((C, d), F32),
            pltpu.SemaphoreType.DMA,
            pltpu.SemaphoreType.DMA,
        ],
    )
    def kern(idxg_hbm, idxs_hbm, table_hbm, zeros_hbm, out_hbm,
             table_s, acc_s, idxg_v, idxs_v, rows_a, rows_b, sem_a, sem_b):
        c = lax.axis_index("c")
        s = lax.axis_index("s")
        wid = c * NS + s
        r0 = s * rps
        pltpu.sync_copy(table_hbm.at[pl.ds(r0, rps)], table_s.at[pl.ds(r0, rps)])
        pltpu.sync_copy(zeros_hbm.at[pl.ds(r0, rps)], acc_s.at[pl.ds(r0, rps)])
        pltpu.sync_copy(idxg_hbm.at[pl.ds(wid * k, k)], idxg_v)
        pltpu.sync_copy(idxs_hbm.at[pl.ds(wid * k, k)], idxs_v)
        plsc.subcore_barrier()
        pltpu.async_copy(table_s.at[idxg_v.at[0]], rows_a, sem_a)

        def body(j, carry):
            jj = 2 * j
            pltpu.async_copy(table_s.at[idxg_v.at[jj + 1]], rows_b, sem_b)
            pltpu.make_async_copy(table_s.at[idxg_v.at[jj]], rows_a, sem_a).wait()
            pltpu.sync_copy(rows_a, acc_s.at[idxs_v.at[jj]], add=True)

            @pl.when(jj + 2 < k)
            def _():
                pltpu.async_copy(table_s.at[idxg_v.at[jj + 2]], rows_a, sem_a)

            pltpu.make_async_copy(table_s.at[idxg_v.at[jj + 1]], rows_b,
                                  sem_b).wait()
            pltpu.sync_copy(rows_b, acc_s.at[idxs_v.at[jj + 1]], add=True)
            return carry

        lax.fori_loop(0, k // 2, body, 0)
        plsc.subcore_barrier()
        pltpu.sync_copy(acc_s.at[pl.ds(r0, rps)], out_hbm.at[c, pl.ds(r0, rps)])

    return kern


def _sc_prep(n_pad, d, k):
    rps = n_pad // NS

    @functools.partial(
        pl.kernel,
        out_type=(jax.ShapeDtypeStruct((NC, n_pad, d), F32),
                  jax.ShapeDtypeStruct((NC, n_pad, d), F32),
                  jax.ShapeDtypeStruct((NC, n_pad, d), F32)),
        mesh=_mesh(),
        compiler_params=_SC_PARAMS,
        scratch_types=[
            pltpu.VMEM_SHARED((n_pad, d), F32),
            pltpu.VMEM_SHARED((n_pad, d), F32),
            pltpu.VMEM_SHARED((n_pad, d), F32),
            pltpu.VMEM_SHARED((n_pad, d), F32),
            pltpu.VMEM((k, C), jnp.int32),
            pltpu.VMEM((k, C), jnp.int32),
            pltpu.VMEM((C, d), F32),
            pltpu.VMEM((C, d), F32),
            pltpu.SemaphoreType.DMA,
        ],
    )
    def kern(src_hbm, dst_hbm, t_hbm, zeros_hbm, outSt_hbm, outDi_hbm, outDo_hbm,
             t_s, accSt, accDi, accDo, src_v, dst_v, gt, ones_v, sem_p):
        c = lax.axis_index("c")
        s = lax.axis_index("s")
        wid = c * NS + s
        r0 = s * rps
        pltpu.sync_copy(t_hbm.at[pl.ds(r0, rps)], t_s.at[pl.ds(r0, rps)])
        pltpu.sync_copy(zeros_hbm.at[pl.ds(r0, rps)], accSt.at[pl.ds(r0, rps)])
        pltpu.sync_copy(zeros_hbm.at[pl.ds(r0, rps)], accDi.at[pl.ds(r0, rps)])
        pltpu.sync_copy(zeros_hbm.at[pl.ds(r0, rps)], accDo.at[pl.ds(r0, rps)])
        pltpu.sync_copy(src_hbm.at[pl.ds(wid * k, k)], src_v)
        pltpu.sync_copy(dst_hbm.at[pl.ds(wid * k, k)], dst_v)
        one = jnp.ones((L,), F32)
        for i in range(C):
            ones_v[i, :] = one
        plsc.subcore_barrier()

        def body(j, carry):
            cp = pltpu.async_copy(t_s.at[src_v.at[j]], gt, sem_p)
            pltpu.sync_copy(ones_v, accDi.at[dst_v.at[j]], add=True)
            pltpu.sync_copy(ones_v, accDo.at[src_v.at[j]], add=True)
            cp.wait()
            pltpu.sync_copy(gt, accSt.at[dst_v.at[j]], add=True)
            return carry

        lax.fori_loop(0, k, body, 0)
        plsc.subcore_barrier()
        pltpu.sync_copy(accSt.at[pl.ds(r0, rps)], outSt_hbm.at[c, pl.ds(r0, rps)])
        pltpu.sync_copy(accDi.at[pl.ds(r0, rps)], outDi_hbm.at[c, pl.ds(r0, rps)])
        pltpu.sync_copy(accDo.at[pl.ds(r0, rps)], outDo_hbm.at[c, pl.ds(r0, rps)])

    return kern


def _sc_edge(n_pad, d, k):
    rps = n_pad // NS

    @functools.partial(
        pl.kernel,
        out_type=jax.ShapeDtypeStruct((NC, n_pad, d), F32),
        mesh=_mesh(),
        compiler_params=_SC_PARAMS,
        scratch_types=[
            pltpu.VMEM_SHARED((n_pad, d), F32),
            pltpu.VMEM_SHARED((n_pad, d), F32),
            pltpu.VMEM_SHARED((n_pad, d), F32),
            pltpu.VMEM((k, C), jnp.int32),
            pltpu.VMEM((k, C), jnp.int32),
            pltpu.VMEM((2, C, d), F32),
            pltpu.VMEM((2, C, d), F32),
            pltpu.VMEM((2, C, d), F32),
            pltpu.VMEM((2, C, d), F32),
            pltpu.VMEM((C, d), F32),
            pltpu.VMEM((C, d), F32),
            pltpu.SemaphoreType.DMA,
            pltpu.SemaphoreType.DMA,
        ],
    )
    def kern(src_hbm, dst_hbm, h_hbm, m_hbm, zeros_hbm, out_hbm,
             h_s, m_s, acc_s, src_v, dst_v, ha, hb, ma, mb, pos_v, neg_v,
             sem_a, sem_b):
        c = lax.axis_index("c")
        s = lax.axis_index("s")
        wid = c * NS + s
        r0 = s * rps
        pltpu.sync_copy(h_hbm.at[pl.ds(r0, rps)], h_s.at[pl.ds(r0, rps)])
        pltpu.sync_copy(m_hbm.at[pl.ds(r0, rps)], m_s.at[pl.ds(r0, rps)])
        pltpu.sync_copy(zeros_hbm.at[pl.ds(r0, rps)], acc_s.at[pl.ds(r0, rps)])
        pltpu.sync_copy(src_hbm.at[pl.ds(wid * k, k)], src_v)
        pltpu.sync_copy(dst_hbm.at[pl.ds(wid * k, k)], dst_v)
        plsc.subcore_barrier()
        iota = lax.iota(jnp.int32, L)
        shuf = [lax.bitwise_xor(iota, jnp.int32(r)) for r in (1, 2, 4, 8)]
        dnums = lax.GatherDimensionNumbers(
            offset_dims=(), collapsed_slice_dims=(0,), start_index_map=(0,))

        def hsum(v):
            for idx in shuf:
                v = v + lax.gather(
                    v, idx[:, None], dnums, (1,),
                    mode=lax.GatherScatterMode.PROMISE_IN_BOUNDS)
            return v

        def fire(j, b, sem):
            pltpu.async_copy(h_s.at[src_v.at[j]], ha.at[b], sem)
            pltpu.async_copy(h_s.at[dst_v.at[j]], hb.at[b], sem)
            pltpu.async_copy(m_s.at[src_v.at[j]], ma.at[b], sem)
            pltpu.async_copy(m_s.at[dst_v.at[j]], mb.at[b], sem)

        def drain(j, b, sem):
            pltpu.make_async_copy(h_s.at[src_v.at[j]], ha.at[b], sem).wait()
            pltpu.make_async_copy(h_s.at[dst_v.at[j]], hb.at[b], sem).wait()
            pltpu.make_async_copy(m_s.at[src_v.at[j]], ma.at[b], sem).wait()
            pltpu.make_async_copy(m_s.at[dst_v.at[j]], mb.at[b], sem).wait()

        def process(j, b):
            @plsc.parallel_loop(0, C, step=1, unroll=8)
            def _edge(i):
                df = ha[b, i, :] - hb[b, i, :]
                d2 = hsum(df * df)
                cc = hsum(ma[b, i, :] * mb[b, i, :])
                yi = lax.bitcast_convert_type(
                    jnp.full((L,), 0x5F3759DF, jnp.int32)
                    - lax.shift_right_logical(
                        lax.bitcast_convert_type(d2, jnp.int32), 1),
                    F32)
                hd2 = 0.5 * d2
                yi = yi * (1.5 - hd2 * yi * yi)
                yi = yi * (1.5 - hd2 * yi * yi)
                coef = cc * yi * yi * yi
                v = coef * df
                pos_v[i, :] = v
                neg_v[i, :] = -v

            pltpu.sync_copy(pos_v, acc_s.at[dst_v.at[j]], add=True)
            pltpu.sync_copy(neg_v, acc_s.at[src_v.at[j]], add=True)

        fire(0, 0, sem_a)

        def body(j, carry):
            jj = 2 * j
            fire(jj + 1, 1, sem_b)
            drain(jj, 0, sem_a)
            process(jj, 0)

            @pl.when(jj + 2 < k)
            def _():
                fire(jj + 2, 0, sem_a)

            drain(jj + 1, 1, sem_b)
            process(jj + 1, 1)
            return carry

        lax.fori_loop(0, k // 2, body, 0)
        plsc.subcore_barrier()
        pltpu.sync_copy(acc_s.at[pl.ds(r0, rps)], out_hbm.at[c, pl.ds(r0, rps)])

    return kern



def _tc_call(body, out_shapes, *args):
    return pl.pallas_call(
        body,
        out_shape=tuple(jax.ShapeDtypeStruct(s, F32) for s in out_shapes),
    )(*args)


def _tc_pre(p128, m128):
    def body(p_ref, m_ref, t_ref):
        m = m_ref[...]
        valid = m > 0
        t_ref[...] = jnp.where(valid, p_ref[...] / jnp.where(valid, m, 1.0), 0.0)

    (t,) = _tc_call(body, [p128.shape], p128, m128)
    return t


def _tc1(accSt, accDi, accDo, q128, t128):
    def body(st_ref, di_ref, do_ref, q_ref, t_ref,
             rsin_ref, rsout_ref, x1_ref, dhdp_ref):
        rsin_ref[...] = lax.rsqrt(jnp.maximum(di_ref[0] + di_ref[1], 1.0))
        rsout_ref[...] = lax.rsqrt(jnp.maximum(do_ref[0] + do_ref[1], 1.0))
        x1_ref[...] = q_ref[...] * rsout_ref[...]
        dhdp_ref[...] = st_ref[0] + st_ref[1] + t_ref[...]

    return _tc_call(body, [q128.shape] * 4, accSt, accDi, accDo, q128, t128)


def _tc2(acc, rs_in, rs_out, W1big, b1big, W2big):
    r128, _ = rs_in.shape
    hidb = W1big.shape[1]

    def body(acc_ref, rsin_ref, rsout_ref, w1_ref, b1_ref, w2_ref,
             h2_ref, a_ref):
        xw = (acc_ref[0] + acc_ref[1]) * rsin_ref[...]
        a = jnp.dot(xw, w1_ref[...], preferred_element_type=F32) + b1_ref[...]
        a_ref[...] = a
        h2_ref[...] = jnp.dot(jnp.maximum(a, 0.0), w2_ref[...],
                              preferred_element_type=F32) * rsout_ref[...]

    return _tc_call(body, [rs_in.shape, (r128, hidb)],
                    acc, rs_in, rs_out, W1big, b1big, W2big)


def _tc3(acc, rs_in, q128, b2big):
    def body(acc_ref, rsin_ref, q_ref, b2_ref, h_ref):
        h_ref[...] = ((acc_ref[0] + acc_ref[1]) * rsin_ref[...]
                      + b2_ref[...] + q_ref[...])

    (h,) = _tc_call(body, [q128.shape], acc, rs_in, q128, b2big)
    return h


def _tc5(accG, rs_in, gravity):
    def body(acc_ref, rsin_ref, grav_ref, g_ref, y_ref):
        g = 0.5 * grav_ref[0, 0] * (acc_ref[0] + acc_ref[1])
        g_ref[...] = g
        y_ref[...] = g * rsin_ref[...]

    return _tc_call(body, [rs_in.shape] * 2, accG, rs_in, gravity)


def _tc6(acc, a_big, rs_in, rs_out, W2Tbig, W1Tbig):
    def body(acc_ref, a_ref, rsin_ref, rsout_ref, w2t_ref, w1t_ref, y2_ref):
        zw = (acc_ref[0] + acc_ref[1]) * rsout_ref[...]
        u = jnp.dot(zw, w2t_ref[...], preferred_element_type=F32)
        v = jnp.where(a_ref[...] > 0, u, 0.0)
        y2_ref[...] = jnp.dot(v, w1t_ref[...],
                              preferred_element_type=F32) * rsin_ref[...]

    (y2,) = _tc_call(body, [rs_in.shape], acc, a_big, rs_in, rs_out,
                     W2Tbig, W1Tbig)
    return y2


def _tc7(acc, rs_out, g128):
    def body(acc_ref, rsout_ref, g_ref, dhdq_ref):
        dhdq_ref[...] = (acc_ref[0] + acc_ref[1]) * rsout_ref[...] + g_ref[...]

    (dhdq,) = _tc_call(body, [rs_out.shape], acc, rs_out, g128)
    return dhdq



def kernel(q, p, edge_index, M, W1, b1, W2, b2, gravity):
    n, d = q.shape
    e = edge_index.shape[1]
    nw = NC * NS
    n_pad = -(-(n + 1) // (NS * 8)) * NS * 8
    k = -(-e // (nw * C))
    e_pad = nw * C * k
    r128 = n_pad * d // 128
    nb = 128 // d

    ei = jnp.pad(edge_index.astype(jnp.int32), ((0, 0), (0, e_pad - e)),
                 constant_values=n).reshape(2, e_pad // C, C)
    srcp, dstp = ei[0], ei[1]

    rv = n * d // 128
    rpad = ((0, r128 - rv), (0, 0))
    m = jnp.diagonal(M, axis1=1, axis2=2)
    q128 = jnp.pad(q.reshape(rv, 128), rpad)
    p128 = jnp.pad(p.reshape(rv, 128), rpad)
    m128 = jnp.pad(m.reshape(rv, 128), rpad)
    m_pad = m128.reshape(n_pad, d)
    zeros16 = jnp.zeros((n_pad, d), F32)

    eye = jnp.eye(nb, dtype=F32)
    W1big = jnp.kron(eye, W1)
    W2big = jnp.kron(eye, W2)
    W2Tbig = jnp.kron(eye, W2.T)
    W1Tbig = jnp.kron(eye, W1.T)
    b1big = jnp.tile(b1, nb).reshape(1, nb * b1.shape[0])
    b2big = jnp.tile(b2, nb).reshape(1, 128)

    def v128(acc):
        return acc.reshape(NC, r128, 128)

    def v16(x):
        return x.reshape(n_pad, d)

    sc_gs = _sc_gs(n_pad, d, k)

    t128 = _tc_pre(p128, m128)
    accSt, accDi, accDo = _sc_prep(n_pad, d, k)(srcp, dstp, v16(t128), zeros16)
    rs_in, rs_out, x1, dhdp = _tc1(v128(accSt), v128(accDi), v128(accDo),
                                   q128, t128)

    acc1 = sc_gs(srcp, dstp, v16(x1), zeros16)
    h2, a_big = _tc2(v128(acc1), rs_in, rs_out, W1big, b1big, W2big)
    acc2 = sc_gs(srcp, dstp, v16(h2), zeros16)
    h = _tc3(v128(acc2), rs_in, q128, b2big)

    accG = _sc_edge(n_pad, d, k)(srcp, dstp, v16(h), m_pad, zeros16)
    g128, y = _tc5(v128(accG), rs_in, gravity)

    accZ = sc_gs(dstp, srcp, v16(y), zeros16)
    y2 = _tc6(v128(accZ), a_big, rs_in, rs_out, W2Tbig, W1Tbig)
    accZ2 = sc_gs(dstp, srcp, v16(y2), zeros16)
    dhdq = _tc7(v128(accZ2), rs_out, g128)

    return jnp.concatenate([v16(dhdq)[:n], v16(dhdp)[:n]], axis=1)

# --- scband reference (transcript-rebuilt; emitter-appended) ---
"""Pipeline reference for scband-hnn-43379169689793 (READ-ONLY COPY).

The authoritative reference and input builder live on the scoring server;
editing this copy changes nothing except your own understanding.
"""

import jax, jax.numpy as jnp
import numpy as np

N = 10000
E = 160000
IN_DIM = 32
D = IN_DIM // 2
HID = 128


def _graph_conv(x, src, dst, W, b, n):
    ones = jnp.ones(src.shape[0], dtype=x.dtype)
    deg_out = jnp.maximum(jax.ops.segment_sum(ones, src, num_segments=n), 1.0)
    deg_in = jnp.maximum(jax.ops.segment_sum(ones, dst, num_segments=n), 1.0)
    h = x * (deg_out ** -0.5)[:, None]
    h = h @ W
    agg = jax.ops.segment_sum(h[src], dst, num_segments=n)
    agg = agg * (deg_in ** -0.5)[:, None]
    return agg + b


def _conv_gnn(x, src, dst, W1, b1, W2, b2, n):
    h = jax.nn.relu(_graph_conv(x, src, dst, W1, b1, n))
    h1 = _graph_conv(h, src, dst, W2, b2, n)
    return h1 + x


def setup_inputs(seed: int = 0):
    key = jax.random.key(seed)
    ks = jax.random.split(key, 8)
    q = jax.random.normal(ks[0], (N, D), dtype=jnp.float32)
    p = jax.random.normal(ks[1], (N, D), dtype=jnp.float32)
    src = jax.random.randint(ks[2], (E,), 0, N)
    off = jax.random.randint(ks[6], (E,), 1, N)
    dst = (src + off) % N  # guarantees src != dst so the pairwise distance is nonzero
    edge_index = jnp.stack([src, dst])
    # per-node diagonal positive-definite mass matrices (as produced by get_mass/reduce_M)
    m_diag = jax.random.uniform(ks[3], (N, D), dtype=jnp.float32) + 0.1
    M = jax.vmap(jnp.diag)(m_diag)
    W1 = jax.random.normal(ks[4], (D, HID), dtype=jnp.float32) / np.sqrt(D)
    b1 = jnp.zeros((HID,), dtype=jnp.float32)
    W2 = jax.random.normal(ks[5], (HID, D), dtype=jnp.float32) / np.sqrt(HID)
    b2 = jnp.zeros((D,), dtype=jnp.float32)
    gravity = jnp.ones((1, 1), dtype=jnp.float32)
    return {"q": q, "p": p, "edge_index": edge_index, "M": M,
            "W1": W1, "b1": b1, "W2": W2, "b2": b2, "gravity": gravity}


def reference(q, p, edge_index, M, W1, b1, W2, b2, gravity):
    n = q.shape[0]
    src = edge_index[0]
    dst = edge_index[1]

    # dHdq = d/dq of potential energy P(q)
    def P_energy(qq):
        h = _conv_gnn(qq, src, dst, W1, b1, W2, b2, n)  # P_fun ConvGNN on no-loop graph
        euclid = jnp.linalg.norm(h[src] - h[dst], axis=-1)  # [E]
        masses = M[src] * M[dst]  # [E, D, D] elementwise product of src/dst masses
        Pe = gravity[0, 0] * masses / euclid[:, None, None]
        return 0.5 * jnp.sum(Pe)

    dHdQ = jax.grad(P_energy)(q)

    # dHdp on selfloop graph: message t = p_src, M_src; reduce res = t @ inv(M)
    loop = jnp.arange(n, dtype=src.dtype)
    src_s = jnp.concatenate([src, loop])
    dst_s = jnp.concatenate([dst, loop])
    Minv = jnp.linalg.inv(M)
    t = jnp.einsum('ed,edf->ef', p[src_s], Minv[src_s])
    dHdP = jax.ops.segment_sum(t, dst_s, num_segments=n)

    return jnp.concatenate([dHdQ, dHdP], axis=-1)

if __name__ == "__main__":
    import jax
    _d = setup_inputs()
    print(jax.jit(kernel)(*tuple(_d.values())))

</pallas_src>

<mosaic_0001>
#map = affine_map<(d0, d1) -> (0, 0)>
#map1 = affine_map<(d0, d1) -> (0, 0, 0)>
module attributes {stable_mosaic.version = 14 : i64} {
  func.func @kern(%arg0: i32, %arg1: i32, %arg2: memref<1280x128xi32, #tpu.memory_space<hbm>>, %arg3: memref<1280x128xi32, #tpu.memory_space<hbm>>, %arg4: memref<10112x16xf32, #tpu.memory_space<hbm>>, %arg5: memref<10112x16xf32, #tpu.memory_space<hbm>>, %arg6: memref<2x10112x16xf32, #tpu.memory_space<hbm>>, %arg7: memref<2x10112x16xf32, #tpu.memory_space<hbm>>, %arg8: memref<2x10112x16xf32, #tpu.memory_space<hbm>>, %arg9: memref<10112x16xf32, #tpu.memory_space<vmem_shared>>, %arg10: memref<10112x16xf32, #tpu.memory_space<vmem_shared>>, %arg11: memref<10112x16xf32, #tpu.memory_space<vmem_shared>>, %arg12: memref<10112x16xf32, #tpu.memory_space<vmem_shared>>, %arg13: memref<40x128xi32, #tpu.memory_space<vmem>>, %arg14: memref<40x128xi32, #tpu.memory_space<vmem>>, %arg15: memref<128x16xf32, #tpu.memory_space<vmem>>, %arg16: memref<128x16xf32, #tpu.memory_space<vmem>>, %arg17: memref<!tpu.dma_semaphore, #tpu.memory_space<semaphore_mem>>) attributes {dimension_semantics = [#tpu.dimension_semantics<core_parallel>, #tpu.dimension_semantics<subcore_parallel>], iteration_bounds = array<i64: 2, 16>, scalar_prefetch = 0 : i64, scratch_operands = 9 : i64, tpu.core_type = #tpu.core_type<sc_vector_subcore>, window_params = [{transform_indices = #map}, {transform_indices = #map}, {transform_indices = #map}, {transform_indices = #map}, {transform_indices = #map1}, {transform_indices = #map1}, {transform_indices = #map1}]} {
    %mul3A = arith.constant 16 : i32
    %mul3A_0 = arith.muli %arg0, %mul3A : i32
    %add3A = arith.addi %mul3A_0, %arg1 : i32
    %mul3A_1 = arith.constant 632 : i32
    %mul3A_2 = arith.muli %arg1, %mul3A_1 : i32
    "tpu.region"() ({
      %run_scoped3A = tpu.sem_alloc : memref<!tpu.dma_semaphore, #tpu.memory_space<semaphore_mem>>
      %dma_start3A = arith.constant 0 : i32
      %dma_start3A_525 = tpu.memref_slice %arg9[%mul3A_2, %dma_start3A] : memref<10112x16xf32, #tpu.memory_space<vmem_shared>> -> memref<632x16xf32, #tpu.memory_space<vmem_shared>>
      %dma_start3A_526 = arith.constant 0 : i32
      %dma_start3A_527 = tpu.memref_slice %arg4[%mul3A_2, %dma_start3A_526] : memref<10112x16xf32, #tpu.memory_space<hbm>> -> memref<632x16xf32, #tpu.memory_space<hbm>>
      tpu.enqueue_dma source(%dma_start3A_527 : memref<632x16xf32, #tpu.memory_space<hbm>>) target(%dma_start3A_525 : memref<632x16xf32, #tpu.memory_space<vmem_shared>>) target_semaphore(%run_scoped3A : memref<!tpu.dma_semaphore, #tpu.memory_space<semaphore_mem>>)
      %dma_wait3A = arith.constant 0 : i32
      %dma_wait3A_528 = tpu.memref_slice %arg9[%mul3A_2, %dma_wait3A] : memref<10112x16xf32, #tpu.memory_space<vmem_shared>> -> memref<632x16xf32, #tpu.memory_space<vmem_shared>>
      %dma_wait3A_529 = arith.constant 0 : i32
      %dma_wait3A_530 = tpu.memref_slice %arg4[%mul3A_2, %dma_wait3A_529] : memref<10112x16xf32, #tpu.memory_space<hbm>> -> memref<632x16xf32, #tpu.memory_space<hbm>>
      tpu.wait_dma2 semaphore(%run_scoped3A : memref<!tpu.dma_semaphore, #tpu.memory_space<semaphore_mem>>) src(%dma_wait3A_530 : memref<632x16xf32, #tpu.memory_space<hbm>>) dst(%dma_wait3A_528 : memref<632x16xf32, #tpu.memory_space<vmem_shared>>)
      tpu.yield
    }) : () -> ()
    "tpu.region"() ({
      %run_scoped3A = tpu.sem_alloc : memref<!tpu.dma_semaphore, #tpu.memory_space<semaphore_mem>>
      %dma_start3A = arith.constant 0 : i32
      %dma_start3A_525 = tpu.memref_slice %arg10[%mul3A_2, %dma_start3A] : memref<10112x16xf32, #tpu.memory_space<vmem_shared>> -> memref<632x16xf32, #tpu.memory_space<vmem_shared>>
      %dma_start3A_526 = arith.constant 0 : i32
      %dma_start3A_527 = tpu.memref_slice %arg5[%mul3A_2, %dma_start3A_526] : memref<10112x16xf32, #tpu.memory_space<hbm>> -> memref<632x16xf32, #tpu.memory_space<hbm>>
      tpu.enqueue_dma source(%dma_start3A_527 : memref<632x16xf32, #tpu.memory_space<hbm>>) target(%dma_start3A_525 : memref<632x16xf32, #tpu.memory_space<vmem_shared>>) target_semaphore(%run_scoped3A : memref<!tpu.dma_semaphore, #tpu.memory_space<semaphore_mem>>)
      %dma_wait3A = arith.constant 0 : i32
      %dma_wait3A_528 = tpu.memref_slice %arg10[%mul3A_2, %dma_wait3A] : memref<10112x16xf32, #tpu.memory_space<vmem_shared>> -> memref<632x16xf32, #tpu.memory_space<vmem_shared>>
      %dma_wait3A_529 = arith.constant 0 : i32
      %dma_wait3A_530 = tpu.memref_slice %arg5[%mul3A_2, %dma_wait3A_529] : memref<10112x16xf32, #tpu.memory_space<hbm>> -> memref<632x16xf32, #tpu.memory_space<hbm>>
      tpu.wait_dma2 semaphore(%run_scoped3A : memref<!tpu.dma_semaphore, #tpu.memory_space<semaphore_mem>>) src(%dma_wait3A_530 : memref<632x16xf32, #tpu.memory_space<hbm>>) dst(%dma_wait3A_528 : memref<632x16xf32, #tpu.memory_space<vmem_shared>>)
      tpu.yield
    }) : () -> ()
    "tpu.region"() ({
      %run_scoped3A = tpu.sem_alloc : memref<!tpu.dma_semaphore, #tpu.memory_space<semaphore_mem>>
      %dma_start3A = arith.constant 0 : i32
      %dma_start3A_525 = tpu.memref_slice %arg11[%mul3A_2, %dma_start3A] : memref<10112x16xf32, #tpu.memory_space<vmem_shared>> -> memref<632x16xf32, #tpu.memory_space<vmem_shared>>
      %dma_start3A_526 = arith.constant 0 : i32
      %dma_start3A_527 = tpu.memref_slice %arg5[%mul3A_2, %dma_start3A_526] : memref<10112x16xf32, #tpu.memory_space<hbm>> -> memref<632x16xf32, #tpu.memory_space<hbm>>
      tpu.enqueue_dma source(%dma_start3A_527 : memref<632x16xf32, #tpu.memory_space<hbm>>) target(%dma_start3A_525 : memref<632x16xf32, #tpu.memory_space<vmem_shared>>) target_semaphore(%run_scoped3A : memref<!tpu.dma_semaphore, #tpu.memory_space<semaphore_mem>>)
      %dma_wait3A = arith.constant 0 : i32
      %dma_wait3A_528 = tpu.memref_slice %arg11[%mul3A_2, %dma_wait3A] : memref<10112x16xf32, #tpu.memory_space<vmem_shared>> -> memref<632x16xf32, #tpu.memory_space<vmem_shared>>
      %dma_wait3A_529 = arith.constant 0 : i32
      %dma_wait3A_530 = tpu.memref_slice %arg5[%mul3A_2, %dma_wait3A_529] : memref<10112x16xf32, #tpu.memory_space<hbm>> -> memref<632x16xf32, #tpu.memory_space<hbm>>
      tpu.wait_dma2 semaphore(%run_scoped3A : memref<!tpu.dma_semaphore, #tpu.memory_space<semaphore_mem>>) src(%dma_wait3A_530 : memref<632x16xf32, #tpu.memory_space<hbm>>) dst(%dma_wait3A_528 : memref<632x16xf32, #tpu.memory_space<vmem_shared>>)
      tpu.yield
    }) : () -> ()
    "tpu.region"() ({
      %run_scoped3A = tpu.sem_alloc : memref<!tpu.dma_semaphore, #tpu.memory_space<semaphore_mem>>
      %dma_start3A = arith.constant 0 : i32
      %dma_start3A_525 = tpu.memref_slice %arg12[%mul3A_2, %dma_start3A] : memref<10112x16xf32, #tpu.memory_space<vmem_shared>> -> memref<632x16xf32, #tpu.memory_space<vmem_shared>>
      %dma_start3A_526 = arith.constant 0 : i32
      %dma_start3A_527 = tpu.memref_slice %arg5[%mul3A_2, %dma_start3A_526] : memref<10112x16xf32, #tpu.memory_space<hbm>> -> memref<632x16xf32, #tpu.memory_space<hbm>>
      tpu.enqueue_dma source(%dma_start3A_527 : memref<632x16xf32, #tpu.memory_space<hbm>>) target(%dma_start3A_525 : memref<632x16xf32, #tpu.memory_space<vmem_shared>>) target_semaphore(%run_scoped3A : memref<!tpu.dma_semaphore, #tpu.memory_space<semaphore_mem>>)
      %dma_wait3A = arith.constant 0 : i32
      %dma_wait3A_528 = tpu.memref_slice %arg12[%mul3A_2, %dma_wait3A] : memref<10112x16xf32, #tpu.memory_space<vmem_shared>> -> memref<632x16xf32, #tpu.memory_space<vmem_shared>>
      %dma_wait3A_529 = arith.constant 0 : i32
      %dma_wait3A_530 = tpu.memref_slice %arg5[%mul3A_2, %dma_wait3A_529] : memref<10112x16xf32, #tpu.memory_space<hbm>> -> memref<632x16xf32, #tpu.memory_space<hbm>>
      tpu.wait_dma2 semaphore(%run_scoped3A : memref<!tpu.dma_semaphore, #tpu.memory_space<semaphore_mem>>) src(%dma_wait3A_530 : memref<632x16xf32, #tpu.memory_space<hbm>>) dst(%dma_wait3A_528 : memref<632x16xf32, #tpu.memory_space<vmem_shared>>)
      tpu.yield
    }) : () -> ()
    %mul3A_3 = arith.constant 40 : i32
    %mul3A_4 = arith.muli %add3A, %mul3A_3 : i32
    "tpu.region"() ({
      %run_scoped3A = tpu.sem_alloc : memref<!tpu.dma_semaphore, #tpu.memory_space<semaphore_mem>>
      %dma_start3A = arith.constant 0 : i32
      %dma_start3A_525 = tpu.memref_slice %arg2[%mul3A_4, %dma_start3A] : memref<1280x128xi32, #tpu.memory_space<hbm>> -> memref<40x128xi32, #tpu.memory_space<hbm>>
      %dma_start3A_526 = arith.constant 0 : i32
      %dma_start3A_527 = tpu.memref_slice %arg2[%mul3A_4, %dma_start3A_526] : memref<1280x128xi32, #tpu.memory_space<hbm>> -> memref<40x128xi32, #tpu.memory_space<hbm>>
      tpu.enqueue_dma source(%dma_start3A_527 : memref<40x128xi32, #tpu.memory_space<hbm>>) target(%arg13 : memref<40x128xi32, #tpu.memory_space<vmem>>) target_semaphore(%run_scoped3A : memref<!tpu.dma_semaphore, #tpu.memory_space<semaphore_mem>>)
      %dma_wait3A = arith.constant 0 : i32
      %dma_wait3A_528 = tpu.memref_slice %arg2[%mul3A_4, %dma_wait3A] : memref<1280x128xi32, #tpu.memory_space<hbm>> -> memref<40x128xi32, #tpu.memory_space<hbm>>
      %dma_wait3A_529 = arith.constant 0 : i32
      %dma_wait3A_530 = tpu.memref_slice %arg2[%mul3A_4, %dma_wait3A_529] : memref<1280x128xi32, #tpu.memory_space<hbm>> -> memref<40x128xi32, #tpu.memory_space<hbm>>
      tpu.wait_dma2 semaphore(%run_scoped3A : memref<!tpu.dma_semaphore, #tpu.memory_space<semaphore_mem>>) src(%dma_wait3A_530 : memref<40x128xi32, #tpu.memory_space<hbm>>) dst(%arg13 : memref<40x128xi32, #tpu.memory_space<vmem>>)
      tpu.yield
    }) : () -> ()
    %mul3A_5 = arith.constant 40 : i32
    %mul3A_6 = arith.muli %add3A, %mul3A_5 : i32
    "tpu.region"() ({
      %run_scoped3A = tpu.sem_alloc : memref<!tpu.dma_semaphore, #tpu.memory_space<semaphore_mem>>
      %dma_start3A = arith.constant 0 : i32
      %dma_start3A_525 = tpu.memref_slice %arg3[%mul3A_6, %dma_start3A] : memref<1280x128xi32, #tpu.memory_space<hbm>> -> memref<40x128xi32, #tpu.memory_space<hbm>>
      %dma_start3A_526 = arith.constant 0 : i32
      %dma_start3A_527 = tpu.memref_slice %arg3[%mul3A_6, %dma_start3A_526] : memref<1280x128xi32, #tpu.memory_space<hbm>> -> memref<40x128xi32, #tpu.memory_space<hbm>>
      tpu.enqueue_dma source(%dma_start3A_527 : memref<40x128xi32, #tpu.memory_space<hbm>>) target(%arg14 : memref<40x128xi32, #tpu.memory_space<vmem>>) target_semaphore(%run_scoped3A : memref<!tpu.dma_semaphore, #tpu.memory_space<semaphore_mem>>)
      %dma_wait3A = arith.constant 0 : i32
      %dma_wait3A_528 = tpu.memref_slice %arg3[%mul3A_6, %dma_wait3A] : memref<1280x128xi32, #tpu.memory_space<hbm>> -> memref<40x128xi32, #tpu.memory_space<hbm>>
      %dma_wait3A_529 = arith.constant 0 : i32
      %dma_wait3A_530 = tpu.memref_slice %arg3[%mul3A_6, %dma_wait3A_529] : memref<1280x128xi32, #tpu.memory_space<hbm>> -> memref<40x128xi32, #tpu.memory_space<hbm>>
      tpu.wait_dma2 semaphore(%run_scoped3A : memref<!tpu.dma_semaphore, #tpu.memory_space<semaphore_mem>>) src(%dma_wait3A_530 : memref<40x128xi32, #tpu.memory_space<hbm>>) dst(%arg14 : memref<40x128xi32, #tpu.memory_space<vmem>>)
      tpu.yield
    }) : () -> ()
    %broadcast_in_dim3A = arith.constant 1.000000e+00 : f32
    %broadcast_in_dim3A_7 = vector.broadcast %broadcast_in_dim3A : f32 to vector<16xf32>
    %swap3A = arith.constant 0 : i32
    %swap3A_8 = arith.index_cast %swap3A : i32 to index
    %swap3A_9 = arith.constant 0 : index
    %swap3A_10 = tpu.vector_load %arg16[%swap3A_8, %swap3A_9] {strides = array<i32>} : memref<128x16xf32, #tpu.memory_space<vmem>>, vector<16xf32>,
    tpu.vector_store %arg16[%swap3A_8, %swap3A_9], %broadcast_in_dim3A_7 {strides = array<i32>} : memref<128x16xf32, #tpu.memory_space<vmem>>, vector<16xf32>,
    %swap3A_11 = arith.constant 1 : i32
    %swap3A_12 = arith.index_cast %swap3A_11 : i32 to index
    %swap3A_13 = arith.constant 0 : index
    %swap3A_14 = tpu.vector_load %arg16[%swap3A_12, %swap3A_13] {strides = array<i32>} : memref<128x16xf32, #tpu.memory_space<vmem>>, vector<16xf32>,
    tpu.vector_store %arg16[%swap3A_12, %swap3A_13], %broadcast_in_dim3A_7 {strides = array<i32>} : memref<128x16xf32, #tpu.memory_space<vmem>>, vector<16xf32>,
    %swap3A_15 = arith.constant 2 : i32
    %swap3A_16 = arith.index_cast %swap3A_15 : i32 to index
    %swap3A_17 = arith.constant 0 : index
    %swap3A_18 = tpu.vector_load %arg16[%swap3A_16, %swap3A_17] {strides = array<i32>} : memref<128x16xf32, #tpu.memory_space<vmem>>, vector<16xf32>,
    tpu.vector_store %arg16[%swap3A_16, %swap3A_17], %broadcast_in_dim3A_7 {strides = array<i32>} : memref<128x16xf32, #tpu.memory_space<vmem>>, vector<16xf32>,
    %swap3A_19 = arith.constant 3 : i32
    %swap3A_20 = arith.index_cast %swap3A_19 : i32 to index
    %swap3A_21 = arith.constant 0 : index
    %swap3A_22 = tpu.vector_load %arg16[%swap3A_20, %swap3A_21] {strides = array<i32>} : memref<128x16xf32, #tpu.memory_space<vmem>>, vector<16xf32>,
    tpu.vector_store %arg16[%swap3A_20, %swap3A_21], %broadcast_in_dim3A_7 {strides = array<i32>} : memref<128x16xf32, #tpu.memory_space<vmem>>, vector<16xf32>,
    %swap3A_23 = arith.constant 4 : i32
    %swap3A_24 = arith.index_cast %swap3A_23 : i32 to index
    %swap3A_25 = arith.constant 0 : index
    %swap3A_26 = tpu.vector_load %arg16[%swap3A_24, %swap3A_25] {strides = array<i32>} : memref<128x16xf32, #tpu.memory_space<vmem>>, vector<16xf32>,
    tpu.vector_store %arg16[%swap3A_24, %swap3A_25], %broadcast_in_dim3A_7 {strides = array<i32>} : memref<128x16xf32, #tpu.memory_space<vmem>>, vector<16xf32>,
    %swap3A_27 = arith.constant 5 : i32
    %swap3A_28 = arith.index_cast %swap3A_27 : i32 to index
    %swap3A_29 = arith.constant 0 : index
    %swap3A_30 = tpu.vector_load %arg16[%swap3A_28, %swap3A_29] {strides = array<i32>} : memref<128x16xf32, #tpu.memory_space<vmem>>, vector<16xf32>,
    tpu.vector_store %arg16[%swap3A_28, %swap3A_29], %broadcast_in_dim3A_7 {strides = array<i32>} : memref<128x16xf32, #tpu.memory_space<vmem>>, vector<16xf32>,
    %swap3A_31 = arith.constant 6 : i32
    %swap3A_32 = arith.index_cast %swap3A_31 : i32 to index
    %swap3A_33 = arith.constant 0 : index
    %swap3A_34 = tpu.vector_load %arg16[%swap3A_32, %swap3A_33] {strides = array<i32>} : memref<128x16xf32, #tpu.memory_space<vmem>>, vector<16xf32>,
    tpu.vector_store %arg16[%swap3A_32, %swap3A_33], %broadcast_in_dim3A_7 {strides = array<i32>} : memref<128x16xf32, #tpu.memory_space<vmem>>, vector<16xf32>,
    %swap3A_35 = arith.constant 7 : i32
    %swap3A_36 = arith.index_cast %swap3A_35 : i32 to index
    %swap3A_37 = arith.constant 0 : index
    %swap3A_38 = tpu.vector_load %arg16[%swap3A_36, %swap3A_37] {strides = array<i32>} : memref<128x16xf32, #tpu.memory_space<vmem>>, vector<16xf32>,
    tpu.vector_store %arg16[%swap3A_36, %swap3A_37], %broadcast_in_dim3A_7 {strides = array<i32>} : memref<128x16xf32, #tpu.memory_space<vmem>>, vector<16xf32>,
    %swap3A_39 = arith.constant 8 : i32
    %swap3A_40 = arith.index_cast %swap3A_39 : i32 to index
    %swap3A_41 = arith.constant 0 : index
    %swap3A_42 = tpu.vector_load %arg16[%swap3A_40, %swap3A_41] {strides = array<i32>} : memref<128x16xf32, #tpu.memory_space<vmem>>, vector<16xf32>,
    tpu.vector_store %arg16[%swap3A_40, %swap3A_41], %broadcast_in_dim3A_7 {strides = array<i32>} : memref<128x16xf32, #tpu.memory_space<vmem>>, vector<16xf32>,
    %swap3A_43 = arith.constant 9 : i32
    %swap3A_44 = arith.index_cast %swap3A_43 : i32 to index
    %swap3A_45 = arith.constant 0 : index
    %swap3A_46 = tpu.vector_load %arg16[%swap3A_44, %swap3A_45] {strides = array<i32>} : memref<128x16xf32, #tpu.memory_space<vmem>>, vector<16xf32>,
    tpu.vector_store %arg16[%swap3A_44, %swap3A_45], %broadcast_in_dim3A_7 {strides = array<i32>} : memref<128x16xf32, #tpu.memory_space<vmem>>, vector<16xf32>,
    %swap3A_47 = arith.constant 10 : i32
    %swap3A_48 = arith.index_cast %swap3A_47 : i32 to index
    %swap3A_49 = arith.constant 0 : index
    %swap3A_50 = tpu.vector_load %arg16[%swap3A_48, %swap3A_49] {strides = array<i32>} : memref<128x16xf32, #tpu.memory_space<vmem>>, vector<16xf32>,
    tpu.vector_store %arg16[%swap3A_48, %swap3A_49], %broadcast_in_dim3A_7 {strides = array<i32>} : memref<128x16xf32, #tpu.memory_space<vmem>>, vector<16xf32>,
    %swap3A_51 = arith.constant 11 : i32
    %swap3A_52 = arith.index_cast %swap3A_51 : i32 to index
    %swap3A_53 = arith.constant 0 : index
    %swap3A_54 = tpu.vector_load %arg16[%swap3A_52, %swap3A_53] {strides = array<i32>} : memref<128x16xf32, #tpu.memory_space<vmem>>, vector<16xf32>,
    tpu.vector_store %arg16[%swap3A_52, %swap3A_53], %broadcast_in_dim3A_7 {strides = array<i32>} : memref<128x16xf32, #tpu.memory_space<vmem>>, vector<16xf32>,
    %swap3A_55 = arith.constant 12 : i32
    %swap3A_56 = arith.index_cast %swap3A_55 : i32 to index
    %swap3A_57 = arith.constant 0 : index
    %swap3A_58 = tpu.vector_load %arg16[%swap3A_56, %swap3A_57] {strides = array<i32>} : memref<128x16xf32, #tpu.memory_space<vmem>>, vector<16xf32>,
    tpu.vector_store %arg16[%swap3A_56, %swap3A_57], %broadcast_in_dim3A_7 {strides = array<i32>} : memref<128x16xf32, #tpu.memory_space<vmem>>, vector<16xf32>,
    %swap3A_59 = arith.constant 13 : i32
    %swap3A_60 = arith.index_cast %swap3A_59 : i32 to index
    %swap3A_61 = arith.constant 0 : index
    %swap3A_62 = tpu.vector_load %arg16[%swap3A_60, %swap3A_61] {strides = array<i32>} : memref<128x16xf32, #tpu.memory_space<vmem>>, vector<16xf32>,
    tpu.vector_store %arg16[%swap3A_60, %swap3A_61], %broadcast_in_dim3A_7 {strides = array<i32>} : memref<128x16xf32, #tpu.memory_space<vmem>>, vector<16xf32>,
    %swap3A_63 = arith.constant 14 : i32
    %swap3A_64 = arith.index_cast %swap3A_63 : i32 to index
    %swap3A_65 = arith.constant 0 : index
    %swap3A_66 = tpu.vector_load %arg16[%swap3A_64, %swap3A_65] {strides = array<i32>} : memref<128x16xf32, #tpu.memory_space<vmem>>, vector<16xf32>,
    tpu.vector_store %arg16[%swap3A_64, %swap3A_65], %broadcast_in_dim3A_7 {strides = array<i32>} : memref<128x16xf32, #tpu.memory_space<vmem>>, vector<16xf32>,
    %swap3A_67 = arith.constant 15 : i32
    %swap3A_68 = arith.index_cast %swap3A_67 : i32 to index
    %swap3A_69 = arith.constant 0 : index
    %swap3A_70 = tpu.vector_load %arg16[%swap3A_68, %swap3A_69] {strides = array<i32>} : memref<128x16xf32, #tpu.memory_space<vmem>>, vector<16xf32>,
    tpu.vector_store %arg16[%swap3A_68, %swap3A_69], %broadcast_in_dim3A_7 {strides = array<i32>} : memref<128x16xf32, #tpu.memory_space<vmem>>, vector<16xf32>,
    %swap3A_71 = arith.constant 16 : i32
    %swap3A_72 = arith.index_cast %swap3A_71 : i32 to index
    %swap3A_73 = arith.constant 0 : index
    %swap3A_74 = tpu.vector_load %arg16[%swap3A_72, %swap3A_73] {strides = array<i32>} : memref<128x16xf32, #tpu.memory_space<vmem>>, vector<16xf32>,
    tpu.vector_store %arg16[%swap3A_72, %swap3A_73], %broadcast_in_dim3A_7 {strides = array<i32>} : memref<128x16xf32, #tpu.memory_space<vmem>>, vector<16xf32>,
    %swap3A_75 = arith.constant 17 : i32
    %swap3A_76 = arith.index_cast %swap3A_75 : i32 to index
    %swap3A_77 = arith.constant 0 : index
    %swap3A_78 = tpu.vector_load %arg16[%swap3A_76, %swap3A_77] {strides = array<i32>} : memref<128x16xf32, #tpu.memory_space<vmem>>, vector<16xf32>,
    tpu.vector_store %arg16[%swap3A_76, %swap3A_77], %broadcast_in_dim3A_7 {strides = array<i32>} : memref<128x16xf32, #tpu.memory_space<vmem>>, vector<16xf32>,
    %swap3A_79 = arith.constant 18 : i32
    %swap3A_80 = arith.index_cast %swap3A_79 : i32 to index
    %swap3A_81 = arith.constant 0 : index
    %swap3A_82 = tpu.vector_load %arg16[%swap3A_80, %swap3A_81] {strides = array<i32>} : memref<128x16xf32, #tpu.memory_space<vmem>>, vector<16xf32>,
    tpu.vector_store %arg16[%swap3A_80, %swap3A_81], %broadcast_in_dim3A_7 {strides = array<i32>} : memref<128x16xf32, #tpu.memory_space<vmem>>, vector<16xf32>,
    %swap3A_83 = arith.constant 19 : i32
    %swap3A_84 = arith.index_cast %swap3A_83 : i32 to index
    %swap3A_85 = arith.constant 0 : index
    %swap3A_86 = tpu.vector_load %arg16[%swap3A_84, %swap3A_85] {strides = array<i32>} : memref<128x16xf32, #tpu.memory_space<vmem>>, vector<16xf32>,
    tpu.vector_store %arg16[%swap3A_84, %swap3A_85], %broadcast_in_dim3A_7 {strides = array<i32>} : memref<128x16xf32, #tpu.memory_space<vmem>>, vector<16xf32>,
    %swap3A_87 = arith.constant 20 : i32
    %swap3A_88 = arith.index_cast %swap3A_87 : i32 to index
    %swap3A_89 = arith.constant 0 : index
    %swap3A_90 = tpu.vector_load %arg16[%swap3A_88, %swap3A_89] {strides = array<i32>} : memref<128x16xf32, #tpu.memory_space<vmem>>, vector<16xf32>,
    tpu.vector_store %arg16[%swap3A_88, %swap3A_89], %broadcast_in_dim3A_7 {strides = array<i32>} : memref<128x16xf32, #tpu.memory_space<vmem>>, vector<16xf32>,
    %swap3A_91 = arith.constant 21 : i32
    %swap3A_92 = arith.index_cast %swap3A_91 : i32 to index
    %swap3A_93 = arith.constant 0 : index
    %swap3A_94 = tpu.vector_load %arg16[%swap3A_92, %swap3A_93] {strides = array<i32>} : memref<128x16xf32, #tpu.memory_space<vmem>>, vector<16xf32>,
    tpu.vector_store %arg16[%swap3A_92, %swap3A_93], %broadcast_in_dim3A_7 {strides = array<i32>} : memref<128x16xf32, #tpu.memory_space<vmem>>, vector<16xf32>,
    %swap3A_95 = arith.constant 22 : i32
    %swap3A_96 = arith.index_cast %swap3A_95 : i32 to index
    %swap3A_97 = arith.constant 0 : index
    %swap3A_98 = tpu.vector_load %arg16[%swap3A_96, %swap3A_97] {strides = array<i32>} : memref<128x16xf32, #tpu.memory_space<vmem>>, vector<16xf32>,
    tpu.vector_store %arg16[%swap3A_96, %swap3A_97], %broadcast_in_dim3A_7 {strides = array<i32>} : memref<128x16xf32, #tpu.memory_space<vmem>>, vector<16xf32>,
    %swap3A_99 = arith.constant 23 : i32
    %swap3A_100 = arith.index_cast %swap3A_99 : i32 to index
    %swap3A_101 = arith.constant 0 : index
    %swap3A_102 = tpu.vector_load %arg16[%swap3A_100, %swap3A_101] {strides = array<i32>} : memref<128x16xf32, #tpu.memory_space<vmem>>, vector<16xf32>,
    tpu.vector_store %arg16[%swap3A_100, %swap3A_101], %broadcast_in_dim3A_7 {strides = array<i32>} : memref<128x16xf32, #tpu.memory_space<vmem>>, vector<16xf32>,
    %swap3A_103 = arith.constant 24 : i32
    %swap3A_104 = arith.index_cast %swap3A_103 : i32 to index
    %swap3A_105 = arith.constant 0 : index
    %swap3A_106 = tpu.vector_load %arg16[%swap3A_104, %swap3A_105] {strides = array<i32>} : memref<128x16xf32, #tpu.memory_space<vmem>>, vector<16xf32>,
    tpu.vector_store %arg16[%swap3A_104, %swap3A_105], %broadcast_in_dim3A_7 {strides = array<i32>} : memref<128x16xf32, #tpu.memory_space<vmem>>, vector<16xf32>,
    %swap3A_107 = arith.constant 25 : i32
    %swap3A_108 = arith.index_cast %swap3A_107 : i32 to index
    %swap3A_109 = arith.constant 0 : index
    %swap3A_110 = tpu.vector_load %arg16[%swap3A_108, %swap3A_109] {strides = array<i32>} : memref<128x16xf32, #tpu.memory_space<vmem>>, vector<16xf32>,
    tpu.vector_store %arg16[%swap3A_108, %swap3A_109], %broadcast_in_dim3A_7 {strides = array<i32>} : memref<128x16xf32, #tpu.memory_space<vmem>>, vector<16xf32>,
    %swap3A_111 = arith.constant 26 : i32
    %swap3A_112 = arith.index_cast %swap3A_111 : i32 to index
    %swap3A_113 = arith.constant 0 : index
    %swap3A_114 = tpu.vector_load %arg16[%swap3A_112, %swap3A_113] {strides = array<i32>} : memref<128x16xf32, #tpu.memory_space<vmem>>, vector<16xf32>,
    tpu.vector_store %arg16[%swap3A_112, %swap3A_113], %broadcast_in_dim3A_7 {strides = array<i32>} : memref<128x16xf32, #tpu.memory_space<vmem>>, vector<16xf32>,
    %swap3A_115 = arith.constant 27 : i32
    %swap3A_116 = arith.index_cast %swap3A_115 : i32 to index
    %swap3A_117 = arith.constant 0 : index
    %swap3A_118 = tpu.vector_load %arg16[%swap3A_116, %swap3A_117] {strides = array<i32>} : memref<128x16xf32, #tpu.memory_space<vmem>>, vector<16xf32>,
    tpu.vector_store %arg16[%swap3A_116, %swap3A_117], %broadcast_in_dim3A_7 {strides = array<i32>} : memref<128x16xf32, #tpu.memory_space<vmem>>, vector<16xf32>,
    %swap3A_119 = arith.constant 28 : i32
    %swap3A_120 = arith.index_cast %swap3A_119 : i32 to index
    %swap3A_121 = arith.constant 0 : index
    %swap3A_122 = tpu.vector_load %arg16[%swap3A_120, %swap3A_121] {strides = array<i32>} : memref<128x16xf32, #tpu.memory_space<vmem>>, vector<16xf32>,
    tpu.vector_store %arg16[%swap3A_120, %swap3A_121], %broadcast_in_dim3A_7 {strides = array<i32>} : memref<128x16xf32, #tpu.memory_space<vmem>>, vector<16xf32>,
    %swap3A_123 = arith.constant 29 : i32
    %swap3A_124 = arith.index_cast %swap3A_123 : i32 to index
    %swap3A_125 = arith.constant 0 : index
    %swap3A_126 = tpu.vector_load %arg16[%swap3A_124, %swap3A_125] {strides = array<i32>} : memref<128x16xf32, #tpu.memory_space<vmem>>, vector<16xf32>,
    tpu.vector_store %arg16[%swap3A_124, %swap3A_125], %broadcast_in_dim3A_7 {strides = array<i32>} : memref<128x16xf32, #tpu.memory_space<vmem>>, vector<16xf32>,
    %swap3A_127 = arith.constant 30 : i32
    %swap3A_128 = arith.index_cast %swap3A_127 : i32 to index
    %swap3A_129 = arith.constant 0 : index
    %swap3A_130 = tpu.vector_load %arg16[%swap3A_128, %swap3A_129] {strides = array<i32>} : memref<128x16xf32, #tpu.memory_space<vmem>>, vector<16xf32>,
    tpu.vector_store %arg16[%swap3A_128, %swap3A_129], %broadcast_in_dim3A_7 {strides = array<i32>} : memref<128x16xf32, #tpu.memory_space<vmem>>, vector<16xf32>,
    %swap3A_131 = arith.constant 31 : i32
    %swap3A_132 = arith.index_cast %swap3A_131 : i32 to index
    %swap3A_133 = arith.constant 0 : index
    %swap3A_134 = tpu.vector_load %arg16[%swap3A_132, %swap3A_133] {strides = array<i32>} : memref<128x16xf32, #tpu.memory_space<vmem>>, vector<16xf32>,
    tpu.vector_store %arg16[%swap3A_132, %swap3A_133], %broadcast_in_dim3A_7 {strides = array<i32>} : memref<128x16xf32, #tpu.memory_space<vmem>>, vector<16xf32>,
    %swap3A_135 = arith.constant 32 : i32
    %swap3A_136 = arith.index_cast %swap3A_135 : i32 to index
    %swap3A_137 = arith.constant 0 : index
    %swap3A_138 = tpu.vector_load %arg16[%swap3A_136, %swap3A_137] {strides = array<i32>} : memref<128x16xf32, #tpu.memory_space<vmem>>, vector<16xf32>,
    tpu.vector_store %arg16[%swap3A_136, %swap3A_137], %broadcast_in_dim3A_7 {strides = array<i32>} : memref<128x16xf32, #tpu.memory_space<vmem>>, vector<16xf32>,
    %swap3A_139 = arith.constant 33 : i32
    %swap3A_140 = arith.index_cast %swap3A_139 : i32 to index
    %swap3A_141 = arith.constant 0 : index
    %swap3A_142 = tpu.vector_load %arg16[%swap3A_140, %swap3A_141] {strides = array<i32>} : memref<128x16xf32, #tpu.memory_space<vmem>>, vector<16xf32>,
    tpu.vector_store %arg16[%swap3A_140, %swap3A_141], %broadcast_in_dim3A_7 {strides = array<i32>} : memref<128x16xf32, #tpu.memory_space<vmem>>, vector<16xf32>,
    %swap3A_143 = arith.constant 34 : i32
    %swap3A_144 = arith.index_cast %swap3A_143 : i32 to index
    %swap3A_145 = arith.constant 0 : index
    %swap3A_146 = tpu.vector_load %arg16[%swap3A_144, %swap3A_145] {strides = array<i32>} : memref<128x16xf32, #tpu.memory_space<vmem>>, vector<16xf32>,
    tpu.vector_store %arg16[%swap3A_144, %swap3A_145], %broadcast_in_dim3A_7 {strides = array<i32>} : memref<128x16xf32, #tpu.memory_space<vmem>>, vector<16xf32>,
    %swap3A_147 = arith.constant 35 : i32
    %swap3A_148 = arith.index_cast %swap3A_147 : i32 to index
    %swap3A_149 = arith.constant 0 : index
    %swap3A_150 = tpu.vector_load %arg16[%swap3A_148, %swap3A_149] {strides = array<i32>} : memref<128x16xf32, #tpu.memory_space<vmem>>, vector<16xf32>,
    tpu.vector_store %arg16[%swap3A_148, %swap3A_149], %broadcast_in_dim3A_7 {strides = array<i32>} : memref<128x16xf32, #tpu.memory_space<vmem>>, vector<16xf32>,
    %swap3A_151 = arith.constant 36 : i32
    %swap3A_152 = arith.index_cast %swap3A_151 : i32 to index
    %swap3A_153 = arith.constant 0 : index
    %swap3A_154 = tpu.vector_load %arg16[%swap3A_152, %swap3A_153] {strides = array<i32>} : memref<128x16xf32, #tpu.memory_space<vmem>>, vector<16xf32>,
    tpu.vector_store %arg16[%swap3A_152, %swap3A_153], %broadcast_in_dim3A_7 {strides = array<i32>} : memref<128x16xf32, #tpu.memory_space<vmem>>, vector<16xf32>,
    %swap3A_155 = arith.constant 37 : i32
    %swap3A_156 = arith.index_cast %swap3A_155 : i32 to index
    %swap3A_157 = arith.constant 0 : index
    %swap3A_158 = tpu.vector_load %arg16[%swap3A_156, %swap3A_157] {strides = array<i32>} : memref<128x16xf32, #tpu.memory_space<vmem>>, vector<16xf32>,
    tpu.vector_store %arg16[%swap3A_156, %swap3A_157], %broadcast_in_dim3A_7 {strides = array<i32>} : memref<128x16xf32, #tpu.memory_space<vmem>>, vector<16xf32>,
    %swap3A_159 = arith.constant 38 : i32
    %swap3A_160 = arith.index_cast %swap3A_159 : i32 to index
    %swap3A_161 = arith.constant 0 : index
    %swap3A_162 = tpu.vector_load %arg16[%swap3A_160, %swap3A_161] {strides = array<i32>} : memref<128x16xf32, #tpu.memory_space<vmem>>, vector<16xf32>,
    tpu.vector_store %arg16[%swap3A_160, %swap3A_161], %broadcast_in_dim3A_7 {strides = array<i32>} : memref<128x16xf32, #tpu.memory_space<vmem>>, vector<16xf32>,
    %swap3A_163 = arith.constant 39 : i32
    %swap3A_164 = arith.index_cast %swap3A_163 : i32 to index
    %swap3A_165 = arith.constant 0 : index
    %swap3A_166 = tpu.vector_load %arg16[%swap3A_164, %swap3A_165] {strides = array<i32>} : memref<128x16xf32, #tpu.memory_space<vmem>>, vector<16xf32>,
    tpu.vector_store %arg16[%swap3A_164, %swap3A_165], %broadcast_in_dim3A_7 {strides = array<i32>} : memref<128x16xf32, #tpu.memory_space<vmem>>, vector<16xf32>,
    %swap3A_167 = arith.constant 40 : i32
    %swap3A_168 = arith.index_cast %swap3A_167 : i32 to index
    %swap3A_169 = arith.constant 0 : index
    %swap3A_170 = tpu.vector_load %arg16[%swap3A_168, %swap3A_169] {strides = array<i32>} : memref<128x16xf32, #tpu.memory_space<vmem>>, vector<16xf32>,
    tpu.vector_store %arg16[%swap3A_168, %swap3A_169], %broadcast_in_dim3A_7 {strides = array<i32>} : memref<128x16xf32, #tpu.memory_space<vmem>>, vector<16xf32>,
    %swap3A_171 = arith.constant 41 : i32
    %swap3A_172 = arith.index_cast %swap3A_171 : i32 to index
    %swap3A_173 = arith.constant 0 : index
    %swap3A_174 = tpu.vector_load %arg16[%swap3A_172, %swap3A_173] {strides = array<i32>} : memref<128x16xf32, #tpu.memory_space<vmem>>, vector<16xf32>,
    tpu.vector_store %arg16[%swap3A_172, %swap3A_173], %broadcast_in_dim3A_7 {strides = array<i32>} : memref<128x16xf32, #tpu.memory_space<vmem>>, vector<16xf32>,
    %swap3A_175 = arith.constant 42 : i32
    %swap3A_176 = arith.index_cast %swap3A_175 : i32 to index
    %swap3A_177 = arith.constant 0 : index
    %swap3A_178 = tpu.vector_load %arg16[%swap3A_176, %swap3A_177] {strides = array<i32>} : memref<128x16xf32, #tpu.memory_space<vmem>>, vector<16xf32>,
    tpu.vector_store %arg16[%swap3A_176, %swap3A_177], %broadcast_in_dim3A_7 {strides = array<i32>} : memref<128x16xf32, #tpu.memory_space<vmem>>, vector<16xf32>,
    %swap3A_179 = arith.constant 43 : i32
    %swap3A_180 = arith.index_cast %swap3A_179 : i32 to index
    %swap3A_181 = arith.constant 0 : index
    %swap3A_182 = tpu.vector_load %arg16[%swap3A_180, %swap3A_181] {strides = array<i32>} : memref<128x16xf32, #tpu.memory_space<vmem>>, vector<16xf32>,
    tpu.vector_store %arg16[%swap3A_180, %swap3A_181], %broadcast_in_dim3A_7 {strides = array<i32>} : memref<128x16xf32, #tpu.memory_space<vmem>>, vector<16xf32>,
    %swap3A_183 = arith.constant 44 : i32
    %swap3A_184 = arith.index_cast %swap3A_183 : i32 to index
    %swap3A_185 = arith.constant 0 : index
    %swap3A_186 = tpu.vector_load %arg16[%swap3A_184, %swap3A_185] {strides = array<i32>} : memref<128x16xf32, #tpu.memory_space<vmem>>, vector<16xf32>,
    tpu.vector_store %arg16[%swap3A_184, %swap3A_185], %broadcast_in_dim3A_7 {strides = array<i32>} : memref<128x16xf32, #tpu.memory_space<vmem>>, vector<16xf32>,
    %swap3A_187 = arith.constant 45 : i32
    %swap3A_188 = arith.index_cast %swap3A_187 : i32 to index
    %swap3A_189 = arith.constant 0 : index
    %swap3A_190 = tpu.vector_load %arg16[%swap3A_188, %swap3A_189] {strides = array<i32>} : memref<128x16xf32, #tpu.memory_space<vmem>>, vector<16xf32>,
    tpu.vector_store %arg16[%swap3A_188, %swap3A_189], %broadcast_in_dim3A_7 {strides = array<i32>} : memref<128x16xf32, #tpu.memory_space<vmem>>, vector<16xf32>,
    %swap3A_191 = arith.constant 46 : i32
    %swap3A_192 = arith.index_cast %swap3A_191 : i32 to index
    %swap3A_193 = arith.constant 0 : index
    %swap3A_194 = tpu.vector_load %arg16[%swap3A_192, %swap3A_193] {strides = array<i32>} : memref<128x16xf32, #tpu.memory_space<vmem>>, vector<16xf32>,
    tpu.vector_store %arg16[%swap3A_192, %swap3A_193], %broadcast_in_dim3A_7 {strides = array<i32>} : memref<128x16xf32, #tpu.memory_space<vmem>>, vector<16xf32>,
    %swap3A_195 = arith.constant 47 : i32
    %swap3A_196 = arith.index_cast %swap3A_195 : i32 to index
    %swap3A_197 = arith.constant 0 : index
    %swap3A_198 = tpu.vector_load %arg16[%swap3A_196, %swap3A_197] {strides = array<i32>} : memref<128x16xf32, #tpu.memory_space<vmem>>, vector<16xf32>,
    tpu.vector_store %arg16[%swap3A_196, %swap3A_197], %broadcast_in_dim3A_7 {strides = array<i32>} : memref<128x16xf32, #tpu.memory_space<vmem>>, vector<16xf32>,
    %swap3A_199 = arith.constant 48 : i32
    %swap3A_200 = arith.index_cast %swap3A_199 : i32 to index
    %swap3A_201 = arith.constant 0 : index
    %swap3A_202 = tpu.vector_load %arg16[%swap3A_200, %swap3A_201] {strides = array<i32>} : memref<128x16xf32, #tpu.memory_space<vmem>>, vector<16xf32>,
    tpu.vector_store %arg16[%swap3A_200, %swap3A_201], %broadcast_in_dim3A_7 {strides = array<i32>} : memref<128x16xf32, #tpu.memory_space<vmem>>, vector<16xf32>,
    %swap3A_203 = arith.constant 49 : i32
    %swap3A_204 = arith.index_cast %swap3A_203 : i32 to index
    %swap3A_205 = arith.constant 0 : index
    %swap3A_206 = tpu.vector_load %arg16[%swap3A_204, %swap3A_205] {strides = array<i32>} : memref<128x16xf32, #tpu.memory_space<vmem>>, vector<16xf32>,
    tpu.vector_store %arg16[%swap3A_204, %swap3A_205], %broadcast_in_dim3A_7 {strides = array<i32>} : memref<128x16xf32, #tpu.memory_space<vmem>>, vector<16xf32>,
    %swap3A_207 = arith.constant 50 : i32
    %swap3A_208 = arith.index_cast %swap3A_207 : i32 to index
    %swap3A_209 = arith.constant 0 : index
    %swap3A_210 = tpu.vector_load %arg16[%swap3A_208, %swap3A_209] {strides = array<i32>} : memref<128x16xf32, #tpu.memory_space<vmem>>, vector<16xf32>,
    tpu.vector_store %arg16[%swap3A_208, %swap3A_209], %broadcast_in_dim3A_7 {strides = array<i32>} : memref<128x16xf32, #tpu.memory_space<vmem>>, vector<16xf32>,
    %swap3A_211 = arith.constant 51 : i32
    %swap3A_212 = arith.index_cast %swap3A_211 : i32 to index
    %swap3A_213 = arith.constant 0 : index
    %swap3A_214 = tpu.vector_load %arg16[%swap3A_212, %swap3A_213] {strides = array<i32>} : memref<128x16xf32, #tpu.memory_space<vmem>>, vector<16xf32>,
    tpu.vector_store %arg16[%swap3A_212, %swap3A_213], %broadcast_in_dim3A_7 {strides = array<i32>} : memref<128x16xf32, #tpu.memory_space<vmem>>, vector<16xf32>,
    %swap3A_215 = arith.constant 52 : i32
    %swap3A_216 = arith.index_cast %swap3A_215 : i32 to index
    %swap3A_217 = arith.constant 0 : index
    %swap3A_218 = tpu.vector_load %arg16[%swap3A_216, %swap3A_217] {strides = array<i32>} : memref<128x16xf32, #tpu.memory_space<vmem>>, vector<16xf32>,
    tpu.vector_store %arg16[%swap3A_216, %swap3A_217], %broadcast_in_dim3A_7 {strides = array<i32>} : memref<128x16xf32, #tpu.memory_space<vmem>>, vector<16xf32>,
    %swap3A_219 = arith.constant 53 : i32
    %swap3A_220 = arith.index_cast %swap3A_219 : i32 to index
    %swap3A_221 = arith.constant 0 : index
    %swap3A_222 = tpu.vector_load %arg16[%swap3A_220, %swap3A_221] {strides = array<i32>} : memref<128x16xf32, #tpu.memory_space<vmem>>, vector<16xf32>,
    tpu.vector_store %arg16[%swap3A_220, %swap3A_221], %broadcast_in_dim3A_7 {strides = array<i32>} : memref<128x16xf32, #tpu.memory_space<vmem>>, vector<16xf32>,
    %swap3A_223 = arith.constant 54 : i32
    %swap3A_224 = arith.index_cast %swap3A_223 : i32 to index
    %swap3A_225 = arith.constant 0 : index
    %swap3A_226 = tpu.vector_load %arg16[%swap3A_224, %swap3A_225] {strides = array<i32>} : memref<128x16xf32, #tpu.memory_space<vmem>>, vector<16xf32>,
    tpu.vector_store %arg16[%swap3A_224, %swap3A_225], %broadcast_in_dim3A_7 {strides = array<i32>} : memref<128x16xf32, #tpu.memory_space<vmem>>, vector<16xf32>,
    %swap3A_227 = arith.constant 55 : i32
    %swap3A_228 = arith.index_cast %swap3A_227 : i32 to index
    %swap3A_229 = arith.constant 0 : index
    %swap3A_230 = tpu.vector_load %arg16[%swap3A_228, %swap3A_229] {strides = array<i32>} : memref<128x16xf32, #tpu.memory_space<vmem>>, vector<16xf32>,
    tpu.vector_store %arg16[%swap3A_228, %swap3A_229], %broadcast_in_dim3A_7 {strides = array<i32>} : memref<128x16xf32, #tpu.memory_space<vmem>>, vector<16xf32>,
    %swap3A_231 = arith.constant 56 : i32
    %swap3A_232 = arith.index_cast %swap3A_231 : i32 to index
    %swap3A_233 = arith.constant 0 : index
    %swap3A_234 = tpu.vector_load %arg16[%swap3A_232, %swap3A_233] {strides = array<i32>} : memref<128x16xf32, #tpu.memory_space<vmem>>, vector<16xf32>,
    tpu.vector_store %arg16[%swap3A_232, %swap3A_233], %broadcast_in_dim3A_7 {strides = array<i32>} : memref<128x16xf32, #tpu.memory_space<vmem>>, vector<16xf32>,
    %swap3A_235 = arith.constant 57 : i32
    %swap3A_236 = arith.index_cast %swap3A_235 : i32 to index
    %swap3A_237 = arith.constant 0 : index
    %swap3A_238 = tpu.vector_load %arg16[%swap3A_236, %swap3A_237] {strides = array<i32>} : memref<128x16xf32, #tpu.memory_space<vmem>>, vector<16xf32>,
    tpu.vector_store %arg16[%swap3A_236, %swap3A_237], %broadcast_in_dim3A_7 {strides = array<i32>} : memref<128x16xf32, #tpu.memory_space<vmem>>, vector<16xf32>,
    %swap3A_239 = arith.constant 58 : i32
    %swap3A_240 = arith.index_cast %swap3A_239 : i32 to index
    %swap3A_241 = arith.constant 0 : index
    %swap3A_242 = tpu.vector_load %arg16[%swap3A_240, %swap3A_241] {strides = array<i32>} : memref<128x16xf32, #tpu.memory_space<vmem>>, vector<16xf32>,
    tpu.vector_store %arg16[%swap3A_240, %swap3A_241], %broadcast_in_dim3A_7 {strides = array<i32>} : memref<128x16xf32, #tpu.memory_space<vmem>>, vector<16xf32>,
    %swap3A_243 = arith.constant 59 : i32
    %swap3A_244 = arith.index_cast %swap3A_243 : i32 to index
    %swap3A_245 = arith.constant 0 : index
    %swap3A_246 = tpu.vector_load %arg16[%swap3A_244, %swap3A_245] {strides = array<i32>} : memref<128x16xf32, #tpu.memory_space<vmem>>, vector<16xf32>,
    tpu.vector_store %arg16[%swap3A_244, %swap3A_245], %broadcast_in_dim3A_7 {strides = array<i32>} : memref<128x16xf32, #tpu.memory_space<vmem>>, vector<16xf32>,
    %swap3A_247 = arith.constant 60 : i32
    %swap3A_248 = arith.index_cast %swap3A_247 : i32 to index
    %swap3A_249 = arith.constant 0 : index
    %swap3A_250 = tpu.vector_load %arg16[%swap3A_248, %swap3A_249] {strides = array<i32>} : memref<128x16xf32, #tpu.memory_space<vmem>>, vector<16xf32>,
    tpu.vector_store %arg16[%swap3A_248, %swap3A_249], %broadcast_in_dim3A_7 {strides = array<i32>} : memref<128x16xf32, #tpu.memory_space<vmem>>, vector<16xf32>,
    %swap3A_251 = arith.constant 61 : i32
    %swap3A_252 = arith.index_cast %swap3A_251 : i32 to index
    %swap3A_253 = arith.constant 0 : index
    %swap3A_254 = tpu.vector_load %arg16[%swap3A_252, %swap3A_253] {strides = array<i32>} : memref<128x16xf32, #tpu.memory_space<vmem>>, vector<16xf32>,
    tpu.vector_store %arg16[%swap3A_252, %swap3A_253], %broadcast_in_dim3A_7 {strides = array<i32>} : memref<128x16xf32, #tpu.memory_space<vmem>>, vector<16xf32>,
    %swap3A_255 = arith.constant 62 : i32
    %swap3A_256 = arith.index_cast %swap3A_255 : i32 to index
    %swap3A_257 = arith.constant 0 : index
    %swap3A_258 = tpu.vector_load %arg16[%swap3A_256, %swap3A_257] {strides = array<i32>} : memref<128x16xf32, #tpu.memory_space<vmem>>, vector<16xf32>,
    tpu.vector_store %arg16[%swap3A_256, %swap3A_257], %broadcast_in_dim3A_7 {strides = array<i32>} : memref<128x16xf32, #tpu.memory_space<vmem>>, vector<16xf32>,
    %swap3A_259 = arith.constant 63 : i32
    %swap3A_260 = arith.index_cast %swap3A_259 : i32 to index
    %swap3A_261 = arith.constant 0 : index
    %swap3A_262 = tpu.vector_load %arg16[%swap3A_260, %swap3A_261] {strides = array<i32>} : memref<128x16xf32, #tpu.memory_space<vmem>>, vector<16xf32>,
    tpu.vector_store %arg16[%swap3A_260, %swap3A_261], %broadcast_in_dim3A_7 {strides = array<i32>} : memref<128x16xf32, #tpu.memory_space<vmem>>, vector<16xf32>,
    %swap3A_263 = arith.constant 64 : i32
    %swap3A_264 = arith.index_cast %swap3A_263 : i32 to index
    %swap3A_265 = arith.constant 0 : index
    %swap3A_266 = tpu.vector_load %arg16[%swap3A_264, %swap3A_265] {strides = array<i32>} : memref<128x16xf32, #tpu.memory_space<vmem>>, vector<16xf32>,
    tpu.vector_store %arg16[%swap3A_264, %swap3A_265], %broadcast_in_dim3A_7 {strides = array<i32>} : memref<128x16xf32, #tpu.memory_space<vmem>>, vector<16xf32>,
    %swap3A_267 = arith.constant 65 : i32
    %swap3A_268 = arith.index_cast %swap3A_267 : i32 to index
    %swap3A_269 = arith.constant 0 : index
    %swap3A_270 = tpu.vector_load %arg16[%swap3A_268, %swap3A_269] {strides = array<i32>} : memref<128x16xf32, #tpu.memory_space<vmem>>, vector<16xf32>,
    tpu.vector_store %arg16[%swap3A_268, %swap3A_269], %broadcast_in_dim3A_7 {strides = array<i32>} : memref<128x16xf32, #tpu.memory_space<vmem>>, vector<16xf32>,
    %swap3A_271 = arith.constant 66 : i32
    %swap3A_272 = arith.index_cast %swap3A_271 : i32 to index
    %swap3A_273 = arith.constant 0 : index
    %swap3A_274 = tpu.vector_load %arg16[%swap3A_272, %swap3A_273] {strides = array<i32>} : memref<128x16xf32, #tpu.memory_space<vmem>>, vector<16xf32>,
    tpu.vector_store %arg16[%swap3A_272, %swap3A_273], %broadcast_in_dim3A_7 {strides = array<i32>} : memref<128x16xf32, #tpu.memory_space<vmem>>, vector<16xf32>,
    %swap3A_275 = arith.constant 67 : i32
    %swap3A_276 = arith.index_cast %swap3A_275 : i32 to index
    %swap3A_277 = arith.constant 0 : index
    %swap3A_278 = tpu.vector_load %arg16[%swap3A_276, %swap3A_277] {strides = array<i32>} : memref<128x16xf32, #tpu.memory_space<vmem>>, vector<16xf32>,
    tpu.vector_store %arg16[%swap3A_276, %swap3A_277], %broadcast_in_dim3A_7 {strides = array<i32>} : memref<128x16xf32, #tpu.memory_space<vmem>>, vector<16xf32>,
    %swap3A_279 = arith.constant 68 : i32
    %swap3A_280 = arith.index_cast %swap3A_279 : i32 to index
    %swap3A_281 = arith.constant 0 : index
    %swap3A_282 = tpu.vector_load %arg16[%swap3A_280, %swap3A_281] {strides = array<i32>} : memref<128x16xf32, #tpu.memory_space<vmem>>, vector<16xf32>,
    tpu.vector_store %arg16[%swap3A_280, %swap3A_281], %broadcast_in_dim3A_7 {strides = array<i32>} : memref<128x16xf32, #tpu.memory_space<vmem>>, vector<16xf32>,
    %swap3A_283 = arith.constant 69 : i32
    %swap3A_284 = arith.index_cast %swap3A_283 : i32 to index
    %swap3A_285 = arith.constant 0 : index
    %swap3A_286 = tpu.vector_load %arg16[%swap3A_284, %swap3A_285] {strides = array<i32>} : memref<128x16xf32, #tpu.memory_space<vmem>>, vector<16xf32>,
    tpu.vector_store %arg16[%swap3A_284, %swap3A_285], %broadcast_in_dim3A_7 {strides = array<i32>} : memref<128x16xf32, #tpu.memory_space<vmem>>, vector<16xf32>,
    %swap3A_287 = arith.constant 70 : i32
    %swap3A_288 = arith.index_cast %swap3A_287 : i32 to index
    %swap3A_289 = arith.constant 0 : index
    %swap3A_290 = tpu.vector_load %arg16[%swap3A_288, %swap3A_289] {strides = array<i32>} : memref<128x16xf32, #tpu.memory_space<vmem>>, vector<16xf32>,
    tpu.vector_store %arg16[%swap3A_288, %swap3A_289], %broadcast_in_dim3A_7 {strides = array<i32>} : memref<128x16xf32, #tpu.memory_space<vmem>>, vector<16xf32>,
    %swap3A_291 = arith.constant 71 : i32
    %swap3A_292 = arith.index_cast %swap3A_291 : i32 to index
    %swap3A_293 = arith.constant 0 : index
    %swap3A_294 = tpu.vector_load %arg16[%swap3A_292, %swap3A_293] {strides = array<i32>} : memref<128x16xf32, #tpu.memory_space<vmem>>, vector<16xf32>,
    tpu.vector_store %arg16[%swap3A_292, %swap3A_293], %broadcast_in_dim3A_7 {strides = array<i32>} : memref<128x16xf32, #tpu.memory_space<vmem>>, vector<16xf32>,
    %swap3A_295 = arith.constant 72 : i32
    %swap3A_296 = arith.index_cast %swap3A_295 : i32 to index
    %swap3A_297 = arith.constant 0 : index
    %swap3A_298 = tpu.vector_load %arg16[%swap3A_296, %swap3A_297] {strides = array<i32>} : memref<128x16xf32, #tpu.memory_space<vmem>>, vector<16xf32>,
    tpu.vector_store %arg16[%swap3A_296, %swap3A_297], %broadcast_in_dim3A_7 {strides = array<i32>} : memref<128x16xf32, #tpu.memory_space<vmem>>, vector<16xf32>,
    %swap3A_299 = arith.constant 73 : i32
    %swap3A_300 = arith.index_cast %swap3A_299 : i32 to index
    %swap3A_301 = arith.constant 0 : index
    %swap3A_302 = tpu.vector_load %arg16[%swap3A_300, %swap3A_301] {strides = array<i32>} : memref<128x16xf32, #tpu.memory_space<vmem>>, vector<16xf32>,
    tpu.vector_store %arg16[%swap3A_300, %swap3A_301], %broadcast_in_dim3A_7 {strides = array<i32>} : memref<128x16xf32, #tpu.memory_space<vmem>>, vector<16xf32>,
    %swap3A_303 = arith.constant 74 : i32
    %swap3A_304 = arith.index_cast %swap3A_303 : i32 to index
    %swap3A_305 = arith.constant 0 : index
    %swap3A_306 = tpu.vector_load %arg16[%swap3A_304, %swap3A_305] {strides = array<i32>} : memref<128x16xf32, #tpu.memory_space<vmem>>, vector<16xf32>,
    tpu.vector_store %arg16[%swap3A_304, %swap3A_305], %broadcast_in_dim3A_7 {strides = array<i32>} : memref<128x16xf32, #tpu.memory_space<vmem>>, vector<16xf32>,
    %swap3A_307 = arith.constant 75 : i32
    %swap3A_308 = arith.index_cast %swap3A_307 : i32 to index
    %swap3A_309 = arith.constant 0 : index
    %swap3A_310 = tpu.vector_load %arg16[%swap3A_308, %swap3A_309] {strides = array<i32>} : memref<128x16xf32, #tpu.memory_space<vmem>>, vector<16xf32>,
    tpu.vector_store %arg16[%swap3A_308, %swap3A_309], %broadcast_in_dim3A_7 {strides = array<i32>} : memref<128x16xf32, #tpu.memory_space<vmem>>, vector<16xf32>,
    %swap3A_311 = arith.constant 76 : i32
    %swap3A_312 = arith.index_cast %swap3A_311 : i32 to index
    %swap3A_313 = arith.constant 0 : index
    %swap3A_314 = tpu.vector_load %arg16[%swap3A_312, %swap3A_313] {strides = array<i32>} : memref<128x16xf32, #tpu.memory_space<vmem>>, vector<16xf32>,
    tpu.vector_store %arg16[%swap3A_312, %swap3A_313], %broadcast_in_dim3A_7 {strides = array<i32>} : memref<128x16xf32, #tpu.memory_space<vmem>>, vector<16xf32>,
    %swap3A_315 = arith.constant 77 : i32
    %swap3A_316 = arith.index_cast %swap3A_315 : i32 to index
    %swap3A_317 = arith.constant 0 : index
    %swap3A_318 = tpu.vector_load %arg16[%swap3A_316, %swap3A_317] {strides = array<i32>} : memref<128x16xf32, #tpu.memory_space<vmem>>, vector<16xf32>,
    tpu.vector_store %arg16[%swap3A_316, %swap3A_317], %broadcast_in_dim3A_7 {strides = array<i32>} : memref<128x16xf32, #tpu.memory_space<vmem>>, vector<16xf32>,
    %swap3A_319 = arith.constant 78 : i32
    %swap3A_320 = arith.index_cast %swap3A_319 : i32 to index
    %swap3A_321 = arith.constant 0 : index
    %swap3A_322 = tpu.vector_load %arg16[%swap3A_320, %swap3A_321] {strides = array<i32>} : memref<128x16xf32, #tpu.memory_space<vmem>>, vector<16xf32>,
    tpu.vector_store %arg16[%swap3A_320, %swap3A_321], %broadcast_in_dim3A_7 {strides = array<i32>} : memref<128x16xf32, #tpu.memory_space<vmem>>, vector<16xf32>,
    %swap3A_323 = arith.constant 79 : i32
    %swap3A_324 = arith.index_cast %swap3A_323 : i32 to index
    %swap3A_325 = arith.constant 0 : index
    %swap3A_326 = tpu.vector_load %arg16[%swap3A_324, %swap3A_325] {strides = array<i32>} : memref<128x16xf32, #tpu.memory_space<vmem>>, vector<16xf32>,
    tpu.vector_store %arg16[%swap3A_324, %swap3A_325], %broadcast_in_dim3A_7 {strides = array<i32>} : memref<128x16xf32, #tpu.memory_space<vmem>>, vector<16xf32>,
    %swap3A_327 = arith.constant 80 : i32
    %swap3A_328 = arith.index_cast %swap3A_327 : i32 to index
    %swap3A_329 = arith.constant 0 : index
    %swap3A_330 = tpu.vector_load %arg16[%swap3A_328, %swap3A_329] {strides = array<i32>} : memref<128x16xf32, #tpu.memory_space<vmem>>, vector<16xf32>,
    tpu.vector_store %arg16[%swap3A_328, %swap3A_329], %broadcast_in_dim3A_7 {strides = array<i32>} : memref<128x16xf32, #tpu.memory_space<vmem>>, vector<16xf32>,
    %swap3A_331 = arith.constant 81 : i32
    %swap3A_332 = arith.index_cast %swap3A_331 : i32 to index
    %swap3A_333 = arith.constant 0 : index
    %swap3A_334 = tpu.vector_load %arg16[%swap3A_332, %swap3A_333] {strides = array<i32>} : memref<128x16xf32, #tpu.memory_space<vmem>>, vector<16xf32>,
    tpu.vector_store %arg16[%swap3A_332, %swap3A_333], %broadcast_in_dim3A_7 {strides = array<i32>} : memref<128x16xf32, #tpu.memory_space<vmem>>, vector<16xf32>,
    %swap3A_335 = arith.constant 82 : i32
    %swap3A_336 = arith.index_cast %swap3A_335 : i32 to index
    %swap3A_337 = arith.constant 0 : index
    %swap3A_338 = tpu.vector_load %arg16[%swap3A_336, %swap3A_337] {strides = array<i32>} : memref<128x16xf32, #tpu.memory_space<vmem>>, vector<16xf32>,
    tpu.vector_store %arg16[%swap3A_336, %swap3A_337], %broadcast_in_dim3A_7 {strides = array<i32>} : memref<128x16xf32, #tpu.memory_space<vmem>>, vector<16xf32>,
    %swap3A_339 = arith.constant 83 : i32
    %swap3A_340 = arith.index_cast %swap3A_339 : i32 to index
    %swap3A_341 = arith.constant 0 : index
    %swap3A_342 = tpu.vector_load %arg16[%swap3A_340, %swap3A_341] {strides = array<i32>} : memref<128x16xf32, #tpu.memory_space<vmem>>, vector<16xf32>,
    tpu.vector_store %arg16[%swap3A_340, %swap3A_341], %broadcast_in_dim3A_7 {strides = array<i32>} : memref<128x16xf32, #tpu.memory_space<vmem>>, vector<16xf32>,
    %swap3A_343 = arith.constant 84 : i32
    %swap3A_344 = arith.index_cast %swap3A_343 : i32 to index
    %swap3A_345 = arith.constant 0 : index
    %swap3A_346 = tpu.vector_load %arg16[%swap3A_344, %swap3A_345] {strides = array<i32>} : memref<128x16xf32, #tpu.memory_space<vmem>>, vector<16xf32>,
    tpu.vector_store %arg16[%swap3A_344, %swap3A_345], %broadcast_in_dim3A_7 {strides = array<i32>} : memref<128x16xf32, #tpu.memory_space<vmem>>, vector<16xf32>,
    %swap3A_347 = arith.constant 85 : i32
    %swap3A_348 = arith.index_cast %swap3A_347 : i32 to index
    %swap3A_349 = arith.constant 0 : index
    %swap3A_350 = tpu.vector_load %arg16[%swap3A_348, %swap3A_349] {strides = array<i32>} : memref<128x16xf32, #tpu.memory_space<vmem>>, vector<16xf32>,
    tpu.vector_store %arg16[%swap3A_348, %swap3A_349], %broadcast_in_dim3A_7 {strides = array<i32>} : memref<128x16xf32, #tpu.memory_space<vmem>>, vector<16xf32>,
    %swap3A_351 = arith.constant 86 : i32
    %swap3A_352 = arith.index_cast %swap3A_351 : i32 to index
    %swap3A_353 = arith.constant 0 : index
    %swap3A_354 = tpu.vector_load %arg16[%swap3A_352, %swap3A_353] {strides = array<i32>} : memref<128x16xf32, #tpu.memory_space<vmem>>, vector<16xf32>,
    tpu.vector_store %arg16[%swap3A_352, %swap3A_353], %broadcast_in_dim3A_7 {strides = array<i32>} : memref<128x16xf32, #tpu.memory_space<vmem>>, vector<16xf32>,
    %swap3A_355 = arith.constant 87 : i32
    %swap3A_356 = arith.index_cast %swap3A_355 : i32 to index
    %swap3A_357 = arith.constant 0 : index
    %swap3A_358 = tpu.vector_load %arg16[%swap3A_356, %swap3A_357] {strides = array<i32>} : memref<128x16xf32, #tpu.memory_space<vmem>>, vector<16xf32>,
    tpu.vector_store %arg16[%swap3A_356, %swap3A_357], %broadcast_in_dim3A_7 {strides = array<i32>} : memref<128x16xf32, #tpu.memory_space<vmem>>, vector<16xf32>,
    %swap3A_359 = arith.constant 88 : i32
    %swap3A_360 = arith.index_cast %swap3A_359 : i32 to index
    %swap3A_361 = arith.constant 0 : index
    %swap3A_362 = tpu.vector_load %arg16[%swap3A_360, %swap3A_361] {strides = array<i32>} : memref<128x16xf32, #tpu.memory_space<vmem>>, vector<16xf32>,
    tpu.vector_store %arg16[%swap3A_360, %swap3A_361], %broadcast_in_dim3A_7 {strides = array<i32>} : memref<128x16xf32, #tpu.memory_space<vmem>>, vector<16xf32>,
    %swap3A_363 = arith.constant 89 : i32
    %swap3A_364 = arith.index_cast %swap3A_363 : i32 to index
    %swap3A_365 = arith.constant 0 : index
    %swap3A_366 = tpu.vector_load %arg16[%swap3A_364, %swap3A_365] {strides = array<i32>} : memref<128x16xf32, #tpu.memory_space<vmem>>, vector<16xf32>,
    tpu.vector_store %arg16[%swap3A_364, %swap3A_365], %broadcast_in_dim3A_7 {strides = array<i32>} : memref<128x16xf32, #tpu.memory_space<vmem>>, vector<16xf32>,
    %swap3A_367 = arith.constant 90 : i32
    %swap3A_368 = arith.index_cast %swap3A_367 : i32 to index
    %swap3A_369 = arith.constant 0 : index
    %swap3A_370 = tpu.vector_load %arg16[%swap3A_368, %swap3A_369] {strides = array<i32>} : memref<128x16xf32, #tpu.memory_space<vmem>>, vector<16xf32>,
    tpu.vector_store %arg16[%swap3A_368, %swap3A_369], %broadcast_in_dim3A_7 {strides = array<i32>} : memref<128x16xf32, #tpu.memory_space<vmem>>, vector<16xf32>,
    %swap3A_371 = arith.constant 91 : i32
    %swap3A_372 = arith.index_cast %swap3A_371 : i32 to index
    %swap3A_373 = arith.constant 0 : index
    %swap3A_374 = tpu.vector_load %arg16[%swap3A_372, %swap3A_373] {strides = array<i32>} : memref<128x16xf32, #tpu.memory_space<vmem>>, vector<16xf32>,
    tpu.vector_store %arg16[%swap3A_372, %swap3A_373], %broadcast_in_dim3A_7 {strides = array<i32>} : memref<128x16xf32, #tpu.memory_space<vmem>>, vector<16xf32>,
    %swap3A_375 = arith.constant 92 : i32
    %swap3A_376 = arith.index_cast %swap3A_375 : i32 to index
    %swap3A_377 = arith.constant 0 : index
    %swap3A_378 = tpu.vector_load %arg16[%swap3A_376, %swap3A_377] {strides = array<i32>} : memref<128x16xf32, #tpu.memory_space<vmem>>, vector<16xf32>,
    tpu.vector_store %arg16[%swap3A_376, %swap3A_377], %broadcast_in_dim3A_7 {strides = array<i32>} : memref<128x16xf32, #tpu.memory_space<vmem>>, vector<16xf32>,
    %swap3A_379 = arith.constant 93 : i32
    %swap3A_380 = arith.index_cast %swap3A_379 : i32 to index
    %swap3A_381 = arith.constant 0 : index
    %swap3A_382 = tpu.vector_load %arg16[%swap3A_380, %swap3A_381] {strides = array<i32>} : memref<128x16xf32, #tpu.memory_space<vmem>>, vector<16xf32>,
    tpu.vector_store %arg16[%swap3A_380, %swap3A_381], %broadcast_in_dim3A_7 {strides = array<i32>} : memref<128x16xf32, #tpu.memory_space<vmem>>, vector<16xf32>,
    %swap3A_383 = arith.constant 94 : i32
    %swap3A_384 = arith.index_cast %swap3A_383 : i32 to index
    %swap3A_385 = arith.constant 0 : index
    %swap3A_386 = tpu.vector_load %arg16[%swap3A_384, %swap3A_385] {strides = array<i32>} : memref<128x16xf32, #tpu.memory_space<vmem>>, vector<16xf32>,
    tpu.vector_store %arg16[%swap3A_384, %swap3A_385], %broadcast_in_dim3A_7 {strides = array<i32>} : memref<128x16xf32, #tpu.memory_space<vmem>>, vector<16xf32>,
    %swap3A_387 = arith.constant 95 : i32
    %swap3A_388 = arith.index_cast %swap3A_387 : i32 to index
    %swap3A_389 = arith.constant 0 : index
    %swap3A_390 = tpu.vector_load %arg16[%swap3A_388, %swap3A_389] {strides = array<i32>} : memref<128x16xf32, #tpu.memory_space<vmem>>, vector<16xf32>,
    tpu.vector_store %arg16[%swap3A_388, %swap3A_389], %broadcast_in_dim3A_7 {strides = array<i32>} : memref<128x16xf32, #tpu.memory_space<vmem>>, vector<16xf32>,
    %swap3A_391 = arith.constant 96 : i32
    %swap3A_392 = arith.index_cast %swap3A_391 : i32 to index
    %swap3A_393 = arith.constant 0 : index
    %swap3A_394 = tpu.vector_load %arg16[%swap3A_392, %swap3A_393] {strides = array<i32>} : memref<128x16xf32, #tpu.memory_space<vmem>>, vector<16xf32>,
    tpu.vector_store %arg16[%swap3A_392, %swap3A_393], %broadcast_in_dim3A_7 {strides = array<i32>} : memref<128x16xf32, #tpu.memory_space<vmem>>, vector<16xf32>,
    %swap3A_395 = arith.constant 97 : i32
    %swap3A_396 = arith.index_cast %swap3A_395 : i32 to index
    %swap3A_397 = arith.constant 0 : index
    %swap3A_398 = tpu.vector_load %arg16[%swap3A_396, %swap3A_397] {strides = array<i32>} : memref<128x16xf32, #tpu.memory_space<vmem>>, vector<16xf32>,
    tpu.vector_store %arg16[%swap3A_396, %swap3A_397], %broadcast_in_dim3A_7 {strides = array<i32>} : memref<128x16xf32, #tpu.memory_space<vmem>>, vector<16xf32>,
    %swap3A_399 = arith.constant 98 : i32
    %swap3A_400 = arith.index_cast %swap3A_399 : i32 to index
    %swap3A_401 = arith.constant 0 : index
    %swap3A_402 = tpu.vector_load %arg16[%swap3A_400, %swap3A_401] {strides = array<i32>} : memref<128x16xf32, #tpu.memory_space<vmem>>, vector<16xf32>,
    tpu.vector_store %arg16[%swap3A_400, %swap3A_401], %broadcast_in_dim3A_7 {strides = array<i32>} : memref<128x16xf32, #tpu.memory_space<vmem>>, vector<16xf32>,
    %swap3A_403 = arith.constant 99 : i32
    %swap3A_404 = arith.index_cast %swap3A_403 : i32 to index
    %swap3A_405 = arith.constant 0 : index
    %swap3A_406 = tpu.vector_load %arg16[%swap3A_404, %swap3A_405] {strides = array<i32>} : memref<128x16xf32, #tpu.memory_space<vmem>>, vector<16xf32>,
    tpu.vector_store %arg16[%swap3A_404, %swap3A_405], %broadcast_in_dim3A_7 {strides = array<i32>} : memref<128x16xf32, #tpu.memory_space<vmem>>, vector<16xf32>,
    %swap3A_407 = arith.constant 100 : i32
    %swap3A_408 = arith.index_cast %swap3A_407 : i32 to index
    %swap3A_409 = arith.constant 0 : index
    %swap3A_410 = tpu.vector_load %arg16[%swap3A_408, %swap3A_409] {strides = array<i32>} : memref<128x16xf32, #tpu.memory_space<vmem>>, vector<16xf32>,
    tpu.vector_store %arg16[%swap3A_408, %swap3A_409], %broadcast_in_dim3A_7 {strides = array<i32>} : memref<128x16xf32, #tpu.memory_space<vmem>>, vector<16xf32>,
    %swap3A_411 = arith.constant 101 : i32
    %swap3A_412 = arith.index_cast %swap3A_411 : i32 to index
    %swap3A_413 = arith.constant 0 : index
    %swap3A_414 = tpu.vector_load %arg16[%swap3A_412, %swap3A_413] {strides = array<i32>} : memref<128x16xf32, #tpu.memory_space<vmem>>, vector<16xf32>,
    tpu.vector_store %arg16[%swap3A_412, %swap3A_413], %broadcast_in_dim3A_7 {strides = array<i32>} : memref<128x16xf32, #tpu.memory_space<vmem>>, vector<16xf32>,
    %swap3A_415 = arith.constant 102 : i32
    %swap3A_416 = arith.index_cast %swap3A_415 : i32 to index
    %swap3A_417 = arith.constant 0 : index
    %swap3A_418 = tpu.vector_load %arg16[%swap3A_416, %swap3A_417] {strides = array<i32>} : memref<128x16xf32, #tpu.memory_space<vmem>>, vector<16xf32>,
    tpu.vector_store %arg16[%swap3A_416, %swap3A_417], %broadcast_in_dim3A_7 {strides = array<i32>} : memref<128x16xf32, #tpu.memory_space<vmem>>, vector<16xf32>,
    %swap3A_419 = arith.constant 103 : i32
    %swap3A_420 = arith.index_cast %swap3A_419 : i32 to index
    %swap3A_421 = arith.constant 0 : index
    %swap3A_422 = tpu.vector_load %arg16[%swap3A_420, %swap3A_421] {strides = array<i32>} : memref<128x16xf32, #tpu.memory_space<vmem>>, vector<16xf32>,
    tpu.vector_store %arg16[%swap3A_420, %swap3A_421], %broadcast_in_dim3A_7 {strides = array<i32>} : memref<128x16xf32, #tpu.memory_space<vmem>>, vector<16xf32>,
    %swap3A_423 = arith.constant 104 : i32
    %swap3A_424 = arith.index_cast %swap3A_423 : i32 to index
    %swap3A_425 = arith.constant 0 : index
    %swap3A_426 = tpu.vector_load %arg16[%swap3A_424, %swap3A_425] {strides = array<i32>} : memref<128x16xf32, #tpu.memory_space<vmem>>, vector<16xf32>,
    tpu.vector_store %arg16[%swap3A_424, %swap3A_425], %broadcast_in_dim3A_7 {strides = array<i32>} : memref<128x16xf32, #tpu.memory_space<vmem>>, vector<16xf32>,
    %swap3A_427 = arith.constant 105 : i32
    %swap3A_428 = arith.index_cast %swap3A_427 : i32 to index
    %swap3A_429 = arith.constant 0 : index
    %swap3A_430 = tpu.vector_load %arg16[%swap3A_428, %swap3A_429] {strides = array<i32>} : memref<128x16xf32, #tpu.memory_space<vmem>>, vector<16xf32>,
    tpu.vector_store %arg16[%swap3A_428, %swap3A_429], %broadcast_in_dim3A_7 {strides = array<i32>} : memref<128x16xf32, #tpu.memory_space<vmem>>, vector<16xf32>,
    %swap3A_431 = arith.constant 106 : i32
    %swap3A_432 = arith.index_cast %swap3A_431 : i32 to index
    %swap3A_433 = arith.constant 0 : index
    %swap3A_434 = tpu.vector_load %arg16[%swap3A_432, %swap3A_433] {strides = array<i32>} : memref<128x16xf32, #tpu.memory_space<vmem>>, vector<16xf32>,
    tpu.vector_store %arg16[%swap3A_432, %swap3A_433], %broadcast_in_dim3A_7 {strides = array<i32>} : memref<128x16xf32, #tpu.memory_space<vmem>>, vector<16xf32>,
    %swap3A_435 = arith.constant 107 : i32
    %swap3A_436 = arith.index_cast %swap3A_435 : i32 to index
    %swap3A_437 = arith.constant 0 : index
    %swap3A_438 = tpu.vector_load %arg16[%swap3A_436, %swap3A_437] {strides = array<i32>} : memref<128x16xf32, #tpu.memory_space<vmem>>, vector<16xf32>,
    tpu.vector_store %arg16[%swap3A_436, %swap3A_437], %broadcast_in_dim3A_7 {strides = array<i32>} : memref<128x16xf32, #tpu.memory_space<vmem>>, vector<16xf32>,
    %swap3A_439 = arith.constant 108 : i32
    %swap3A_440 = arith.index_cast %swap3A_439 : i32 to index
    %swap3A_441 = arith.constant 0 : index
    %swap3A_442 = tpu.vector_load %arg16[%swap3A_440, %swap3A_441] {strides = array<i32>} : memref<128x16xf32, #tpu.memory_space<vmem>>, vector<16xf32>,
    tpu.vector_store %arg16[%swap3A_440, %swap3A_441], %broadcast_in_dim3A_7 {strides = array<i32>} : memref<128x16xf32, #tpu.memory_space<vmem>>, vector<16xf32>,
    %swap3A_443 = arith.constant 109 : i32
    %swap3A_444 = arith.index_cast %swap3A_443 : i32 to index
    %swap3A_445 = arith.constant 0 : index
    %swap3A_446 = tpu.vector_load %arg16[%swap3A_444, %swap3A_445] {strides = array<i32>} : memref<128x16xf32, #tpu.memory_space<vmem>>, vector<16xf32>,
    tpu.vector_store %arg16[%swap3A_444, %swap3A_445], %broadcast_in_dim3A_7 {strides = array<i32>} : memref<128x16xf32, #tpu.memory_space<vmem>>, vector<16xf32>,
    %swap3A_447 = arith.constant 110 : i32
    %swap3A_448 = arith.index_cast %swap3A_447 : i32 to index
    %swap3A_449 = arith.constant 0 : index
    %swap3A_450 = tpu.vector_load %arg16[%swap3A_448, %swap3A_449] {strides = array<i32>} : memref<128x16xf32, #tpu.memory_space<vmem>>, vector<16xf32>,
    tpu.vector_store %arg16[%swap3A_448, %swap3A_449], %broadcast_in_dim3A_7 {strides = array<i32>} : memref<128x16xf32, #tpu.memory_space<vmem>>, vector<16xf32>,
    %swap3A_451 = arith.constant 111 : i32
    %swap3A_452 = arith.index_cast %swap3A_451 : i32 to index
    %swap3A_453 = arith.constant 0 : index
    %swap3A_454 = tpu.vector_load %arg16[%swap3A_452, %swap3A_453] {strides = array<i32>} : memref<128x16xf32, #tpu.memory_space<vmem>>, vector<16xf32>,
    tpu.vector_store %arg16[%swap3A_452, %swap3A_453], %broadcast_in_dim3A_7 {strides = array<i32>} : memref<128x16xf32, #tpu.memory_space<vmem>>, vector<16xf32>,
    %swap3A_455 = arith.constant 112 : i32
    %swap3A_456 = arith.index_cast %swap3A_455 : i32 to index
    %swap3A_457 = arith.constant 0 : index
    %swap3A_458 = tpu.vector_load %arg16[%swap3A_456, %swap3A_457] {strides = array<i32>} : memref<128x16xf32, #tpu.memory_space<vmem>>, vector<16xf32>,
    tpu.vector_store %arg16[%swap3A_456, %swap3A_457], %broadcast_in_dim3A_7 {strides = array<i32>} : memref<128x16xf32, #tpu.memory_space<vmem>>, vector<16xf32>,
    %swap3A_459 = arith.constant 113 : i32
    %swap3A_460 = arith.index_cast %swap3A_459 : i32 to index
    %swap3A_461 = arith.constant 0 : index
    %swap3A_462 = tpu.vector_load %arg16[%swap3A_460, %swap3A_461] {strides = array<i32>} : memref<128x16xf32, #tpu.memory_space<vmem>>, vector<16xf32>,
    tpu.vector_store %arg16[%swap3A_460, %swap3A_461], %broadcast_in_dim3A_7 {strides = array<i32>} : memref<128x16xf32, #tpu.memory_space<vmem>>, vector<16xf32>,
    %swap3A_463 = arith.constant 114 : i32
    %swap3A_464 = arith.index_cast %swap3A_463 : i32 to index
    %swap3A_465 = arith.constant 0 : index
    %swap3A_466 = tpu.vector_load %arg16[%swap3A_464, %swap3A_465] {strides = array<i32>} : memref<128x16xf32, #tpu.memory_space<vmem>>, vector<16xf32>,
    tpu.vector_store %arg16[%swap3A_464, %swap3A_465], %broadcast_in_dim3A_7 {strides = array<i32>} : memref<128x16xf32, #tpu.memory_space<vmem>>, vector<16xf32>,
    %swap3A_467 = arith.constant 115 : i32
    %swap3A_468 = arith.index_cast %swap3A_467 : i32 to index
    %swap3A_469 = arith.constant 0 : index
    %swap3A_470 = tpu.vector_load %arg16[%swap3A_468, %swap3A_469] {strides = array<i32>} : memref<128x16xf32, #tpu.memory_space<vmem>>, vector<16xf32>,
    tpu.vector_store %arg16[%swap3A_468, %swap3A_469], %broadcast_in_dim3A_7 {strides = array<i32>} : memref<128x16xf32, #tpu.memory_space<vmem>>, vector<16xf32>,
    %swap3A_471 = arith.constant 116 : i32
    %swap3A_472 = arith.index_cast %swap3A_471 : i32 to index
    %swap3A_473 = arith.constant 0 : index
    %swap3A_474 = tpu.vector_load %arg16[%swap3A_472, %swap3A_473] {strides = array<i32>} : memref<128x16xf32, #tpu.memory_space<vmem>>, vector<16xf32>,
    tpu.vector_store %arg16[%swap3A_472, %swap3A_473], %broadcast_in_dim3A_7 {strides = array<i32>} : memref<128x16xf32, #tpu.memory_space<vmem>>, vector<16xf32>,
    %swap3A_475 = arith.constant 117 : i32
    %swap3A_476 = arith.index_cast %swap3A_475 : i32 to index
    %swap3A_477 = arith.constant 0 : index
    %swap3A_478 = tpu.vector_load %arg16[%swap3A_476, %swap3A_477] {strides = array<i32>} : memref<128x16xf32, #tpu.memory_space<vmem>>, vector<16xf32>,
    tpu.vector_store %arg16[%swap3A_476, %swap3A_477], %broadcast_in_dim3A_7 {strides = array<i32>} : memref<128x16xf32, #tpu.memory_space<vmem>>, vector<16xf32>,
    %swap3A_479 = arith.constant 118 : i32
    %swap3A_480 = arith.index_cast %swap3A_479 : i32 to index
    %swap3A_481 = arith.constant 0 : index
    %swap3A_482 = tpu.vector_load %arg16[%swap3A_480, %swap3A_481] {strides = array<i32>} : memref<128x16xf32, #tpu.memory_space<vmem>>, vector<16xf32>,
    tpu.vector_store %arg16[%swap3A_480, %swap3A_481], %broadcast_in_dim3A_7 {strides = array<i32>} : memref<128x16xf32, #tpu.memory_space<vmem>>, vector<16xf32>,
    %swap3A_483 = arith.constant 119 : i32
    %swap3A_484 = arith.index_cast %swap3A_483 : i32 to index
    %swap3A_485 = arith.constant 0 : index
    %swap3A_486 = tpu.vector_load %arg16[%swap3A_484, %swap3A_485] {strides = array<i32>} : memref<128x16xf32, #tpu.memory_space<vmem>>, vector<16xf32>,
    tpu.vector_store %arg16[%swap3A_484, %swap3A_485], %broadcast_in_dim3A_7 {strides = array<i32>} : memref<128x16xf32, #tpu.memory_space<vmem>>, vector<16xf32>,
    %swap3A_487 = arith.constant 120 : i32
    %swap3A_488 = arith.index_cast %swap3A_487 : i32 to index
    %swap3A_489 = arith.constant 0 : index
    %swap3A_490 = tpu.vector_load %arg16[%swap3A_488, %swap3A_489] {strides = array<i32>} : memref<128x16xf32, #tpu.memory_space<vmem>>, vector<16xf32>,
    tpu.vector_store %arg16[%swap3A_488, %swap3A_489], %broadcast_in_dim3A_7 {strides = array<i32>} : memref<128x16xf32, #tpu.memory_space<vmem>>, vector<16xf32>,
    %swap3A_491 = arith.constant 121 : i32
    %swap3A_492 = arith.index_cast %swap3A_491 : i32 to index
    %swap3A_493 = arith.constant 0 : index
    %swap3A_494 = tpu.vector_load %arg16[%swap3A_492, %swap3A_493] {strides = array<i32>} : memref<128x16xf32, #tpu.memory_space<vmem>>, vector<16xf32>,
    tpu.vector_store %arg16[%swap3A_492, %swap3A_493], %broadcast_in_dim3A_7 {strides = array<i32>} : memref<128x16xf32, #tpu.memory_space<vmem>>, vector<16xf32>,
    %swap3A_495 = arith.constant 122 : i32
    %swap3A_496 = arith.index_cast %swap3A_495 : i32 to index
    %swap3A_497 = arith.constant 0 : index
    %swap3A_498 = tpu.vector_load %arg16[%swap3A_496, %swap3A_497] {strides = array<i32>} : memref<128x16xf32, #tpu.memory_space<vmem>>, vector<16xf32>,
    tpu.vector_store %arg16[%swap3A_496, %swap3A_497], %broadcast_in_dim3A_7 {strides = array<i32>} : memref<128x16xf32, #tpu.memory_space<vmem>>, vector<16xf32>,
    %swap3A_499 = arith.constant 123 : i32
    %swap3A_500 = arith.index_cast %swap3A_499 : i32 to index
    %swap3A_501 = arith.constant 0 : index
    %swap3A_502 = tpu.vector_load %arg16[%swap3A_500, %swap3A_501] {strides = array<i32>} : memref<128x16xf32, #tpu.memory_space<vmem>>, vector<16xf32>,
    tpu.vector_store %arg16[%swap3A_500, %swap3A_501], %broadcast_in_dim3A_7 {strides = array<i32>} : memref<128x16xf32, #tpu.memory_space<vmem>>, vector<16xf32>,
    %swap3A_503 = arith.constant 124 : i32
    %swap3A_504 = arith.index_cast %swap3A_503 : i32 to index
    %swap3A_505 = arith.constant 0 : index
    %swap3A_506 = tpu.vector_load %arg16[%swap3A_504, %swap3A_505] {strides = array<i32>} : memref<128x16xf32, #tpu.memory_space<vmem>>, vector<16xf32>,
    tpu.vector_store %arg16[%swap3A_504, %swap3A_505], %broadcast_in_dim3A_7 {strides = array<i32>} : memref<128x16xf32, #tpu.memory_space<vmem>>, vector<16xf32>,
    %swap3A_507 = arith.constant 125 : i32
    %swap3A_508 = arith.index_cast %swap3A_507 : i32 to index
    %swap3A_509 = arith.constant 0 : index
    %swap3A_510 = tpu.vector_load %arg16[%swap3A_508, %swap3A_509] {strides = array<i32>} : memref<128x16xf32, #tpu.memory_space<vmem>>, vector<16xf32>,
    tpu.vector_store %arg16[%swap3A_508, %swap3A_509], %broadcast_in_dim3A_7 {strides = array<i32>} : memref<128x16xf32, #tpu.memory_space<vmem>>, vector<16xf32>,
    %swap3A_511 = arith.constant 126 : i32
    %swap3A_512 = arith.index_cast %swap3A_511 : i32 to index
    %swap3A_513 = arith.constant 0 : index
    %swap3A_514 = tpu.vector_load %arg16[%swap3A_512, %swap3A_513] {strides = array<i32>} : memref<128x16xf32, #tpu.memory_space<vmem>>, vector<16xf32>,
    tpu.vector_store %arg16[%swap3A_512, %swap3A_513], %broadcast_in_dim3A_7 {strides = array<i32>} : memref<128x16xf32, #tpu.memory_space<vmem>>, vector<16xf32>,
    %swap3A_515 = arith.constant 127 : i32
    %swap3A_516 = arith.index_cast %swap3A_515 : i32 to index
    %swap3A_517 = arith.constant 0 : index
    %swap3A_518 = tpu.vector_load %arg16[%swap3A_516, %swap3A_517] {strides = array<i32>} : memref<128x16xf32, #tpu.memory_space<vmem>>, vector<16xf32>,
    tpu.vector_store %arg16[%swap3A_516, %swap3A_517], %broadcast_in_dim3A_7 {strides = array<i32>} : memref<128x16xf32, #tpu.memory_space<vmem>>, vector<16xf32>,
    %barrier3A = arith.constant 0 : index
    tpu.barrier barrier_id(%barrier3A)
    %scan3A = arith.constant 0 : i32
    %scan3A_519 = arith.constant 0 : i32
    %scan3A_520 = arith.constant 40 : i32
    %scan3A_521 = arith.addi %scan3A_519, %scan3A_520 : i32
    %scan3A_522 = arith.constant 1 : i32
    scf.for %scan3A_525 = %scan3A_519 to %scan3A_521 step %scan3A_522  : i32 {
      %dma_start3A = arith.constant 0 : i32
      %dma_start3A_526 = tpu.memref_slice %arg13[%scan3A_525, %dma_start3A] : memref<40x128xi32, #tpu.memory_space<vmem>> -> memref<1x128xi32, #tpu.memory_space<vmem>>
      %dma_start3A_527 = tpu.memref_squeeze %dma_start3A_526 : memref<1x128xi32, #tpu.memory_space<vmem>> -> memref<128xi32, #tpu.memory_space<vmem>>
      %dma_start3A_528 = arith.constant 0 : i32
      %dma_start3A_529 = arith.constant 0 : i32
      %dma_start3A_530 = tpu.memref_slice %arg9[%dma_start3A_528, %dma_start3A_529] : memref<10112x16xf32, #tpu.memory_space<vmem_shared>> -> memref<10112x16xf32, #tpu.memory_space<vmem_shared>>
      tpu.enqueue_indirect_dma source(%dma_start3A_530 : memref<10112x16xf32, #tpu.memory_space<vmem_shared>>) target(%arg15 : memref<128x16xf32, #tpu.memory_space<vmem>>) offsets(%dma_start3A_527 : memref<128xi32, #tpu.memory_space<vmem>>) semaphore(%arg17 : memref<!tpu.dma_semaphore, #tpu.memory_space<semaphore_mem>>)
      "tpu.region"() ({
        %run_scoped3A = tpu.sem_alloc : memref<!tpu.dma_semaphore, #tpu.memory_space<semaphore_mem>>
        %dma_start3A_536 = arith.constant 0 : i32
        %dma_start3A_537 = tpu.memref_slice %arg14[%scan3A_525, %dma_start3A_536] : memref<40x128xi32, #tpu.memory_space<vmem>> -> memref<1x128xi32, #tpu.memory_space<vmem>>
        %dma_start3A_538 = tpu.memref_squeeze %dma_start3A_537 : memref<1x128xi32, #tpu.memory_space<vmem>> -> memref<128xi32, #tpu.memory_space<vmem>>
        %dma_start3A_539 = arith.constant 0 : i32
        %dma_start3A_540 = arith.constant 0 : i32
        %dma_start3A_541 = tpu.memref_slice %arg11[%dma_start3A_539, %dma_start3A_540] : memref<10112x16xf32, #tpu.memory_space<vmem_shared>> -> memref<10112x16xf32, #tpu.memory_space<vmem_shared>>
        tpu.enqueue_indirect_dma source(%arg16 : memref<128x16xf32, #tpu.memory_space<vmem>>) target(%dma_start3A_541 : memref<10112x16xf32, #tpu.memory_space<vmem_shared>>) offsets(%dma_start3A_538 : memref<128xi32, #tpu.memory_space<vmem>>) semaphore(%run_scoped3A : memref<!tpu.dma_semaphore, #tpu.memory_space<semaphore_mem>>) {add = true}
        %dma_wait3A_542 = arith.constant 0 : i32
        %dma_wait3A_543 = tpu.memref_slice %arg14[%scan3A_525, %dma_wait3A_542] : memref<40x128xi32, #tpu.memory_space<vmem>> -> memref<1x128xi32, #tpu.memory_space<vmem>>
        %dma_wait3A_544 = tpu.memref_squeeze %dma_wait3A_543 : memref<1x128xi32, #tpu.memory_space<vmem>> -> memref<128xi32, #tpu.memory_space<vmem>>
        %dma_wait3A_545 = arith.constant 0 : i32
        %dma_wait3A_546 = arith.constant 0 : i32
        %dma_wait3A_547 = tpu.memref_slice %arg11[%dma_wait3A_545, %dma_wait3A_546] : memref<10112x16xf32, #tpu.memory_space<vmem_shared>> -> memref<10112x16xf32, #tpu.memory_space<vmem_shared>>
        tpu.wait_indirect_dma semaphore(%run_scoped3A : memref<!tpu.dma_semaphore, #tpu.memory_space<semaphore_mem>>) src(%arg16 : memref<128x16xf32, #tpu.memory_space<vmem>>) dst(%dma_wait3A_547 : memref<10112x16xf32, #tpu.memory_space<vmem_shared>>)
        tpu.yield
      }) : () -> ()
      "tpu.region"() ({
        %run_scoped3A = tpu.sem_alloc : memref<!tpu.dma_semaphore, #tpu.memory_space<semaphore_mem>>
        %dma_start3A_536 = arith.constant 0 : i32
        %dma_start3A_537 = tpu.memref_slice %arg13[%scan3A_525, %dma_start3A_536] : memref<40x128xi32, #tpu.memory_space<vmem>> -> memref<1x128xi32, #tpu.memory_space<vmem>>
        %dma_start3A_538 = tpu.memref_squeeze %dma_start3A_537 : memref<1x128xi32, #tpu.memory_space<vmem>> -> memref<128xi32, #tpu.memory_space<vmem>>
        %dma_start3A_539 = arith.constant 0 : i32
        %dma_start3A_540 = arith.constant 0 : i32
        %dma_start3A_541 = tpu.memref_slice %arg12[%dma_start3A_539, %dma_start3A_540] : memref<10112x16xf32, #tpu.memory_space<vmem_shared>> -> memref<10112x16xf32, #tpu.memory_space<vmem_shared>>
        tpu.enqueue_indirect_dma source(%arg16 : memref<128x16xf32, #tpu.memory_space<vmem>>) target(%dma_start3A_541 : memref<10112x16xf32, #tpu.memory_space<vmem_shared>>) offsets(%dma_start3A_538 : memref<128xi32, #tpu.memory_space<vmem>>) semaphore(%run_scoped3A : memref<!tpu.dma_semaphore, #tpu.memory_space<semaphore_mem>>) {add = true}
        %dma_wait3A_542 = arith.constant 0 : i32
        %dma_wait3A_543 = tpu.memref_slice %arg13[%scan3A_525, %dma_wait3A_542] : memref<40x128xi32, #tpu.memory_space<vmem>> -> memref<1x128xi32, #tpu.memory_space<vmem>>
        %dma_wait3A_544 = tpu.memref_squeeze %dma_wait3A_543 : memref<1x128xi32, #tpu.memory_space<vmem>> -> memref<128xi32, #tpu.memory_space<vmem>>
        %dma_wait3A_545 = arith.constant 0 : i32
        %dma_wait3A_546 = arith.constant 0 : i32
        %dma_wait3A_547 = tpu.memref_slice %arg12[%dma_wait3A_545, %dma_wait3A_546] : memref<10112x16xf32, #tpu.memory_space<vmem_shared>> -> memref<10112x16xf32, #tpu.memory_space<vmem_shared>>
        tpu.wait_indirect_dma semaphore(%run_scoped3A : memref<!tpu.dma_semaphore, #tpu.memory_space<semaphore_mem>>) src(%arg16 : memref<128x16xf32, #tpu.memory_space<vmem>>) dst(%dma_wait3A_547 : memref<10112x16xf32, #tpu.memory_space<vmem_shared>>)
        tpu.yield
      }) : () -> ()
      %dma_wait3A = arith.constant 0 : i32
      %dma_wait3A_531 = tpu.memref_slice %arg13[%scan3A_525, %dma_wait3A] : memref<40x128xi32, #tpu.memory_space<vmem>> -> memref<1x128xi32, #tpu.memory_space<vmem>>
      %dma_wait3A_532 = tpu.memref_squeeze %dma_wait3A_531 : memref<1x128xi32, #tpu.memory_space<vmem>> -> memref<128xi32, #tpu.memory_space<vmem>>
      %dma_wait3A_533 = arith.constant 0 : i32
      %dma_wait3A_534 = arith.constant 0 : i32
      %dma_wait3A_535 = tpu.memref_slice %arg9[%dma_wait3A_533, %dma_wait3A_534] : memref<10112x16xf32, #tpu.memory_space<vmem_shared>> -> memref<10112x16xf32, #tpu.memory_space<vmem_shared>>
      tpu.wait_indirect_dma semaphore(%arg17 : memref<!tpu.dma_semaphore, #tpu.memory_space<semaphore_mem>>) src(%dma_wait3A_535 : memref<10112x16xf32, #tpu.memory_space<vmem_shared>>) dst(%arg15 : memref<128x16xf32, #tpu.memory_space<vmem>>)
      "tpu.region"() ({
        %run_scoped3A = tpu.sem_alloc : memref<!tpu.dma_semaphore, #tpu.memory_space<semaphore_mem>>
        %dma_start3A_536 = arith.constant 0 : i32
        %dma_start3A_537 = tpu.memref_slice %arg14[%scan3A_525, %dma_start3A_536] : memref<40x128xi32, #tpu.memory_space<vmem>> -> memref<1x128xi32, #tpu.memory_space<vmem>>
        %dma_start3A_538 = tpu.memref_squeeze %dma_start3A_537 : memref<1x128xi32, #tpu.memory_space<vmem>> -> memref<128xi32, #tpu.memory_space<vmem>>
        %dma_start3A_539 = arith.constant 0 : i32
        %dma_start3A_540 = arith.constant 0 : i32
        %dma_start3A_541 = tpu.memref_slice %arg10[%dma_start3A_539, %dma_start3A_540] : memref<10112x16xf32, #tpu.memory_space<vmem_shared>> -> memref<10112x16xf32, #tpu.memory_space<vmem_shared>>
        tpu.enqueue_indirect_dma source(%arg15 : memref<128x16xf32, #tpu.memory_space<vmem>>) target(%dma_start3A_541 : memref<10112x16xf32, #tpu.memory_space<vmem_shared>>) offsets(%dma_start3A_538 : memref<128xi32, #tpu.memory_space<vmem>>) semaphore(%run_scoped3A : memref<!tpu.dma_semaphore, #tpu.memory_space<semaphore_mem>>) {add = true}
        %dma_wait3A_542 = arith.constant 0 : i32
        %dma_wait3A_543 = tpu.memref_slice %arg14[%scan3A_525, %dma_wait3A_542] : memref<40x128xi32, #tpu.memory_space<vmem>> -> memref<1x128xi32, #tpu.memory_space<vmem>>
        %dma_wait3A_544 = tpu.memref_squeeze %dma_wait3A_543 : memref<1x128xi32, #tpu.memory_space<vmem>> -> memref<128xi32, #tpu.memory_space<vmem>>
        %dma_wait3A_545 = arith.constant 0 : i32
        %dma_wait3A_546 = arith.constant 0 : i32
        %dma_wait3A_547 = tpu.memref_slice %arg10[%dma_wait3A_545, %dma_wait3A_546] : memref<10112x16xf32, #tpu.memory_space<vmem_shared>> -> memref<10112x16xf32, #tpu.memory_space<vmem_shared>>
        tpu.wait_indirect_dma semaphore(%run_scoped3A : memref<!tpu.dma_semaphore, #tpu.memory_space<semaphore_mem>>) src(%arg15 : memref<128x16xf32, #tpu.memory_space<vmem>>) dst(%dma_wait3A_547 : memref<10112x16xf32, #tpu.memory_space<vmem_shared>>)
        tpu.yield
      }) : () -> ()
    }
    %scan3A_523 = arith.constant 40 : i32
    %barrier3A_524 = arith.constant 0 : index
    tpu.barrier barrier_id(%barrier3A_524)
    "tpu.region"() ({
      %run_scoped3A = tpu.sem_alloc : memref<!tpu.dma_semaphore, #tpu.memory_space<semaphore_mem>>
      %dma_start3A = arith.constant 0 : i32
      %dma_start3A_525 = tpu.memref_slice %arg6[%arg0, %mul3A_2, %dma_start3A] : memref<2x10112x16xf32, #tpu.memory_space<hbm>> -> memref<1x632x16xf32, #tpu.memory_space<hbm>>
      %dma_start3A_526 = tpu.memref_squeeze %dma_start3A_525 : memref<1x632x16xf32, #tpu.memory_space<hbm>> -> memref<632x16xf32, #tpu.memory_space<hbm>>
      %dma_start3A_527 = arith.constant 0 : i32
      %dma_start3A_528 = tpu.memref_slice %arg10[%mul3A_2, %dma_start3A_527] : memref<10112x16xf32, #tpu.memory_space<vmem_shared>> -> memref<632x16xf32, #tpu.memory_space<vmem_shared>>
      tpu.enqueue_dma source(%dma_start3A_528 : memref<632x16xf32, #tpu.memory_space<vmem_shared>>) target(%dma_start3A_526 : memref<632x16xf32, #tpu.memory_space<hbm>>) target_semaphore(%run_scoped3A : memref<!tpu.dma_semaphore, #tpu.memory_space<semaphore_mem>>)
      %dma_wait3A = arith.constant 0 : i32
      %dma_wait3A_529 = tpu.memref_slice %arg6[%arg0, %mul3A_2, %dma_wait3A] : memref<2x10112x16xf32, #tpu.memory_space<hbm>> -> memref<1x632x16xf32, #tpu.memory_space<hbm>>
      %dma_wait3A_530 = tpu.memref_squeeze %dma_wait3A_529 : memref<1x632x16xf32, #tpu.memory_space<hbm>> -> memref<632x16xf32, #tpu.memory_space<hbm>>
      %dma_wait3A_531 = arith.constant 0 : i32
      %dma_wait3A_532 = tpu.memref_slice %arg10[%mul3A_2, %dma_wait3A_531] : memref<10112x16xf32, #tpu.memory_space<vmem_shared>> -> memref<632x16xf32, #tpu.memory_space<vmem_shared>>
      tpu.wait_dma2 semaphore(%run_scoped3A : memref<!tpu.dma_semaphore, #tpu.memory_space<semaphore_mem>>) src(%dma_wait3A_532 : memref<632x16xf32, #tpu.memory_space<vmem_shared>>) dst(%dma_wait3A_530 : memref<632x16xf32, #tpu.memory_space<hbm>>)
      tpu.yield
    }) : () -> ()
    "tpu.region"() ({
      %run_scoped3A = tpu.sem_alloc : memref<!tpu.dma_semaphore, #tpu.memory_space<semaphore_mem>>
      %dma_start3A = arith.constant 0 : i32
      %dma_start3A_525 = tpu.memref_slice %arg7[%arg0, %mul3A_2, %dma_start3A] : memref<2x10112x16xf32, #tpu.memory_space<hbm>> -> memref<1x632x16xf32, #tpu.memory_space<hbm>>
      %dma_start3A_526 = tpu.memref_squeeze %dma_start3A_525 : memref<1x632x16xf32, #tpu.memory_space<hbm>> -> memref<632x16xf32, #tpu.memory_space<hbm>>
      %dma_start3A_527 = arith.constant 0 : i32
      %dma_start3A_528 = tpu.memref_slice %arg11[%mul3A_2, %dma_start3A_527] : memref<10112x16xf32, #tpu.memory_space<vmem_shared>> -> memref<632x16xf32, #tpu.memory_space<vmem_shared>>
      tpu.enqueue_dma source(%dma_start3A_528 : memref<632x16xf32, #tpu.memory_space<vmem_shared>>) target(%dma_start3A_526 : memref<632x16xf32, #tpu.memory_space<hbm>>) target_semaphore(%run_scoped3A : memref<!tpu.dma_semaphore, #tpu.memory_space<semaphore_mem>>)
      %dma_wait3A = arith.constant 0 : i32
      %dma_wait3A_529 = tpu.memref_slice %arg7[%arg0, %mul3A_2, %dma_wait3A] : memref<2x10112x16xf32, #tpu.memory_space<hbm>> -> memref<1x632x16xf32, #tpu.memory_space<hbm>>
      %dma_wait3A_530 = tpu.memref_squeeze %dma_wait3A_529 : memref<1x632x16xf32, #tpu.memory_space<hbm>> -> memref<632x16xf32, #tpu.memory_space<hbm>>
      %dma_wait3A_531 = arith.constant 0 : i32
      %dma_wait3A_532 = tpu.memref_slice %arg11[%mul3A_2, %dma_wait3A_531] : memref<10112x16xf32, #tpu.memory_space<vmem_shared>> -> memref<632x16xf32, #tpu.memory_space<vmem_shared>>
      tpu.wait_dma2 semaphore(%run_scoped3A : memref<!tpu.dma_semaphore, #tpu.memory_space<semaphore_mem>>) src(%dma_wait3A_532 : memref<632x16xf32, #tpu.memory_space<vmem_shared>>) dst(%dma_wait3A_530 : memref<632x16xf32, #tpu.memory_space<hbm>>)
      tpu.yield
    }) : () -> ()
    "tpu.region"() ({
      %run_scoped3A = tpu.sem_alloc : memref<!tpu.dma_semaphore, #tpu.memory_space<semaphore_mem>>
      %dma_start3A = arith.constant 0 : i32
      %dma_start3A_525 = tpu.memref_slice %arg8[%arg0, %mul3A_2, %dma_start3A] : memref<2x10112x16xf32, #tpu.memory_space<hbm>> -> memref<1x632x16xf32, #tpu.memory_space<hbm>>
      %dma_start3A_526 = tpu.memref_squeeze %dma_start3A_525 : memref<1x632x16xf32, #tpu.memory_space<hbm>> -> memref<632x16xf32, #tpu.memory_space<hbm>>
      %dma_start3A_527 = arith.constant 0 : i32
      %dma_start3A_528 = tpu.memref_slice %arg12[%mul3A_2, %dma_start3A_527] : memref<10112x16xf32, #tpu.memory_space<vmem_shared>> -> memref<632x16xf32, #tpu.memory_space<vmem_shared>>
      tpu.enqueue_dma source(%dma_start3A_528 : memref<632x16xf32, #tpu.memory_space<vmem_shared>>) target(%dma_start3A_526 : memref<632x16xf32, #tpu.memory_space<hbm>>) target_semaphore(%run_scoped3A : memref<!tpu.dma_semaphore, #tpu.memory_space<semaphore_mem>>)
      %dma_wait3A = arith.constant 0 : i32
      %dma_wait3A_529 = tpu.memref_slice %arg8[%arg0, %mul3A_2, %dma_wait3A] : memref<2x10112x16xf32, #tpu.memory_space<hbm>> -> memref<1x632x16xf32, #tpu.memory_space<hbm>>
      %dma_wait3A_530 = tpu.memref_squeeze %dma_wait3A_529 : memref<1x632x16xf32, #tpu.memory_space<hbm>> -> memref<632x16xf32, #tpu.memory_space<hbm>>
      %dma_wait3A_531 = arith.constant 0 : i32
      %dma_wait3A_532 = tpu.memref_slice %arg12[%mul3A_2, %dma_wait3A_531] : memref<10112x16xf32, #tpu.memory_space<vmem_shared>> -> memref<632x16xf32, #tpu.memory_space<vmem_shared>>
      tpu.wait_dma2 semaphore(%run_scoped3A : memref<!tpu.dma_semaphore, #tpu.memory_space<semaphore_mem>>) src(%dma_wait3A_532 : memref<632x16xf32, #tpu.memory_space<vmem_shared>>) dst(%dma_wait3A_530 : memref<632x16xf32, #tpu.memory_space<hbm>>)
      tpu.yield
    }) : () -> ()
    return
  }
}

#map = affine_map<(d0, d1) -> (0, 0)>
#map1 = affine_map<(d0, d1) -> (0, 0, 0)>
module attributes {stable_mosaic.version = 14 : i64} {
  func.func @kern(%arg0: i32, %arg1: i32, %arg2: memref<1280x128xi32, #tpu.memory_space<hbm>>, %arg3: memref<1280x128xi32, #tpu.memory_space<hbm>>, %arg4: memref<10112x16xf32, #tpu.memory_space<hbm>>, %arg5: memref<10112x16xf32, #tpu.memory_space<hbm>>, %arg6: memref<2x10112x16xf32, #tpu.memory_space<hbm>>, %arg7: memref<10112x16xf32, #tpu.memory_space<vmem_shared>>, %arg8: memref<10112x16xf32, #tpu.memory_space<vmem_shared>>, %arg9: memref<40x128xi32, #tpu.memory_space<vmem>>, %arg10: memref<40x128xi32, #tpu.memory_space<vmem>>, %arg11: memref<128x16xf32, #tpu.memory_space<vmem>>, %arg12: memref<128x16xf32, #tpu.memory_space<vmem>>, %arg13: memref<!tpu.dma_semaphore, #tpu.memory_space<semaphore_mem>>, %arg14: memref<!tpu.dma_semaphore, #tpu.memory_space<semaphore_mem>>) attributes {dimension_semantics = [#tpu.dimension_semantics<core_parallel>, #tpu.dimension_semantics<subcore_parallel>], iteration_bounds = array<i64: 2, 16>, scalar_prefetch = 0 : i64, scratch_operands = 8 : i64, tpu.core_type = #tpu.core_type<sc_vector_subcore>, window_params = [{transform_indices = #map}, {transform_indices = #map}, {transform_indices = #map}, {transform_indices = #map}, {transform_indices = #map1}]} {
    %mul3A = arith.constant 16 : i32
    %mul3A_0 = arith.muli %arg0, %mul3A : i32
    %add3A = arith.addi %mul3A_0, %arg1 : i32
    %mul3A_1 = arith.constant 632 : i32
    %mul3A_2 = arith.muli %arg1, %mul3A_1 : i32
    "tpu.region"() ({
      %run_scoped3A = tpu.sem_alloc : memref<!tpu.dma_semaphore, #tpu.memory_space<semaphore_mem>>
      %dma_start3A_19 = arith.constant 0 : i32
      %dma_start3A_20 = tpu.memref_slice %arg7[%mul3A_2, %dma_start3A_19] : memref<10112x16xf32, #tpu.memory_space<vmem_shared>> -> memref<632x16xf32, #tpu.memory_space<vmem_shared>>
      %dma_start3A_21 = arith.constant 0 : i32
      %dma_start3A_22 = tpu.memref_slice %arg4[%mul3A_2, %dma_start3A_21] : memref<10112x16xf32, #tpu.memory_space<hbm>> -> memref<632x16xf32, #tpu.memory_space<hbm>>
      tpu.enqueue_dma source(%dma_start3A_22 : memref<632x16xf32, #tpu.memory_space<hbm>>) target(%dma_start3A_20 : memref<632x16xf32, #tpu.memory_space<vmem_shared>>) target_semaphore(%run_scoped3A : memref<!tpu.dma_semaphore, #tpu.memory_space<semaphore_mem>>)
      %dma_wait3A = arith.constant 0 : i32
      %dma_wait3A_23 = tpu.memref_slice %arg7[%mul3A_2, %dma_wait3A] : memref<10112x16xf32, #tpu.memory_space<vmem_shared>> -> memref<632x16xf32, #tpu.memory_space<vmem_shared>>
      %dma_wait3A_24 = arith.constant 0 : i32
      %dma_wait3A_25 = tpu.memref_slice %arg4[%mul3A_2, %dma_wait3A_24] : memref<10112x16xf32, #tpu.memory_space<hbm>> -> memref<632x16xf32, #tpu.memory_space<hbm>>
      tpu.wait_dma2 semaphore(%run_scoped3A : memref<!tpu.dma_semaphore, #tpu.memory_space<semaphore_mem>>) src(%dma_wait3A_25 : memref<632x16xf32, #tpu.memory_space<hbm>>) dst(%dma_wait3A_23 : memref<632x16xf32, #tpu.memory_space<vmem_shared>>)
      tpu.yield
    }) : () -> ()
    "tpu.region"() ({
      %run_scoped3A = tpu.sem_alloc : memref<!tpu.dma_semaphore, #tpu.memory_space<semaphore_mem>>
      %dma_start3A_19 = arith.constant 0 : i32
      %dma_start3A_20 = tpu.memref_slice %arg8[%mul3A_2, %dma_start3A_19] : memref<10112x16xf32, #tpu.memory_space<vmem_shared>> -> memref<632x16xf32, #tpu.memory_space<vmem_shared>>
      %dma_start3A_21 = arith.constant 0 : i32
      %dma_start3A_22 = tpu.memref_slice %arg5[%mul3A_2, %dma_start3A_21] : memref<10112x16xf32, #tpu.memory_space<hbm>> -> memref<632x16xf32, #tpu.memory_space<hbm>>
      tpu.enqueue_dma source(%dma_start3A_22 : memref<632x16xf32, #tpu.memory_space<hbm>>) target(%dma_start3A_20 : memref<632x16xf32, #tpu.memory_space<vmem_shared>>) target_semaphore(%run_scoped3A : memref<!tpu.dma_semaphore, #tpu.memory_space<semaphore_mem>>)
      %dma_wait3A = arith.constant 0 : i32
      %dma_wait3A_23 = tpu.memref_slice %arg8[%mul3A_2, %dma_wait3A] : memref<10112x16xf32, #tpu.memory_space<vmem_shared>> -> memref<632x16xf32, #tpu.memory_space<vmem_shared>>
      %dma_wait3A_24 = arith.constant 0 : i32
      %dma_wait3A_25 = tpu.memref_slice %arg5[%mul3A_2, %dma_wait3A_24] : memref<10112x16xf32, #tpu.memory_space<hbm>> -> memref<632x16xf32, #tpu.memory_space<hbm>>
      tpu.wait_dma2 semaphore(%run_scoped3A : memref<!tpu.dma_semaphore, #tpu.memory_space<semaphore_mem>>) src(%dma_wait3A_25 : memref<632x16xf32, #tpu.memory_space<hbm>>) dst(%dma_wait3A_23 : memref<632x16xf32, #tpu.memory_space<vmem_shared>>)
      tpu.yield
    }) : () -> ()
    %mul3A_3 = arith.constant 40 : i32
    %mul3A_4 = arith.muli %add3A, %mul3A_3 : i32
    "tpu.region"() ({
      %run_scoped3A = tpu.sem_alloc : memref<!tpu.dma_semaphore, #tpu.memory_space<semaphore_mem>>
      %dma_start3A_19 = arith.constant 0 : i32
      %dma_start3A_20 = tpu.memref_slice %arg2[%mul3A_4, %dma_start3A_19] : memref<1280x128xi32, #tpu.memory_space<hbm>> -> memref<40x128xi32, #tpu.memory_space<hbm>>
      %dma_start3A_21 = arith.constant 0 : i32
      %dma_start3A_22 = tpu.memref_slice %arg2[%mul3A_4, %dma_start3A_21] : memref<1280x128xi32, #tpu.memory_space<hbm>> -> memref<40x128xi32, #tpu.memory_space<hbm>>
      tpu.enqueue_dma source(%dma_start3A_22 : memref<40x128xi32, #tpu.memory_space<hbm>>) target(%arg9 : memref<40x128xi32, #tpu.memory_space<vmem>>) target_semaphore(%run_scoped3A : memref<!tpu.dma_semaphore, #tpu.memory_space<semaphore_mem>>)
      %dma_wait3A = arith.constant 0 : i32
      %dma_wait3A_23 = tpu.memref_slice %arg2[%mul3A_4, %dma_wait3A] : memref<1280x128xi32, #tpu.memory_space<hbm>> -> memref<40x128xi32, #tpu.memory_space<hbm>>
      %dma_wait3A_24 = arith.constant 0 : i32
      %dma_wait3A_25 = tpu.memref_slice %arg2[%mul3A_4, %dma_wait3A_24] : memref<1280x128xi32, #tpu.memory_space<hbm>> -> memref<40x128xi32, #tpu.memory_space<hbm>>
      tpu.wait_dma2 semaphore(%run_scoped3A : memref<!tpu.dma_semaphore, #tpu.memory_space<semaphore_mem>>) src(%dma_wait3A_25 : memref<40x128xi32, #tpu.memory_space<hbm>>) dst(%arg9 : memref<40x128xi32, #tpu.memory_space<vmem>>)
      tpu.yield
    }) : () -> ()
    %mul3A_5 = arith.constant 40 : i32
    %mul3A_6 = arith.muli %add3A, %mul3A_5 : i32
    "tpu.region"() ({
      %run_scoped3A = tpu.sem_alloc : memref<!tpu.dma_semaphore, #tpu.memory_space<semaphore_mem>>
      %dma_start3A_19 = arith.constant 0 : i32
      %dma_start3A_20 = tpu.memref_slice %arg3[%mul3A_6, %dma_start3A_19] : memref<1280x128xi32, #tpu.memory_space<hbm>> -> memref<40x128xi32, #tpu.memory_space<hbm>>
      %dma_start3A_21 = arith.constant 0 : i32
      %dma_start3A_22 = tpu.memref_slice %arg3[%mul3A_6, %dma_start3A_21] : memref<1280x128xi32, #tpu.memory_space<hbm>> -> memref<40x128xi32, #tpu.memory_space<hbm>>
      tpu.enqueue_dma source(%dma_start3A_22 : memref<40x128xi32, #tpu.memory_space<hbm>>) target(%arg10 : memref<40x128xi32, #tpu.memory_space<vmem>>) target_semaphore(%run_scoped3A : memref<!tpu.dma_semaphore, #tpu.memory_space<semaphore_mem>>)
      %dma_wait3A = arith.constant 0 : i32
      %dma_wait3A_23 = tpu.memref_slice %arg3[%mul3A_6, %dma_wait3A] : memref<1280x128xi32, #tpu.memory_space<hbm>> -> memref<40x128xi32, #tpu.memory_space<hbm>>
      %dma_wait3A_24 = arith.constant 0 : i32
      %dma_wait3A_25 = tpu.memref_slice %arg3[%mul3A_6, %dma_wait3A_24] : memref<1280x128xi32, #tpu.memory_space<hbm>> -> memref<40x128xi32, #tpu.memory_space<hbm>>
      tpu.wait_dma2 semaphore(%run_scoped3A : memref<!tpu.dma_semaphore, #tpu.memory_space<semaphore_mem>>) src(%dma_wait3A_25 : memref<40x128xi32, #tpu.memory_space<hbm>>) dst(%arg10 : memref<40x128xi32, #tpu.memory_space<vmem>>)
      tpu.yield
    }) : () -> ()
    %barrier3A = arith.constant 0 : index
    tpu.barrier barrier_id(%barrier3A)
    %dma_start3A = arith.constant 0 : i32
    %dma_start3A_7 = arith.constant 0 : i32
    %dma_start3A_8 = tpu.memref_slice %arg9[%dma_start3A, %dma_start3A_7] : memref<40x128xi32, #tpu.memory_space<vmem>> -> memref<1x128xi32, #tpu.memory_space<vmem>>
    %dma_start3A_9 = tpu.memref_squeeze %dma_start3A_8 : memref<1x128xi32, #tpu.memory_space<vmem>> -> memref<128xi32, #tpu.memory_space<vmem>>
    %dma_start3A_10 = arith.constant 0 : i32
    %dma_start3A_11 = arith.constant 0 : i32
    %dma_start3A_12 = tpu.memref_slice %arg7[%dma_start3A_10, %dma_start3A_11] : memref<10112x16xf32, #tpu.memory_space<vmem_shared>> -> memref<10112x16xf32, #tpu.memory_space<vmem_shared>>
    tpu.enqueue_indirect_dma source(%dma_start3A_12 : memref<10112x16xf32, #tpu.memory_space<vmem_shared>>) target(%arg11 : memref<128x16xf32, #tpu.memory_space<vmem>>) offsets(%dma_start3A_9 : memref<128xi32, #tpu.memory_space<vmem>>) semaphore(%arg13 : memref<!tpu.dma_semaphore, #tpu.memory_space<semaphore_mem>>)
    %scan3A = arith.constant 0 : i32
    %scan3A_13 = arith.constant 0 : i32
    %scan3A_14 = arith.constant 20 : i32
    %scan3A_15 = arith.addi %scan3A_13, %scan3A_14 : i32
    %scan3A_16 = arith.constant 1 : i32
    scf.for %scan3A_19 = %scan3A_13 to %scan3A_15 step %scan3A_16  : i32 {
      %mul3A_20 = arith.constant 2 : i32
      %mul3A_21 = arith.muli %mul3A_20, %scan3A_19 : i32
      %add3A_22 = arith.constant 1 : i32
      %add3A_23 = arith.addi %mul3A_21, %add3A_22 : i32
      %dma_start3A_24 = arith.constant 0 : i32
      %dma_start3A_25 = tpu.memref_slice %arg9[%add3A_23, %dma_start3A_24] : memref<40x128xi32, #tpu.memory_space<vmem>> -> memref<1x128xi32, #tpu.memory_space<vmem>>
      %dma_start3A_26 = tpu.memref_squeeze %dma_start3A_25 : memref<1x128xi32, #tpu.memory_space<vmem>> -> memref<128xi32, #tpu.memory_space<vmem>>
      %dma_start3A_27 = arith.constant 0 : i32
      %dma_start3A_28 = arith.constant 0 : i32
      %dma_start3A_29 = tpu.memref_slice %arg7[%dma_start3A_27, %dma_start3A_28] : memref<10112x16xf32, #tpu.memory_space<vmem_shared>> -> memref<10112x16xf32, #tpu.memory_space<vmem_shared>>
      tpu.enqueue_indirect_dma source(%dma_start3A_29 : memref<10112x16xf32, #tpu.memory_space<vmem_shared>>) target(%arg12 : memref<128x16xf32, #tpu.memory_space<vmem>>) offsets(%dma_start3A_26 : memref<128xi32, #tpu.memory_space<vmem>>) semaphore(%arg14 : memref<!tpu.dma_semaphore, #tpu.memory_space<semaphore_mem>>)
      %dma_wait3A = arith.constant 0 : i32
      %dma_wait3A_30 = tpu.memref_slice %arg9[%mul3A_21, %dma_wait3A] : memref<40x128xi32, #tpu.memory_space<vmem>> -> memref<1x128xi32, #tpu.memory_space<vmem>>
      %dma_wait3A_31 = tpu.memref_squeeze %dma_wait3A_30 : memref<1x128xi32, #tpu.memory_space<vmem>> -> memref<128xi32, #tpu.memory_space<vmem>>
      %dma_wait3A_32 = arith.constant 0 : i32
      %dma_wait3A_33 = arith.constant 0 : i32
      %dma_wait3A_34 = tpu.memref_slice %arg7[%dma_wait3A_32, %dma_wait3A_33] : memref<10112x16xf32, #tpu.memory_space<vmem_shared>> -> memref<10112x16xf32, #tpu.memory_space<vmem_shared>>
      tpu.wait_indirect_dma semaphore(%arg13 : memref<!tpu.dma_semaphore, #tpu.memory_space<semaphore_mem>>) src(%dma_wait3A_34 : memref<10112x16xf32, #tpu.memory_space<vmem_shared>>) dst(%arg11 : memref<128x16xf32, #tpu.memory_space<vmem>>)
      "tpu.region"() ({
        %run_scoped3A = tpu.sem_alloc : memref<!tpu.dma_semaphore, #tpu.memory_space<semaphore_mem>>
        %dma_start3A_49 = arith.constant 0 : i32
        %dma_start3A_50 = tpu.memref_slice %arg10[%mul3A_21, %dma_start3A_49] : memref<40x128xi32, #tpu.memory_space<vmem>> -> memref<1x128xi32, #tpu.memory_space<vmem>>
        %dma_start3A_51 = tpu.memref_squeeze %dma_start3A_50 : memref<1x128xi32, #tpu.memory_space<vmem>> -> memref<128xi32, #tpu.memory_space<vmem>>
        %dma_start3A_52 = arith.constant 0 : i32
        %dma_start3A_53 = arith.constant 0 : i32
        %dma_start3A_54 = tpu.memref_slice %arg8[%dma_start3A_52, %dma_start3A_53] : memref<10112x16xf32, #tpu.memory_space<vmem_shared>> -> memref<10112x16xf32, #tpu.memory_space<vmem_shared>>
        tpu.enqueue_indirect_dma source(%arg11 : memref<128x16xf32, #tpu.memory_space<vmem>>) target(%dma_start3A_54 : memref<10112x16xf32, #tpu.memory_space<vmem_shared>>) offsets(%dma_start3A_51 : memref<128xi32, #tpu.memory_space<vmem>>) semaphore(%run_scoped3A : memref<!tpu.dma_semaphore, #tpu.memory_space<semaphore_mem>>) {add = true}
        %dma_wait3A_55 = arith.constant 0 : i32
        %dma_wait3A_56 = tpu.memref_slice %arg10[%mul3A_21, %dma_wait3A_55] : memref<40x128xi32, #tpu.memory_space<vmem>> -> memref<1x128xi32, #tpu.memory_space<vmem>>
        %dma_wait3A_57 = tpu.memref_squeeze %dma_wait3A_56 : memref<1x128xi32, #tpu.memory_space<vmem>> -> memref<128xi32, #tpu.memory_space<vmem>>
        %dma_wait3A_58 = arith.constant 0 : i32
        %dma_wait3A_59 = arith.constant 0 : i32
        %dma_wait3A_60 = tpu.memref_slice %arg8[%dma_wait3A_58, %dma_wait3A_59] : memref<10112x16xf32, #tpu.memory_space<vmem_shared>> -> memref<10112x16xf32, #tpu.memory_space<vmem_shared>>
        tpu.wait_indirect_dma semaphore(%run_scoped3A : memref<!tpu.dma_semaphore, #tpu.memory_space<semaphore_mem>>) src(%arg11 : memref<128x16xf32, #tpu.memory_space<vmem>>) dst(%dma_wait3A_60 : memref<10112x16xf32, #tpu.memory_space<vmem_shared>>)
        tpu.yield
      }) : () -> ()
      %add3A_35 = arith.constant 2 : i32
      %add3A_36 = arith.addi %mul3A_21, %add3A_35 : i32
      %lt3A = arith.constant 40 : i32
      %lt3A_37 = arith.cmpi slt, %add3A_36, %lt3A : i32
      %convert_element_type3A = arith.extui %lt3A_37 : i1 to i32
      %cond3A = arith.constant 0 : i32
      %cond3A_38 = arith.cmpi ne, %convert_element_type3A, %cond3A : i32
      scf.if %cond3A_38 {
        %add3A_49 = arith.constant 2 : i32
        %add3A_50 = arith.addi %mul3A_21, %add3A_49 : i32
        %dma_start3A_51 = arith.constant 0 : i32
        %dma_start3A_52 = tpu.memref_slice %arg9[%add3A_50, %dma_start3A_51] : memref<40x128xi32, #tpu.memory_space<vmem>> -> memref<1x128xi32, #tpu.memory_space<vmem>>
        %dma_start3A_53 = tpu.memref_squeeze %dma_start3A_52 : memref<1x128xi32, #tpu.memory_space<vmem>> -> memref<128xi32, #tpu.memory_space<vmem>>
        %dma_start3A_54 = arith.constant 0 : i32
        %dma_start3A_55 = arith.constant 0 : i32
        %dma_start3A_56 = tpu.memref_slice %arg7[%dma_start3A_54, %dma_start3A_55] : memref<10112x16xf32, #tpu.memory_space<vmem_shared>> -> memref<10112x16xf32, #tpu.memory_space<vmem_shared>>
        tpu.enqueue_indirect_dma source(%dma_start3A_56 : memref<10112x16xf32, #tpu.memory_space<vmem_shared>>) target(%arg11 : memref<128x16xf32, #tpu.memory_space<vmem>>) offsets(%dma_start3A_53 : memref<128xi32, #tpu.memory_space<vmem>>) semaphore(%arg13 : memref<!tpu.dma_semaphore, #tpu.memory_space<semaphore_mem>>)
      } else {
      }
      %add3A_39 = arith.constant 1 : i32
      %add3A_40 = arith.addi %mul3A_21, %add3A_39 : i32
      %dma_wait3A_41 = arith.constant 0 : i32
      %dma_wait3A_42 = tpu.memref_slice %arg9[%add3A_40, %dma_wait3A_41] : memref<40x128xi32, #tpu.memory_space<vmem>> -> memref<1x128xi32, #tpu.memory_space<vmem>>
      %dma_wait3A_43 = tpu.memref_squeeze %dma_wait3A_42 : memref<1x128xi32, #tpu.memory_space<vmem>> -> memref<128xi32, #tpu.memory_space<vmem>>
      %dma_wait3A_44 = arith.constant 0 : i32
      %dma_wait3A_45 = arith.constant 0 : i32
      %dma_wait3A_46 = tpu.memref_slice %arg7[%dma_wait3A_44, %dma_wait3A_45] : memref<10112x16xf32, #tpu.memory_space<vmem_shared>> -> memref<10112x16xf32, #tpu.memory_space<vmem_shared>>
      tpu.wait_indirect_dma semaphore(%arg14 : memref<!tpu.dma_semaphore, #tpu.memory_space<semaphore_mem>>) src(%dma_wait3A_46 : memref<10112x16xf32, #tpu.memory_space<vmem_shared>>) dst(%arg12 : memref<128x16xf32, #tpu.memory_space<vmem>>)
      %add3A_47 = arith.constant 1 : i32
      %add3A_48 = arith.addi %mul3A_21, %add3A_47 : i32
      "tpu.region"() ({
        %run_scoped3A = tpu.sem_alloc : memref<!tpu.dma_semaphore, #tpu.memory_space<semaphore_mem>>
        %dma_start3A_49 = arith.constant 0 : i32
        %dma_start3A_50 = tpu.memref_slice %arg10[%add3A_48, %dma_start3A_49] : memref<40x128xi32, #tpu.memory_space<vmem>> -> memref<1x128xi32, #tpu.memory_space<vmem>>
        %dma_start3A_51 = tpu.memref_squeeze %dma_start3A_50 : memref<1x128xi32, #tpu.memory_space<vmem>> -> memref<128xi32, #tpu.memory_space<vmem>>
        %dma_start3A_52 = arith.constant 0 : i32
        %dma_start3A_53 = arith.constant 0 : i32
        %dma_start3A_54 = tpu.memref_slice %arg8[%dma_start3A_52, %dma_start3A_53] : memref<10112x16xf32, #tpu.memory_space<vmem_shared>> -> memref<10112x16xf32, #tpu.memory_space<vmem_shared>>
        tpu.enqueue_indirect_dma source(%arg12 : memref<128x16xf32, #tpu.memory_space<vmem>>) target(%dma_start3A_54 : memref<10112x16xf32, #tpu.memory_space<vmem_shared>>) offsets(%dma_start3A_51 : memref<128xi32, #tpu.memory_space<vmem>>) semaphore(%run_scoped3A : memref<!tpu.dma_semaphore, #tpu.memory_space<semaphore_mem>>) {add = true}
        %dma_wait3A_55 = arith.constant 0 : i32
        %dma_wait3A_56 = tpu.memref_slice %arg10[%add3A_48, %dma_wait3A_55] : memref<40x128xi32, #tpu.memory_space<vmem>> -> memref<1x128xi32, #tpu.memory_space<vmem>>
        %dma_wait3A_57 = tpu.memref_squeeze %dma_wait3A_56 : memref<1x128xi32, #tpu.memory_space<vmem>> -> memref<128xi32, #tpu.memory_space<vmem>>
        %dma_wait3A_58 = arith.constant 0 : i32
        %dma_wait3A_59 = arith.constant 0 : i32
        %dma_wait3A_60 = tpu.memref_slice %arg8[%dma_wait3A_58, %dma_wait3A_59] : memref<10112x16xf32, #tpu.memory_space<vmem_shared>> -> memref<10112x16xf32, #tpu.memory_space<vmem_shared>>
        tpu.wait_indirect_dma semaphore(%run_scoped3A : memref<!tpu.dma_semaphore, #tpu.memory_space<semaphore_mem>>) src(%arg12 : memref<128x16xf32, #tpu.memory_space<vmem>>) dst(%dma_wait3A_60 : memref<10112x16xf32, #tpu.memory_space<vmem_shared>>)
        tpu.yield
      }) : () -> ()
    }
    %scan3A_17 = arith.constant 20 : i32
    %barrier3A_18 = arith.constant 0 : index
    tpu.barrier barrier_id(%barrier3A_18)
    "tpu.region"() ({
      %run_scoped3A = tpu.sem_alloc : memref<!tpu.dma_semaphore, #tpu.memory_space<semaphore_mem>>
      %dma_start3A_19 = arith.constant 0 : i32
      %dma_start3A_20 = tpu.memref_slice %arg6[%arg0, %mul3A_2, %dma_start3A_19] : memref<2x10112x16xf32, #tpu.memory_space<hbm>> -> memref<1x632x16xf32, #tpu.memory_space<hbm>>
      %dma_start3A_21 = tpu.memref_squeeze %dma_start3A_20 : memref<1x632x16xf32, #tpu.memory_space<hbm>> -> memref<632x16xf32, #tpu.memory_space<hbm>>
      %dma_start3A_22 = arith.constant 0 : i32
      %dma_start3A_23 = tpu.memref_slice %arg8[%mul3A_2, %dma_start3A_22] : memref<10112x16xf32, #tpu.memory_space<vmem_shared>> -> memref<632x16xf32, #tpu.memory_space<vmem_shared>>
      tpu.enqueue_dma source(%dma_start3A_23 : memref<632x16xf32, #tpu.memory_space<vmem_shared>>) target(%dma_start3A_21 : memref<632x16xf32, #tpu.memory_space<hbm>>) target_semaphore(%run_scoped3A : memref<!tpu.dma_semaphore, #tpu.memory_space<semaphore_mem>>)
      %dma_wait3A = arith.constant 0 : i32
      %dma_wait3A_24 = tpu.memref_slice %arg6[%arg0, %mul3A_2, %dma_wait3A] : memref<2x10112x16xf32, #tpu.memory_space<hbm>> -> memref<1x632x16xf32, #tpu.memory_space<hbm>>
      %dma_wait3A_25 = tpu.memref_squeeze %dma_wait3A_24 : memref<1x632x16xf32, #tpu.memory_space<hbm>> -> memref<632x16xf32, #tpu.memory_space<hbm>>
      %dma_wait3A_26 = arith.constant 0 : i32
      %dma_wait3A_27 = tpu.memref_slice %arg8[%mul3A_2, %dma_wait3A_26] : memref<10112x16xf32, #tpu.memory_space<vmem_shared>> -> memref<632x16xf32, #tpu.memory_space<vmem_shared>>
      tpu.wait_dma2 semaphore(%run_scoped3A : memref<!tpu.dma_semaphore, #tpu.memory_space<semaphore_mem>>) src(%dma_wait3A_27 : memref<632x16xf32, #tpu.memory_space<vmem_shared>>) dst(%dma_wait3A_25 : memref<632x16xf32, #tpu.memory_space<hbm>>)
      tpu.yield
    }) : () -> ()
    return
  }
}

#map = affine_map<(d0, d1) -> (0, 0)>
#map1 = affine_map<(d0, d1) -> (0, 0, 0)>
module attributes {stable_mosaic.version = 14 : i64} {
  func.func @kern(%arg0: i32, %arg1: i32, %arg2: memref<1280x128xi32, #tpu.memory_space<hbm>>, %arg3: memref<1280x128xi32, #tpu.memory_space<hbm>>, %arg4: memref<10112x16xf32, #tpu.memory_space<hbm>>, %arg5: memref<10112x16xf32, #tpu.memory_space<hbm>>, %arg6: memref<10112x16xf32, #tpu.memory_space<hbm>>, %arg7: memref<2x10112x16xf32, #tpu.memory_space<hbm>>, %arg8: memref<10112x16xf32, #tpu.memory_space<vmem_shared>>, %arg9: memref<10112x16xf32, #tpu.memory_space<vmem_shared>>, %arg10: memref<10112x16xf32, #tpu.memory_space<vmem_shared>>, %arg11: memref<40x128xi32, #tpu.memory_space<vmem>>, %arg12: memref<40x128xi32, #tpu.memory_space<vmem>>, %arg13: memref<2x128x16xf32, #tpu.memory_space<vmem>>, %arg14: memref<2x128x16xf32, #tpu.memory_space<vmem>>, %arg15: memref<2x128x16xf32, #tpu.memory_space<vmem>>, %arg16: memref<2x128x16xf32, #tpu.memory_space<vmem>>, %arg17: memref<128x16xf32, #tpu.memory_space<vmem>>, %arg18: memref<128x16xf32, #tpu.memory_space<vmem>>, %arg19: memref<!tpu.dma_semaphore, #tpu.memory_space<semaphore_mem>>, %arg20: memref<!tpu.dma_semaphore, #tpu.memory_space<semaphore_mem>>) attributes {dimension_semantics = [#tpu.dimension_semantics<core_parallel>, #tpu.dimension_semantics<subcore_parallel>], iteration_bounds = array<i64: 2, 16>, scalar_prefetch = 0 : i64, scratch_operands = 13 : i64, tpu.core_type = #tpu.core_type<sc_vector_subcore>, window_params = [{transform_indices = #map}, {transform_indices = #map}, {transform_indices = #map}, {transform_indices = #map}, {transform_indices = #map}, {transform_indices = #map1}]} {
    %mul3A = arith.constant 16 : i32
    %mul3A_0 = arith.muli %arg0, %mul3A : i32
    %add3A = arith.addi %mul3A_0, %arg1 : i32
    %mul3A_1 = arith.constant 632 : i32
    %mul3A_2 = arith.muli %arg1, %mul3A_1 : i32
    "tpu.region"() ({
      %run_scoped3A = tpu.sem_alloc : memref<!tpu.dma_semaphore, #tpu.memory_space<semaphore_mem>>
      %dma_start3A_71 = arith.constant 0 : i32
      %dma_start3A_72 = tpu.memref_slice %arg8[%mul3A_2, %dma_start3A_71] : memref<10112x16xf32, #tpu.memory_space<vmem_shared>> -> memref<632x16xf32, #tpu.memory_space<vmem_shared>>
      %dma_start3A_73 = arith.constant 0 : i32
      %dma_start3A_74 = tpu.memref_slice %arg4[%mul3A_2, %dma_start3A_73] : memref<10112x16xf32, #tpu.memory_space<hbm>> -> memref<632x16xf32, #tpu.memory_space<hbm>>
      tpu.enqueue_dma source(%dma_start3A_74 : memref<632x16xf32, #tpu.memory_space<hbm>>) target(%dma_start3A_72 : memref<632x16xf32, #tpu.memory_space<vmem_shared>>) target_semaphore(%run_scoped3A : memref<!tpu.dma_semaphore, #tpu.memory_space<semaphore_mem>>)
      %dma_wait3A = arith.constant 0 : i32
      %dma_wait3A_75 = tpu.memref_slice %arg8[%mul3A_2, %dma_wait3A] : memref<10112x16xf32, #tpu.memory_space<vmem_shared>> -> memref<632x16xf32, #tpu.memory_space<vmem_shared>>
      %dma_wait3A_76 = arith.constant 0 : i32
      %dma_wait3A_77 = tpu.memref_slice %arg4[%mul3A_2, %dma_wait3A_76] : memref<10112x16xf32, #tpu.memory_space<hbm>> -> memref<632x16xf32, #tpu.memory_space<hbm>>
      tpu.wait_dma2 semaphore(%run_scoped3A : memref<!tpu.dma_semaphore, #tpu.memory_space<semaphore_mem>>) src(%dma_wait3A_77 : memref<632x16xf32, #tpu.memory_space<hbm>>) dst(%dma_wait3A_75 : memref<632x16xf32, #tpu.memory_space<vmem_shared>>)
      tpu.yield
    }) : () -> ()
    "tpu.region"() ({
      %run_scoped3A = tpu.sem_alloc : memref<!tpu.dma_semaphore, #tpu.memory_space<semaphore_mem>>
      %dma_start3A_71 = arith.constant 0 : i32
      %dma_start3A_72 = tpu.memref_slice %arg9[%mul3A_2, %dma_start3A_71] : memref<10112x16xf32, #tpu.memory_space<vmem_shared>> -> memref<632x16xf32, #tpu.memory_space<vmem_shared>>
      %dma_start3A_73 = arith.constant 0 : i32
      %dma_start3A_74 = tpu.memref_slice %arg5[%mul3A_2, %dma_start3A_73] : memref<10112x16xf32, #tpu.memory_space<hbm>> -> memref<632x16xf32, #tpu.memory_space<hbm>>
      tpu.enqueue_dma source(%dma_start3A_74 : memref<632x16xf32, #tpu.memory_space<hbm>>) target(%dma_start3A_72 : memref<632x16xf32, #tpu.memory_space<vmem_shared>>) target_semaphore(%run_scoped3A : memref<!tpu.dma_semaphore, #tpu.memory_space<semaphore_mem>>)
      %dma_wait3A = arith.constant 0 : i32
      %dma_wait3A_75 = tpu.memref_slice %arg9[%mul3A_2, %dma_wait3A] : memref<10112x16xf32, #tpu.memory_space<vmem_shared>> -> memref<632x16xf32, #tpu.memory_space<vmem_shared>>
      %dma_wait3A_76 = arith.constant 0 : i32
      %dma_wait3A_77 = tpu.memref_slice %arg5[%mul3A_2, %dma_wait3A_76] : memref<10112x16xf32, #tpu.memory_space<hbm>> -> memref<632x16xf32, #tpu.memory_space<hbm>>
      tpu.wait_dma2 semaphore(%run_scoped3A : memref<!tpu.dma_semaphore, #tpu.memory_space<semaphore_mem>>) src(%dma_wait3A_77 : memref<632x16xf32, #tpu.memory_space<hbm>>) dst(%dma_wait3A_75 : memref<632x16xf32, #tpu.memory_space<vmem_shared>>)
      tpu.yield
    }) : () -> ()
    "tpu.region"() ({
      %run_scoped3A = tpu.sem_alloc : memref<!tpu.dma_semaphore, #tpu.memory_space<semaphore_mem>>
      %dma_start3A_71 = arith.constant 0 : i32
      %dma_start3A_72 = tpu.memref_slice %arg10[%mul3A_2, %dma_start3A_71] : memref<10112x16xf32, #tpu.memory_space<vmem_shared>> -> memref<632x16xf32, #tpu.memory_space<vmem_shared>>
      %dma_start3A_73 = arith.constant 0 : i32
      %dma_start3A_74 = tpu.memref_slice %arg6[%mul3A_2, %dma_start3A_73] : memref<10112x16xf32, #tpu.memory_space<hbm>> -> memref<632x16xf32, #tpu.memory_space<hbm>>
      tpu.enqueue_dma source(%dma_start3A_74 : memref<632x16xf32, #tpu.memory_space<hbm>>) target(%dma_start3A_72 : memref<632x16xf32, #tpu.memory_space<vmem_shared>>) target_semaphore(%run_scoped3A : memref<!tpu.dma_semaphore, #tpu.memory_space<semaphore_mem>>)
      %dma_wait3A = arith.constant 0 : i32
      %dma_wait3A_75 = tpu.memref_slice %arg10[%mul3A_2, %dma_wait3A] : memref<10112x16xf32, #tpu.memory_space<vmem_shared>> -> memref<632x16xf32, #tpu.memory_space<vmem_shared>>
      %dma_wait3A_76 = arith.constant 0 : i32
      %dma_wait3A_77 = tpu.memref_slice %arg6[%mul3A_2, %dma_wait3A_76] : memref<10112x16xf32, #tpu.memory_space<hbm>> -> memref<632x16xf32, #tpu.memory_space<hbm>>
      tpu.wait_dma2 semaphore(%run_scoped3A : memref<!tpu.dma_semaphore, #tpu.memory_space<semaphore_mem>>) src(%dma_wait3A_77 : memref<632x16xf32, #tpu.memory_space<hbm>>) dst(%dma_wait3A_75 : memref<632x16xf32, #tpu.memory_space<vmem_shared>>)
      tpu.yield
    }) : () -> ()
    %mul3A_3 = arith.constant 40 : i32
    %mul3A_4 = arith.muli %add3A, %mul3A_3 : i32
    "tpu.region"() ({
      %run_scoped3A = tpu.sem_alloc : memref<!tpu.dma_semaphore, #tpu.memory_space<semaphore_mem>>
      %dma_start3A_71 = arith.constant 0 : i32
      %dma_start3A_72 = tpu.memref_slice %arg2[%mul3A_4, %dma_start3A_71] : memref<1280x128xi32, #tpu.memory_space<hbm>> -> memref<40x128xi32, #tpu.memory_space<hbm>>
      %dma_start3A_73 = arith.constant 0 : i32
      %dma_start3A_74 = tpu.memref_slice %arg2[%mul3A_4, %dma_start3A_73] : memref<1280x128xi32, #tpu.memory_space<hbm>> -> memref<40x128xi32, #tpu.memory_space<hbm>>
      tpu.enqueue_dma source(%dma_start3A_74 : memref<40x128xi32, #tpu.memory_space<hbm>>) target(%arg11 : memref<40x128xi32, #tpu.memory_space<vmem>>) target_semaphore(%run_scoped3A : memref<!tpu.dma_semaphore, #tpu.memory_space<semaphore_mem>>)
      %dma_wait3A = arith.constant 0 : i32
      %dma_wait3A_75 = tpu.memref_slice %arg2[%mul3A_4, %dma_wait3A] : memref<1280x128xi32, #tpu.memory_space<hbm>> -> memref<40x128xi32, #tpu.memory_space<hbm>>
      %dma_wait3A_76 = arith.constant 0 : i32
      %dma_wait3A_77 = tpu.memref_slice %arg2[%mul3A_4, %dma_wait3A_76] : memref<1280x128xi32, #tpu.memory_space<hbm>> -> memref<40x128xi32, #tpu.memory_space<hbm>>
      tpu.wait_dma2 semaphore(%run_scoped3A : memref<!tpu.dma_semaphore, #tpu.memory_space<semaphore_mem>>) src(%dma_wait3A_77 : memref<40x128xi32, #tpu.memory_space<hbm>>) dst(%arg11 : memref<40x128xi32, #tpu.memory_space<vmem>>)
      tpu.yield
    }) : () -> ()
    %mul3A_5 = arith.constant 40 : i32
    %mul3A_6 = arith.muli %add3A, %mul3A_5 : i32
    "tpu.region"() ({
      %run_scoped3A = tpu.sem_alloc : memref<!tpu.dma_semaphore, #tpu.memory_space<semaphore_mem>>
      %dma_start3A_71 = arith.constant 0 : i32
      %dma_start3A_72 = tpu.memref_slice %arg3[%mul3A_6, %dma_start3A_71] : memref<1280x128xi32, #tpu.memory_space<hbm>> -> memref<40x128xi32, #tpu.memory_space<hbm>>
      %dma_start3A_73 = arith.constant 0 : i32
      %dma_start3A_74 = tpu.memref_slice %arg3[%mul3A_6, %dma_start3A_73] : memref<1280x128xi32, #tpu.memory_space<hbm>> -> memref<40x128xi32, #tpu.memory_space<hbm>>
      tpu.enqueue_dma source(%dma_start3A_74 : memref<40x128xi32, #tpu.memory_space<hbm>>) target(%arg12 : memref<40x128xi32, #tpu.memory_space<vmem>>) target_semaphore(%run_scoped3A : memref<!tpu.dma_semaphore, #tpu.memory_space<semaphore_mem>>)
      %dma_wait3A = arith.constant 0 : i32
      %dma_wait3A_75 = tpu.memref_slice %arg3[%mul3A_6, %dma_wait3A] : memref<1280x128xi32, #tpu.memory_space<hbm>> -> memref<40x128xi32, #tpu.memory_space<hbm>>
      %dma_wait3A_76 = arith.constant 0 : i32
      %dma_wait3A_77 = tpu.memref_slice %arg3[%mul3A_6, %dma_wait3A_76] : memref<1280x128xi32, #tpu.memory_space<hbm>> -> memref<40x128xi32, #tpu.memory_space<hbm>>
      tpu.wait_dma2 semaphore(%run_scoped3A : memref<!tpu.dma_semaphore, #tpu.memory_space<semaphore_mem>>) src(%dma_wait3A_77 : memref<40x128xi32, #tpu.memory_space<hbm>>) dst(%arg12 : memref<40x128xi32, #tpu.memory_space<vmem>>)
      tpu.yield
    }) : () -> ()
    %barrier3A = arith.constant 0 : index
    tpu.barrier barrier_id(%barrier3A)
    %iota3A = tpu.iota {dimensions = array<i32: 0>} : vector<16xi32>
    %xor3A = arith.constant 1 : i32
    %xor3A_7 = vector.broadcast %xor3A : i32 to vector<16xi32>
    %xor3A_8 = arith.xori %iota3A, %xor3A_7 : vector<16xi32>
    %xor3A_9 = arith.constant 2 : i32
    %xor3A_10 = vector.broadcast %xor3A_9 : i32 to vector<16xi32>
    %xor3A_11 = arith.xori %iota3A, %xor3A_10 : vector<16xi32>
    %xor3A_12 = arith.constant 4 : i32
    %xor3A_13 = vector.broadcast %xor3A_12 : i32 to vector<16xi32>
    %xor3A_14 = arith.xori %iota3A, %xor3A_13 : vector<16xi32>
    %xor3A_15 = arith.constant 8 : i32
    %xor3A_16 = vector.broadcast %xor3A_15 : i32 to vector<16xi32>
    %xor3A_17 = arith.xori %iota3A, %xor3A_16 : vector<16xi32>
    %dma_start3A = arith.constant 0 : i32
    %dma_start3A_18 = arith.constant 0 : i32
    %dma_start3A_19 = arith.constant 0 : i32
    %dma_start3A_20 = arith.constant 0 : i32
    %dma_start3A_21 = tpu.memref_slice %arg13[%dma_start3A_18, %dma_start3A_19, %dma_start3A_20] : memref<2x128x16xf32, #tpu.memory_space<vmem>> -> memref<1x128x16xf32, #tpu.memory_space<vmem>>
    %dma_start3A_22 = tpu.memref_squeeze %dma_start3A_21 : memref<1x128x16xf32, #tpu.memory_space<vmem>> -> memref<128x16xf32, #tpu.memory_space<vmem>>
    %dma_start3A_23 = arith.constant 0 : i32
    %dma_start3A_24 = tpu.memref_slice %arg11[%dma_start3A, %dma_start3A_23] : memref<40x128xi32, #tpu.memory_space<vmem>> -> memref<1x128xi32, #tpu.memory_space<vmem>>
    %dma_start3A_25 = tpu.memref_squeeze %dma_start3A_24 : memref<1x128xi32, #tpu.memory_space<vmem>> -> memref<128xi32, #tpu.memory_space<vmem>>
    %dma_start3A_26 = arith.constant 0 : i32
    %dma_start3A_27 = arith.constant 0 : i32
    %dma_start3A_28 = tpu.memref_slice %arg8[%dma_start3A_26, %dma_start3A_27] : memref<10112x16xf32, #tpu.memory_space<vmem_shared>> -> memref<10112x16xf32, #tpu.memory_space<vmem_shared>>
    tpu.enqueue_indirect_dma source(%dma_start3A_28 : memref<10112x16xf32, #tpu.memory_space<vmem_shared>>) target(%dma_start3A_22 : memref<128x16xf32, #tpu.memory_space<vmem>>) offsets(%dma_start3A_25 : memref<128xi32, #tpu.memory_space<vmem>>) semaphore(%arg19 : memref<!tpu.dma_semaphore, #tpu.memory_space<semaphore_mem>>)
    %dma_start3A_29 = arith.constant 0 : i32
    %dma_start3A_30 = arith.constant 0 : i32
    %dma_start3A_31 = arith.constant 0 : i32
    %dma_start3A_32 = arith.constant 0 : i32
    %dma_start3A_33 = tpu.memref_slice %arg14[%dma_start3A_30, %dma_start3A_31, %dma_start3A_32] : memref<2x128x16xf32, #tpu.memory_space<vmem>> -> memref<1x128x16xf32, #tpu.memory_space<vmem>>
    %dma_start3A_34 = tpu.memref_squeeze %dma_start3A_33 : memref<1x128x16xf32, #tpu.memory_space<vmem>> -> memref<128x16xf32, #tpu.memory_space<vmem>>
    %dma_start3A_35 = arith.constant 0 : i32
    %dma_start3A_36 = tpu.memref_slice %arg12[%dma_start3A_29, %dma_start3A_35] : memref<40x128xi32, #tpu.memory_space<vmem>> -> memref<1x128xi32, #tpu.memory_space<vmem>>
    %dma_start3A_37 = tpu.memref_squeeze %dma_start3A_36 : memref<1x128xi32, #tpu.memory_space<vmem>> -> memref<128xi32, #tpu.memory_space<vmem>>
    %dma_start3A_38 = arith.constant 0 : i32
    %dma_start3A_39 = arith.constant 0 : i32
    %dma_start3A_40 = tpu.memref_slice %arg8[%dma_start3A_38, %dma_start3A_39] : memref<10112x16xf32, #tpu.memory_space<vmem_shared>> -> memref<10112x16xf32, #tpu.memory_space<vmem_shared>>
    tpu.enqueue_indirect_dma source(%dma_start3A_40 : memref<10112x16xf32, #tpu.memory_space<vmem_shared>>) target(%dma_start3A_34 : memref<128x16xf32, #tpu.memory_space<vmem>>) offsets(%dma_start3A_37 : memref<128xi32, #tpu.memory_space<vmem>>) semaphore(%arg19 : memref<!tpu.dma_semaphore, #tpu.memory_space<semaphore_mem>>)
    %dma_start3A_41 = arith.constant 0 : i32
    %dma_start3A_42 = arith.constant 0 : i32
    %dma_start3A_43 = arith.constant 0 : i32
    %dma_start3A_44 = arith.constant 0 : i32
    %dma_start3A_45 = tpu.memref_slice %arg15[%dma_start3A_42, %dma_start3A_43, %dma_start3A_44] : memref<2x128x16xf32, #tpu.memory_space<vmem>> -> memref<1x128x16xf32, #tpu.memory_space<vmem>>
    %dma_start3A_46 = tpu.memref_squeeze %dma_start3A_45 : memref<1x128x16xf32, #tpu.memory_space<vmem>> -> memref<128x16xf32, #tpu.memory_space<vmem>>
    %dma_start3A_47 = arith.constant 0 : i32
    %dma_start3A_48 = tpu.memref_slice %arg11[%dma_start3A_41, %dma_start3A_47] : memref<40x128xi32, #tpu.memory_space<vmem>> -> memref<1x128xi32, #tpu.memory_space<vmem>>
    %dma_start3A_49 = tpu.memref_squeeze %dma_start3A_48 : memref<1x128xi32, #tpu.memory_space<vmem>> -> memref<128xi32, #tpu.memory_space<vmem>>
    %dma_start3A_50 = arith.constant 0 : i32
    %dma_start3A_51 = arith.constant 0 : i32
    %dma_start3A_52 = tpu.memref_slice %arg9[%dma_start3A_50, %dma_start3A_51] : memref<10112x16xf32, #tpu.memory_space<vmem_shared>> -> memref<10112x16xf32, #tpu.memory_space<vmem_shared>>
    tpu.enqueue_indirect_dma source(%dma_start3A_52 : memref<10112x16xf32, #tpu.memory_space<vmem_shared>>) target(%dma_start3A_46 : memref<128x16xf32, #tpu.memory_space<vmem>>) offsets(%dma_start3A_49 : memref<128xi32, #tpu.memory_space<vmem>>) semaphore(%arg19 : memref<!tpu.dma_semaphore, #tpu.memory_space<semaphore_mem>>)
    %dma_start3A_53 = arith.constant 0 : i32
    %dma_start3A_54 = arith.constant 0 : i32
    %dma_start3A_55 = arith.constant 0 : i32
    %dma_start3A_56 = arith.constant 0 : i32
    %dma_start3A_57 = tpu.memref_slice %arg16[%dma_start3A_54, %dma_start3A_55, %dma_start3A_56] : memref<2x128x16xf32, #tpu.memory_space<vmem>> -> memref<1x128x16xf32, #tpu.memory_space<vmem>>
    %dma_start3A_58 = tpu.memref_squeeze %dma_start3A_57 : memref<1x128x16xf32, #tpu.memory_space<vmem>> -> memref<128x16xf32, #tpu.memory_space<vmem>>
    %dma_start3A_59 = arith.constant 0 : i32
    %dma_start3A_60 = tpu.memref_slice %arg12[%dma_start3A_53, %dma_start3A_59] : memref<40x128xi32, #tpu.memory_space<vmem>> -> memref<1x128xi32, #tpu.memory_space<vmem>>
    %dma_start3A_61 = tpu.memref_squeeze %dma_start3A_60 : memref<1x128xi32, #tpu.memory_space<vmem>> -> memref<128xi32, #tpu.memory_space<vmem>>
    %dma_start3A_62 = arith.constant 0 : i32
    %dma_start3A_63 = arith.constant 0 : i32
    %dma_start3A_64 = tpu.memref_slice %arg9[%dma_start3A_62, %dma_start3A_63] : memref<10112x16xf32, #tpu.memory_space<vmem_shared>> -> memref<10112x16xf32, #tpu.memory_space<vmem_shared>>
    tpu.enqueue_indirect_dma source(%dma_start3A_64 : memref<10112x16xf32, #tpu.memory_space<vmem_shared>>) target(%dma_start3A_58 : memref<128x16xf32, #tpu.memory_space<vmem>>) offsets(%dma_start3A_61 : memref<128xi32, #tpu.memory_space<vmem>>) semaphore(%arg19 : memref<!tpu.dma_semaphore, #tpu.memory_space<semaphore_mem>>)
    %scan3A = arith.constant 0 : i32
    %scan3A_65 = arith.constant 0 : i32
    %scan3A_66 = arith.constant 20 : i32
    %scan3A_67 = arith.addi %scan3A_65, %scan3A_66 : i32
    %scan3A_68 = arith.constant 1 : i32
    scf.for %scan3A_71 = %scan3A_65 to %scan3A_67 step %scan3A_68  : i32 {
      %mul3A_72 = arith.constant 2 : i32
      %mul3A_73 = arith.muli %mul3A_72, %scan3A_71 : i32
      %add3A_74 = arith.constant 1 : i32
      %add3A_75 = arith.addi %mul3A_73, %add3A_74 : i32
      %dma_start3A_76 = arith.constant 1 : i32
      %dma_start3A_77 = arith.constant 0 : i32
      %dma_start3A_78 = arith.constant 0 : i32
      %dma_start3A_79 = tpu.memref_slice %arg13[%dma_start3A_76, %dma_start3A_77, %dma_start3A_78] : memref<2x128x16xf32, #tpu.memory_space<vmem>> -> memref<1x128x16xf32, #tpu.memory_space<vmem>>
      %dma_start3A_80 = tpu.memref_squeeze %dma_start3A_79 : memref<1x128x16xf32, #tpu.memory_space<vmem>> -> memref<128x16xf32, #tpu.memory_space<vmem>>
      %dma_start3A_81 = arith.constant 0 : i32
      %dma_start3A_82 = tpu.memref_slice %arg11[%add3A_75, %dma_start3A_81] : memref<40x128xi32, #tpu.memory_space<vmem>> -> memref<1x128xi32, #tpu.memory_space<vmem>>
      %dma_start3A_83 = tpu.memref_squeeze %dma_start3A_82 : memref<1x128xi32, #tpu.memory_space<vmem>> -> memref<128xi32, #tpu.memory_space<vmem>>
      %dma_start3A_84 = arith.constant 0 : i32
      %dma_start3A_85 = arith.constant 0 : i32
      %dma_start3A_86 = tpu.memref_slice %arg8[%dma_start3A_84, %dma_start3A_85] : memref<10112x16xf32, #tpu.memory_space<vmem_shared>> -> memref<10112x16xf32, #tpu.memory_space<vmem_shared>>
      tpu.enqueue_indirect_dma source(%dma_start3A_86 : memref<10112x16xf32, #tpu.memory_space<vmem_shared>>) target(%dma_start3A_80 : memref<128x16xf32, #tpu.memory_space<vmem>>) offsets(%dma_start3A_83 : memref<128xi32, #tpu.memory_space<vmem>>) semaphore(%arg20 : memref<!tpu.dma_semaphore, #tpu.memory_space<semaphore_mem>>)
      %dma_start3A_87 = arith.constant 1 : i32
      %dma_start3A_88 = arith.constant 0 : i32
      %dma_start3A_89 = arith.constant 0 : i32
      %dma_start3A_90 = tpu.memref_slice %arg14[%dma_start3A_87, %dma_start3A_88, %dma_start3A_89] : memref<2x128x16xf32, #tpu.memory_space<vmem>> -> memref<1x128x16xf32, #tpu.memory_space<vmem>>
      %dma_start3A_91 = tpu.memref_squeeze %dma_start3A_90 : memref<1x128x16xf32, #tpu.memory_space<vmem>> -> memref<128x16xf32, #tpu.memory_space<vmem>>
      %dma_start3A_92 = arith.constant 0 : i32
      %dma_start3A_93 = tpu.memref_slice %arg12[%add3A_75, %dma_start3A_92] : memref<40x128xi32, #tpu.memory_space<vmem>> -> memref<1x128xi32, #tpu.memory_space<vmem>>
      %dma_start3A_94 = tpu.memref_squeeze %dma_start3A_93 : memref<1x128xi32, #tpu.memory_space<vmem>> -> memref<128xi32, #tpu.memory_space<vmem>>
      %dma_start3A_95 = arith.constant 0 : i32
      %dma_start3A_96 = arith.constant 0 : i32
      %dma_start3A_97 = tpu.memref_slice %arg8[%dma_start3A_95, %dma_start3A_96] : memref<10112x16xf32, #tpu.memory_space<vmem_shared>> -> memref<10112x16xf32, #tpu.memory_space<vmem_shared>>
      tpu.enqueue_indirect_dma source(%dma_start3A_97 : memref<10112x16xf32, #tpu.memory_space<vmem_shared>>) target(%dma_start3A_91 : memref<128x16xf32, #tpu.memory_space<vmem>>) offsets(%dma_start3A_94 : memref<128xi32, #tpu.memory_space<vmem>>) semaphore(%arg20 : memref<!tpu.dma_semaphore, #tpu.memory_space<semaphore_mem>>)
      %dma_start3A_98 = arith.constant 1 : i32
      %dma_start3A_99 = arith.constant 0 : i32
      %dma_start3A_100 = arith.constant 0 : i32
      %dma_start3A_101 = tpu.memref_slice %arg15[%dma_start3A_98, %dma_start3A_99, %dma_start3A_100] : memref<2x128x16xf32, #tpu.memory_space<vmem>> -> memref<1x128x16xf32, #tpu.memory_space<vmem>>
      %dma_start3A_102 = tpu.memref_squeeze %dma_start3A_101 : memref<1x128x16xf32, #tpu.memory_space<vmem>> -> memref<128x16xf32, #tpu.memory_space<vmem>>
      %dma_start3A_103 = arith.constant 0 : i32
      %dma_start3A_104 = tpu.memref_slice %arg11[%add3A_75, %dma_start3A_103] : memref<40x128xi32, #tpu.memory_space<vmem>> -> memref<1x128xi32, #tpu.memory_space<vmem>>
      %dma_start3A_105 = tpu.memref_squeeze %dma_start3A_104 : memref<1x128xi32, #tpu.memory_space<vmem>> -> memref<128xi32, #tpu.memory_space<vmem>>
      %dma_start3A_106 = arith.constant 0 : i32
      %dma_start3A_107 = arith.constant 0 : i32
      %dma_start3A_108 = tpu.memref_slice %arg9[%dma_start3A_106, %dma_start3A_107] : memref<10112x16xf32, #tpu.memory_space<vmem_shared>> -> memref<10112x16xf32, #tpu.memory_space<vmem_shared>>
      tpu.enqueue_indirect_dma source(%dma_start3A_108 : memref<10112x16xf32, #tpu.memory_space<vmem_shared>>) target(%dma_start3A_102 : memref<128x16xf32, #tpu.memory_space<vmem>>) offsets(%dma_start3A_105 : memref<128xi32, #tpu.memory_space<vmem>>) semaphore(%arg20 : memref<!tpu.dma_semaphore, #tpu.memory_space<semaphore_mem>>)
      %dma_start3A_109 = arith.constant 1 : i32
      %dma_start3A_110 = arith.constant 0 : i32
      %dma_start3A_111 = arith.constant 0 : i32
      %dma_start3A_112 = tpu.memref_slice %arg16[%dma_start3A_109, %dma_start3A_110, %dma_start3A_111] : memref<2x128x16xf32, #tpu.memory_space<vmem>> -> memref<1x128x16xf32, #tpu.memory_space<vmem>>
      %dma_start3A_113 = tpu.memref_squeeze %dma_start3A_112 : memref<1x128x16xf32, #tpu.memory_space<vmem>> -> memref<128x16xf32, #tpu.memory_space<vmem>>
      %dma_start3A_114 = arith.constant 0 : i32
      %dma_start3A_115 = tpu.memref_slice %arg12[%add3A_75, %dma_start3A_114] : memref<40x128xi32, #tpu.memory_space<vmem>> -> memref<1x128xi32, #tpu.memory_space<vmem>>
      %dma_start3A_116 = tpu.memref_squeeze %dma_start3A_115 : memref<1x128xi32, #tpu.memory_space<vmem>> -> memref<128xi32, #tpu.memory_space<vmem>>
      %dma_start3A_117 = arith.constant 0 : i32
      %dma_start3A_118 = arith.constant 0 : i32
      %dma_start3A_119 = tpu.memref_slice %arg9[%dma_start3A_117, %dma_start3A_118] : memref<10112x16xf32, #tpu.memory_space<vmem_shared>> -> memref<10112x16xf32, #tpu.memory_space<vmem_shared>>
      tpu.enqueue_indirect_dma source(%dma_start3A_119 : memref<10112x16xf32, #tpu.memory_space<vmem_shared>>) target(%dma_start3A_113 : memref<128x16xf32, #tpu.memory_space<vmem>>) offsets(%dma_start3A_116 : memref<128xi32, #tpu.memory_space<vmem>>) semaphore(%arg20 : memref<!tpu.dma_semaphore, #tpu.memory_space<semaphore_mem>>)
      %dma_wait3A = arith.constant 0 : i32
      %dma_wait3A_120 = arith.constant 0 : i32
      %dma_wait3A_121 = arith.constant 0 : i32
      %dma_wait3A_122 = tpu.memref_slice %arg13[%dma_wait3A, %dma_wait3A_120, %dma_wait3A_121] : memref<2x128x16xf32, #tpu.memory_space<vmem>> -> memref<1x128x16xf32, #tpu.memory_space<vmem>>
      %dma_wait3A_123 = tpu.memref_squeeze %dma_wait3A_122 : memref<1x128x16xf32, #tpu.memory_space<vmem>> -> memref<128x16xf32, #tpu.memory_space<vmem>>
      %dma_wait3A_124 = arith.constant 0 : i32
      %dma_wait3A_125 = tpu.memref_slice %arg11[%mul3A_73, %dma_wait3A_124] : memref<40x128xi32, #tpu.memory_space<vmem>> -> memref<1x128xi32, #tpu.memory_space<vmem>>
      %dma_wait3A_126 = tpu.memref_squeeze %dma_wait3A_125 : memref<1x128xi32, #tpu.memory_space<vmem>> -> memref<128xi32, #tpu.memory_space<vmem>>
      %dma_wait3A_127 = arith.constant 0 : i32
      %dma_wait3A_128 = arith.constant 0 : i32
      %dma_wait3A_129 = tpu.memref_slice %arg8[%dma_wait3A_127, %dma_wait3A_128] : memref<10112x16xf32, #tpu.memory_space<vmem_shared>> -> memref<10112x16xf32, #tpu.memory_space<vmem_shared>>
      tpu.wait_indirect_dma semaphore(%arg19 : memref<!tpu.dma_semaphore, #tpu.memory_space<semaphore_mem>>) src(%dma_wait3A_129 : memref<10112x16xf32, #tpu.memory_space<vmem_shared>>) dst(%dma_wait3A_123 : memref<128x16xf32, #tpu.memory_space<vmem>>)
      %dma_wait3A_130 = arith.constant 0 : i32
      %dma_wait3A_131 = arith.constant 0 : i32
      %dma_wait3A_132 = arith.constant 0 : i32
      %dma_wait3A_133 = tpu.memref_slice %arg14[%dma_wait3A_130, %dma_wait3A_131, %dma_wait3A_132] : memref<2x128x16xf32, #tpu.memory_space<vmem>> -> memref<1x128x16xf32, #tpu.memory_space<vmem>>
      %dma_wait3A_134 = tpu.memref_squeeze %dma_wait3A_133 : memref<1x128x16xf32, #tpu.memory_space<vmem>> -> memref<128x16xf32, #tpu.memory_space<vmem>>
      %dma_wait3A_135 = arith.constant 0 : i32
      %dma_wait3A_136 = tpu.memref_slice %arg12[%mul3A_73, %dma_wait3A_135] : memref<40x128xi32, #tpu.memory_space<vmem>> -> memref<1x128xi32, #tpu.memory_space<vmem>>
      %dma_wait3A_137 = tpu.memref_squeeze %dma_wait3A_136 : memref<1x128xi32, #tpu.memory_space<vmem>> -> memref<128xi32, #tpu.memory_space<vmem>>
      %dma_wait3A_138 = arith.constant 0 : i32
      %dma_wait3A_139 = arith.constant 0 : i32
      %dma_wait3A_140 = tpu.memref_slice %arg8[%dma_wait3A_138, %dma_wait3A_139] : memref<10112x16xf32, #tpu.memory_space<vmem_shared>> -> memref<10112x16xf32, #tpu.memory_space<vmem_shared>>
      tpu.wait_indirect_dma semaphore(%arg19 : memref<!tpu.dma_semaphore, #tpu.memory_space<semaphore_mem>>) src(%dma_wait3A_140 : memref<10112x16xf32, #tpu.memory_space<vmem_shared>>) dst(%dma_wait3A_134 : memref<128x16xf32, #tpu.memory_space<vmem>>)
      %dma_wait3A_141 = arith.constant 0 : i32
      %dma_wait3A_142 = arith.constant 0 : i32
      %dma_wait3A_143 = arith.constant 0 : i32
      %dma_wait3A_144 = tpu.memref_slice %arg15[%dma_wait3A_141, %dma_wait3A_142, %dma_wait3A_143] : memref<2x128x16xf32, #tpu.memory_space<vmem>> -> memref<1x128x16xf32, #tpu.memory_space<vmem>>
      %dma_wait3A_145 = tpu.memref_squeeze %dma_wait3A_144 : memref<1x128x16xf32, #tpu.memory_space<vmem>> -> memref<128x16xf32, #tpu.memory_space<vmem>>
      %dma_wait3A_146 = arith.constant 0 : i32
      %dma_wait3A_147 = tpu.memref_slice %arg11[%mul3A_73, %dma_wait3A_146] : memref<40x128xi32, #tpu.memory_space<vmem>> -> memref<1x128xi32, #tpu.memory_space<vmem>>
      %dma_wait3A_148 = tpu.memref_squeeze %dma_wait3A_147 : memref<1x128xi32, #tpu.memory_space<vmem>> -> memref<128xi32, #tpu.memory_space<vmem>>
      %dma_wait3A_149 = arith.constant 0 : i32
      %dma_wait3A_150 = arith.constant 0 : i32
      %dma_wait3A_151 = tpu.memref_slice %arg9[%dma_wait3A_149, %dma_wait3A_150] : memref<10112x16xf32, #tpu.memory_space<vmem_shared>> -> memref<10112x16xf32, #tpu.memory_space<vmem_shared>>
      tpu.wait_indirect_dma semaphore(%arg19 : memref<!tpu.dma_semaphore, #tpu.memory_space<semaphore_mem>>) src(%dma_wait3A_151 : memref<10112x16xf32, #tpu.memory_space<vmem_shared>>) dst(%dma_wait3A_145 : memref<128x16xf32, #tpu.memory_space<vmem>>)
      %dma_wait3A_152 = arith.constant 0 : i32
      %dma_wait3A_153 = arith.constant 0 : i32
      %dma_wait3A_154 = arith.constant 0 : i32
      %dma_wait3A_155 = tpu.memref_slice %arg16[%dma_wait3A_152, %dma_wait3A_153, %dma_wait3A_154] : memref<2x128x16xf32, #tpu.memory_space<vmem>> -> memref<1x128x16xf32, #tpu.memory_space<vmem>>
      %dma_wait3A_156 = tpu.memref_squeeze %dma_wait3A_155 : memref<1x128x16xf32, #tpu.memory_space<vmem>> -> memref<128x16xf32, #tpu.memory_space<vmem>>
      %dma_wait3A_157 = arith.constant 0 : i32
      %dma_wait3A_158 = tpu.memref_slice %arg12[%mul3A_73, %dma_wait3A_157] : memref<40x128xi32, #tpu.memory_space<vmem>> -> memref<1x128xi32, #tpu.memory_space<vmem>>
      %dma_wait3A_159 = tpu.memref_squeeze %dma_wait3A_158 : memref<1x128xi32, #tpu.memory_space<vmem>> -> memref<128xi32, #tpu.memory_space<vmem>>
      %dma_wait3A_160 = arith.constant 0 : i32
      %dma_wait3A_161 = arith.constant 0 : i32
      %dma_wait3A_162 = tpu.memref_slice %arg9[%dma_wait3A_160, %dma_wait3A_161] : memref<10112x16xf32, #tpu.memory_space<vmem_shared>> -> memref<10112x16xf32, #tpu.memory_space<vmem_shared>>
      tpu.wait_indirect_dma semaphore(%arg19 : memref<!tpu.dma_semaphore, #tpu.memory_space<semaphore_mem>>) src(%dma_wait3A_162 : memref<10112x16xf32, #tpu.memory_space<vmem_shared>>) dst(%dma_wait3A_156 : memref<128x16xf32, #tpu.memory_space<vmem>>)
      %parallel_loop3A = arith.constant 0 : i32
      %parallel_loop3A_163 = arith.constant 128 : i32
      %parallel_loop3A_164 = arith.constant 1 : i32
      scf.for %parallel_loop3A_220 = %parallel_loop3A to %parallel_loop3A_163 step %parallel_loop3A_164  : i32 {
        %parallel_loop3A_221 = arith.constant 0 : i32
        %parallel_loop3A_222 = arith.index_cast %parallel_loop3A_221 : i32 to index
        %parallel_loop3A_223 = arith.index_cast %parallel_loop3A_220 : i32 to index
        %parallel_loop3A_224 = arith.constant 0 : index
        %parallel_loop3A_225 = tpu.vector_load %arg13[%parallel_loop3A_222, %parallel_loop3A_223, %parallel_loop3A_224] {strides = array<i32>} : memref<2x128x16xf32, #tpu.memory_space<vmem>>, vector<16xf32>,
        %parallel_loop3A_226 = arith.constant 0 : i32
        %parallel_loop3A_227 = arith.index_cast %parallel_loop3A_226 : i32 to index
        %parallel_loop3A_228 = arith.index_cast %parallel_loop3A_220 : i32 to index
        %parallel_loop3A_229 = arith.constant 0 : index
        %parallel_loop3A_230 = tpu.vector_load %arg14[%parallel_loop3A_227, %parallel_loop3A_228, %parallel_loop3A_229] {strides = array<i32>} : memref<2x128x16xf32, #tpu.memory_space<vmem>>, vector<16xf32>,
        %parallel_loop3A_231 = arith.subf %parallel_loop3A_225, %parallel_loop3A_230 : vector<16xf32>
        %parallel_loop3A_232 = arith.mulf %parallel_loop3A_231, %parallel_loop3A_231 : vector<16xf32>
        %parallel_loop3A_233 = vector.shape_cast %xor3A_8 : vector<16xi32> to vector<16x1xi32>
        %parallel_loop3A_234 = vector.shape_cast %parallel_loop3A_233 : vector<16x1xi32> to vector<16xi32>
        %parallel_loop3A_235 = tpu.dynamic_gather %parallel_loop3A_232[%parallel_loop3A_234] in [0] : vector<16xf32>, vector<16xi32> -> vector<16xf32>
        %parallel_loop3A_236 = arith.addf %parallel_loop3A_232, %parallel_loop3A_235 : vector<16xf32>
        %parallel_loop3A_237 = vector.shape_cast %xor3A_11 : vector<16xi32> to vector<16x1xi32>
        %parallel_loop3A_238 = vector.shape_cast %parallel_loop3A_237 : vector<16x1xi32> to vector<16xi32>
        %parallel_loop3A_239 = tpu.dynamic_gather %parallel_loop3A_236[%parallel_loop3A_238] in [0] : vector<16xf32>, vector<16xi32> -> vector<16xf32>
        %parallel_loop3A_240 = arith.addf %parallel_loop3A_236, %parallel_loop3A_239 : vector<16xf32>
        %parallel_loop3A_241 = vector.shape_cast %xor3A_14 : vector<16xi32> to vector<16x1xi32>
        %parallel_loop3A_242 = vector.shape_cast %parallel_loop3A_241 : vector<16x1xi32> to vector<16xi32>
        %parallel_loop3A_243 = tpu.dynamic_gather %parallel_loop3A_240[%parallel_loop3A_242] in [0] : vector<16xf32>, vector<16xi32> -> vector<16xf32>
        %parallel_loop3A_244 = arith.addf %parallel_loop3A_240, %parallel_loop3A_243 : vector<16xf32>
        %parallel_loop3A_245 = vector.shape_cast %xor3A_17 : vector<16xi32> to vector<16x1xi32>
        %parallel_loop3A_246 = vector.shape_cast %parallel_loop3A_245 : vector<16x1xi32> to vector<16xi32>
        %parallel_loop3A_247 = tpu.dynamic_gather %parallel_loop3A_244[%parallel_loop3A_246] in [0] : vector<16xf32>, vector<16xi32> -> vector<16xf32>
        %parallel_loop3A_248 = arith.addf %parallel_loop3A_244, %parallel_loop3A_247 : vector<16xf32>
        %parallel_loop3A_249 = arith.constant 0 : i32
        %parallel_loop3A_250 = arith.index_cast %parallel_loop3A_249 : i32 to index
        %parallel_loop3A_251 = arith.index_cast %parallel_loop3A_220 : i32 to index
        %parallel_loop3A_252 = arith.constant 0 : index
        %parallel_loop3A_253 = tpu.vector_load %arg15[%parallel_loop3A_250, %parallel_loop3A_251, %parallel_loop3A_252] {strides = array<i32>} : memref<2x128x16xf32, #tpu.memory_space<vmem>>, vector<16xf32>,
        %parallel_loop3A_254 = arith.constant 0 : i32
        %parallel_loop3A_255 = arith.index_cast %parallel_loop3A_254 : i32 to index
        %parallel_loop3A_256 = arith.index_cast %parallel_loop3A_220 : i32 to index
        %parallel_loop3A_257 = arith.constant 0 : index
        %parallel_loop3A_258 = tpu.vector_load %arg16[%parallel_loop3A_255, %parallel_loop3A_256, %parallel_loop3A_257] {strides = array<i32>} : memref<2x128x16xf32, #tpu.memory_space<vmem>>, vector<16xf32>,
        %parallel_loop3A_259 = arith.mulf %parallel_loop3A_253, %parallel_loop3A_258 : vector<16xf32>
        %parallel_loop3A_260 = vector.shape_cast %xor3A_8 : vector<16xi32> to vector<16x1xi32>
        %parallel_loop3A_261 = vector.shape_cast %parallel_loop3A_260 : vector<16x1xi32> to vector<16xi32>
        %parallel_loop3A_262 = tpu.dynamic_gather %parallel_loop3A_259[%parallel_loop3A_261] in [0] : vector<16xf32>, vector<16xi32> -> vector<16xf32>
        %parallel_loop3A_263 = arith.addf %parallel_loop3A_259, %parallel_loop3A_262 : vector<16xf32>
        %parallel_loop3A_264 = vector.shape_cast %xor3A_11 : vector<16xi32> to vector<16x1xi32>
        %parallel_loop3A_265 = vector.shape_cast %parallel_loop3A_264 : vector<16x1xi32> to vector<16xi32>
        %parallel_loop3A_266 = tpu.dynamic_gather %parallel_loop3A_263[%parallel_loop3A_265] in [0] : vector<16xf32>, vector<16xi32> -> vector<16xf32>
        %parallel_loop3A_267 = arith.addf %parallel_loop3A_263, %parallel_loop3A_266 : vector<16xf32>
        %parallel_loop3A_268 = vector.shape_cast %xor3A_14 : vector<16xi32> to vector<16x1xi32>
        %parallel_loop3A_269 = vector.shape_cast %parallel_loop3A_268 : vector<16x1xi32> to vector<16xi32>
        %parallel_loop3A_270 = tpu.dynamic_gather %parallel_loop3A_267[%parallel_loop3A_269] in [0] : vector<16xf32>, vector<16xi32> -> vector<16xf32>
        %parallel_loop3A_271 = arith.addf %parallel_loop3A_267, %parallel_loop3A_270 : vector<16xf32>
        %parallel_loop3A_272 = vector.shape_cast %xor3A_17 : vector<16xi32> to vector<16x1xi32>
        %parallel_loop3A_273 = vector.shape_cast %parallel_loop3A_272 : vector<16x1xi32> to vector<16xi32>
        %parallel_loop3A_274 = tpu.dynamic_gather %parallel_loop3A_271[%parallel_loop3A_273] in [0] : vector<16xf32>, vector<16xi32> -> vector<16xf32>
        %parallel_loop3A_275 = arith.addf %parallel_loop3A_271, %parallel_loop3A_274 : vector<16xf32>
        %parallel_loop3A_276 = arith.constant 1597463007 : i32
        %parallel_loop3A_277 = vector.broadcast %parallel_loop3A_276 : i32 to vector<16xi32>
        %parallel_loop3A_278 = tpu.bitcast %parallel_loop3A_248 : vector<16xf32> -> vector<16xi32>
        %parallel_loop3A_279 = arith.constant 1 : i32
        %parallel_loop3A_280 = vector.broadcast %parallel_loop3A_279 : i32 to vector<16xi32>
        %parallel_loop3A_281 = arith.shrui %parallel_loop3A_278, %parallel_loop3A_280 : vector<16xi32>
        %parallel_loop3A_282 = arith.subi %parallel_loop3A_277, %parallel_loop3A_281 : vector<16xi32>
        %parallel_loop3A_283 = tpu.bitcast %parallel_loop3A_282 : vector<16xi32> -> vector<16xf32>
        %parallel_loop3A_284 = arith.constant 5.000000e-01 : f32
        %parallel_loop3A_285 = vector.broadcast %parallel_loop3A_284 : f32 to vector<16xf32>
        %parallel_loop3A_286 = arith.mulf %parallel_loop3A_285, %parallel_loop3A_248 : vector<16xf32>
        %parallel_loop3A_287 = arith.mulf %parallel_loop3A_286, %parallel_loop3A_283 : vector<16xf32>
        %parallel_loop3A_288 = arith.mulf %parallel_loop3A_287, %parallel_loop3A_283 : vector<16xf32>
        %parallel_loop3A_289 = arith.constant 1.500000e+00 : f32
        %parallel_loop3A_290 = vector.broadcast %parallel_loop3A_289 : f32 to vector<16xf32>
        %parallel_loop3A_291 = arith.subf %parallel_loop3A_290, %parallel_loop3A_288 : vector<16xf32>
        %parallel_loop3A_292 = arith.mulf %parallel_loop3A_283, %parallel_loop3A_291 : vector<16xf32>
        %parallel_loop3A_293 = arith.mulf %parallel_loop3A_286, %parallel_loop3A_292 : vector<16xf32>
        %parallel_loop3A_294 = arith.mulf %parallel_loop3A_293, %parallel_loop3A_292 : vector<16xf32>
        %parallel_loop3A_295 = arith.constant 1.500000e+00 : f32
        %parallel_loop3A_296 = vector.broadcast %parallel_loop3A_295 : f32 to vector<16xf32>
        %parallel_loop3A_297 = arith.subf %parallel_loop3A_296, %parallel_loop3A_294 : vector<16xf32>
        %parallel_loop3A_298 = arith.mulf %parallel_loop3A_292, %parallel_loop3A_297 : vector<16xf32>
        %parallel_loop3A_299 = arith.mulf %parallel_loop3A_275, %parallel_loop3A_298 : vector<16xf32>
        %parallel_loop3A_300 = arith.mulf %parallel_loop3A_299, %parallel_loop3A_298 : vector<16xf32>
        %parallel_loop3A_301 = arith.mulf %parallel_loop3A_300, %parallel_loop3A_298 : vector<16xf32>
        %parallel_loop3A_302 = arith.mulf %parallel_loop3A_301, %parallel_loop3A_231 : vector<16xf32>
        %parallel_loop3A_303 = arith.index_cast %parallel_loop3A_220 : i32 to index
        %parallel_loop3A_304 = arith.constant 0 : index
        %parallel_loop3A_305 = tpu.vector_load %arg17[%parallel_loop3A_303, %parallel_loop3A_304] {strides = array<i32>} : memref<128x16xf32, #tpu.memory_space<vmem>>, vector<16xf32>,
        tpu.vector_store %arg17[%parallel_loop3A_303, %parallel_loop3A_304], %parallel_loop3A_302 {strides = array<i32>} : memref<128x16xf32, #tpu.memory_space<vmem>>, vector<16xf32>,
        %parallel_loop3A_306 = arith.constant 0.000000e+00 : f32
        %parallel_loop3A_307 = vector.broadcast %parallel_loop3A_306 : f32 to vector<16xf32>
        %parallel_loop3A_308 = arith.subf %parallel_loop3A_307, %parallel_loop3A_302 : vector<16xf32>
        %parallel_loop3A_309 = arith.index_cast %parallel_loop3A_220 : i32 to index
        %parallel_loop3A_310 = arith.constant 0 : index
        %parallel_loop3A_311 = tpu.vector_load %arg18[%parallel_loop3A_309, %parallel_loop3A_310] {strides = array<i32>} : memref<128x16xf32, #tpu.memory_space<vmem>>, vector<16xf32>,
        tpu.vector_store %arg18[%parallel_loop3A_309, %parallel_loop3A_310], %parallel_loop3A_308 {strides = array<i32>} : memref<128x16xf32, #tpu.memory_space<vmem>>, vector<16xf32>,
      } {sc.loop_unroll_factor = 8 : i64, sc.parallel_access}
      "tpu.region"() ({
        %run_scoped3A = tpu.sem_alloc : memref<!tpu.dma_semaphore, #tpu.memory_space<semaphore_mem>>
        %dma_start3A_220 = arith.constant 0 : i32
        %dma_start3A_221 = tpu.memref_slice %arg12[%mul3A_73, %dma_start3A_220] : memref<40x128xi32, #tpu.memory_space<vmem>> -> memref<1x128xi32, #tpu.memory_space<vmem>>
        %dma_start3A_222 = tpu.memref_squeeze %dma_start3A_221 : memref<1x128xi32, #tpu.memory_space<vmem>> -> memref<128xi32, #tpu.memory_space<vmem>>
        %dma_start3A_223 = arith.constant 0 : i32
        %dma_start3A_224 = arith.constant 0 : i32
        %dma_start3A_225 = tpu.memref_slice %arg10[%dma_start3A_223, %dma_start3A_224] : memref<10112x16xf32, #tpu.memory_space<vmem_shared>> -> memref<10112x16xf32, #tpu.memory_space<vmem_shared>>
        tpu.enqueue_indirect_dma source(%arg17 : memref<128x16xf32, #tpu.memory_space<vmem>>) target(%dma_start3A_225 : memref<10112x16xf32, #tpu.memory_space<vmem_shared>>) offsets(%dma_start3A_222 : memref<128xi32, #tpu.memory_space<vmem>>) semaphore(%run_scoped3A : memref<!tpu.dma_semaphore, #tpu.memory_space<semaphore_mem>>) {add = true}
        %dma_wait3A_226 = arith.constant 0 : i32
        %dma_wait3A_227 = tpu.memref_slice %arg12[%mul3A_73, %dma_wait3A_226] : memref<40x128xi32, #tpu.memory_space<vmem>> -> memref<1x128xi32, #tpu.memory_space<vmem>>
        %dma_wait3A_228 = tpu.memref_squeeze %dma_wait3A_227 : memref<1x128xi32, #tpu.memory_space<vmem>> -> memref<128xi32, #tpu.memory_space<vmem>>
        %dma_wait3A_229 = arith.constant 0 : i32
        %dma_wait3A_230 = arith.constant 0 : i32
        %dma_wait3A_231 = tpu.memref_slice %arg10[%dma_wait3A_229, %dma_wait3A_230] : memref<10112x16xf32, #tpu.memory_space<vmem_shared>> -> memref<10112x16xf32, #tpu.memory_space<vmem_shared>>
        tpu.wait_indirect_dma semaphore(%run_scoped3A : memref<!tpu.dma_semaphore, #tpu.memory_space<semaphore_mem>>) src(%arg17 : memref<128x16xf32, #tpu.memory_space<vmem>>) dst(%dma_wait3A_231 : memref<10112x16xf32, #tpu.memory_space<vmem_shared>>)
        tpu.yield
      }) : () -> ()
      "tpu.region"() ({
        %run_scoped3A = tpu.sem_alloc : memref<!tpu.dma_semaphore, #tpu.memory_space<semaphore_mem>>
        %dma_start3A_220 = arith.constant 0 : i32
        %dma_start3A_221 = tpu.memref_slice %arg11[%mul3A_73, %dma_start3A_220] : memref<40x128xi32, #tpu.memory_space<vmem>> -> memref<1x128xi32, #tpu.memory_space<vmem>>
        %dma_start3A_222 = tpu.memref_squeeze %dma_start3A_221 : memref<1x128xi32, #tpu.memory_space<vmem>> -> memref<128xi32, #tpu.memory_space<vmem>>
        %dma_start3A_223 = arith.constant 0 : i32
        %dma_start3A_224 = arith.constant 0 : i32
        %dma_start3A_225 = tpu.memref_slice %arg10[%dma_start3A_223, %dma_start3A_224] : memref<10112x16xf32, #tpu.memory_space<vmem_shared>> -> memref<10112x16xf32, #tpu.memory_space<vmem_shared>>
        tpu.enqueue_indirect_dma source(%arg18 : memref<128x16xf32, #tpu.memory_space<vmem>>) target(%dma_start3A_225 : memref<10112x16xf32, #tpu.memory_space<vmem_shared>>) offsets(%dma_start3A_222 : memref<128xi32, #tpu.memory_space<vmem>>) semaphore(%run_scoped3A : memref<!tpu.dma_semaphore, #tpu.memory_space<semaphore_mem>>) {add = true}
        %dma_wait3A_226 = arith.constant 0 : i32
        %dma_wait3A_227 = tpu.memref_slice %arg11[%mul3A_73, %dma_wait3A_226] : memref<40x128xi32, #tpu.memory_space<vmem>> -> memref<1x128xi32, #tpu.memory_space<vmem>>
        %dma_wait3A_228 = tpu.memref_squeeze %dma_wait3A_227 : memref<1x128xi32, #tpu.memory_space<vmem>> -> memref<128xi32, #tpu.memory_space<vmem>>
        %dma_wait3A_229 = arith.constant 0 : i32
        %dma_wait3A_230 = arith.constant 0 : i32
        %dma_wait3A_231 = tpu.memref_slice %arg10[%dma_wait3A_229, %dma_wait3A_230] : memref<10112x16xf32, #tpu.memory_space<vmem_shared>> -> memref<10112x16xf32, #tpu.memory_space<vmem_shared>>
        tpu.wait_indirect_dma semaphore(%run_scoped3A : memref<!tpu.dma_semaphore, #tpu.memory_space<semaphore_mem>>) src(%arg18 : memref<128x16xf32, #tpu.memory_space<vmem>>) dst(%dma_wait3A_231 : memref<10112x16xf32, #tpu.memory_space<vmem_shared>>)
        tpu.yield
      }) : () -> ()
      %add3A_165 = arith.constant 2 : i32
      %add3A_166 = arith.addi %mul3A_73, %add3A_165 : i32
      %lt3A = arith.constant 40 : i32
      %lt3A_167 = arith.cmpi slt, %add3A_166, %lt3A : i32
      %convert_element_type3A = arith.extui %lt3A_167 : i1 to i32
      %cond3A = arith.constant 0 : i32
      %cond3A_168 = arith.cmpi ne, %convert_element_type3A, %cond3A : i32
      scf.if %cond3A_168 {
        %add3A_220 = arith.constant 2 : i32
        %add3A_221 = arith.addi %mul3A_73, %add3A_220 : i32
        %dma_start3A_222 = arith.constant 0 : i32
        %dma_start3A_223 = arith.constant 0 : i32
        %dma_start3A_224 = arith.constant 0 : i32
        %dma_start3A_225 = tpu.memref_slice %arg13[%dma_start3A_222, %dma_start3A_223, %dma_start3A_224] : memref<2x128x16xf32, #tpu.memory_space<vmem>> -> memref<1x128x16xf32, #tpu.memory_space<vmem>>
        %dma_start3A_226 = tpu.memref_squeeze %dma_start3A_225 : memref<1x128x16xf32, #tpu.memory_space<vmem>> -> memref<128x16xf32, #tpu.memory_space<vmem>>
        %dma_start3A_227 = arith.constant 0 : i32
        %dma_start3A_228 = tpu.memref_slice %arg11[%add3A_221, %dma_start3A_227] : memref<40x128xi32, #tpu.memory_space<vmem>> -> memref<1x128xi32, #tpu.memory_space<vmem>>
        %dma_start3A_229 = tpu.memref_squeeze %dma_start3A_228 : memref<1x128xi32, #tpu.memory_space<vmem>> -> memref<128xi32, #tpu.memory_space<vmem>>
        %dma_start3A_230 = arith.constant 0 : i32
        %dma_start3A_231 = arith.constant 0 : i32
        %dma_start3A_232 = tpu.memref_slice %arg8[%dma_start3A_230, %dma_start3A_231] : memref<10112x16xf32, #tpu.memory_space<vmem_shared>> -> memref<10112x16xf32, #tpu.memory_space<vmem_shared>>
        tpu.enqueue_indirect_dma source(%dma_start3A_232 : memref<10112x16xf32, #tpu.memory_space<vmem_shared>>) target(%dma_start3A_226 : memref<128x16xf32, #tpu.memory_space<vmem>>) offsets(%dma_start3A_229 : memref<128xi32, #tpu.memory_space<vmem>>) semaphore(%arg19 : memref<!tpu.dma_semaphore, #tpu.memory_space<semaphore_mem>>)
        %dma_start3A_233 = arith.constant 0 : i32
        %dma_start3A_234 = arith.constant 0 : i32
        %dma_start3A_235 = arith.constant 0 : i32
        %dma_start3A_236 = tpu.memref_slice %arg14[%dma_start3A_233, %dma_start3A_234, %dma_start3A_235] : memref<2x128x16xf32, #tpu.memory_space<vmem>> -> memref<1x128x16xf32, #tpu.memory_space<vmem>>
        %dma_start3A_237 = tpu.memref_squeeze %dma_start3A_236 : memref<1x128x16xf32, #tpu.memory_space<vmem>> -> memref<128x16xf32, #tpu.memory_space<vmem>>
        %dma_start3A_238 = arith.constant 0 : i32
        %dma_start3A_239 = tpu.memref_slice %arg12[%add3A_221, %dma_start3A_238] : memref<40x128xi32, #tpu.memory_space<vmem>> -> memref<1x128xi32, #tpu.memory_space<vmem>>
        %dma_start3A_240 = tpu.memref_squeeze %dma_start3A_239 : memref<1x128xi32, #tpu.memory_space<vmem>> -> memref<128xi32, #tpu.memory_space<vmem>>
        %dma_start3A_241 = arith.constant 0 : i32
        %dma_start3A_242 = arith.constant 0 : i32
        %dma_start3A_243 = tpu.memref_slice %arg8[%dma_start3A_241, %dma_start3A_242] : memref<10112x16xf32, #tpu.memory_space<vmem_shared>> -> memref<10112x16xf32, #tpu.memory_space<vmem_shared>>
        tpu.enqueue_indirect_dma source(%dma_start3A_243 : memref<10112x16xf32, #tpu.memory_space<vmem_shared>>) target(%dma_start3A_237 : memref<128x16xf32, #tpu.memory_space<vmem>>) offsets(%dma_start3A_240 : memref<128xi32, #tpu.memory_space<vmem>>) semaphore(%arg19 : memref<!tpu.dma_semaphore, #tpu.memory_space<semaphore_mem>>)
        %dma_start3A_244 = arith.constant 0 : i32
        %dma_start3A_245 = arith.constant 0 : i32
        %dma_start3A_246 = arith.constant 0 : i32
        %dma_start3A_247 = tpu.memref_slice %arg15[%dma_start3A_244, %dma_start3A_245, %dma_start3A_246] : memref<2x128x16xf32, #tpu.memory_space<vmem>> -> memref<1x128x16xf32, #tpu.memory_space<vmem>>
        %dma_start3A_248 = tpu.memref_squeeze %dma_start3A_247 : memref<1x128x16xf32, #tpu.memory_space<vmem>> -> memref<128x16xf32, #tpu.memory_space<vmem>>
        %dma_start3A_249 = arith.constant 0 : i32
        %dma_start3A_250 = tpu.memref_slice %arg11[%add3A_221, %dma_start3A_249] : memref<40x128xi32, #tpu.memory_space<vmem>> -> memref<1x128xi32, #tpu.memory_space<vmem>>
        %dma_start3A_251 = tpu.memref_squeeze %dma_start3A_250 : memref<1x128xi32, #tpu.memory_space<vmem>> -> memref<128xi32, #tpu.memory_space<vmem>>
        %dma_start3A_252 = arith.constant 0 : i32
        %dma_start3A_253 = arith.constant 0 : i32
        %dma_start3A_254 = tpu.memref_slice %arg9[%dma_start3A_252, %dma_start3A_253] : memref<10112x16xf32, #tpu.memory_space<vmem_shared>> -> memref<10112x16xf32, #tpu.memory_space<vmem_shared>>
        tpu.enqueue_indirect_dma source(%dma_start3A_254 : memref<10112x16xf32, #tpu.memory_space<vmem_shared>>) target(%dma_start3A_248 : memref<128x16xf32, #tpu.memory_space<vmem>>) offsets(%dma_start3A_251 : memref<128xi32, #tpu.memory_space<vmem>>) semaphore(%arg19 : memref<!tpu.dma_semaphore, #tpu.memory_space<semaphore_mem>>)
        %dma_start3A_255 = arith.constant 0 : i32
        %dma_start3A_256 = arith.constant 0 : i32
        %dma_start3A_257 = arith.constant 0 : i32
        %dma_start3A_258 = tpu.memref_slice %arg16[%dma_start3A_255, %dma_start3A_256, %dma_start3A_257] : memref<2x128x16xf32, #tpu.memory_space<vmem>> -> memref<1x128x16xf32, #tpu.memory_space<vmem>>
        %dma_start3A_259 = tpu.memref_squeeze %dma_start3A_258 : memref<1x128x16xf32, #tpu.memory_space<vmem>> -> memref<128x16xf32, #tpu.memory_space<vmem>>
        %dma_start3A_260 = arith.constant 0 : i32
        %dma_start3A_261 = tpu.memref_slice %arg12[%add3A_221, %dma_start3A_260] : memref<40x128xi32, #tpu.memory_space<vmem>> -> memref<1x128xi32, #tpu.memory_space<vmem>>
        %dma_start3A_262 = tpu.memref_squeeze %dma_start3A_261 : memref<1x128xi32, #tpu.memory_space<vmem>> -> memref<128xi32, #tpu.memory_space<vmem>>
        %dma_start3A_263 = arith.constant 0 : i32
        %dma_start3A_264 = arith.constant 0 : i32
        %dma_start3A_265 = tpu.memref_slice %arg9[%dma_start3A_263, %dma_start3A_264] : memref<10112x16xf32, #tpu.memory_space<vmem_shared>> -> memref<10112x16xf32, #tpu.memory_space<vmem_shared>>
        tpu.enqueue_indirect_dma source(%dma_start3A_265 : memref<10112x16xf32, #tpu.memory_space<vmem_shared>>) target(%dma_start3A_259 : memref<128x16xf32, #tpu.memory_space<vmem>>) offsets(%dma_start3A_262 : memref<128xi32, #tpu.memory_space<vmem>>) semaphore(%arg19 : memref<!tpu.dma_semaphore, #tpu.memory_space<semaphore_mem>>)
      } else {
      }
      %add3A_169 = arith.constant 1 : i32
      %add3A_170 = arith.addi %mul3A_73, %add3A_169 : i32
      %dma_wait3A_171 = arith.constant 1 : i32
      %dma_wait3A_172 = arith.constant 0 : i32
      %dma_wait3A_173 = arith.constant 0 : i32
      %dma_wait3A_174 = tpu.memref_slice %arg13[%dma_wait3A_171, %dma_wait3A_172, %dma_wait3A_173] : memref<2x128x16xf32, #tpu.memory_space<vmem>> -> memref<1x128x16xf32, #tpu.memory_space<vmem>>
      %dma_wait3A_175 = tpu.memref_squeeze %dma_wait3A_174 : memref<1x128x16xf32, #tpu.memory_space<vmem>> -> memref<128x16xf32, #tpu.memory_space<vmem>>
      %dma_wait3A_176 = arith.constant 0 : i32
      %dma_wait3A_177 = tpu.memref_slice %arg11[%add3A_170, %dma_wait3A_176] : memref<40x128xi32, #tpu.memory_space<vmem>> -> memref<1x128xi32, #tpu.memory_space<vmem>>
      %dma_wait3A_178 = tpu.memref_squeeze %dma_wait3A_177 : memref<1x128xi32, #tpu.memory_space<vmem>> -> memref<128xi32, #tpu.memory_space<vmem>>
      %dma_wait3A_179 = arith.constant 0 : i32
      %dma_wait3A_180 = arith.constant 0 : i32
      %dma_wait3A_181 = tpu.memref_slice %arg8[%dma_wait3A_179, %dma_wait3A_180] : memref<10112x16xf32, #tpu.memory_space<vmem_shared>> -> memref<10112x16xf32, #tpu.memory_space<vmem_shared>>
      tpu.wait_indirect_dma semaphore(%arg20 : memref<!tpu.dma_semaphore, #tpu.memory_space<semaphore_mem>>) src(%dma_wait3A_181 : memref<10112x16xf32, #tpu.memory_space<vmem_shared>>) dst(%dma_wait3A_175 : memref<128x16xf32, #tpu.memory_space<vmem>>)
      %dma_wait3A_182 = arith.constant 1 : i32
      %dma_wait3A_183 = arith.constant 0 : i32
      %dma_wait3A_184 = arith.constant 0 : i32
      %dma_wait3A_185 = tpu.memref_slice %arg14[%dma_wait3A_182, %dma_wait3A_183, %dma_wait3A_184] : memref<2x128x16xf32, #tpu.memory_space<vmem>> -> memref<1x128x16xf32, #tpu.memory_space<vmem>>
      %dma_wait3A_186 = tpu.memref_squeeze %dma_wait3A_185 : memref<1x128x16xf32, #tpu.memory_space<vmem>> -> memref<128x16xf32, #tpu.memory_space<vmem>>
      %dma_wait3A_187 = arith.constant 0 : i32
      %dma_wait3A_188 = tpu.memref_slice %arg12[%add3A_170, %dma_wait3A_187] : memref<40x128xi32, #tpu.memory_space<vmem>> -> memref<1x128xi32, #tpu.memory_space<vmem>>
      %dma_wait3A_189 = tpu.memref_squeeze %dma_wait3A_188 : memref<1x128xi32, #tpu.memory_space<vmem>> -> memref<128xi32, #tpu.memory_space<vmem>>
      %dma_wait3A_190 = arith.constant 0 : i32
      %dma_wait3A_191 = arith.constant 0 : i32
      %dma_wait3A_192 = tpu.memref_slice %arg8[%dma_wait3A_190, %dma_wait3A_191] : memref<10112x16xf32, #tpu.memory_space<vmem_shared>> -> memref<10112x16xf32, #tpu.memory_space<vmem_shared>>
      tpu.wait_indirect_dma semaphore(%arg20 : memref<!tpu.dma_semaphore, #tpu.memory_space<semaphore_mem>>) src(%dma_wait3A_192 : memref<10112x16xf32, #tpu.memory_space<vmem_shared>>) dst(%dma_wait3A_186 : memref<128x16xf32, #tpu.memory_space<vmem>>)
      %dma_wait3A_193 = arith.constant 1 : i32
      %dma_wait3A_194 = arith.constant 0 : i32
      %dma_wait3A_195 = arith.constant 0 : i32
      %dma_wait3A_196 = tpu.memref_slice %arg15[%dma_wait3A_193, %dma_wait3A_194, %dma_wait3A_195] : memref<2x128x16xf32, #tpu.memory_space<vmem>> -> memref<1x128x16xf32, #tpu.memory_space<vmem>>
      %dma_wait3A_197 = tpu.memref_squeeze %dma_wait3A_196 : memref<1x128x16xf32, #tpu.memory_space<vmem>> -> memref<128x16xf32, #tpu.memory_space<vmem>>
      %dma_wait3A_198 = arith.constant 0 : i32
      %dma_wait3A_199 = tpu.memref_slice %arg11[%add3A_170, %dma_wait3A_198] : memref<40x128xi32, #tpu.memory_space<vmem>> -> memref<1x128xi32, #tpu.memory_space<vmem>>
      %dma_wait3A_200 = tpu.memref_squeeze %dma_wait3A_199 : memref<1x128xi32, #tpu.memory_space<vmem>> -> memref<128xi32, #tpu.memory_space<vmem>>
      %dma_wait3A_201 = arith.constant 0 : i32
      %dma_wait3A_202 = arith.constant 0 : i32
      %dma_wait3A_203 = tpu.memref_slice %arg9[%dma_wait3A_201, %dma_wait3A_202] : memref<10112x16xf32, #tpu.memory_space<vmem_shared>> -> memref<10112x16xf32, #tpu.memory_space<vmem_shared>>
      tpu.wait_indirect_dma semaphore(%arg20 : memref<!tpu.dma_semaphore, #tpu.memory_space<semaphore_mem>>) src(%dma_wait3A_203 : memref<10112x16xf32, #tpu.memory_space<vmem_shared>>) dst(%dma_wait3A_197 : memref<128x16xf32, #tpu.memory_space<vmem>>)
      %dma_wait3A_204 = arith.constant 1 : i32
      %dma_wait3A_205 = arith.constant 0 : i32
      %dma_wait3A_206 = arith.constant 0 : i32
      %dma_wait3A_207 = tpu.memref_slice %arg16[%dma_wait3A_204, %dma_wait3A_205, %dma_wait3A_206] : memref<2x128x16xf32, #tpu.memory_space<vmem>> -> memref<1x128x16xf32, #tpu.memory_space<vmem>>
      %dma_wait3A_208 = tpu.memref_squeeze %dma_wait3A_207 : memref<1x128x16xf32, #tpu.memory_space<vmem>> -> memref<128x16xf32, #tpu.memory_space<vmem>>
      %dma_wait3A_209 = arith.constant 0 : i32
      %dma_wait3A_210 = tpu.memref_slice %arg12[%add3A_170, %dma_wait3A_209] : memref<40x128xi32, #tpu.memory_space<vmem>> -> memref<1x128xi32, #tpu.memory_space<vmem>>
      %dma_wait3A_211 = tpu.memref_squeeze %dma_wait3A_210 : memref<1x128xi32, #tpu.memory_space<vmem>> -> memref<128xi32, #tpu.memory_space<vmem>>
      %dma_wait3A_212 = arith.constant 0 : i32
      %dma_wait3A_213 = arith.constant 0 : i32
      %dma_wait3A_214 = tpu.memref_slice %arg9[%dma_wait3A_212, %dma_wait3A_213] : memref<10112x16xf32, #tpu.memory_space<vmem_shared>> -> memref<10112x16xf32, #tpu.memory_space<vmem_shared>>
      tpu.wait_indirect_dma semaphore(%arg20 : memref<!tpu.dma_semaphore, #tpu.memory_space<semaphore_mem>>) src(%dma_wait3A_214 : memref<10112x16xf32, #tpu.memory_space<vmem_shared>>) dst(%dma_wait3A_208 : memref<128x16xf32, #tpu.memory_space<vmem>>)
      %add3A_215 = arith.constant 1 : i32
      %add3A_216 = arith.addi %mul3A_73, %add3A_215 : i32
      %parallel_loop3A_217 = arith.constant 0 : i32
      %parallel_loop3A_218 = arith.constant 128 : i32
      %parallel_loop3A_219 = arith.constant 1 : i32
      scf.for %parallel_loop3A_220 = %parallel_loop3A_217 to %parallel_loop3A_218 step %parallel_loop3A_219  : i32 {
        %parallel_loop3A_221 = arith.constant 1 : i32
        %parallel_loop3A_222 = arith.index_cast %parallel_loop3A_221 : i32 to index
        %parallel_loop3A_223 = arith.index_cast %parallel_loop3A_220 : i32 to index
        %parallel_loop3A_224 = arith.constant 0 : index
        %parallel_loop3A_225 = tpu.vector_load %arg13[%parallel_loop3A_222, %parallel_loop3A_223, %parallel_loop3A_224] {strides = array<i32>} : memref<2x128x16xf32, #tpu.memory_space<vmem>>, vector<16xf32>,
        %parallel_loop3A_226 = arith.constant 1 : i32
        %parallel_loop3A_227 = arith.index_cast %parallel_loop3A_226 : i32 to index
        %parallel_loop3A_228 = arith.index_cast %parallel_loop3A_220 : i32 to index
        %parallel_loop3A_229 = arith.constant 0 : index
        %parallel_loop3A_230 = tpu.vector_load %arg14[%parallel_loop3A_227, %parallel_loop3A_228, %parallel_loop3A_229] {strides = array<i32>} : memref<2x128x16xf32, #tpu.memory_space<vmem>>, vector<16xf32>,
        %parallel_loop3A_231 = arith.subf %parallel_loop3A_225, %parallel_loop3A_230 : vector<16xf32>
        %parallel_loop3A_232 = arith.mulf %parallel_loop3A_231, %parallel_loop3A_231 : vector<16xf32>
        %parallel_loop3A_233 = vector.shape_cast %xor3A_8 : vector<16xi32> to vector<16x1xi32>
        %parallel_loop3A_234 = vector.shape_cast %parallel_loop3A_233 : vector<16x1xi32> to vector<16xi32>
        %parallel_loop3A_235 = tpu.dynamic_gather %parallel_loop3A_232[%parallel_loop3A_234] in [0] : vector<16xf32>, vector<16xi32> -> vector<16xf32>
        %parallel_loop3A_236 = arith.addf %parallel_loop3A_232, %parallel_loop3A_235 : vector<16xf32>
        %parallel_loop3A_237 = vector.shape_cast %xor3A_11 : vector<16xi32> to vector<16x1xi32>
        %parallel_loop3A_238 = vector.shape_cast %parallel_loop3A_237 : vector<16x1xi32> to vector<16xi32>
        %parallel_loop3A_239 = tpu.dynamic_gather %parallel_loop3A_236[%parallel_loop3A_238] in [0] : vector<16xf32>, vector<16xi32> -> vector<16xf32>
        %parallel_loop3A_240 = arith.addf %parallel_loop3A_236, %parallel_loop3A_239 : vector<16xf32>
        %parallel_loop3A_241 = vector.shape_cast %xor3A_14 : vector<16xi32> to vector<16x1xi32>
        %parallel_loop3A_242 = vector.shape_cast %parallel_loop3A_241 : vector<16x1xi32> to vector<16xi32>
        %parallel_loop3A_243 = tpu.dynamic_gather %parallel_loop3A_240[%parallel_loop3A_242] in [0] : vector<16xf32>, vector<16xi32> -> vector<16xf32>
        %parallel_loop3A_244 = arith.addf %parallel_loop3A_240, %parallel_loop3A_243 : vector<16xf32>
        %parallel_loop3A_245 = vector.shape_cast %xor3A_17 : vector<16xi32> to vector<16x1xi32>
        %parallel_loop3A_246 = vector.shape_cast %parallel_loop3A_245 : vector<16x1xi32> to vector<16xi32>
        %parallel_loop3A_247 = tpu.dynamic_gather %parallel_loop3A_244[%parallel_loop3A_246] in [0] : vector<16xf32>, vector<16xi32> -> vector<16xf32>
        %parallel_loop3A_248 = arith.addf %parallel_loop3A_244, %parallel_loop3A_247 : vector<16xf32>
        %parallel_loop3A_249 = arith.constant 1 : i32
        %parallel_loop3A_250 = arith.index_cast %parallel_loop3A_249 : i32 to index
        %parallel_loop3A_251 = arith.index_cast %parallel_loop3A_220 : i32 to index
        %parallel_loop3A_252 = arith.constant 0 : index
        %parallel_loop3A_253 = tpu.vector_load %arg15[%parallel_loop3A_250, %parallel_loop3A_251, %parallel_loop3A_252] {strides = array<i32>} : memref<2x128x16xf32, #tpu.memory_space<vmem>>, vector<16xf32>,
        %parallel_loop3A_254 = arith.constant 1 : i32
        %parallel_loop3A_255 = arith.index_cast %parallel_loop3A_254 : i32 to index
        %parallel_loop3A_256 = arith.index_cast %parallel_loop3A_220 : i32 to index
        %parallel_loop3A_257 = arith.constant 0 : index
        %parallel_loop3A_258 = tpu.vector_load %arg16[%parallel_loop3A_255, %parallel_loop3A_256, %parallel_loop3A_257] {strides = array<i32>} : memref<2x128x16xf32, #tpu.memory_space<vmem>>, vector<16xf32>,
        %parallel_loop3A_259 = arith.mulf %parallel_loop3A_253, %parallel_loop3A_258 : vector<16xf32>
        %parallel_loop3A_260 = vector.shape_cast %xor3A_8 : vector<16xi32> to vector<16x1xi32>
        %parallel_loop3A_261 = vector.shape_cast %parallel_loop3A_260 : vector<16x1xi32> to vector<16xi32>
        %parallel_loop3A_262 = tpu.dynamic_gather %parallel_loop3A_259[%parallel_loop3A_261] in [0] : vector<16xf32>, vector<16xi32> -> vector<16xf32>
        %parallel_loop3A_263 = arith.addf %parallel_loop3A_259, %parallel_loop3A_262 : vector<16xf32>
        %parallel_loop3A_264 = vector.shape_cast %xor3A_11 : vector<16xi32> to vector<16x1xi32>
        %parallel_loop3A_265 = vector.shape_cast %parallel_loop3A_264 : vector<16x1xi32> to vector<16xi32>
        %parallel_loop3A_266 = tpu.dynamic_gather %parallel_loop3A_263[%parallel_loop3A_265] in [0] : vector<16xf32>, vector<16xi32> -> vector<16xf32>
        %parallel_loop3A_267 = arith.addf %parallel_loop3A_263, %parallel_loop3A_266 : vector<16xf32>
        %parallel_loop3A_268 = vector.shape_cast %xor3A_14 : vector<16xi32> to vector<16x1xi32>
        %parallel_loop3A_269 = vector.shape_cast %parallel_loop3A_268 : vector<16x1xi32> to vector<16xi32>
        %parallel_loop3A_270 = tpu.dynamic_gather %parallel_loop3A_267[%parallel_loop3A_269] in [0] : vector<16xf32>, vector<16xi32> -> vector<16xf32>
        %parallel_loop3A_271 = arith.addf %parallel_loop3A_267, %parallel_loop3A_270 : vector<16xf32>
        %parallel_loop3A_272 = vector.shape_cast %xor3A_17 : vector<16xi32> to vector<16x1xi32>
        %parallel_loop3A_273 = vector.shape_cast %parallel_loop3A_272 : vector<16x1xi32> to vector<16xi32>
        %parallel_loop3A_274 = tpu.dynamic_gather %parallel_loop3A_271[%parallel_loop3A_273] in [0] : vector<16xf32>, vector<16xi32> -> vector<16xf32>
        %parallel_loop3A_275 = arith.addf %parallel_loop3A_271, %parallel_loop3A_274 : vector<16xf32>
        %parallel_loop3A_276 = arith.constant 1597463007 : i32
        %parallel_loop3A_277 = vector.broadcast %parallel_loop3A_276 : i32 to vector<16xi32>
        %parallel_loop3A_278 = tpu.bitcast %parallel_loop3A_248 : vector<16xf32> -> vector<16xi32>
        %parallel_loop3A_279 = arith.constant 1 : i32
        %parallel_loop3A_280 = vector.broadcast %parallel_loop3A_279 : i32 to vector<16xi32>
        %parallel_loop3A_281 = arith.shrui %parallel_loop3A_278, %parallel_loop3A_280 : vector<16xi32>
        %parallel_loop3A_282 = arith.subi %parallel_loop3A_277, %parallel_loop3A_281 : vector<16xi32>
        %parallel_loop3A_283 = tpu.bitcast %parallel_loop3A_282 : vector<16xi32> -> vector<16xf32>
        %parallel_loop3A_284 = arith.constant 5.000000e-01 : f32
        %parallel_loop3A_285 = vector.broadcast %parallel_loop3A_284 : f32 to vector<16xf32>
        %parallel_loop3A_286 = arith.mulf %parallel_loop3A_285, %parallel_loop3A_248 : vector<16xf32>
        %parallel_loop3A_287 = arith.mulf %parallel_loop3A_286, %parallel_loop3A_283 : vector<16xf32>
        %parallel_loop3A_288 = arith.mulf %parallel_loop3A_287, %parallel_loop3A_283 : vector<16xf32>
        %parallel_loop3A_289 = arith.constant 1.500000e+00 : f32
        %parallel_loop3A_290 = vector.broadcast %parallel_loop3A_289 : f32 to vector<16xf32>
        %parallel_loop3A_291 = arith.subf %parallel_loop3A_290, %parallel_loop3A_288 : vector<16xf32>
        %parallel_loop3A_292 = arith.mulf %parallel_loop3A_283, %parallel_loop3A_291 : vector<16xf32>
        %parallel_loop3A_293 = arith.mulf %parallel_loop3A_286, %parallel_loop3A_292 : vector<16xf32>
        %parallel_loop3A_294 = arith.mulf %parallel_loop3A_293, %parallel_loop3A_292 : vector<16xf32>
        %parallel_loop3A_295 = arith.constant 1.500000e+00 : f32
        %parallel_loop3A_296 = vector.broadcast %parallel_loop3A_295 : f32 to vector<16xf32>
        %parallel_loop3A_297 = arith.subf %parallel_loop3A_296, %parallel_loop3A_294 : vector<16xf32>
        %parallel_loop3A_298 = arith.mulf %parallel_loop3A_292, %parallel_loop3A_297 : vector<16xf32>
        %parallel_loop3A_299 = arith.mulf %parallel_loop3A_275, %parallel_loop3A_298 : vector<16xf32>
        %parallel_loop3A_300 = arith.mulf %parallel_loop3A_299, %parallel_loop3A_298 : vector<16xf32>
        %parallel_loop3A_301 = arith.mulf %parallel_loop3A_300, %parallel_loop3A_298 : vector<16xf32>
        %parallel_loop3A_302 = arith.mulf %parallel_loop3A_301, %parallel_loop3A_231 : vector<16xf32>
        %parallel_loop3A_303 = arith.index_cast %parallel_loop3A_220 : i32 to index
        %parallel_loop3A_304 = arith.constant 0 : index
        %parallel_loop3A_305 = tpu.vector_load %arg17[%parallel_loop3A_303, %parallel_loop3A_304] {strides = array<i32>} : memref<128x16xf32, #tpu.memory_space<vmem>>, vector<16xf32>,
        tpu.vector_store %arg17[%parallel_loop3A_303, %parallel_loop3A_304], %parallel_loop3A_302 {strides = array<i32>} : memref<128x16xf32, #tpu.memory_space<vmem>>, vector<16xf32>,
        %parallel_loop3A_306 = arith.constant 0.000000e+00 : f32
        %parallel_loop3A_307 = vector.broadcast %parallel_loop3A_306 : f32 to vector<16xf32>
        %parallel_loop3A_308 = arith.subf %parallel_loop3A_307, %parallel_loop3A_302 : vector<16xf32>
        %parallel_loop3A_309 = arith.index_cast %parallel_loop3A_220 : i32 to index
        %parallel_loop3A_310 = arith.constant 0 : index
        %parallel_loop3A_311 = tpu.vector_load %arg18[%parallel_loop3A_309, %parallel_loop3A_310] {strides = array<i32>} : memref<128x16xf32, #tpu.memory_space<vmem>>, vector<16xf32>,
        tpu.vector_store %arg18[%parallel_loop3A_309, %parallel_loop3A_310], %parallel_loop3A_308 {strides = array<i32>} : memref<128x16xf32, #tpu.memory_space<vmem>>, vector<16xf32>,
      } {sc.loop_unroll_factor = 8 : i64, sc.parallel_access}
      "tpu.region"() ({
        %run_scoped3A = tpu.sem_alloc : memref<!tpu.dma_semaphore, #tpu.memory_space<semaphore_mem>>
        %dma_start3A_220 = arith.constant 0 : i32
        %dma_start3A_221 = tpu.memref_slice %arg12[%add3A_216, %dma_start3A_220] : memref<40x128xi32, #tpu.memory_space<vmem>> -> memref<1x128xi32, #tpu.memory_space<vmem>>
        %dma_start3A_222 = tpu.memref_squeeze %dma_start3A_221 : memref<1x128xi32, #tpu.memory_space<vmem>> -> memref<128xi32, #tpu.memory_space<vmem>>
        %dma_start3A_223 = arith.constant 0 : i32
        %dma_start3A_224 = arith.constant 0 : i32
        %dma_start3A_225 = tpu.memref_slice %arg10[%dma_start3A_223, %dma_start3A_224] : memref<10112x16xf32, #tpu.memory_space<vmem_shared>> -> memref<10112x16xf32, #tpu.memory_space<vmem_shared>>
        tpu.enqueue_indirect_dma source(%arg17 : memref<128x16xf32, #tpu.memory_space<vmem>>) target(%dma_start3A_225 : memref<10112x16xf32, #tpu.memory_space<vmem_shared>>) offsets(%dma_start3A_222 : memref<128xi32, #tpu.memory_space<vmem>>) semaphore(%run_scoped3A : memref<!tpu.dma_semaphore, #tpu.memory_space<semaphore_mem>>) {add = true}
        %dma_wait3A_226 = arith.constant 0 : i32
        %dma_wait3A_227 = tpu.memref_slice %arg12[%add3A_216, %dma_wait3A_226] : memref<40x128xi32, #tpu.memory_space<vmem>> -> memref<1x128xi32, #tpu.memory_space<vmem>>
        %dma_wait3A_228 = tpu.memref_squeeze %dma_wait3A_227 : memref<1x128xi32, #tpu.memory_space<vmem>> -> memref<128xi32, #tpu.memory_space<vmem>>
        %dma_wait3A_229 = arith.constant 0 : i32
        %dma_wait3A_230 = arith.constant 0 : i32
        %dma_wait3A_231 = tpu.memref_slice %arg10[%dma_wait3A_229, %dma_wait3A_230] : memref<10112x16xf32, #tpu.memory_space<vmem_shared>> -> memref<10112x16xf32, #tpu.memory_space<vmem_shared>>
        tpu.wait_indirect_dma semaphore(%run_scoped3A : memref<!tpu.dma_semaphore, #tpu.memory_space<semaphore_mem>>) src(%arg17 : memref<128x16xf32, #tpu.memory_space<vmem>>) dst(%dma_wait3A_231 : memref<10112x16xf32, #tpu.memory_space<vmem_shared>>)
        tpu.yield
      }) : () -> ()
      "tpu.region"() ({
        %run_scoped3A = tpu.sem_alloc : memref<!tpu.dma_semaphore, #tpu.memory_space<semaphore_mem>>
        %dma_start3A_220 = arith.constant 0 : i32
        %dma_start3A_221 = tpu.memref_slice %arg11[%add3A_216, %dma_start3A_220] : memref<40x128xi32, #tpu.memory_space<vmem>> -> memref<1x128xi32, #tpu.memory_space<vmem>>
        %dma_start3A_222 = tpu.memref_squeeze %dma_start3A_221 : memref<1x128xi32, #tpu.memory_space<vmem>> -> memref<128xi32, #tpu.memory_space<vmem>>
        %dma_start3A_223 = arith.constant 0 : i32
        %dma_start3A_224 = arith.constant 0 : i32
        %dma_start3A_225 = tpu.memref_slice %arg10[%dma_start3A_223, %dma_start3A_224] : memref<10112x16xf32, #tpu.memory_space<vmem_shared>> -> memref<10112x16xf32, #tpu.memory_space<vmem_shared>>
        tpu.enqueue_indirect_dma source(%arg18 : memref<128x16xf32, #tpu.memory_space<vmem>>) target(%dma_start3A_225 : memref<10112x16xf32, #tpu.memory_space<vmem_shared>>) offsets(%dma_start3A_222 : memref<128xi32, #tpu.memory_space<vmem>>) semaphore(%run_scoped3A : memref<!tpu.dma_semaphore, #tpu.memory_space<semaphore_mem>>) {add = true}
        %dma_wait3A_226 = arith.constant 0 : i32
        %dma_wait3A_227 = tpu.memref_slice %arg11[%add3A_216, %dma_wait3A_226] : memref<40x128xi32, #tpu.memory_space<vmem>> -> memref<1x128xi32, #tpu.memory_space<vmem>>
        %dma_wait3A_228 = tpu.memref_squeeze %dma_wait3A_227 : memref<1x128xi32, #tpu.memory_space<vmem>> -> memref<128xi32, #tpu.memory_space<vmem>>
        %dma_wait3A_229 = arith.constant 0 : i32
        %dma_wait3A_230 = arith.constant 0 : i32
        %dma_wait3A_231 = tpu.memref_slice %arg10[%dma_wait3A_229, %dma_wait3A_230] : memref<10112x16xf32, #tpu.memory_space<vmem_shared>> -> memref<10112x16xf32, #tpu.memory_space<vmem_shared>>
        tpu.wait_indirect_dma semaphore(%run_scoped3A : memref<!tpu.dma_semaphore, #tpu.memory_space<semaphore_mem>>) src(%arg18 : memref<128x16xf32, #tpu.memory_space<vmem>>) dst(%dma_wait3A_231 : memref<10112x16xf32, #tpu.memory_space<vmem_shared>>)
        tpu.yield
      }) : () -> ()
    }
    %scan3A_69 = arith.constant 20 : i32
    %barrier3A_70 = arith.constant 0 : index
    tpu.barrier barrier_id(%barrier3A_70)
    "tpu.region"() ({
      %run_scoped3A = tpu.sem_alloc : memref<!tpu.dma_semaphore, #tpu.memory_space<semaphore_mem>>
      %dma_start3A_71 = arith.constant 0 : i32
      %dma_start3A_72 = tpu.memref_slice %arg7[%arg0, %mul3A_2, %dma_start3A_71] : memref<2x10112x16xf32, #tpu.memory_space<hbm>> -> memref<1x632x16xf32, #tpu.memory_space<hbm>>
      %dma_start3A_73 = tpu.memref_squeeze %dma_start3A_72 : memref<1x632x16xf32, #tpu.memory_space<hbm>> -> memref<632x16xf32, #tpu.memory_space<hbm>>
      %dma_start3A_74 = arith.constant 0 : i32
      %dma_start3A_75 = tpu.memref_slice %arg10[%mul3A_2, %dma_start3A_74] : memref<10112x16xf32, #tpu.memory_space<vmem_shared>> -> memref<632x16xf32, #tpu.memory_space<vmem_shared>>
      tpu.enqueue_dma source(%dma_start3A_75 : memref<632x16xf32, #tpu.memory_space<vmem_shared>>) target(%dma_start3A_73 : memref<632x16xf32, #tpu.memory_space<hbm>>) target_semaphore(%run_scoped3A : memref<!tpu.dma_semaphore, #tpu.memory_space<semaphore_mem>>)
      %dma_wait3A = arith.constant 0 : i32
      %dma_wait3A_76 = tpu.memref_slice %arg7[%arg0, %mul3A_2, %dma_wait3A] : memref<2x10112x16xf32, #tpu.memory_space<hbm>> -> memref<1x632x16xf32, #tpu.memory_space<hbm>>
      %dma_wait3A_77 = tpu.memref_squeeze %dma_wait3A_76 : memref<1x632x16xf32, #tpu.memory_space<hbm>> -> memref<632x16xf32, #tpu.memory_space<hbm>>
      %dma_wait3A_78 = arith.constant 0 : i32
      %dma_wait3A_79 = tpu.memref_slice %arg10[%mul3A_2, %dma_wait3A_78] : memref<10112x16xf32, #tpu.memory_space<vmem_shared>> -> memref<632x16xf32, #tpu.memory_space<vmem_shared>>
      tpu.wait_dma2 semaphore(%run_scoped3A : memref<!tpu.dma_semaphore, #tpu.memory_space<semaphore_mem>>) src(%dma_wait3A_79 : memref<632x16xf32, #tpu.memory_space<vmem_shared>>) dst(%dma_wait3A_77 : memref<632x16xf32, #tpu.memory_space<hbm>>)
      tpu.yield
    }) : () -> ()
    return
  }
}

#map = affine_map<(d0, d1) -> (0, 0)>
#map1 = affine_map<(d0, d1) -> (0, 0, 0)>
module attributes {stable_mosaic.version = 14 : i64} {
  func.func @kern(%arg0: i32, %arg1: i32, %arg2: memref<1280x128xi32, #tpu.memory_space<hbm>>, %arg3: memref<1280x128xi32, #tpu.memory_space<hbm>>, %arg4: memref<10112x16xf32, #tpu.memory_space<hbm>>, %arg5: memref<10112x16xf32, #tpu.memory_space<hbm>>, %arg6: memref<2x10112x16xf32, #tpu.memory_space<hbm>>, %arg7: memref<10112x16xf32, #tpu.memory_space<vmem_shared>>, %arg8: memref<10112x16xf32, #tpu.memory_space<vmem_shared>>, %arg9: memref<40x128xi32, #tpu.memory_space<vmem>>, %arg10: memref<40x128xi32, #tpu.memory_space<vmem>>, %arg11: memref<128x16xf32, #tpu.memory_space<vmem>>, %arg12: memref<128x16xf32, #tpu.memory_space<vmem>>, %arg13: memref<!tpu.dma_semaphore, #tpu.memory_space<semaphore_mem>>, %arg14: memref<!tpu.dma_semaphore, #tpu.memory_space<semaphore_mem>>) attributes {dimension_semantics = [#tpu.dimension_semantics<core_parallel>, #tpu.dimension_semantics<subcore_parallel>], iteration_bounds = array<i64: 2, 16>, scalar_prefetch = 0 : i64, scratch_operands = 8 : i64, tpu.core_type = #tpu.core_type<sc_vector_subcore>, window_params = [{transform_indices = #map}, {transform_indices = #map}, {transform_indices = #map}, {transform_indices = #map}, {transform_indices = #map1}]} {
    %mul3A = arith.constant 16 : i32
    %mul3A_0 = arith.muli %arg0, %mul3A : i32
    %add3A = arith.addi %mul3A_0, %arg1 : i32
    %mul3A_1 = arith.constant 632 : i32
    %mul3A_2 = arith.muli %arg1, %mul3A_1 : i32
    "tpu.region"() ({
      %run_scoped3A = tpu.sem_alloc : memref<!tpu.dma_semaphore, #tpu.memory_space<semaphore_mem>>
      %dma_start3A_19 = arith.constant 0 : i32
      %dma_start3A_20 = tpu.memref_slice %arg7[%mul3A_2, %dma_start3A_19] : memref<10112x16xf32, #tpu.memory_space<vmem_shared>> -> memref<632x16xf32, #tpu.memory_space<vmem_shared>>
      %dma_start3A_21 = arith.constant 0 : i32
      %dma_start3A_22 = tpu.memref_slice %arg4[%mul3A_2, %dma_start3A_21] : memref<10112x16xf32, #tpu.memory_space<hbm>> -> memref<632x16xf32, #tpu.memory_space<hbm>>
      tpu.enqueue_dma source(%dma_start3A_22 : memref<632x16xf32, #tpu.memory_space<hbm>>) target(%dma_start3A_20 : memref<632x16xf32, #tpu.memory_space<vmem_shared>>) target_semaphore(%run_scoped3A : memref<!tpu.dma_semaphore, #tpu.memory_space<semaphore_mem>>)
      %dma_wait3A = arith.constant 0 : i32
      %dma_wait3A_23 = tpu.memref_slice %arg7[%mul3A_2, %dma_wait3A] : memref<10112x16xf32, #tpu.memory_space<vmem_shared>> -> memref<632x16xf32, #tpu.memory_space<vmem_shared>>
      %dma_wait3A_24 = arith.constant 0 : i32
      %dma_wait3A_25 = tpu.memref_slice %arg4[%mul3A_2, %dma_wait3A_24] : memref<10112x16xf32, #tpu.memory_space<hbm>> -> memref<632x16xf32, #tpu.memory_space<hbm>>
      tpu.wait_dma2 semaphore(%run_scoped3A : memref<!tpu.dma_semaphore, #tpu.memory_space<semaphore_mem>>) src(%dma_wait3A_25 : memref<632x16xf32, #tpu.memory_space<hbm>>) dst(%dma_wait3A_23 : memref<632x16xf32, #tpu.memory_space<vmem_shared>>)
      tpu.yield
    }) : () -> ()
    "tpu.region"() ({
      %run_scoped3A = tpu.sem_alloc : memref<!tpu.dma_semaphore, #tpu.memory_space<semaphore_mem>>
      %dma_start3A_19 = arith.constant 0 : i32
      %dma_start3A_20 = tpu.memref_slice %arg8[%mul3A_2, %dma_start3A_19] : memref<10112x16xf32, #tpu.memory_space<vmem_shared>> -> memref<632x16xf32, #tpu.memory_space<vmem_shared>>
      %dma_start3A_21 = arith.constant 0 : i32
      %dma_start3A_22 = tpu.memref_slice %arg5[%mul3A_2, %dma_start3A_21] : memref<10112x16xf32, #tpu.memory_space<hbm>> -> memref<632x16xf32, #tpu.memory_space<hbm>>
      tpu.enqueue_dma source(%dma_start3A_22 : memref<632x16xf32, #tpu.memory_space<hbm>>) target(%dma_start3A_20 : memref<632x16xf32, #tpu.memory_space<vmem_shared>>) target_semaphore(%run_scoped3A : memref<!tpu.dma_semaphore, #tpu.memory_space<semaphore_mem>>)
      %dma_wait3A = arith.constant 0 : i32
      %dma_wait3A_23 = tpu.memref_slice %arg8[%mul3A_2, %dma_wait3A] : memref<10112x16xf32, #tpu.memory_space<vmem_shared>> -> memref<632x16xf32, #tpu.memory_space<vmem_shared>>
      %dma_wait3A_24 = arith.constant 0 : i32
      %dma_wait3A_25 = tpu.memref_slice %arg5[%mul3A_2, %dma_wait3A_24] : memref<10112x16xf32, #tpu.memory_space<hbm>> -> memref<632x16xf32, #tpu.memory_space<hbm>>
      tpu.wait_dma2 semaphore(%run_scoped3A : memref<!tpu.dma_semaphore, #tpu.memory_space<semaphore_mem>>) src(%dma_wait3A_25 : memref<632x16xf32, #tpu.memory_space<hbm>>) dst(%dma_wait3A_23 : memref<632x16xf32, #tpu.memory_space<vmem_shared>>)
      tpu.yield
    }) : () -> ()
    %mul3A_3 = arith.constant 40 : i32
    %mul3A_4 = arith.muli %add3A, %mul3A_3 : i32
    "tpu.region"() ({
      %run_scoped3A = tpu.sem_alloc : memref<!tpu.dma_semaphore, #tpu.memory_space<semaphore_mem>>
      %dma_start3A_19 = arith.constant 0 : i32
      %dma_start3A_20 = tpu.memref_slice %arg2[%mul3A_4, %dma_start3A_19] : memref<1280x128xi32, #tpu.memory_space<hbm>> -> memref<40x128xi32, #tpu.memory_space<hbm>>
      %dma_start3A_21 = arith.constant 0 : i32
      %dma_start3A_22 = tpu.memref_slice %arg2[%mul3A_4, %dma_start3A_21] : memref<1280x128xi32, #tpu.memory_space<hbm>> -> memref<40x128xi32, #tpu.memory_space<hbm>>
      tpu.enqueue_dma source(%dma_start3A_22 : memref<40x128xi32, #tpu.memory_space<hbm>>) target(%arg9 : memref<40x128xi32, #tpu.memory_space<vmem>>) target_semaphore(%run_scoped3A : memref<!tpu.dma_semaphore, #tpu.memory_space<semaphore_mem>>)
      %dma_wait3A = arith.constant 0 : i32
      %dma_wait3A_23 = tpu.memref_slice %arg2[%mul3A_4, %dma_wait3A] : memref<1280x128xi32, #tpu.memory_space<hbm>> -> memref<40x128xi32, #tpu.memory_space<hbm>>
      %dma_wait3A_24 = arith.constant 0 : i32
      %dma_wait3A_25 = tpu.memref_slice %arg2[%mul3A_4, %dma_wait3A_24] : memref<1280x128xi32, #tpu.memory_space<hbm>> -> memref<40x128xi32, #tpu.memory_space<hbm>>
      tpu.wait_dma2 semaphore(%run_scoped3A : memref<!tpu.dma_semaphore, #tpu.memory_space<semaphore_mem>>) src(%dma_wait3A_25 : memref<40x128xi32, #tpu.memory_space<hbm>>) dst(%arg9 : memref<40x128xi32, #tpu.memory_space<vmem>>)
      tpu.yield
    }) : () -> ()
    %mul3A_5 = arith.constant 40 : i32
    %mul3A_6 = arith.muli %add3A, %mul3A_5 : i32
    "tpu.region"() ({
      %run_scoped3A = tpu.sem_alloc : memref<!tpu.dma_semaphore, #tpu.memory_space<semaphore_mem>>
      %dma_start3A_19 = arith.constant 0 : i32
      %dma_start3A_20 = tpu.memref_slice %arg3[%mul3A_6, %dma_start3A_19] : memref<1280x128xi32, #tpu.memory_space<hbm>> -> memref<40x128xi32, #tpu.memory_space<hbm>>
      %dma_start3A_21 = arith.constant 0 : i32
      %dma_start3A_22 = tpu.memref_slice %arg3[%mul3A_6, %dma_start3A_21] : memref<1280x128xi32, #tpu.memory_space<hbm>> -> memref<40x128xi32, #tpu.memory_space<hbm>>
      tpu.enqueue_dma source(%dma_start3A_22 : memref<40x128xi32, #tpu.memory_space<hbm>>) target(%arg10 : memref<40x128xi32, #tpu.memory_space<vmem>>) target_semaphore(%run_scoped3A : memref<!tpu.dma_semaphore, #tpu.memory_space<semaphore_mem>>)
      %dma_wait3A = arith.constant 0 : i32
      %dma_wait3A_23 = tpu.memref_slice %arg3[%mul3A_6, %dma_wait3A] : memref<1280x128xi32, #tpu.memory_space<hbm>> -> memref<40x128xi32, #tpu.memory_space<hbm>>
      %dma_wait3A_24 = arith.constant 0 : i32
      %dma_wait3A_25 = tpu.memref_slice %arg3[%mul3A_6, %dma_wait3A_24] : memref<1280x128xi32, #tpu.memory_space<hbm>> -> memref<40x128xi32, #tpu.memory_space<hbm>>
      tpu.wait_dma2 semaphore(%run_scoped3A : memref<!tpu.dma_semaphore, #tpu.memory_space<semaphore_mem>>) src(%dma_wait3A_25 : memref<40x128xi32, #tpu.memory_space<hbm>>) dst(%arg10 : memref<40x128xi32, #tpu.memory_space<vmem>>)
      tpu.yield
    }) : () -> ()
    %barrier3A = arith.constant 0 : index
    tpu.barrier barrier_id(%barrier3A)
    %dma_start3A = arith.constant 0 : i32
    %dma_start3A_7 = arith.constant 0 : i32
    %dma_start3A_8 = tpu.memref_slice %arg9[%dma_start3A, %dma_start3A_7] : memref<40x128xi32, #tpu.memory_space<vmem>> -> memref<1x128xi32, #tpu.memory_space<vmem>>
    %dma_start3A_9 = tpu.memref_squeeze %dma_start3A_8 : memref<1x128xi32, #tpu.memory_space<vmem>> -> memref<128xi32, #tpu.memory_space<vmem>>
    %dma_start3A_10 = arith.constant 0 : i32
    %dma_start3A_11 = arith.constant 0 : i32
    %dma_start3A_12 = tpu.memref_slice %arg7[%dma_start3A_10, %dma_start3A_11] : memref<10112x16xf32, #tpu.memory_space<vmem_shared>> -> memref<10112x16xf32, #tpu.memory_space<vmem_shared>>
    tpu.enqueue_indirect_dma source(%dma_start3A_12 : memref<10112x16xf32, #tpu.memory_space<vmem_shared>>) target(%arg11 : memref<128x16xf32, #tpu.memory_space<vmem>>) offsets(%dma_start3A_9 : memref<128xi32, #tpu.memory_space<vmem>>) semaphore(%arg13 : memref<!tpu.dma_semaphore, #tpu.memory_space<semaphore_mem>>)
    %scan3A = arith.constant 0 : i32
    %scan3A_13 = arith.constant 0 : i32
    %scan3A_14 = arith.constant 20 : i32
    %scan3A_15 = arith.addi %scan3A_13, %scan3A_14 : i32
    %scan3A_16 = arith.constant 1 : i32
    scf.for %scan3A_19 = %scan3A_13 to %scan3A_15 step %scan3A_16  : i32 {
      %mul3A_20 = arith.constant 2 : i32
      %mul3A_21 = arith.muli %mul3A_20, %scan3A_19 : i32
      %add3A_22 = arith.constant 1 : i32
      %add3A_23 = arith.addi %mul3A_21, %add3A_22 : i32
      %dma_start3A_24 = arith.constant 0 : i32
      %dma_start3A_25 = tpu.memref_slice %arg9[%add3A_23, %dma_start3A_24] : memref<40x128xi32, #tpu.memory_space<vmem>> -> memref<1x128xi32, #tpu.memory_space<vmem>>
      %dma_start3A_26 = tpu.memref_squeeze %dma_start3A_25 : memref<1x128xi32, #tpu.memory_space<vmem>> -> memref<128xi32, #tpu.memory_space<vmem>>
      %dma_start3A_27 = arith.constant 0 : i32
      %dma_start3A_28 = arith.constant 0 : i32
      %dma_start3A_29 = tpu.memref_slice %arg7[%dma_start3A_27, %dma_start3A_28] : memref<10112x16xf32, #tpu.memory_space<vmem_shared>> -> memref<10112x16xf32, #tpu.memory_space<vmem_shared>>
      tpu.enqueue_indirect_dma source(%dma_start3A_29 : memref<10112x16xf32, #tpu.memory_space<vmem_shared>>) target(%arg12 : memref<128x16xf32, #tpu.memory_space<vmem>>) offsets(%dma_start3A_26 : memref<128xi32, #tpu.memory_space<vmem>>) semaphore(%arg14 : memref<!tpu.dma_semaphore, #tpu.memory_space<semaphore_mem>>)
      %dma_wait3A = arith.constant 0 : i32
      %dma_wait3A_30 = tpu.memref_slice %arg9[%mul3A_21, %dma_wait3A] : memref<40x128xi32, #tpu.memory_space<vmem>> -> memref<1x128xi32, #tpu.memory_space<vmem>>
      %dma_wait3A_31 = tpu.memref_squeeze %dma_wait3A_30 : memref<1x128xi32, #tpu.memory_space<vmem>> -> memref<128xi32, #tpu.memory_space<vmem>>
      %dma_wait3A_32 = arith.constant 0 : i32
      %dma_wait3A_33 = arith.constant 0 : i32
      %dma_wait3A_34 = tpu.memref_slice %arg7[%dma_wait3A_32, %dma_wait3A_33] : memref<10112x16xf32, #tpu.memory_space<vmem_shared>> -> memref<10112x16xf32, #tpu.memory_space<vmem_shared>>
      tpu.wait_indirect_dma semaphore(%arg13 : memref<!tpu.dma_semaphore, #tpu.memory_space<semaphore_mem>>) src(%dma_wait3A_34 : memref<10112x16xf32, #tpu.memory_space<vmem_shared>>) dst(%arg11 : memref<128x16xf32, #tpu.memory_space<vmem>>)
      "tpu.region"() ({
        %run_scoped3A = tpu.sem_alloc : memref<!tpu.dma_semaphore, #tpu.memory_space<semaphore_mem>>
        %dma_start3A_49 = arith.constant 0 : i32
        %dma_start3A_50 = tpu.memref_slice %arg10[%mul3A_21, %dma_start3A_49] : memref<40x128xi32, #tpu.memory_space<vmem>> -> memref<1x128xi32, #tpu.memory_space<vmem>>
        %dma_start3A_51 = tpu.memref_squeeze %dma_start3A_50 : memref<1x128xi32, #tpu.memory_space<vmem>> -> memref<128xi32, #tpu.memory_space<vmem>>
        %dma_start3A_52 = arith.constant 0 : i32
        %dma_start3A_53 = arith.constant 0 : i32
        %dma_start3A_54 = tpu.memref_slice %arg8[%dma_start3A_52, %dma_start3A_53] : memref<10112x16xf32, #tpu.memory_space<vmem_shared>> -> memref<10112x16xf32, #tpu.memory_space<vmem_shared>>
        tpu.enqueue_indirect_dma source(%arg11 : memref<128x16xf32, #tpu.memory_space<vmem>>) target(%dma_start3A_54 : memref<10112x16xf32, #tpu.memory_space<vmem_shared>>) offsets(%dma_start3A_51 : memref<128xi32, #tpu.memory_space<vmem>>) semaphore(%run_scoped3A : memref<!tpu.dma_semaphore, #tpu.memory_space<semaphore_mem>>) {add = true}
        %dma_wait3A_55 = arith.constant 0 : i32
        %dma_wait3A_56 = tpu.memref_slice %arg10[%mul3A_21, %dma_wait3A_55] : memref<40x128xi32, #tpu.memory_space<vmem>> -> memref<1x128xi32, #tpu.memory_space<vmem>>
        %dma_wait3A_57 = tpu.memref_squeeze %dma_wait3A_56 : memref<1x128xi32, #tpu.memory_space<vmem>> -> memref<128xi32, #tpu.memory_space<vmem>>
        %dma_wait3A_58 = arith.constant 0 : i32
        %dma_wait3A_59 = arith.constant 0 : i32
        %dma_wait3A_60 = tpu.memref_slice %arg8[%dma_wait3A_58, %dma_wait3A_59] : memref<10112x16xf32, #tpu.memory_space<vmem_shared>> -> memref<10112x16xf32, #tpu.memory_space<vmem_shared>>
        tpu.wait_indirect_dma semaphore(%run_scoped3A : memref<!tpu.dma_semaphore, #tpu.memory_space<semaphore_mem>>) src(%arg11 : memref<128x16xf32, #tpu.memory_space<vmem>>) dst(%dma_wait3A_60 : memref<10112x16xf32, #tpu.memory_space<vmem_shared>>)
        tpu.yield
      }) : () -> ()
      %add3A_35 = arith.constant 2 : i32
      %add3A_36 = arith.addi %mul3A_21, %add3A_35 : i32
      %lt3A = arith.constant 40 : i32
      %lt3A_37 = arith.cmpi slt, %add3A_36, %lt3A : i32
      %convert_element_type3A = arith.extui %lt3A_37 : i1 to i32
      %cond3A = arith.constant 0 : i32
      %cond3A_38 = arith.cmpi ne, %convert_element_type3A, %cond3A : i32
      scf.if %cond3A_38 {
        %add3A_49 = arith.constant 2 : i32
        %add3A_50 = arith.addi %mul3A_21, %add3A_49 : i32
        %dma_start3A_51 = arith.constant 0 : i32
        %dma_start3A_52 = tpu.memref_slice %arg9[%add3A_50, %dma_start3A_51] : memref<40x128xi32, #tpu.memory_space<vmem>> -> memref<1x128xi32, #tpu.memory_space<vmem>>
        %dma_start3A_53 = tpu.memref_squeeze %dma_start3A_52 : memref<1x128xi32, #tpu.memory_space<vmem>> -> memref<128xi32, #tpu.memory_space<vmem>>
        %dma_start3A_54 = arith.constant 0 : i32
        %dma_start3A_55 = arith.constant 0 : i32
        %dma_start3A_56 = tpu.memref_slice %arg7[%dma_start3A_54, %dma_start3A_55] : memref<10112x16xf32, #tpu.memory_space<vmem_shared>> -> memref<10112x16xf32, #tpu.memory_space<vmem_shared>>
        tpu.enqueue_indirect_dma source(%dma_start3A_56 : memref<10112x16xf32, #tpu.memory_space<vmem_shared>>) target(%arg11 : memref<128x16xf32, #tpu.memory_space<vmem>>) offsets(%dma_start3A_53 : memref<128xi32, #tpu.memory_space<vmem>>) semaphore(%arg13 : memref<!tpu.dma_semaphore, #tpu.memory_space<semaphore_mem>>)
      } else {
      }
      %add3A_39 = arith.constant 1 : i32
      %add3A_40 = arith.addi %mul3A_21, %add3A_39 : i32
      %dma_wait3A_41 = arith.constant 0 : i32
      %dma_wait3A_42 = tpu.memref_slice %arg9[%add3A_40, %dma_wait3A_41] : memref<40x128xi32, #tpu.memory_space<vmem>> -> memref<1x128xi32, #tpu.memory_space<vmem>>
      %dma_wait3A_43 = tpu.memref_squeeze %dma_wait3A_42 : memref<1x128xi32, #tpu.memory_space<vmem>> -> memref<128xi32, #tpu.memory_space<vmem>>
      %dma_wait3A_44 = arith.constant 0 : i32
      %dma_wait3A_45 = arith.constant 0 : i32
      %dma_wait3A_46 = tpu.memref_slice %arg7[%dma_wait3A_44, %dma_wait3A_45] : memref<10112x16xf32, #tpu.memory_space<vmem_shared>> -> memref<10112x16xf32, #tpu.memory_space<vmem_shared>>
      tpu.wait_indirect_dma semaphore(%arg14 : memref<!tpu.dma_semaphore, #tpu.memory_space<semaphore_mem>>) src(%dma_wait3A_46 : memref<10112x16xf32, #tpu.memory_space<vmem_shared>>) dst(%arg12 : memref<128x16xf32, #tpu.memory_space<vmem>>)
      %add3A_47 = arith.constant 1 : i32
      %add3A_48 = arith.addi %mul3A_21, %add3A_47 : i32
      "tpu.region"() ({
        %run_scoped3A = tpu.sem_alloc : memref<!tpu.dma_semaphore, #tpu.memory_space<semaphore_mem>>
        %dma_start3A_49 = arith.constant 0 : i32
        %dma_start3A_50 = tpu.memref_slice %arg10[%add3A_48, %dma_start3A_49] : memref<40x128xi32, #tpu.memory_space<vmem>> -> memref<1x128xi32, #tpu.memory_space<vmem>>
        %dma_start3A_51 = tpu.memref_squeeze %dma_start3A_50 : memref<1x128xi32, #tpu.memory_space<vmem>> -> memref<128xi32, #tpu.memory_space<vmem>>
        %dma_start3A_52 = arith.constant 0 : i32
        %dma_start3A_53 = arith.constant 0 : i32
        %dma_start3A_54 = tpu.memref_slice %arg8[%dma_start3A_52, %dma_start3A_53] : memref<10112x16xf32, #tpu.memory_space<vmem_shared>> -> memref<10112x16xf32, #tpu.memory_space<vmem_shared>>
        tpu.enqueue_indirect_dma source(%arg12 : memref<128x16xf32, #tpu.memory_space<vmem>>) target(%dma_start3A_54 : memref<10112x16xf32, #tpu.memory_space<vmem_shared>>) offsets(%dma_start3A_51 : memref<128xi32, #tpu.memory_space<vmem>>) semaphore(%run_scoped3A : memref<!tpu.dma_semaphore, #tpu.memory_space<semaphore_mem>>) {add = true}
        %dma_wait3A_55 = arith.constant 0 : i32
        %dma_wait3A_56 = tpu.memref_slice %arg10[%add3A_48, %dma_wait3A_55] : memref<40x128xi32, #tpu.memory_space<vmem>> -> memref<1x128xi32, #tpu.memory_space<vmem>>
        %dma_wait3A_57 = tpu.memref_squeeze %dma_wait3A_56 : memref<1x128xi32, #tpu.memory_space<vmem>> -> memref<128xi32, #tpu.memory_space<vmem>>
        %dma_wait3A_58 = arith.constant 0 : i32
        %dma_wait3A_59 = arith.constant 0 : i32
        %dma_wait3A_60 = tpu.memref_slice %arg8[%dma_wait3A_58, %dma_wait3A_59] : memref<10112x16xf32, #tpu.memory_space<vmem_shared>> -> memref<10112x16xf32, #tpu.memory_space<vmem_shared>>
        tpu.wait_indirect_dma semaphore(%run_scoped3A : memref<!tpu.dma_semaphore, #tpu.memory_space<semaphore_mem>>) src(%arg12 : memref<128x16xf32, #tpu.memory_space<vmem>>) dst(%dma_wait3A_60 : memref<10112x16xf32, #tpu.memory_space<vmem_shared>>)
        tpu.yield
      }) : () -> ()
    }
    %scan3A_17 = arith.constant 20 : i32
    %barrier3A_18 = arith.constant 0 : index
    tpu.barrier barrier_id(%barrier3A_18)
    "tpu.region"() ({
      %run_scoped3A = tpu.sem_alloc : memref<!tpu.dma_semaphore, #tpu.memory_space<semaphore_mem>>
      %dma_start3A_19 = arith.constant 0 : i32
      %dma_start3A_20 = tpu.memref_slice %arg6[%arg0, %mul3A_2, %dma_start3A_19] : memref<2x10112x16xf32, #tpu.memory_space<hbm>> -> memref<1x632x16xf32, #tpu.memory_space<hbm>>
      %dma_start3A_21 = tpu.memref_squeeze %dma_start3A_20 : memref<1x632x16xf32, #tpu.memory_space<hbm>> -> memref<632x16xf32, #tpu.memory_space<hbm>>
      %dma_start3A_22 = arith.constant 0 : i32
      %dma_start3A_23 = tpu.memref_slice %arg8[%mul3A_2, %dma_start3A_22] : memref<10112x16xf32, #tpu.memory_space<vmem_shared>> -> memref<632x16xf32, #tpu.memory_space<vmem_shared>>
      tpu.enqueue_dma source(%dma_start3A_23 : memref<632x16xf32, #tpu.memory_space<vmem_shared>>) target(%dma_start3A_21 : memref<632x16xf32, #tpu.memory_space<hbm>>) target_semaphore(%run_scoped3A : memref<!tpu.dma_semaphore, #tpu.memory_space<semaphore_mem>>)
      %dma_wait3A = arith.constant 0 : i32
      %dma_wait3A_24 = tpu.memref_slice %arg6[%arg0, %mul3A_2, %dma_wait3A] : memref<2x10112x16xf32, #tpu.memory_space<hbm>> -> memref<1x632x16xf32, #tpu.memory_space<hbm>>
      %dma_wait3A_25 = tpu.memref_squeeze %dma_wait3A_24 : memref<1x632x16xf32, #tpu.memory_space<hbm>> -> memref<632x16xf32, #tpu.memory_space<hbm>>
      %dma_wait3A_26 = arith.constant 0 : i32
      %dma_wait3A_27 = tpu.memref_slice %arg8[%mul3A_2, %dma_wait3A_26] : memref<10112x16xf32, #tpu.memory_space<vmem_shared>> -> memref<632x16xf32, #tpu.memory_space<vmem_shared>>
      tpu.wait_dma2 semaphore(%run_scoped3A : memref<!tpu.dma_semaphore, #tpu.memory_space<semaphore_mem>>) src(%dma_wait3A_27 : memref<632x16xf32, #tpu.memory_space<vmem_shared>>) dst(%dma_wait3A_25 : memref<632x16xf32, #tpu.memory_space<hbm>>)
      tpu.yield
    }) : () -> ()
    return
  }
}

#map = affine_map<(d0, d1) -> (0, 0)>
#map1 = affine_map<(d0, d1) -> (0, 0, 0)>
module attributes {stable_mosaic.version = 14 : i64} {
  func.func @kern(%arg0: i32, %arg1: i32, %arg2: memref<1280x128xi32, #tpu.memory_space<hbm>>, %arg3: memref<1280x128xi32, #tpu.memory_space<hbm>>, %arg4: memref<10112x16xf32, #tpu.memory_space<hbm>>, %arg5: memref<10112x16xf32, #tpu.memory_space<hbm>>, %arg6: memref<2x10112x16xf32, #tpu.memory_space<hbm>>, %arg7: memref<10112x16xf32, #tpu.memory_space<vmem_shared>>, %arg8: memref<10112x16xf32, #tpu.memory_space<vmem_shared>>, %arg9: memref<40x128xi32, #tpu.memory_space<vmem>>, %arg10: memref<40x128xi32, #tpu.memory_space<vmem>>, %arg11: memref<128x16xf32, #tpu.memory_space<vmem>>, %arg12: memref<128x16xf32, #tpu.memory_space<vmem>>, %arg13: memref<!tpu.dma_semaphore, #tpu.memory_space<semaphore_mem>>, %arg14: memref<!tpu.dma_semaphore, #tpu.memory_space<semaphore_mem>>) attributes {dimension_semantics = [#tpu.dimension_semantics<core_parallel>, #tpu.dimension_semantics<subcore_parallel>], iteration_bounds = array<i64: 2, 16>, scalar_prefetch = 0 : i64, scratch_operands = 8 : i64, tpu.core_type = #tpu.core_type<sc_vector_subcore>, window_params = [{transform_indices = #map}, {transform_indices = #map}, {transform_indices = #map}, {transform_indices = #map}, {transform_indices = #map1}]} {
    %mul3A = arith.constant 16 : i32
    %mul3A_0 = arith.muli %arg0, %mul3A : i32
    %add3A = arith.addi %mul3A_0, %arg1 : i32
    %mul3A_1 = arith.constant 632 : i32
    %mul3A_2 = arith.muli %arg1, %mul3A_1 : i32
    "tpu.region"() ({
      %run_scoped3A = tpu.sem_alloc : memref<!tpu.dma_semaphore, #tpu.memory_space<semaphore_mem>>
      %dma_start3A_19 = arith.constant 0 : i32
      %dma_start3A_20 = tpu.memref_slice %arg7[%mul3A_2, %dma_start3A_19] : memref<10112x16xf32, #tpu.memory_space<vmem_shared>> -> memref<632x16xf32, #tpu.memory_space<vmem_shared>>
      %dma_start3A_21 = arith.constant 0 : i32
      %dma_start3A_22 = tpu.memref_slice %arg4[%mul3A_2, %dma_start3A_21] : memref<10112x16xf32, #tpu.memory_space<hbm>> -> memref<632x16xf32, #tpu.memory_space<hbm>>
      tpu.enqueue_dma source(%dma_start3A_22 : memref<632x16xf32, #tpu.memory_space<hbm>>) target(%dma_start3A_20 : memref<632x16xf32, #tpu.memory_space<vmem_shared>>) target_semaphore(%run_scoped3A : memref<!tpu.dma_semaphore, #tpu.memory_space<semaphore_mem>>)
      %dma_wait3A = arith.constant 0 : i32
      %dma_wait3A_23 = tpu.memref_slice %arg7[%mul3A_2, %dma_wait3A] : memref<10112x16xf32, #tpu.memory_space<vmem_shared>> -> memref<632x16xf32, #tpu.memory_space<vmem_shared>>
      %dma_wait3A_24 = arith.constant 0 : i32
      %dma_wait3A_25 = tpu.memref_slice %arg4[%mul3A_2, %dma_wait3A_24] : memref<10112x16xf32, #tpu.memory_space<hbm>> -> memref<632x16xf32, #tpu.memory_space<hbm>>
      tpu.wait_dma2 semaphore(%run_scoped3A : memref<!tpu.dma_semaphore, #tpu.memory_space<semaphore_mem>>) src(%dma_wait3A_25 : memref<632x16xf32, #tpu.memory_space<hbm>>) dst(%dma_wait3A_23 : memref<632x16xf32, #tpu.memory_space<vmem_shared>>)
      tpu.yield
    }) : () -> ()
    "tpu.region"() ({
      %run_scoped3A = tpu.sem_alloc : memref<!tpu.dma_semaphore, #tpu.memory_space<semaphore_mem>>
      %dma_start3A_19 = arith.constant 0 : i32
      %dma_start3A_20 = tpu.memref_slice %arg8[%mul3A_2, %dma_start3A_19] : memref<10112x16xf32, #tpu.memory_space<vmem_shared>> -> memref<632x16xf32, #tpu.memory_space<vmem_shared>>
      %dma_start3A_21 = arith.constant 0 : i32
      %dma_start3A_22 = tpu.memref_slice %arg5[%mul3A_2, %dma_start3A_21] : memref<10112x16xf32, #tpu.memory_space<hbm>> -> memref<632x16xf32, #tpu.memory_space<hbm>>
      tpu.enqueue_dma source(%dma_start3A_22 : memref<632x16xf32, #tpu.memory_space<hbm>>) target(%dma_start3A_20 : memref<632x16xf32, #tpu.memory_space<vmem_shared>>) target_semaphore(%run_scoped3A : memref<!tpu.dma_semaphore, #tpu.memory_space<semaphore_mem>>)
      %dma_wait3A = arith.constant 0 : i32
      %dma_wait3A_23 = tpu.memref_slice %arg8[%mul3A_2, %dma_wait3A] : memref<10112x16xf32, #tpu.memory_space<vmem_shared>> -> memref<632x16xf32, #tpu.memory_space<vmem_shared>>
      %dma_wait3A_24 = arith.constant 0 : i32
      %dma_wait3A_25 = tpu.memref_slice %arg5[%mul3A_2, %dma_wait3A_24] : memref<10112x16xf32, #tpu.memory_space<hbm>> -> memref<632x16xf32, #tpu.memory_space<hbm>>
      tpu.wait_dma2 semaphore(%run_scoped3A : memref<!tpu.dma_semaphore, #tpu.memory_space<semaphore_mem>>) src(%dma_wait3A_25 : memref<632x16xf32, #tpu.memory_space<hbm>>) dst(%dma_wait3A_23 : memref<632x16xf32, #tpu.memory_space<vmem_shared>>)
      tpu.yield
    }) : () -> ()
    %mul3A_3 = arith.constant 40 : i32
    %mul3A_4 = arith.muli %add3A, %mul3A_3 : i32
    "tpu.region"() ({
      %run_scoped3A = tpu.sem_alloc : memref<!tpu.dma_semaphore, #tpu.memory_space<semaphore_mem>>
      %dma_start3A_19 = arith.constant 0 : i32
      %dma_start3A_20 = tpu.memref_slice %arg2[%mul3A_4, %dma_start3A_19] : memref<1280x128xi32, #tpu.memory_space<hbm>> -> memref<40x128xi32, #tpu.memory_space<hbm>>
      %dma_start3A_21 = arith.constant 0 : i32
      %dma_start3A_22 = tpu.memref_slice %arg2[%mul3A_4, %dma_start3A_21] : memref<1280x128xi32, #tpu.memory_space<hbm>> -> memref<40x128xi32, #tpu.memory_space<hbm>>
      tpu.enqueue_dma source(%dma_start3A_22 : memref<40x128xi32, #tpu.memory_space<hbm>>) target(%arg9 : memref<40x128xi32, #tpu.memory_space<vmem>>) target_semaphore(%run_scoped3A : memref<!tpu.dma_semaphore, #tpu.memory_space<semaphore_mem>>)
      %dma_wait3A = arith.constant 0 : i32
      %dma_wait3A_23 = tpu.memref_slice %arg2[%mul3A_4, %dma_wait3A] : memref<1280x128xi32, #tpu.memory_space<hbm>> -> memref<40x128xi32, #tpu.memory_space<hbm>>
      %dma_wait3A_24 = arith.constant 0 : i32
      %dma_wait3A_25 = tpu.memref_slice %arg2[%mul3A_4, %dma_wait3A_24] : memref<1280x128xi32, #tpu.memory_space<hbm>> -> memref<40x128xi32, #tpu.memory_space<hbm>>
      tpu.wait_dma2 semaphore(%run_scoped3A : memref<!tpu.dma_semaphore, #tpu.memory_space<semaphore_mem>>) src(%dma_wait3A_25 : memref<40x128xi32, #tpu.memory_space<hbm>>) dst(%arg9 : memref<40x128xi32, #tpu.memory_space<vmem>>)
      tpu.yield
    }) : () -> ()
    %mul3A_5 = arith.constant 40 : i32
    %mul3A_6 = arith.muli %add3A, %mul3A_5 : i32
    "tpu.region"() ({
      %run_scoped3A = tpu.sem_alloc : memref<!tpu.dma_semaphore, #tpu.memory_space<semaphore_mem>>
      %dma_start3A_19 = arith.constant 0 : i32
      %dma_start3A_20 = tpu.memref_slice %arg3[%mul3A_6, %dma_start3A_19] : memref<1280x128xi32, #tpu.memory_space<hbm>> -> memref<40x128xi32, #tpu.memory_space<hbm>>
      %dma_start3A_21 = arith.constant 0 : i32
      %dma_start3A_22 = tpu.memref_slice %arg3[%mul3A_6, %dma_start3A_21] : memref<1280x128xi32, #tpu.memory_space<hbm>> -> memref<40x128xi32, #tpu.memory_space<hbm>>
      tpu.enqueue_dma source(%dma_start3A_22 : memref<40x128xi32, #tpu.memory_space<hbm>>) target(%arg10 : memref<40x128xi32, #tpu.memory_space<vmem>>) target_semaphore(%run_scoped3A : memref<!tpu.dma_semaphore, #tpu.memory_space<semaphore_mem>>)
      %dma_wait3A = arith.constant 0 : i32
      %dma_wait3A_23 = tpu.memref_slice %arg3[%mul3A_6, %dma_wait3A] : memref<1280x128xi32, #tpu.memory_space<hbm>> -> memref<40x128xi32, #tpu.memory_space<hbm>>
      %dma_wait3A_24 = arith.constant 0 : i32
      %dma_wait3A_25 = tpu.memref_slice %arg3[%mul3A_6, %dma_wait3A_24] : memref<1280x128xi32, #tpu.memory_space<hbm>> -> memref<40x128xi32, #tpu.memory_space<hbm>>
      tpu.wait_dma2 semaphore(%run_scoped3A : memref<!tpu.dma_semaphore, #tpu.memory_space<semaphore_mem>>) src(%dma_wait3A_25 : memref<40x128xi32, #tpu.memory_space<hbm>>) dst(%arg10 : memref<40x128xi32, #tpu.memory_space<vmem>>)
      tpu.yield
    }) : () -> ()
    %barrier3A = arith.constant 0 : index
    tpu.barrier barrier_id(%barrier3A)
    %dma_start3A = arith.constant 0 : i32
    %dma_start3A_7 = arith.constant 0 : i32
    %dma_start3A_8 = tpu.memref_slice %arg9[%dma_start3A, %dma_start3A_7] : memref<40x128xi32, #tpu.memory_space<vmem>> -> memref<1x128xi32, #tpu.memory_space<vmem>>
    %dma_start3A_9 = tpu.memref_squeeze %dma_start3A_8 : memref<1x128xi32, #tpu.memory_space<vmem>> -> memref<128xi32, #tpu.memory_space<vmem>>
    %dma_start3A_10 = arith.constant 0 : i32
    %dma_start3A_11 = arith.constant 0 : i32
    %dma_start3A_12 = tpu.memref_slice %arg7[%dma_start3A_10, %dma_start3A_11] : memref<10112x16xf32, #tpu.memory_space<vmem_shared>> -> memref<10112x16xf32, #tpu.memory_space<vmem_shared>>
    tpu.enqueue_indirect_dma source(%dma_start3A_12 : memref<10112x16xf32, #tpu.memory_space<vmem_shared>>) target(%arg11 : memref<128x16xf32, #tpu.memory_space<vmem>>) offsets(%dma_start3A_9 : memref<128xi32, #tpu.memory_space<vmem>>) semaphore(%arg13 : memref<!tpu.dma_semaphore, #tpu.memory_space<semaphore_mem>>)
    %scan3A = arith.constant 0 : i32
    %scan3A_13 = arith.constant 0 : i32
    %scan3A_14 = arith.constant 20 : i32
    %scan3A_15 = arith.addi %scan3A_13, %scan3A_14 : i32
    %scan3A_16 = arith.constant 1 : i32
    scf.for %scan3A_19 = %scan3A_13 to %scan3A_15 step %scan3A_16  : i32 {
      %mul3A_20 = arith.constant 2 : i32
      %mul3A_21 = arith.muli %mul3A_20, %scan3A_19 : i32
      %add3A_22 = arith.constant 1 : i32
      %add3A_23 = arith.addi %mul3A_21, %add3A_22 : i32
      %dma_start3A_24 = arith.constant 0 : i32
      %dma_start3A_25 = tpu.memref_slice %arg9[%add3A_23, %dma_start3A_24] : memref<40x128xi32, #tpu.memory_space<vmem>> -> memref<1x128xi32, #tpu.memory_space<vmem>>
      %dma_start3A_26 = tpu.memref_squeeze %dma_start3A_25 : memref<1x128xi32, #tpu.memory_space<vmem>> -> memref<128xi32, #tpu.memory_space<vmem>>
      %dma_start3A_27 = arith.constant 0 : i32
      %dma_start3A_28 = arith.constant 0 : i32
      %dma_start3A_29 = tpu.memref_slice %arg7[%dma_start3A_27, %dma_start3A_28] : memref<10112x16xf32, #tpu.memory_space<vmem_shared>> -> memref<10112x16xf32, #tpu.memory_space<vmem_shared>>
      tpu.enqueue_indirect_dma source(%dma_start3A_29 : memref<10112x16xf32, #tpu.memory_space<vmem_shared>>) target(%arg12 : memref<128x16xf32, #tpu.memory_space<vmem>>) offsets(%dma_start3A_26 : memref<128xi32, #tpu.memory_space<vmem>>) semaphore(%arg14 : memref<!tpu.dma_semaphore, #tpu.memory_space<semaphore_mem>>)
      %dma_wait3A = arith.constant 0 : i32
      %dma_wait3A_30 = tpu.memref_slice %arg9[%mul3A_21, %dma_wait3A] : memref<40x128xi32, #tpu.memory_space<vmem>> -> memref<1x128xi32, #tpu.memory_space<vmem>>
      %dma_wait3A_31 = tpu.memref_squeeze %dma_wait3A_30 : memref<1x128xi32, #tpu.memory_space<vmem>> -> memref<128xi32, #tpu.memory_space<vmem>>
      %dma_wait3A_32 = arith.constant 0 : i32
      %dma_wait3A_33 = arith.constant 0 : i32
      %dma_wait3A_34 = tpu.memref_slice %arg7[%dma_wait3A_32, %dma_wait3A_33] : memref<10112x16xf32, #tpu.memory_space<vmem_shared>> -> memref<10112x16xf32, #tpu.memory_space<vmem_shared>>
      tpu.wait_indirect_dma semaphore(%arg13 : memref<!tpu.dma_semaphore, #tpu.memory_space<semaphore_mem>>) src(%dma_wait3A_34 : memref<10112x16xf32, #tpu.memory_space<vmem_shared>>) dst(%arg11 : memref<128x16xf32, #tpu.memory_space<vmem>>)
      "tpu.region"() ({
        %run_scoped3A = tpu.sem_alloc : memref<!tpu.dma_semaphore, #tpu.memory_space<semaphore_mem>>
        %dma_start3A_49 = arith.constant 0 : i32
        %dma_start3A_50 = tpu.memref_slice %arg10[%mul3A_21, %dma_start3A_49] : memref<40x128xi32, #tpu.memory_space<vmem>> -> memref<1x128xi32, #tpu.memory_space<vmem>>
        %dma_start3A_51 = tpu.memref_squeeze %dma_start3A_50 : memref<1x128xi32, #tpu.memory_space<vmem>> -> memref<128xi32, #tpu.memory_space<vmem>>
        %dma_start3A_52 = arith.constant 0 : i32
        %dma_start3A_53 = arith.constant 0 : i32
        %dma_start3A_54 = tpu.memref_slice %arg8[%dma_start3A_52, %dma_start3A_53] : memref<10112x16xf32, #tpu.memory_space<vmem_shared>> -> memref<10112x16xf32, #tpu.memory_space<vmem_shared>>
        tpu.enqueue_indirect_dma source(%arg11 : memref<128x16xf32, #tpu.memory_space<vmem>>) target(%dma_start3A_54 : memref<10112x16xf32, #tpu.memory_space<vmem_shared>>) offsets(%dma_start3A_51 : memref<128xi32, #tpu.memory_space<vmem>>) semaphore(%run_scoped3A : memref<!tpu.dma_semaphore, #tpu.memory_space<semaphore_mem>>) {add = true}
        %dma_wait3A_55 = arith.constant 0 : i32
        %dma_wait3A_56 = tpu.memref_slice %arg10[%mul3A_21, %dma_wait3A_55] : memref<40x128xi32, #tpu.memory_space<vmem>> -> memref<1x128xi32, #tpu.memory_space<vmem>>
        %dma_wait3A_57 = tpu.memref_squeeze %dma_wait3A_56 : memref<1x128xi32, #tpu.memory_space<vmem>> -> memref<128xi32, #tpu.memory_space<vmem>>
        %dma_wait3A_58 = arith.constant 0 : i32
        %dma_wait3A_59 = arith.constant 0 : i32
        %dma_wait3A_60 = tpu.memref_slice %arg8[%dma_wait3A_58, %dma_wait3A_59] : memref<10112x16xf32, #tpu.memory_space<vmem_shared>> -> memref<10112x16xf32, #tpu.memory_space<vmem_shared>>
        tpu.wait_indirect_dma semaphore(%run_scoped3A : memref<!tpu.dma_semaphore, #tpu.memory_space<semaphore_mem>>) src(%arg11 : memref<128x16xf32, #tpu.memory_space<vmem>>) dst(%dma_wait3A_60 : memref<10112x16xf32, #tpu.memory_space<vmem_shared>>)
        tpu.yield
      }) : () -> ()
      %add3A_35 = arith.constant 2 : i32
      %add3A_36 = arith.addi %mul3A_21, %add3A_35 : i32
      %lt3A = arith.constant 40 : i32
      %lt3A_37 = arith.cmpi slt, %add3A_36, %lt3A : i32
      %convert_element_type3A = arith.extui %lt3A_37 : i1 to i32
      %cond3A = arith.constant 0 : i32
      %cond3A_38 = arith.cmpi ne, %convert_element_type3A, %cond3A : i32
      scf.if %cond3A_38 {
        %add3A_49 = arith.constant 2 : i32
        %add3A_50 = arith.addi %mul3A_21, %add3A_49 : i32
        %dma_start3A_51 = arith.constant 0 : i32
        %dma_start3A_52 = tpu.memref_slice %arg9[%add3A_50, %dma_start3A_51] : memref<40x128xi32, #tpu.memory_space<vmem>> -> memref<1x128xi32, #tpu.memory_space<vmem>>
        %dma_start3A_53 = tpu.memref_squeeze %dma_start3A_52 : memref<1x128xi32, #tpu.memory_space<vmem>> -> memref<128xi32, #tpu.memory_space<vmem>>
        %dma_start3A_54 = arith.constant 0 : i32
        %dma_start3A_55 = arith.constant 0 : i32
        %dma_start3A_56 = tpu.memref_slice %arg7[%dma_start3A_54, %dma_start3A_55] : memref<10112x16xf32, #tpu.memory_space<vmem_shared>> -> memref<10112x16xf32, #tpu.memory_space<vmem_shared>>
        tpu.enqueue_indirect_dma source(%dma_start3A_56 : memref<10112x16xf32, #tpu.memory_space<vmem_shared>>) target(%arg11 : memref<128x16xf32, #tpu.memory_space<vmem>>) offsets(%dma_start3A_53 : memref<128xi32, #tpu.memory_space<vmem>>) semaphore(%arg13 : memref<!tpu.dma_semaphore, #tpu.memory_space<semaphore_mem>>)
      } else {
      }
      %add3A_39 = arith.constant 1 : i32
      %add3A_40 = arith.addi %mul3A_21, %add3A_39 : i32
      %dma_wait3A_41 = arith.constant 0 : i32
      %dma_wait3A_42 = tpu.memref_slice %arg9[%add3A_40, %dma_wait3A_41] : memref<40x128xi32, #tpu.memory_space<vmem>> -> memref<1x128xi32, #tpu.memory_space<vmem>>
      %dma_wait3A_43 = tpu.memref_squeeze %dma_wait3A_42 : memref<1x128xi32, #tpu.memory_space<vmem>> -> memref<128xi32, #tpu.memory_space<vmem>>
      %dma_wait3A_44 = arith.constant 0 : i32
      %dma_wait3A_45 = arith.constant 0 : i32
      %dma_wait3A_46 = tpu.memref_slice %arg7[%dma_wait3A_44, %dma_wait3A_45] : memref<10112x16xf32, #tpu.memory_space<vmem_shared>> -> memref<10112x16xf32, #tpu.memory_space<vmem_shared>>
      tpu.wait_indirect_dma semaphore(%arg14 : memref<!tpu.dma_semaphore, #tpu.memory_space<semaphore_mem>>) src(%dma_wait3A_46 : memref<10112x16xf32, #tpu.memory_space<vmem_shared>>) dst(%arg12 : memref<128x16xf32, #tpu.memory_space<vmem>>)
      %add3A_47 = arith.constant 1 : i32
      %add3A_48 = arith.addi %mul3A_21, %add3A_47 : i32
      "tpu.region"() ({
        %run_scoped3A = tpu.sem_alloc : memref<!tpu.dma_semaphore, #tpu.memory_space<semaphore_mem>>
        %dma_start3A_49 = arith.constant 0 : i32
        %dma_start3A_50 = tpu.memref_slice %arg10[%add3A_48, %dma_start3A_49] : memref<40x128xi32, #tpu.memory_space<vmem>> -> memref<1x128xi32, #tpu.memory_space<vmem>>
        %dma_start3A_51 = tpu.memref_squeeze %dma_start3A_50 : memref<1x128xi32, #tpu.memory_space<vmem>> -> memref<128xi32, #tpu.memory_space<vmem>>
        %dma_start3A_52 = arith.constant 0 : i32
        %dma_start3A_53 = arith.constant 0 : i32
        %dma_start3A_54 = tpu.memref_slice %arg8[%dma_start3A_52, %dma_start3A_53] : memref<10112x16xf32, #tpu.memory_space<vmem_shared>> -> memref<10112x16xf32, #tpu.memory_space<vmem_shared>>
        tpu.enqueue_indirect_dma source(%arg12 : memref<128x16xf32, #tpu.memory_space<vmem>>) target(%dma_start3A_54 : memref<10112x16xf32, #tpu.memory_space<vmem_shared>>) offsets(%dma_start3A_51 : memref<128xi32, #tpu.memory_space<vmem>>) semaphore(%run_scoped3A : memref<!tpu.dma_semaphore, #tpu.memory_space<semaphore_mem>>) {add = true}
        %dma_wait3A_55 = arith.constant 0 : i32
        %dma_wait3A_56 = tpu.memref_slice %arg10[%add3A_48, %dma_wait3A_55] : memref<40x128xi32, #tpu.memory_space<vmem>> -> memref<1x128xi32, #tpu.memory_space<vmem>>
        %dma_wait3A_57 = tpu.memref_squeeze %dma_wait3A_56 : memref<1x128xi32, #tpu.memory_space<vmem>> -> memref<128xi32, #tpu.memory_space<vmem>>
        %dma_wait3A_58 = arith.constant 0 : i32
        %dma_wait3A_59 = arith.constant 0 : i32
        %dma_wait3A_60 = tpu.memref_slice %arg8[%dma_wait3A_58, %dma_wait3A_59] : memref<10112x16xf32, #tpu.memory_space<vmem_shared>> -> memref<10112x16xf32, #tpu.memory_space<vmem_shared>>
        tpu.wait_indirect_dma semaphore(%run_scoped3A : memref<!tpu.dma_semaphore, #tpu.memory_space<semaphore_mem>>) src(%arg12 : memref<128x16xf32, #tpu.memory_space<vmem>>) dst(%dma_wait3A_60 : memref<10112x16xf32, #tpu.memory_space<vmem_shared>>)
        tpu.yield
      }) : () -> ()
    }
    %scan3A_17 = arith.constant 20 : i32
    %barrier3A_18 = arith.constant 0 : index
    tpu.barrier barrier_id(%barrier3A_18)
    "tpu.region"() ({
      %run_scoped3A = tpu.sem_alloc : memref<!tpu.dma_semaphore, #tpu.memory_space<semaphore_mem>>
      %dma_start3A_19 = arith.constant 0 : i32
      %dma_start3A_20 = tpu.memref_slice %arg6[%arg0, %mul3A_2, %dma_start3A_19] : memref<2x10112x16xf32, #tpu.memory_space<hbm>> -> memref<1x632x16xf32, #tpu.memory_space<hbm>>
      %dma_start3A_21 = tpu.memref_squeeze %dma_start3A_20 : memref<1x632x16xf32, #tpu.memory_space<hbm>> -> memref<632x16xf32, #tpu.memory_space<hbm>>
      %dma_start3A_22 = arith.constant 0 : i32
      %dma_start3A_23 = tpu.memref_slice %arg8[%mul3A_2, %dma_start3A_22] : memref<10112x16xf32, #tpu.memory_space<vmem_shared>> -> memref<632x16xf32, #tpu.memory_space<vmem_shared>>
      tpu.enqueue_dma source(%dma_start3A_23 : memref<632x16xf32, #tpu.memory_space<vmem_shared>>) target(%dma_start3A_21 : memref<632x16xf32, #tpu.memory_space<hbm>>) target_semaphore(%run_scoped3A : memref<!tpu.dma_semaphore, #tpu.memory_space<semaphore_mem>>)
      %dma_wait3A = arith.constant 0 : i32
      %dma_wait3A_24 = tpu.memref_slice %arg6[%arg0, %mul3A_2, %dma_wait3A] : memref<2x10112x16xf32, #tpu.memory_space<hbm>> -> memref<1x632x16xf32, #tpu.memory_space<hbm>>
      %dma_wait3A_25 = tpu.memref_squeeze %dma_wait3A_24 : memref<1x632x16xf32, #tpu.memory_space<hbm>> -> memref<632x16xf32, #tpu.memory_space<hbm>>
      %dma_wait3A_26 = arith.constant 0 : i32
      %dma_wait3A_27 = tpu.memref_slice %arg8[%mul3A_2, %dma_wait3A_26] : memref<10112x16xf32, #tpu.memory_space<vmem_shared>> -> memref<632x16xf32, #tpu.memory_space<vmem_shared>>
      tpu.wait_dma2 semaphore(%run_scoped3A : memref<!tpu.dma_semaphore, #tpu.memory_space<semaphore_mem>>) src(%dma_wait3A_27 : memref<632x16xf32, #tpu.memory_space<vmem_shared>>) dst(%dma_wait3A_25 : memref<632x16xf32, #tpu.memory_space<hbm>>)
      tpu.yield
    }) : () -> ()
    return
  }
}

#map = affine_map<(d0, d1) -> (0, 0)>
#map1 = affine_map<(d0, d1) -> (0, 0, 0)>
module attributes {stable_mosaic.version = 14 : i64} {
  func.func @kern(%arg0: i32, %arg1: i32, %arg2: memref<1280x128xi32, #tpu.memory_space<hbm>>, %arg3: memref<1280x128xi32, #tpu.memory_space<hbm>>, %arg4: memref<10112x16xf32, #tpu.memory_space<hbm>>, %arg5: memref<10112x16xf32, #tpu.memory_space<hbm>>, %arg6: memref<2x10112x16xf32, #tpu.memory_space<hbm>>, %arg7: memref<10112x16xf32, #tpu.memory_space<vmem_shared>>, %arg8: memref<10112x16xf32, #tpu.memory_space<vmem_shared>>, %arg9: memref<40x128xi32, #tpu.memory_space<vmem>>, %arg10: memref<40x128xi32, #tpu.memory_space<vmem>>, %arg11: memref<128x16xf32, #tpu.memory_space<vmem>>, %arg12: memref<128x16xf32, #tpu.memory_space<vmem>>, %arg13: memref<!tpu.dma_semaphore, #tpu.memory_space<semaphore_mem>>, %arg14: memref<!tpu.dma_semaphore, #tpu.memory_space<semaphore_mem>>) attributes {dimension_semantics = [#tpu.dimension_semantics<core_parallel>, #tpu.dimension_semantics<subcore_parallel>], iteration_bounds = array<i64: 2, 16>, scalar_prefetch = 0 : i64, scratch_operands = 8 : i64, tpu.core_type = #tpu.core_type<sc_vector_subcore>, window_params = [{transform_indices = #map}, {transform_indices = #map}, {transform_indices = #map}, {transform_indices = #map}, {transform_indices = #map1}]} {
    %mul3A = arith.constant 16 : i32
    %mul3A_0 = arith.muli %arg0, %mul3A : i32
    %add3A = arith.addi %mul3A_0, %arg1 : i32
    %mul3A_1 = arith.constant 632 : i32
    %mul3A_2 = arith.muli %arg1, %mul3A_1 : i32
    "tpu.region"() ({
      %run_scoped3A = tpu.sem_alloc : memref<!tpu.dma_semaphore, #tpu.memory_space<semaphore_mem>>
      %dma_start3A_19 = arith.constant 0 : i32
      %dma_start3A_20 = tpu.memref_slice %arg7[%mul3A_2, %dma_start3A_19] : memref<10112x16xf32, #tpu.memory_space<vmem_shared>> -> memref<632x16xf32, #tpu.memory_space<vmem_shared>>
      %dma_start3A_21 = arith.constant 0 : i32
      %dma_start3A_22 = tpu.memref_slice %arg4[%mul3A_2, %dma_start3A_21] : memref<10112x16xf32, #tpu.memory_space<hbm>> -> memref<632x16xf32, #tpu.memory_space<hbm>>
      tpu.enqueue_dma source(%dma_start3A_22 : memref<632x16xf32, #tpu.memory_space<hbm>>) target(%dma_start3A_20 : memref<632x16xf32, #tpu.memory_space<vmem_shared>>) target_semaphore(%run_scoped3A : memref<!tpu.dma_semaphore, #tpu.memory_space<semaphore_mem>>)
      %dma_wait3A = arith.constant 0 : i32
      %dma_wait3A_23 = tpu.memref_slice %arg7[%mul3A_2, %dma_wait3A] : memref<10112x16xf32, #tpu.memory_space<vmem_shared>> -> memref<632x16xf32, #tpu.memory_space<vmem_shared>>
      %dma_wait3A_24 = arith.constant 0 : i32
      %dma_wait3A_25 = tpu.memref_slice %arg4[%mul3A_2, %dma_wait3A_24] : memref<10112x16xf32, #tpu.memory_space<hbm>> -> memref<632x16xf32, #tpu.memory_space<hbm>>
      tpu.wait_dma2 semaphore(%run_scoped3A : memref<!tpu.dma_semaphore, #tpu.memory_space<semaphore_mem>>) src(%dma_wait3A_25 : memref<632x16xf32, #tpu.memory_space<hbm>>) dst(%dma_wait3A_23 : memref<632x16xf32, #tpu.memory_space<vmem_shared>>)
      tpu.yield
    }) : () -> ()
    "tpu.region"() ({
      %run_scoped3A = tpu.sem_alloc : memref<!tpu.dma_semaphore, #tpu.memory_space<semaphore_mem>>
      %dma_start3A_19 = arith.constant 0 : i32
      %dma_start3A_20 = tpu.memref_slice %arg8[%mul3A_2, %dma_start3A_19] : memref<10112x16xf32, #tpu.memory_space<vmem_shared>> -> memref<632x16xf32, #tpu.memory_space<vmem_shared>>
      %dma_start3A_21 = arith.constant 0 : i32
      %dma_start3A_22 = tpu.memref_slice %arg5[%mul3A_2, %dma_start3A_21] : memref<10112x16xf32, #tpu.memory_space<hbm>> -> memref<632x16xf32, #tpu.memory_space<hbm>>
      tpu.enqueue_dma source(%dma_start3A_22 : memref<632x16xf32, #tpu.memory_space<hbm>>) target(%dma_start3A_20 : memref<632x16xf32, #tpu.memory_space<vmem_shared>>) target_semaphore(%run_scoped3A : memref<!tpu.dma_semaphore, #tpu.memory_space<semaphore_mem>>)
      %dma_wait3A = arith.constant 0 : i32
      %dma_wait3A_23 = tpu.memref_slice %arg8[%mul3A_2, %dma_wait3A] : memref<10112x16xf32, #tpu.memory_space<vmem_shared>> -> memref<632x16xf32, #tpu.memory_space<vmem_shared>>
      %dma_wait3A_24 = arith.constant 0 : i32
      %dma_wait3A_25 = tpu.memref_slice %arg5[%mul3A_2, %dma_wait3A_24] : memref<10112x16xf32, #tpu.memory_space<hbm>> -> memref<632x16xf32, #tpu.memory_space<hbm>>
      tpu.wait_dma2 semaphore(%run_scoped3A : memref<!tpu.dma_semaphore, #tpu.memory_space<semaphore_mem>>) src(%dma_wait3A_25 : memref<632x16xf32, #tpu.memory_space<hbm>>) dst(%dma_wait3A_23 : memref<632x16xf32, #tpu.memory_space<vmem_shared>>)
      tpu.yield
    }) : () -> ()
    %mul3A_3 = arith.constant 40 : i32
    %mul3A_4 = arith.muli %add3A, %mul3A_3 : i32
    "tpu.region"() ({
      %run_scoped3A = tpu.sem_alloc : memref<!tpu.dma_semaphore, #tpu.memory_space<semaphore_mem>>
      %dma_start3A_19 = arith.constant 0 : i32
      %dma_start3A_20 = tpu.memref_slice %arg2[%mul3A_4, %dma_start3A_19] : memref<1280x128xi32, #tpu.memory_space<hbm>> -> memref<40x128xi32, #tpu.memory_space<hbm>>
      %dma_start3A_21 = arith.constant 0 : i32
      %dma_start3A_22 = tpu.memref_slice %arg2[%mul3A_4, %dma_start3A_21] : memref<1280x128xi32, #tpu.memory_space<hbm>> -> memref<40x128xi32, #tpu.memory_space<hbm>>
      tpu.enqueue_dma source(%dma_start3A_22 : memref<40x128xi32, #tpu.memory_space<hbm>>) target(%arg9 : memref<40x128xi32, #tpu.memory_space<vmem>>) target_semaphore(%run_scoped3A : memref<!tpu.dma_semaphore, #tpu.memory_space<semaphore_mem>>)
      %dma_wait3A = arith.constant 0 : i32
      %dma_wait3A_23 = tpu.memref_slice %arg2[%mul3A_4, %dma_wait3A] : memref<1280x128xi32, #tpu.memory_space<hbm>> -> memref<40x128xi32, #tpu.memory_space<hbm>>
      %dma_wait3A_24 = arith.constant 0 : i32
      %dma_wait3A_25 = tpu.memref_slice %arg2[%mul3A_4, %dma_wait3A_24] : memref<1280x128xi32, #tpu.memory_space<hbm>> -> memref<40x128xi32, #tpu.memory_space<hbm>>
      tpu.wait_dma2 semaphore(%run_scoped3A : memref<!tpu.dma_semaphore, #tpu.memory_space<semaphore_mem>>) src(%dma_wait3A_25 : memref<40x128xi32, #tpu.memory_space<hbm>>) dst(%arg9 : memref<40x128xi32, #tpu.memory_space<vmem>>)
      tpu.yield
    }) : () -> ()
    %mul3A_5 = arith.constant 40 : i32
    %mul3A_6 = arith.muli %add3A, %mul3A_5 : i32
    "tpu.region"() ({
      %run_scoped3A = tpu.sem_alloc : memref<!tpu.dma_semaphore, #tpu.memory_space<semaphore_mem>>
      %dma_start3A_19 = arith.constant 0 : i32
      %dma_start3A_20 = tpu.memref_slice %arg3[%mul3A_6, %dma_start3A_19] : memref<1280x128xi32, #tpu.memory_space<hbm>> -> memref<40x128xi32, #tpu.memory_space<hbm>>
      %dma_start3A_21 = arith.constant 0 : i32
      %dma_start3A_22 = tpu.memref_slice %arg3[%mul3A_6, %dma_start3A_21] : memref<1280x128xi32, #tpu.memory_space<hbm>> -> memref<40x128xi32, #tpu.memory_space<hbm>>
      tpu.enqueue_dma source(%dma_start3A_22 : memref<40x128xi32, #tpu.memory_space<hbm>>) target(%arg10 : memref<40x128xi32, #tpu.memory_space<vmem>>) target_semaphore(%run_scoped3A : memref<!tpu.dma_semaphore, #tpu.memory_space<semaphore_mem>>)
      %dma_wait3A = arith.constant 0 : i32
      %dma_wait3A_23 = tpu.memref_slice %arg3[%mul3A_6, %dma_wait3A] : memref<1280x128xi32, #tpu.memory_space<hbm>> -> memref<40x128xi32, #tpu.memory_space<hbm>>
      %dma_wait3A_24 = arith.constant 0 : i32
      %dma_wait3A_25 = tpu.memref_slice %arg3[%mul3A_6, %dma_wait3A_24] : memref<1280x128xi32, #tpu.memory_space<hbm>> -> memref<40x128xi32, #tpu.memory_space<hbm>>
      tpu.wait_dma2 semaphore(%run_scoped3A : memref<!tpu.dma_semaphore, #tpu.memory_space<semaphore_mem>>) src(%dma_wait3A_25 : memref<40x128xi32, #tpu.memory_space<hbm>>) dst(%arg10 : memref<40x128xi32, #tpu.memory_space<vmem>>)
      tpu.yield
    }) : () -> ()
    %barrier3A = arith.constant 0 : index
    tpu.barrier barrier_id(%barrier3A)
    %dma_start3A = arith.constant 0 : i32
    %dma_start3A_7 = arith.constant 0 : i32
    %dma_start3A_8 = tpu.memref_slice %arg9[%dma_start3A, %dma_start3A_7] : memref<40x128xi32, #tpu.memory_space<vmem>> -> memref<1x128xi32, #tpu.memory_space<vmem>>
    %dma_start3A_9 = tpu.memref_squeeze %dma_start3A_8 : memref<1x128xi32, #tpu.memory_space<vmem>> -> memref<128xi32, #tpu.memory_space<vmem>>
    %dma_start3A_10 = arith.constant 0 : i32
    %dma_start3A_11 = arith.constant 0 : i32
    %dma_start3A_12 = tpu.memref_slice %arg7[%dma_start3A_10, %dma_start3A_11] : memref<10112x16xf32, #tpu.memory_space<vmem_shared>> -> memref<10112x16xf32, #tpu.memory_space<vmem_shared>>
    tpu.enqueue_indirect_dma source(%dma_start3A_12 : memref<10112x16xf32, #tpu.memory_space<vmem_shared>>) target(%arg11 : memref<128x16xf32, #tpu.memory_space<vmem>>) offsets(%dma_start3A_9 : memref<128xi32, #tpu.memory_space<vmem>>) semaphore(%arg13 : memref<!tpu.dma_semaphore, #tpu.memory_space<semaphore_mem>>)
    %scan3A = arith.constant 0 : i32
    %scan3A_13 = arith.constant 0 : i32
    %scan3A_14 = arith.constant 20 : i32
    %scan3A_15 = arith.addi %scan3A_13, %scan3A_14 : i32
    %scan3A_16 = arith.constant 1 : i32
    scf.for %scan3A_19 = %scan3A_13 to %scan3A_15 step %scan3A_16  : i32 {
      %mul3A_20 = arith.constant 2 : i32
      %mul3A_21 = arith.muli %mul3A_20, %scan3A_19 : i32
      %add3A_22 = arith.constant 1 : i32
      %add3A_23 = arith.addi %mul3A_21, %add3A_22 : i32
      %dma_start3A_24 = arith.constant 0 : i32
      %dma_start3A_25 = tpu.memref_slice %arg9[%add3A_23, %dma_start3A_24] : memref<40x128xi32, #tpu.memory_space<vmem>> -> memref<1x128xi32, #tpu.memory_space<vmem>>
      %dma_start3A_26 = tpu.memref_squeeze %dma_start3A_25 : memref<1x128xi32, #tpu.memory_space<vmem>> -> memref<128xi32, #tpu.memory_space<vmem>>
      %dma_start3A_27 = arith.constant 0 : i32
      %dma_start3A_28 = arith.constant 0 : i32
      %dma_start3A_29 = tpu.memref_slice %arg7[%dma_start3A_27, %dma_start3A_28] : memref<10112x16xf32, #tpu.memory_space<vmem_shared>> -> memref<10112x16xf32, #tpu.memory_space<vmem_shared>>
      tpu.enqueue_indirect_dma source(%dma_start3A_29 : memref<10112x16xf32, #tpu.memory_space<vmem_shared>>) target(%arg12 : memref<128x16xf32, #tpu.memory_space<vmem>>) offsets(%dma_start3A_26 : memref<128xi32, #tpu.memory_space<vmem>>) semaphore(%arg14 : memref<!tpu.dma_semaphore, #tpu.memory_space<semaphore_mem>>)
      %dma_wait3A = arith.constant 0 : i32
      %dma_wait3A_30 = tpu.memref_slice %arg9[%mul3A_21, %dma_wait3A] : memref<40x128xi32, #tpu.memory_space<vmem>> -> memref<1x128xi32, #tpu.memory_space<vmem>>
      %dma_wait3A_31 = tpu.memref_squeeze %dma_wait3A_30 : memref<1x128xi32, #tpu.memory_space<vmem>> -> memref<128xi32, #tpu.memory_space<vmem>>
      %dma_wait3A_32 = arith.constant 0 : i32
      %dma_wait3A_33 = arith.constant 0 : i32
      %dma_wait3A_34 = tpu.memref_slice %arg7[%dma_wait3A_32, %dma_wait3A_33] : memref<10112x16xf32, #tpu.memory_space<vmem_shared>> -> memref<10112x16xf32, #tpu.memory_space<vmem_shared>>
      tpu.wait_indirect_dma semaphore(%arg13 : memref<!tpu.dma_semaphore, #tpu.memory_space<semaphore_mem>>) src(%dma_wait3A_34 : memref<10112x16xf32, #tpu.memory_space<vmem_shared>>) dst(%arg11 : memref<128x16xf32, #tpu.memory_space<vmem>>)
      "tpu.region"() ({
        %run_scoped3A = tpu.sem_alloc : memref<!tpu.dma_semaphore, #tpu.memory_space<semaphore_mem>>
        %dma_start3A_49 = arith.constant 0 : i32
        %dma_start3A_50 = tpu.memref_slice %arg10[%mul3A_21, %dma_start3A_49] : memref<40x128xi32, #tpu.memory_space<vmem>> -> memref<1x128xi32, #tpu.memory_space<vmem>>
        %dma_start3A_51 = tpu.memref_squeeze %dma_start3A_50 : memref<1x128xi32, #tpu.memory_space<vmem>> -> memref<128xi32, #tpu.memory_space<vmem>>
        %dma_start3A_52 = arith.constant 0 : i32
        %dma_start3A_53 = arith.constant 0 : i32
        %dma_start3A_54 = tpu.memref_slice %arg8[%dma_start3A_52, %dma_start3A_53] : memref<10112x16xf32, #tpu.memory_space<vmem_shared>> -> memref<10112x16xf32, #tpu.memory_space<vmem_shared>>
        tpu.enqueue_indirect_dma source(%arg11 : memref<128x16xf32, #tpu.memory_space<vmem>>) target(%dma_start3A_54 : memref<10112x16xf32, #tpu.memory_space<vmem_shared>>) offsets(%dma_start3A_51 : memref<128xi32, #tpu.memory_space<vmem>>) semaphore(%run_scoped3A : memref<!tpu.dma_semaphore, #tpu.memory_space<semaphore_mem>>) {add = true}
        %dma_wait3A_55 = arith.constant 0 : i32
        %dma_wait3A_56 = tpu.memref_slice %arg10[%mul3A_21, %dma_wait3A_55] : memref<40x128xi32, #tpu.memory_space<vmem>> -> memref<1x128xi32, #tpu.memory_space<vmem>>
        %dma_wait3A_57 = tpu.memref_squeeze %dma_wait3A_56 : memref<1x128xi32, #tpu.memory_space<vmem>> -> memref<128xi32, #tpu.memory_space<vmem>>
        %dma_wait3A_58 = arith.constant 0 : i32
        %dma_wait3A_59 = arith.constant 0 : i32
        %dma_wait3A_60 = tpu.memref_slice %arg8[%dma_wait3A_58, %dma_wait3A_59] : memref<10112x16xf32, #tpu.memory_space<vmem_shared>> -> memref<10112x16xf32, #tpu.memory_space<vmem_shared>>
        tpu.wait_indirect_dma semaphore(%run_scoped3A : memref<!tpu.dma_semaphore, #tpu.memory_space<semaphore_mem>>) src(%arg11 : memref<128x16xf32, #tpu.memory_space<vmem>>) dst(%dma_wait3A_60 : memref<10112x16xf32, #tpu.memory_space<vmem_shared>>)
        tpu.yield
      }) : () -> ()
      %add3A_35 = arith.constant 2 : i32
      %add3A_36 = arith.addi %mul3A_21, %add3A_35 : i32
      %lt3A = arith.constant 40 : i32
      %lt3A_37 = arith.cmpi slt, %add3A_36, %lt3A : i32
      %convert_element_type3A = arith.extui %lt3A_37 : i1 to i32
      %cond3A = arith.constant 0 : i32
      %cond3A_38 = arith.cmpi ne, %convert_element_type3A, %cond3A : i32
      scf.if %cond3A_38 {
        %add3A_49 = arith.constant 2 : i32
        %add3A_50 = arith.addi %mul3A_21, %add3A_49 : i32
        %dma_start3A_51 = arith.constant 0 : i32
        %dma_start3A_52 = tpu.memref_slice %arg9[%add3A_50, %dma_start3A_51] : memref<40x128xi32, #tpu.memory_space<vmem>> -> memref<1x128xi32, #tpu.memory_space<vmem>>
        %dma_start3A_53 = tpu.memref_squeeze %dma_start3A_52 : memref<1x128xi32, #tpu.memory_space<vmem>> -> memref<128xi32, #tpu.memory_space<vmem>>
        %dma_start3A_54 = arith.constant 0 : i32
        %dma_start3A_55 = arith.constant 0 : i32
        %dma_start3A_56 = tpu.memref_slice %arg7[%dma_start3A_54, %dma_start3A_55] : memref<10112x16xf32, #tpu.memory_space<vmem_shared>> -> memref<10112x16xf32, #tpu.memory_space<vmem_shared>>
        tpu.enqueue_indirect_dma source(%dma_start3A_56 : memref<10112x16xf32, #tpu.memory_space<vmem_shared>>) target(%arg11 : memref<128x16xf32, #tpu.memory_space<vmem>>) offsets(%dma_start3A_53 : memref<128xi32, #tpu.memory_space<vmem>>) semaphore(%arg13 : memref<!tpu.dma_semaphore, #tpu.memory_space<semaphore_mem>>)
      } else {
      }
      %add3A_39 = arith.constant 1 : i32
      %add3A_40 = arith.addi %mul3A_21, %add3A_39 : i32
      %dma_wait3A_41 = arith.constant 0 : i32
      %dma_wait3A_42 = tpu.memref_slice %arg9[%add3A_40, %dma_wait3A_41] : memref<40x128xi32, #tpu.memory_space<vmem>> -> memref<1x128xi32, #tpu.memory_space<vmem>>
      %dma_wait3A_43 = tpu.memref_squeeze %dma_wait3A_42 : memref<1x128xi32, #tpu.memory_space<vmem>> -> memref<128xi32, #tpu.memory_space<vmem>>
      %dma_wait3A_44 = arith.constant 0 : i32
      %dma_wait3A_45 = arith.constant 0 : i32
      %dma_wait3A_46 = tpu.memref_slice %arg7[%dma_wait3A_44, %dma_wait3A_45] : memref<10112x16xf32, #tpu.memory_space<vmem_shared>> -> memref<10112x16xf32, #tpu.memory_space<vmem_shared>>
      tpu.wait_indirect_dma semaphore(%arg14 : memref<!tpu.dma_semaphore, #tpu.memory_space<semaphore_mem>>) src(%dma_wait3A_46 : memref<10112x16xf32, #tpu.memory_space<vmem_shared>>) dst(%arg12 : memref<128x16xf32, #tpu.memory_space<vmem>>)
      %add3A_47 = arith.constant 1 : i32
      %add3A_48 = arith.addi %mul3A_21, %add3A_47 : i32
      "tpu.region"() ({
        %run_scoped3A = tpu.sem_alloc : memref<!tpu.dma_semaphore, #tpu.memory_space<semaphore_mem>>
        %dma_start3A_49 = arith.constant 0 : i32
        %dma_start3A_50 = tpu.memref_slice %arg10[%add3A_48, %dma_start3A_49] : memref<40x128xi32, #tpu.memory_space<vmem>> -> memref<1x128xi32, #tpu.memory_space<vmem>>
        %dma_start3A_51 = tpu.memref_squeeze %dma_start3A_50 : memref<1x128xi32, #tpu.memory_space<vmem>> -> memref<128xi32, #tpu.memory_space<vmem>>
        %dma_start3A_52 = arith.constant 0 : i32
        %dma_start3A_53 = arith.constant 0 : i32
        %dma_start3A_54 = tpu.memref_slice %arg8[%dma_start3A_52, %dma_start3A_53] : memref<10112x16xf32, #tpu.memory_space<vmem_shared>> -> memref<10112x16xf32, #tpu.memory_space<vmem_shared>>
        tpu.enqueue_indirect_dma source(%arg12 : memref<128x16xf32, #tpu.memory_space<vmem>>) target(%dma_start3A_54 : memref<10112x16xf32, #tpu.memory_space<vmem_shared>>) offsets(%dma_start3A_51 : memref<128xi32, #tpu.memory_space<vmem>>) semaphore(%run_scoped3A : memref<!tpu.dma_semaphore, #tpu.memory_space<semaphore_mem>>) {add = true}
        %dma_wait3A_55 = arith.constant 0 : i32
        %dma_wait3A_56 = tpu.memref_slice %arg10[%add3A_48, %dma_wait3A_55] : memref<40x128xi32, #tpu.memory_space<vmem>> -> memref<1x128xi32, #tpu.memory_space<vmem>>
        %dma_wait3A_57 = tpu.memref_squeeze %dma_wait3A_56 : memref<1x128xi32, #tpu.memory_space<vmem>> -> memref<128xi32, #tpu.memory_space<vmem>>
        %dma_wait3A_58 = arith.constant 0 : i32
        %dma_wait3A_59 = arith.constant 0 : i32
        %dma_wait3A_60 = tpu.memref_slice %arg8[%dma_wait3A_58, %dma_wait3A_59] : memref<10112x16xf32, #tpu.memory_space<vmem_shared>> -> memref<10112x16xf32, #tpu.memory_space<vmem_shared>>
        tpu.wait_indirect_dma semaphore(%run_scoped3A : memref<!tpu.dma_semaphore, #tpu.memory_space<semaphore_mem>>) src(%arg12 : memref<128x16xf32, #tpu.memory_space<vmem>>) dst(%dma_wait3A_60 : memref<10112x16xf32, #tpu.memory_space<vmem_shared>>)
        tpu.yield
      }) : () -> ()
    }
    %scan3A_17 = arith.constant 20 : i32
    %barrier3A_18 = arith.constant 0 : index
    tpu.barrier barrier_id(%barrier3A_18)
    "tpu.region"() ({
      %run_scoped3A = tpu.sem_alloc : memref<!tpu.dma_semaphore, #tpu.memory_space<semaphore_mem>>
      %dma_start3A_19 = arith.constant 0 : i32
      %dma_start3A_20 = tpu.memref_slice %arg6[%arg0, %mul3A_2, %dma_start3A_19] : memref<2x10112x16xf32, #tpu.memory_space<hbm>> -> memref<1x632x16xf32, #tpu.memory_space<hbm>>
      %dma_start3A_21 = tpu.memref_squeeze %dma_start3A_20 : memref<1x632x16xf32, #tpu.memory_space<hbm>> -> memref<632x16xf32, #tpu.memory_space<hbm>>
      %dma_start3A_22 = arith.constant 0 : i32
      %dma_start3A_23 = tpu.memref_slice %arg8[%mul3A_2, %dma_start3A_22] : memref<10112x16xf32, #tpu.memory_space<vmem_shared>> -> memref<632x16xf32, #tpu.memory_space<vmem_shared>>
      tpu.enqueue_dma source(%dma_start3A_23 : memref<632x16xf32, #tpu.memory_space<vmem_shared>>) target(%dma_start3A_21 : memref<632x16xf32, #tpu.memory_space<hbm>>) target_semaphore(%run_scoped3A : memref<!tpu.dma_semaphore, #tpu.memory_space<semaphore_mem>>)
      %dma_wait3A = arith.constant 0 : i32
      %dma_wait3A_24 = tpu.memref_slice %arg6[%arg0, %mul3A_2, %dma_wait3A] : memref<2x10112x16xf32, #tpu.memory_space<hbm>> -> memref<1x632x16xf32, #tpu.memory_space<hbm>>
      %dma_wait3A_25 = tpu.memref_squeeze %dma_wait3A_24 : memref<1x632x16xf32, #tpu.memory_space<hbm>> -> memref<632x16xf32, #tpu.memory_space<hbm>>
      %dma_wait3A_26 = arith.constant 0 : i32
      %dma_wait3A_27 = tpu.memref_slice %arg8[%mul3A_2, %dma_wait3A_26] : memref<10112x16xf32, #tpu.memory_space<vmem_shared>> -> memref<632x16xf32, #tpu.memory_space<vmem_shared>>
      tpu.wait_dma2 semaphore(%run_scoped3A : memref<!tpu.dma_semaphore, #tpu.memory_space<semaphore_mem>>) src(%dma_wait3A_27 : memref<632x16xf32, #tpu.memory_space<vmem_shared>>) dst(%dma_wait3A_25 : memref<632x16xf32, #tpu.memory_space<hbm>>)
      tpu.yield
    }) : () -> ()
    return
  }
}

module attributes {stable_mosaic.version = 14 : i64} {
  func.func @body(%arg0: memref<1264x128xf32, #tpu.memory_space<vmem>>, %arg1: memref<1264x128xf32, #tpu.memory_space<vmem>>, %arg2: memref<1264x128xf32, #tpu.memory_space<vmem>>) attributes {dimension_semantics = [], scalar_prefetch = 0 : i64, scratch_operands = 0 : i64, tpu.core_type = #tpu.core_type<tc>} {
    %get3A = arith.constant 0 : index
    %get3A_0 = arith.constant 0 : index
    %get3A_1 = vector.load %arg1[%get3A, %get3A_0] : memref<1264x128xf32, #tpu.memory_space<vmem>>, vector<1264x128xf32>
    %gt3A = arith.constant 0.000000e+00 : f32
    %gt3A_2 = vector.broadcast %gt3A : f32 to vector<1264x128xf32>
    %gt3A_3 = arith.cmpf ogt, %get3A_1, %gt3A_2 : vector<1264x128xf32>
    %get3A_4 = arith.constant 0 : index
    %get3A_5 = arith.constant 0 : index
    %get3A_6 = vector.load %arg0[%get3A_4, %get3A_5] : memref<1264x128xf32, #tpu.memory_space<vmem>>, vector<1264x128xf32>
    %jit3A = arith.constant 1.000000e+00 : f32
    %broadcast_in_dim3A = vector.broadcast %jit3A : f32 to vector<1264x128xf32>
    %select_n3A = arith.select %gt3A_3, %get3A_1, %broadcast_in_dim3A : vector<1264x128xi1>, vector<1264x128xf32>
    %div3A = arith.divf %get3A_6, %select_n3A : vector<1264x128xf32>
    %jit3A_7 = arith.constant 0.000000e+00 : f32
    %broadcast_in_dim3A_8 = vector.broadcast %jit3A_7 : f32 to vector<1264x128xf32>
    %select_n3A_9 = arith.select %gt3A_3, %div3A, %broadcast_in_dim3A_8 : vector<1264x128xi1>, vector<1264x128xf32>
    %swap3A = arith.constant 0 : index
    %swap3A_10 = arith.constant 0 : index
    %swap3A_11 = vector.load %arg2[%swap3A, %swap3A_10] : memref<1264x128xf32, #tpu.memory_space<vmem>>, vector<1264x128xf32>
    tpu.vector_store %arg2[%swap3A, %swap3A_10], %select_n3A_9 {strides = array<i32>} : memref<1264x128xf32, #tpu.memory_space<vmem>>, vector<1264x128xf32>,
    return
  }
}

module attributes {stable_mosaic.version = 14 : i64} {
  func.func @body(%arg0: memref<2x1264x128xf32, #tpu.memory_space<vmem>>, %arg1: memref<2x1264x128xf32, #tpu.memory_space<vmem>>, %arg2: memref<2x1264x128xf32, #tpu.memory_space<vmem>>, %arg3: memref<1264x128xf32, #tpu.memory_space<vmem>>, %arg4: memref<1264x128xf32, #tpu.memory_space<vmem>>, %arg5: memref<1264x128xf32, #tpu.memory_space<vmem>>, %arg6: memref<1264x128xf32, #tpu.memory_space<vmem>>, %arg7: memref<1264x128xf32, #tpu.memory_space<vmem>>, %arg8: memref<1264x128xf32, #tpu.memory_space<vmem>>) attributes {dimension_semantics = [], scalar_prefetch = 0 : i64, scratch_operands = 0 : i64, tpu.core_type = #tpu.core_type<tc>} {
    %get3A = arith.constant 0 : index
    %get3A_0 = arith.constant 0 : index
    %get3A_1 = arith.constant 0 : index
    %get3A_2 = vector.load %arg1[%get3A, %get3A_0, %get3A_1] : memref<2x1264x128xf32, #tpu.memory_space<vmem>>, vector<1x1264x128xf32>
    %get3A_3 = vector.shape_cast %get3A_2 : vector<1x1264x128xf32> to vector<1264x128xf32>
    %get3A_4 = arith.constant 1 : index
    %get3A_5 = arith.constant 0 : index
    %get3A_6 = arith.constant 0 : index
    %get3A_7 = vector.load %arg1[%get3A_4, %get3A_5, %get3A_6] : memref<2x1264x128xf32, #tpu.memory_space<vmem>>, vector<1x1264x128xf32>
    %get3A_8 = vector.shape_cast %get3A_7 : vector<1x1264x128xf32> to vector<1264x128xf32>
    %add3A = arith.addf %get3A_3, %get3A_8 : vector<1264x128xf32>
    %max3A = arith.constant 1.000000e+00 : f32
    %max3A_9 = vector.broadcast %max3A : f32 to vector<1264x128xf32>
    %max3A_10 = arith.maximumf %add3A, %max3A_9 : vector<1264x128xf32>
    %rsqrt3A = math.rsqrt %max3A_10 : vector<1264x128xf32>
    %swap3A = arith.constant 0 : index
    %swap3A_11 = arith.constant 0 : index
    %swap3A_12 = vector.load %arg5[%swap3A, %swap3A_11] : memref<1264x128xf32, #tpu.memory_space<vmem>>, vector<1264x128xf32>
    tpu.vector_store %arg5[%swap3A, %swap3A_11], %rsqrt3A {strides = array<i32>} : memref<1264x128xf32, #tpu.memory_space<vmem>>, vector<1264x128xf32>,
    %get3A_13 = arith.constant 0 : index
    %get3A_14 = arith.constant 0 : index
    %get3A_15 = arith.constant 0 : index
    %get3A_16 = vector.load %arg2[%get3A_13, %get3A_14, %get3A_15] : memref<2x1264x128xf32, #tpu.memory_space<vmem>>, vector<1x1264x128xf32>
    %get3A_17 = vector.shape_cast %get3A_16 : vector<1x1264x128xf32> to vector<1264x128xf32>
    %get3A_18 = arith.constant 1 : index
    %get3A_19 = arith.constant 0 : index
    %get3A_20 = arith.constant 0 : index
    %get3A_21 = vector.load %arg2[%get3A_18, %get3A_19, %get3A_20] : memref<2x1264x128xf32, #tpu.memory_space<vmem>>, vector<1x1264x128xf32>
    %get3A_22 = vector.shape_cast %get3A_21 : vector<1x1264x128xf32> to vector<1264x128xf32>
    %add3A_23 = arith.addf %get3A_17, %get3A_22 : vector<1264x128xf32>
    %max3A_24 = arith.constant 1.000000e+00 : f32
    %max3A_25 = vector.broadcast %max3A_24 : f32 to vector<1264x128xf32>
    %max3A_26 = arith.maximumf %add3A_23, %max3A_25 : vector<1264x128xf32>
    %rsqrt3A_27 = math.rsqrt %max3A_26 : vector<1264x128xf32>
    %swap3A_28 = arith.constant 0 : index
    %swap3A_29 = arith.constant 0 : index
    %swap3A_30 = vector.load %arg6[%swap3A_28, %swap3A_29] : memref<1264x128xf32, #tpu.memory_space<vmem>>, vector<1264x128xf32>
    tpu.vector_store %arg6[%swap3A_28, %swap3A_29], %rsqrt3A_27 {strides = array<i32>} : memref<1264x128xf32, #tpu.memory_space<vmem>>, vector<1264x128xf32>,
    %get3A_31 = arith.constant 0 : index
    %get3A_32 = arith.constant 0 : index
    %get3A_33 = vector.load %arg3[%get3A_31, %get3A_32] : memref<1264x128xf32, #tpu.memory_space<vmem>>, vector<1264x128xf32>
    %get3A_34 = arith.constant 0 : index
    %get3A_35 = arith.constant 0 : index
    %get3A_36 = vector.load %arg6[%get3A_34, %get3A_35] : memref<1264x128xf32, #tpu.memory_space<vmem>>, vector<1264x128xf32>
    %mul3A = arith.mulf %get3A_33, %get3A_36 : vector<1264x128xf32>
    %swap3A_37 = arith.constant 0 : index
    %swap3A_38 = arith.constant 0 : index
    %swap3A_39 = vector.load %arg7[%swap3A_37, %swap3A_38] : memref<1264x128xf32, #tpu.memory_space<vmem>>, vector<1264x128xf32>
    tpu.vector_store %arg7[%swap3A_37, %swap3A_38], %mul3A {strides = array<i32>} : memref<1264x128xf32, #tpu.memory_space<vmem>>, vector<1264x128xf32>,
    %get3A_40 = arith.constant 0 : index
    %get3A_41 = arith.constant 0 : index
    %get3A_42 = arith.constant 0 : index
    %get3A_43 = vector.load %arg0[%get3A_40, %get3A_41, %get3A_42] : memref<2x1264x128xf32, #tpu.memory_space<vmem>>, vector<1x1264x128xf32>
    %get3A_44 = vector.shape_cast %get3A_43 : vector<1x1264x128xf32> to vector<1264x128xf32>
    %get3A_45 = arith.constant 1 : index
    %get3A_46 = arith.constant 0 : index
    %get3A_47 = arith.constant 0 : index
    %get3A_48 = vector.load %arg0[%get3A_45, %get3A_46, %get3A_47] : memref<2x1264x128xf32, #tpu.memory_space<vmem>>, vector<1x1264x128xf32>
    %get3A_49 = vector.shape_cast %get3A_48 : vector<1x1264x128xf32> to vector<1264x128xf32>
    %add3A_50 = arith.addf %get3A_44, %get3A_49 : vector<1264x128xf32>
    %get3A_51 = arith.constant 0 : index
    %get3A_52 = arith.constant 0 : index
    %get3A_53 = vector.load %arg4[%get3A_51, %get3A_52] : memref<1264x128xf32, #tpu.memory_space<vmem>>, vector<1264x128xf32>
    %add3A_54 = arith.addf %add3A_50, %get3A_53 : vector<1264x128xf32>
    %swap3A_55 = arith.constant 0 : index
    %swap3A_56 = arith.constant 0 : index
    %swap3A_57 = vector.load %arg8[%swap3A_55, %swap3A_56] : memref<1264x128xf32, #tpu.memory_space<vmem>>, vector<1264x128xf32>
    tpu.vector_store %arg8[%swap3A_55, %swap3A_56], %add3A_54 {strides = array<i32>} : memref<1264x128xf32, #tpu.memory_space<vmem>>, vector<1264x128xf32>,
    return
  }
}

module attributes {stable_mosaic.version = 14 : i64} {
  func.func @body(%arg0: memref<2x1264x128xf32, #tpu.memory_space<vmem>>, %arg1: memref<1264x128xf32, #tpu.memory_space<vmem>>, %arg2: memref<1264x128xf32, #tpu.memory_space<vmem>>, %arg3: memref<128x1024xf32, #tpu.memory_space<vmem>>, %arg4: memref<1x1024xf32, #tpu.memory_space<vmem>>, %arg5: memref<1024x128xf32, #tpu.memory_space<vmem>>, %arg6: memref<1264x128xf32, #tpu.memory_space<vmem>>, %arg7: memref<1264x1024xf32, #tpu.memory_space<vmem>>) attributes {dimension_semantics = [], scalar_prefetch = 0 : i64, scratch_operands = 0 : i64, tpu.core_type = #tpu.core_type<tc>} {
    %get3A = arith.constant 0 : index
    %get3A_0 = arith.constant 0 : index
    %get3A_1 = arith.constant 0 : index
    %get3A_2 = vector.load %arg0[%get3A, %get3A_0, %get3A_1] : memref<2x1264x128xf32, #tpu.memory_space<vmem>>, vector<1x1264x128xf32>
    %get3A_3 = vector.shape_cast %get3A_2 : vector<1x1264x128xf32> to vector<1264x128xf32>
    %get3A_4 = arith.constant 1 : index
    %get3A_5 = arith.constant 0 : index
    %get3A_6 = arith.constant 0 : index
    %get3A_7 = vector.load %arg0[%get3A_4, %get3A_5, %get3A_6] : memref<2x1264x128xf32, #tpu.memory_space<vmem>>, vector<1x1264x128xf32>
    %get3A_8 = vector.shape_cast %get3A_7 : vector<1x1264x128xf32> to vector<1264x128xf32>
    %add3A = arith.addf %get3A_3, %get3A_8 : vector<1264x128xf32>
    %get3A_9 = arith.constant 0 : index
    %get3A_10 = arith.constant 0 : index
    %get3A_11 = vector.load %arg1[%get3A_9, %get3A_10] : memref<1264x128xf32, #tpu.memory_space<vmem>>, vector<1264x128xf32>
    %mul3A = arith.mulf %add3A, %get3A_11 : vector<1264x128xf32>
    %get3A_12 = arith.constant 0 : index
    %get3A_13 = arith.constant 0 : index
    %get3A_14 = vector.load %arg3[%get3A_12, %get3A_13] : memref<128x1024xf32, #tpu.memory_space<vmem>>, vector<128x1024xf32>
    %dot_general3A = arith.constant dense<0.000000e+00> : vector<1264x1024xf32>
    %dot_general3A_15 = tpu.matmul %mul3A, %get3A_14, %dot_general3A {dimension_numbers = #tpu.dot_dimension_numbers<[1], [0], [0], [1], [0, 0, 1, 1], [], []>, transpose_lhs_hint = false} : vector<1264x128xf32>, vector<128x1024xf32>, vector<1264x1024xf32> -> vector<1264x1024xf32>
    %get3A_16 = arith.constant 0 : index
    %get3A_17 = arith.constant 0 : index
    %get3A_18 = vector.load %arg4[%get3A_16, %get3A_17] : memref<1x1024xf32, #tpu.memory_space<vmem>>, vector<1x1024xf32>
    %add3A_19 = vector.broadcast %get3A_18 : vector<1x1024xf32> to vector<1264x1024xf32>
    %add3A_20 = arith.addf %dot_general3A_15, %add3A_19 : vector<1264x1024xf32>
    %swap3A = arith.constant 0 : index
    %swap3A_21 = arith.constant 0 : index
    %swap3A_22 = vector.load %arg7[%swap3A, %swap3A_21] : memref<1264x1024xf32, #tpu.memory_space<vmem>>, vector<1264x1024xf32>
    tpu.vector_store %arg7[%swap3A, %swap3A_21], %add3A_20 {strides = array<i32>} : memref<1264x1024xf32, #tpu.memory_space<vmem>>, vector<1264x1024xf32>,
    %max3A = arith.constant 0.000000e+00 : f32
    %max3A_23 = vector.broadcast %max3A : f32 to vector<1264x1024xf32>
    %max3A_24 = arith.maximumf %add3A_20, %max3A_23 : vector<1264x1024xf32>
    %get3A_25 = arith.constant 0 : index
    %get3A_26 = arith.constant 0 : index
    %get3A_27 = vector.load %arg5[%get3A_25, %get3A_26] : memref<1024x128xf32, #tpu.memory_space<vmem>>, vector<1024x128xf32>
    %dot_general3A_28 = arith.constant dense<0.000000e+00> : vector<1264x128xf32>
    %dot_general3A_29 = tpu.matmul %max3A_24, %get3A_27, %dot_general3A_28 {dimension_numbers = #tpu.dot_dimension_numbers<[1], [0], [0], [1], [0, 0, 1, 1], [], []>, transpose_lhs_hint = false} : vector<1264x1024xf32>, vector<1024x128xf32>, vector<1264x128xf32> -> vector<1264x128xf32>
    %get3A_30 = arith.constant 0 : index
    %get3A_31 = arith.constant 0 : index
    %get3A_32 = vector.load %arg2[%get3A_30, %get3A_31] : memref<1264x128xf32, #tpu.memory_space<vmem>>, vector<1264x128xf32>
    %mul3A_33 = arith.mulf %dot_general3A_29, %get3A_32 : vector<1264x128xf32>
    %swap3A_34 = arith.constant 0 : index
    %swap3A_35 = arith.constant 0 : index
    %swap3A_36 = vector.load %arg6[%swap3A_34, %swap3A_35] : memref<1264x128xf32, #tpu.memory_space<vmem>>, vector<1264x128xf32>
    tpu.vector_store %arg6[%swap3A_34, %swap3A_35], %mul3A_33 {strides = array<i32>} : memref<1264x128xf32, #tpu.memory_space<vmem>>, vector<1264x128xf32>,
    return
  }
}

module attributes {stable_mosaic.version = 14 : i64} {
  func.func @body(%arg0: memref<2x1264x128xf32, #tpu.memory_space<vmem>>, %arg1: memref<1264x128xf32, #tpu.memory_space<vmem>>, %arg2: memref<1264x128xf32, #tpu.memory_space<vmem>>, %arg3: memref<1x128xf32, #tpu.memory_space<vmem>>, %arg4: memref<1264x128xf32, #tpu.memory_space<vmem>>) attributes {dimension_semantics = [], scalar_prefetch = 0 : i64, scratch_operands = 0 : i64, tpu.core_type = #tpu.core_type<tc>} {
    %get3A = arith.constant 0 : index
    %get3A_0 = arith.constant 0 : index
    %get3A_1 = arith.constant 0 : index
    %get3A_2 = vector.load %arg0[%get3A, %get3A_0, %get3A_1] : memref<2x1264x128xf32, #tpu.memory_space<vmem>>, vector<1x1264x128xf32>
    %get3A_3 = vector.shape_cast %get3A_2 : vector<1x1264x128xf32> to vector<1264x128xf32>
    %get3A_4 = arith.constant 1 : index
    %get3A_5 = arith.constant 0 : index
    %get3A_6 = arith.constant 0 : index
    %get3A_7 = vector.load %arg0[%get3A_4, %get3A_5, %get3A_6] : memref<2x1264x128xf32, #tpu.memory_space<vmem>>, vector<1x1264x128xf32>
    %get3A_8 = vector.shape_cast %get3A_7 : vector<1x1264x128xf32> to vector<1264x128xf32>
    %add3A = arith.addf %get3A_3, %get3A_8 : vector<1264x128xf32>
    %get3A_9 = arith.constant 0 : index
    %get3A_10 = arith.constant 0 : index
    %get3A_11 = vector.load %arg1[%get3A_9, %get3A_10] : memref<1264x128xf32, #tpu.memory_space<vmem>>, vector<1264x128xf32>
    %mul3A = arith.mulf %add3A, %get3A_11 : vector<1264x128xf32>
    %get3A_12 = arith.constant 0 : index
    %get3A_13 = arith.constant 0 : index
    %get3A_14 = vector.load %arg3[%get3A_12, %get3A_13] : memref<1x128xf32, #tpu.memory_space<vmem>>, vector<1x128xf32>
    %add3A_15 = vector.broadcast %get3A_14 : vector<1x128xf32> to vector<1264x128xf32>
    %add3A_16 = arith.addf %mul3A, %add3A_15 : vector<1264x128xf32>
    %get3A_17 = arith.constant 0 : index
    %get3A_18 = arith.constant 0 : index
    %get3A_19 = vector.load %arg2[%get3A_17, %get3A_18] : memref<1264x128xf32, #tpu.memory_space<vmem>>, vector<1264x128xf32>
    %add3A_20 = arith.addf %add3A_16, %get3A_19 : vector<1264x128xf32>
    %swap3A = arith.constant 0 : index
    %swap3A_21 = arith.constant 0 : index
    %swap3A_22 = vector.load %arg4[%swap3A, %swap3A_21] : memref<1264x128xf32, #tpu.memory_space<vmem>>, vector<1264x128xf32>
    tpu.vector_store %arg4[%swap3A, %swap3A_21], %add3A_20 {strides = array<i32>} : memref<1264x128xf32, #tpu.memory_space<vmem>>, vector<1264x128xf32>,
    return
  }
}

module attributes {stable_mosaic.version = 14 : i64} {
  func.func @body(%arg0: memref<2x1264x128xf32, #tpu.memory_space<vmem>>, %arg1: memref<1264x128xf32, #tpu.memory_space<vmem>>, %arg2: memref<1x1xf32, #tpu.memory_space<vmem>>, %arg3: memref<1264x128xf32, #tpu.memory_space<vmem>>, %arg4: memref<1264x128xf32, #tpu.memory_space<vmem>>) attributes {dimension_semantics = [], scalar_prefetch = 0 : i64, scratch_operands = 0 : i64, tpu.core_type = #tpu.core_type<tc>} {
    %get3A = arith.constant 0 : index
    %get3A_0 = arith.constant 0 : index
    %get3A_1 = vector.load %arg2[%get3A, %get3A_0] : memref<1x1xf32, #tpu.memory_space<vmem>>, vector<1x1xf32>
    %get3A_2 = vector.extract %get3A_1[0, 0] : f32 from vector<1x1xf32>
    %mul3A = arith.constant 5.000000e-01 : f32
    %mul3A_3 = arith.mulf %mul3A, %get3A_2 : f32
    %get3A_4 = arith.constant 0 : index
    %get3A_5 = arith.constant 0 : index
    %get3A_6 = arith.constant 0 : index
    %get3A_7 = vector.load %arg0[%get3A_4, %get3A_5, %get3A_6] : memref<2x1264x128xf32, #tpu.memory_space<vmem>>, vector<1x1264x128xf32>
    %get3A_8 = vector.shape_cast %get3A_7 : vector<1x1264x128xf32> to vector<1264x128xf32>
    %get3A_9 = arith.constant 1 : index
    %get3A_10 = arith.constant 0 : index
    %get3A_11 = arith.constant 0 : index
    %get3A_12 = vector.load %arg0[%get3A_9, %get3A_10, %get3A_11] : memref<2x1264x128xf32, #tpu.memory_space<vmem>>, vector<1x1264x128xf32>
    %get3A_13 = vector.shape_cast %get3A_12 : vector<1x1264x128xf32> to vector<1264x128xf32>
    %add3A = arith.addf %get3A_8, %get3A_13 : vector<1264x128xf32>
    %mul3A_14 = vector.broadcast %mul3A_3 : f32 to vector<1264x128xf32>
    %mul3A_15 = arith.mulf %mul3A_14, %add3A : vector<1264x128xf32>
    %swap3A = arith.constant 0 : index
    %swap3A_16 = arith.constant 0 : index
    %swap3A_17 = vector.load %arg3[%swap3A, %swap3A_16] : memref<1264x128xf32, #tpu.memory_space<vmem>>, vector<1264x128xf32>
    tpu.vector_store %arg3[%swap3A, %swap3A_16], %mul3A_15 {strides = array<i32>} : memref<1264x128xf32, #tpu.memory_space<vmem>>, vector<1264x128xf32>,
    %get3A_18 = arith.constant 0 : index
    %get3A_19 = arith.constant 0 : index
    %get3A_20 = vector.load %arg1[%get3A_18, %get3A_19] : memref<1264x128xf32, #tpu.memory_space<vmem>>, vector<1264x128xf32>
    %mul3A_21 = arith.mulf %mul3A_15, %get3A_20 : vector<1264x128xf32>
    %swap3A_22 = arith.constant 0 : index
    %swap3A_23 = arith.constant 0 : index
    %swap3A_24 = vector.load %arg4[%swap3A_22, %swap3A_23] : memref<1264x128xf32, #tpu.memory_space<vmem>>, vector<1264x128xf32>
    tpu.vector_store %arg4[%swap3A_22, %swap3A_23], %mul3A_21 {strides = array<i32>} : memref<1264x128xf32, #tpu.memory_space<vmem>>, vector<1264x128xf32>,
    return
  }
}

module attributes {stable_mosaic.version = 14 : i64} {
  func.func @body(%arg0: memref<2x1264x128xf32, #tpu.memory_space<vmem>>, %arg1: memref<1264x1024xf32, #tpu.memory_space<vmem>>, %arg2: memref<1264x128xf32, #tpu.memory_space<vmem>>, %arg3: memref<1264x128xf32, #tpu.memory_space<vmem>>, %arg4: memref<128x1024xf32, #tpu.memory_space<vmem>>, %arg5: memref<1024x128xf32, #tpu.memory_space<vmem>>, %arg6: memref<1264x128xf32, #tpu.memory_space<vmem>>) attributes {dimension_semantics = [], scalar_prefetch = 0 : i64, scratch_operands = 0 : i64, tpu.core_type = #tpu.core_type<tc>} {
    %get3A = arith.constant 0 : index
    %get3A_0 = arith.constant 0 : index
    %get3A_1 = arith.constant 0 : index
    %get3A_2 = vector.load %arg0[%get3A, %get3A_0, %get3A_1] : memref<2x1264x128xf32, #tpu.memory_space<vmem>>, vector<1x1264x128xf32>
    %get3A_3 = vector.shape_cast %get3A_2 : vector<1x1264x128xf32> to vector<1264x128xf32>
    %get3A_4 = arith.constant 1 : index
    %get3A_5 = arith.constant 0 : index
    %get3A_6 = arith.constant 0 : index
    %get3A_7 = vector.load %arg0[%get3A_4, %get3A_5, %get3A_6] : memref<2x1264x128xf32, #tpu.memory_space<vmem>>, vector<1x1264x128xf32>
    %get3A_8 = vector.shape_cast %get3A_7 : vector<1x1264x128xf32> to vector<1264x128xf32>
    %add3A = arith.addf %get3A_3, %get3A_8 : vector<1264x128xf32>
    %get3A_9 = arith.constant 0 : index
    %get3A_10 = arith.constant 0 : index
    %get3A_11 = vector.load %arg3[%get3A_9, %get3A_10] : memref<1264x128xf32, #tpu.memory_space<vmem>>, vector<1264x128xf32>
    %mul3A = arith.mulf %add3A, %get3A_11 : vector<1264x128xf32>
    %get3A_12 = arith.constant 0 : index
    %get3A_13 = arith.constant 0 : index
    %get3A_14 = vector.load %arg4[%get3A_12, %get3A_13] : memref<128x1024xf32, #tpu.memory_space<vmem>>, vector<128x1024xf32>
    %dot_general3A = arith.constant dense<0.000000e+00> : vector<1264x1024xf32>
    %dot_general3A_15 = tpu.matmul %mul3A, %get3A_14, %dot_general3A {dimension_numbers = #tpu.dot_dimension_numbers<[1], [0], [0], [1], [0, 0, 1, 1], [], []>, transpose_lhs_hint = false} : vector<1264x128xf32>, vector<128x1024xf32>, vector<1264x1024xf32> -> vector<1264x1024xf32>
    %get3A_16 = arith.constant 0 : index
    %get3A_17 = arith.constant 0 : index
    %get3A_18 = vector.load %arg1[%get3A_16, %get3A_17] : memref<1264x1024xf32, #tpu.memory_space<vmem>>, vector<1264x1024xf32>
    %gt3A = arith.constant 0.000000e+00 : f32
    %gt3A_19 = vector.broadcast %gt3A : f32 to vector<1264x1024xf32>
    %gt3A_20 = arith.cmpf ogt, %get3A_18, %gt3A_19 : vector<1264x1024xf32>
    %jit3A = arith.constant 0.000000e+00 : f32
    %broadcast_in_dim3A = vector.broadcast %jit3A : f32 to vector<1264x1024xf32>
    %select_n3A = arith.select %gt3A_20, %dot_general3A_15, %broadcast_in_dim3A : vector<1264x1024xi1>, vector<1264x1024xf32>
    %get3A_21 = arith.constant 0 : index
    %get3A_22 = arith.constant 0 : index
    %get3A_23 = vector.load %arg5[%get3A_21, %get3A_22] : memref<1024x128xf32, #tpu.memory_space<vmem>>, vector<1024x128xf32>
    %dot_general3A_24 = arith.constant dense<0.000000e+00> : vector<1264x128xf32>
    %dot_general3A_25 = tpu.matmul %select_n3A, %get3A_23, %dot_general3A_24 {dimension_numbers = #tpu.dot_dimension_numbers<[1], [0], [0], [1], [0, 0, 1, 1], [], []>, transpose_lhs_hint = false} : vector<1264x1024xf32>, vector<1024x128xf32>, vector<1264x128xf32> -> vector<1264x128xf32>
    %get3A_26 = arith.constant 0 : index
    %get3A_27 = arith.constant 0 : index
    %get3A_28 = vector.load %arg2[%get3A_26, %get3A_27] : memref<1264x128xf32, #tpu.memory_space<vmem>>, vector<1264x128xf32>
    %mul3A_29 = arith.mulf %dot_general3A_25, %get3A_28 : vector<1264x128xf32>
    %swap3A = arith.constant 0 : index
    %swap3A_30 = arith.constant 0 : index
    %swap3A_31 = vector.load %arg6[%swap3A, %swap3A_30] : memref<1264x128xf32, #tpu.memory_space<vmem>>, vector<1264x128xf32>
    tpu.vector_store %arg6[%swap3A, %swap3A_30], %mul3A_29 {strides = array<i32>} : memref<1264x128xf32, #tpu.memory_space<vmem>>, vector<1264x128xf32>,
    return
  }
}

module attributes {stable_mosaic.version = 14 : i64} {
  func.func @body(%arg0: memref<2x1264x128xf32, #tpu.memory_space<vmem>>, %arg1: memref<1264x128xf32, #tpu.memory_space<vmem>>, %arg2: memref<1264x128xf32, #tpu.memory_space<vmem>>, %arg3: memref<1264x128xf32, #tpu.memory_space<vmem>>) attributes {dimension_semantics = [], scalar_prefetch = 0 : i64, scratch_operands = 0 : i64, tpu.core_type = #tpu.core_type<tc>} {
    %get3A = arith.constant 0 : index
    %get3A_0 = arith.constant 0 : index
    %get3A_1 = arith.constant 0 : index
    %get3A_2 = vector.load %arg0[%get3A, %get3A_0, %get3A_1] : memref<2x1264x128xf32, #tpu.memory_space<vmem>>, vector<1x1264x128xf32>
    %get3A_3 = vector.shape_cast %get3A_2 : vector<1x1264x128xf32> to vector<1264x128xf32>
    %get3A_4 = arith.constant 1 : index
    %get3A_5 = arith.constant 0 : index
    %get3A_6 = arith.constant 0 : index
    %get3A_7 = vector.load %arg0[%get3A_4, %get3A_5, %get3A_6] : memref<2x1264x128xf32, #tpu.memory_space<vmem>>, vector<1x1264x128xf32>
    %get3A_8 = vector.shape_cast %get3A_7 : vector<1x1264x128xf32> to vector<1264x128xf32>
    %add3A = arith.addf %get3A_3, %get3A_8 : vector<1264x128xf32>
    %get3A_9 = arith.constant 0 : index
    %get3A_10 = arith.constant 0 : index
    %get3A_11 = vector.load %arg1[%get3A_9, %get3A_10] : memref<1264x128xf32, #tpu.memory_space<vmem>>, vector<1264x128xf32>
    %mul3A = arith.mulf %add3A, %get3A_11 : vector<1264x128xf32>
    %get3A_12 = arith.constant 0 : index
    %get3A_13 = arith.constant 0 : index
    %get3A_14 = vector.load %arg2[%get3A_12, %get3A_13] : memref<1264x128xf32, #tpu.memory_space<vmem>>, vector<1264x128xf32>
    %add3A_15 = arith.addf %mul3A, %get3A_14 : vector<1264x128xf32>
    %swap3A = arith.constant 0 : index
    %swap3A_16 = arith.constant 0 : index
    %swap3A_17 = vector.load %arg3[%swap3A, %swap3A_16] : memref<1264x128xf32, #tpu.memory_space<vmem>>, vector<1264x128xf32>
    tpu.vector_store %arg3[%swap3A, %swap3A_16], %add3A_15 {strides = array<i32>} : memref<1264x128xf32, #tpu.memory_space<vmem>>, vector<1264x128xf32>,
    return
  }
}

</mosaic_0001>

<sc_bundles>
// kernel: kernel.15.cloned.1.call-start
scs
__scs_entry_jumppad:
0x0: {  	(pc) =	sbr.rel $0x88, $3  }
0x1: {  	(tag) =	ssettag $0x0;
	lr =	simm.s32 $0x1  }
0x2: {  	[smem:$0x3F98] =	sst lr;
	_ =	strace $0xD0000000  }
0x3: {  	_ = 	snop  }
0x4: {  	_ = 	snop  }
0x5: {  	_ = 	snop  }
0x6: {  	_ = 	snop  }
0x7: {  	_ = 	snop  }
__scs_overlays_trampoline_lowered:
0x8: {  	[smem:$0x3FA7] =	sst s0  }
0x9: {  	[smem:$0x3FA8] =	sst s1  }
0xa: {  	[smem:$0x3FA9] =	sst s2  }
0xb: {  	[smem:$0x3FAA] =	sst s3  }
0xc: {  	[smem:$0x3FAB] =	sst s4  }
0xd: {  	[smem:$0x3FAC] =	sst s5  }
0xe: {  	[smem:$0x3FAD] =	sst s6  }
0xf: {  	[smem:$0x3FAE] =	sst s7  }
0x10: {  	[smem:$0x3FAF] =	sst s8  }
0x11: {  	[smem:$0x3FB0] =	sst s9;
	s0 =	simm.s32 @!p0 $0x0  }
0x12: {  	s1 =	sld [smem:$0x3F96];
	s0 =	simm.s32 @p0 $0x1  }
0x13: {  	[smem:$0x3FB1] =	sst s0;
	s0 =	simm.s32 @!p1 $0x0  }
0x14: {  	s2 =	sld [smem:$0x3F95];
	s0 =	simm.s32 @p1 $0x1  }
0x15: {  	[smem:$0x3FB2] =	sst s0;
	s0 =	simm.s32 @!p2 $0x0  }
0x16: {  	s3 =	sld [smem:$0x3FDB];
	s0 =	simm.s32 @p2 $0x1  }
0x17: {  	s4 =	simm.s32 $0x1BF5;
	[smem:$0x3FB4] =	sst s0  }
0x18: {  	s0 =	sld [smem:$0x3F97];
	_ =	swait.ge [sflag:s4], $0x0  }
0x19: {  	s7 =	sld [smem:$0x3F98]  }
0x1a: {  	s8 =	sadd.s32 $0xFFFFE003, lr  }
0x1b: {  	s9 =	sadd.s32 $0xFFFFFEF7, lr;
	s5 =	simm.s32 $0xFFFFFFFF;
	p2 =	slt.u32 s8, $0xFFFFF086  }
0x1c: {  	p1 =	slt.u32 s9, $0xF7A;
	s5 =	simm.s32 @!p2 $0x0  }
0x1d: {  	s5 =	simm.s32 @p1 $0x1;
	p0 =	seq.s32 s7, s2  }
0x1e: {  	s7 =	smul.u32 @!p0 $0xF7A, s2;
	p2 =	seq.s32 @!p0 s5, $0x0  }
0x1f: {  	s9 =	smul.u32 $0xF7A, s1;
	s8 =	simm.s32 @!p0 $0x1BF5;
	p2 =	por !p2, p0  }
0x20: {  	[sflag:s8] =	ssyncset.s32 @!p0 $0xFFFFF086;
	s6 =	sadd.s32 @!p0 s3, s7;
	s7 =	simm.s32 @!p0 $0x108  }
0x21: {  	s3 =	sadd.s32 s3, s9;
	s6 =	sadd.s32 @!p0 $0x88, s6;
	s7 =	simm.s32 @p2 $0x1082  }
0x22: {  	[simem:s7], [sflag:s8] =	dma.local @!p0 [hbm:s6], $0xF7A  }
0x23: {  	s9 =	sor.u32 $0xD0000000, s2;
	s6 =	simm.s32 $0x108;
	_ =	swait.ge @!p0 [sflag:s8], $0x0  }
0x24: {  	s3 =	sadd.s32 $0x88, s3;
	s6 =	simm.s32 @!p1 $0x1082;
	[sflag:s4] =	ssyncset.s32 $0xFFFFF086  }
0x25: {  	[simem:s6], [sflag:s4] =	dma.local [hbm:s3], $0xF7A  }
0x26: {  	[smem:$0x3F98] =	sst s1;
	(tag) =	ssettag s2;
	_ =	strace s9  }
0x27: {  	s1 =	sld [smem:$0x3FA8]  }
0x28: {  	s2 =	sld [smem:$0x3FA9]  }
0x29: {  	s4 =	sld [smem:$0x3FAB]  }
0x2a: {  	p0 =	seq.s32 s5, $0x0;
	s5 =	sld [smem:$0x3FAC]  }
0x2b: {  	s6 =	sld [smem:$0x3FAD]  }
0x2c: {  	s7 =	sld [smem:$0x3FAE]  }
0x2d: {  	s3 =	simm.s32 $0x108;
	s8 =	sld [smem:$0x3FAF]  }
0x2e: {  	s3 =	simm.s32 @!p0 $0x1082;
	s9 =	sld [smem:$0x3FB0]  }
0x2f: {  	lr =	sadd.s32 s0, s3;
	s0 =	sld [smem:$0x3FA7]  }
0x30: {  	s3 =	sld [smem:$0x3FAA]  }
0x31: {  	[smem:$0x3FB3] =	sst s10  }
0x32: {  	s10 =	sld [smem:$0x3FB1];
	_ =	sdelay $0x3  }
0x33: {  	p0 =	seq.s32 s10, $0x1;
	s10 =	sld [smem:$0x3FB3];
	_ =	sdelay $0x3  }
0x34: {  	[smem:$0x3FB3] =	sst s10  }
0x35: {  	s10 =	sld [smem:$0x3FB2];
	_ =	sdelay $0x3  }
0x36: {  	p1 =	seq.s32 s10, $0x1;
	s10 =	sld [smem:$0x3FB3];
	_ =	sdelay $0x3  }
0x37: {  	[smem:$0x3FB3] =	sst s10  }
0x38: {  	s10 =	sld [smem:$0x3FB4]  }
0x39: {  	_ = 	snop;
	(pc) =	sbr.ind lr, $3  }
0x3a: {  	_ = 	snop  }
0x3b: {  	_ = 	snop  }
0x3c: {  	p2 =	seq.s32 s10, $0x1;
	s10 =	sld [smem:$0x3FB3]  }
0x3d: {  	_ =	shalt  }
0x3e: {  	_ =	shalt  }
0x3f: {  	_ =	shalt  }
0x40: {  	_ =	shalt  }
0x41: {  	_ =	shalt  }
0x42: {  	_ =	shalt  }
0x43: {  	_ =	shalt  }
0x44: {  	_ =	shalt  }
0x45: {  	_ =	shalt  }
0x46: {  	_ =	shalt  }
0x47: {  	_ =	shalt  }
0x48: {  	_ =	shalt  }
0x49: {  	_ =	shalt  }
0x4a: {  	_ =	shalt  }
0x4b: {  	_ =	shalt  }
0x4c: {  	_ =	shalt  }
0x4d: {  	_ =	shalt  }
0x4e: {  	_ =	shalt  }
0x4f: {  	_ =	shalt  }
0x50: {  	_ =	shalt  }
0x51: {  	_ =	shalt  }
0x52: {  	_ =	shalt  }
0x53: {  	_ =	shalt  }
0x54: {  	_ =	shalt  }
0x55: {  	_ =	shalt  }
0x56: {  	_ =	shalt  }
0x57: {  	_ =	shalt  }
0x58: {  	_ =	shalt  }
0x59: {  	_ =	shalt  }
0x5a: {  	_ =	shalt  }
0x5b: {  	_ =	shalt  }
0x5c: {  	_ =	shalt  }
0x5d: {  	_ =	shalt  }
0x5e: {  	_ =	shalt  }
0x5f: {  	_ =	shalt  }
0x60: {  	_ =	shalt  }
0x61: {  	_ =	shalt  }
0x62: {  	_ =	shalt  }
0x63: {  	_ =	shalt  }
0x64: {  	_ =	shalt  }
0x65: {  	_ =	shalt  }
0x66: {  	_ =	shalt  }
0x67: {  	_ =	shalt  }
0x68: {  	_ =	shalt  }
0x69: {  	_ =	shalt  }
0x6a: {  	_ =	shalt  }
0x6b: {  	_ =	shalt  }
0x6c: {  	_ =	shalt  }
0x6d: {  	_ =	shalt  }
0x6e: {  	_ =	shalt  }
0x6f: {  	_ =	shalt  }
0x70: {  	_ =	shalt  }
0x71: {  	_ =	shalt  }
0x72: {  	_ =	shalt  }
0x73: {  	_ =	shalt  }
0x74: {  	_ =	shalt  }
0x75: {  	_ =	shalt  }
0x76: {  	_ =	shalt  }
0x77: {  	_ =	shalt  }
0x78: {  	_ =	shalt  }
0x79: {  	_ =	shalt  }
0x7a: {  	_ =	shalt  }
0x7b: {  	_ =	shalt  }
0x7c: {  	_ =	shalt  }
0x7d: {  	_ =	shalt  }
0x7e: {  	_ =	shalt  }
0x7f: {  	_ =	shalt  }
0x80: {  	_ =	shalt  }
0x81: {  	_ =	shalt  }
0x82: {  	_ =	shalt  }
0x83: {  	_ =	shalt  }
0x84: {  	_ =	shalt  }
0x85: {  	_ =	shalt  }
0x86: {  	_ =	shalt  }
0x87: {  	_ =	shalt  }
.Lfunc_end0:
.L_simem_size_0:
called_computation_lowered:
.L_overlay_start_0:
0x88: {  	s2 =	sld [smem:$0x3FD9]  }
0x89: {  	s3 =	sld [smem:$0x3FFE];
	_ =	sdelay $0x1  }
0x8a: {  	s1 =	srdreg.scid  }
0x8b: {  	s0 =	sand.u32 $0x1, s1  }
0x8c: {  	s17 =	sshll.u32 s0, $0xA;
	s2 =	sadd.s32 s3, s2  }
0x8d: {  	s2 =	sadd.s32 s2, s17  }
0x8e: {  	[smem:$0x3FBF] =	sst s2  }
0x8f: {  	_ = 	snop  }
0x90: {  	s2 =	sld [smem:$0x3FD0];
	(tm) =	ssettm $0x1  }
0x91: {  	s18 =	sld [smem:$0x3FFB];
	_ =	sdelay $0x3  }
0x92: {  	_ =	strace s18  }
0x93: {  	s3 =	sld [smem:$0x3FFC];
	_ =	sdelay $0x3  }
0x94: {  	_ =	strace s3  }
0x95: {  	s3 =	sld [smem:$0x3FFD];
	_ =	sdelay $0x3  }
0x96: {  	_ =	strace s3  }
0x97: {  	_ =	strace $0x8FFFFFFF  }
0x98: {  	s19 =	sld [smem:$0x3FDB];
	_ =	sdelay $0x1  }
0x99: {  	s4 =	simm.s32 $_scs_section_size  }
0x9a: {  	s5 =	simm.s32 $_size__tile_overlayer_lowered;
	s6 =	simm.s32 $_tile_overlayer_lowered  }
0x9b: {  	s22 =	simm.s32 $0x1BFF;
	s21 =	sshll.u32 s6, $0x1;
	s3 =	sadd.s32 s4, s19  }
0x9c: {  	s7 =	simm.s32 $0x0;
	s20 =	sshll.u32 s5, $0x1;
	s5 =	sadd.s32 s21, s3  }
0x9d: {  	[timem:s7], [sflag:s22] =	dma.local [hbm:s5], s20  }
0x9e: {  	_ =	swait.ge [sflag:s22], s20  }
0x9f: {  	s4 =	ssub.s32 $0x0, s20;
	[sflag:s22] =	ssyncset.done $0x0  }
0xa0: {  	[sflag:s22] =	ssyncadd.s32 s4;
	_ =	sdelay $0x1  }
0xa1: {  	s23 =	simm.s32 $0x1B8B  }
0xa2: {  	_ =	swait.ge [sflag:s23], $0x1  }
0xa3: {  	[sflag:s23] =	ssyncset.done $0x0  }
0xa4: {  	s25 =	simm.s32 $0x1B8E;
	s24 =	sld [smem:$0x3FFE];
	[sflag:s23] =	ssyncadd.s32 $0xFFFFFFFF  }
0xa5: {  	s26 =	simm.s32 $execute0_lowered;
	[smem:$0x3FD2] =	sst s25  }
0xa6: {  	s5 =	sshll.u32 s26, $0x1;
	_ =	strace $0x80000046;
	[dreg:$0x1] =	wrdreg $0xFFFFFFFF  }
0xa7: {  	s28 =	simm.s32 $_size_execute0_lowered;
	s3 =	sadd.s32 s3, s5;
	[dreg:$0x0] =	wrdreg $0x0  }
0xa8: {  	s5 =	sshll.u32 s28, $0x1;
	[dreg:$0x2] =	wrdreg s3  }
0xa9: {  	[dreg:$0x3] =	wrdreg s5  }
0xaa: {  	[dreg:$0x4] =	wrdreg $0xC0  }
0xab: {  	_ =	task [dreg:s7], $0x5FFFF  }
0xac: {  	[dreg:$0x1] =	wrdreg $0xFFFFFFFF  }
0xad: {  	[dreg:$0x0] =	wrdreg $0x60  }
0xae: {  	[dreg:$0x2] =	wrdreg s24  }
0xaf: {  	[dreg:$0x3] =	wrdreg s2  }
0xb0: {  	[dreg:$0x4] =	wrdreg $0x0  }
0xb1: {  	[dreg:$0x5] =	wrdreg $0x27800  }
0xb2: {  	[dreg:$0x6] =	wrdreg $0x4F000  }
0xb3: {  	[dreg:$0x7] =	wrdreg $0x76800  }
0xb4: {  	[dreg:$0x8] =	wrdreg $0x9  }
0xb5: {  	_ =	task.clear_ibuf [dreg:s7], $0x9FFFF;
	_ =	strace $0x90000046  }
0xb6: {  	s29 =	simm.s32 $0x9;
	_ =	strace $0x80000048  }
0xb7: {  	_ =	swait.ge [sflag:s29], $0x1  }
0xb8: {  	[sflag:s29] =	ssyncadd.s32 $0xFFFFFFFF  }
0xb9: {  	_ =	strace $0x90000048  }
0xba: {  	_ =	sfence  }
0xbb: {  	s30 =	sld [smem:$0x0];
	_ =	sdelay $0x2  }
0xbc: {  	s31 =	sshll.u32 s1, $0xD;
	s1 =	sshrl.u32 s1, $0x2  }
0xbd: {  	s3 =	sand.u32 $0x4000, s31;
	s1 =	sadd.s32 s1, s30  }
0xbe: {  	s0 =	sor.u32 s3, s0;
	s1 =	sshll.u32 s1, $0x11  }
0xbf: {  	s0 =	sor.u32 s1, s0  }
0xc0: {  	s0 =	sadd.s32 $0x8F2B, s0  }
0xc1: {  	[sflag:s0] =	ssyncadd.remote.s32 $0x1  }
0xc2: {  	_ =	sfence.sel $0xFFFF  }
0xc3: {  	[dreg:$0x0] =	wrdreg $0xFFFFFFFF;
	(pc) =	sbr.abs _section_cstart, $3  }
0xc4: {  	[dreg:$0x1] =	wrdreg $0xFFFFFFFF  }
0xc5: {  	_ =	task.clear_ibuf [dreg:s7], $0x2FFFF;
	_ =	strace $0x9FFFFFFF  }
0xc6: {  	(tm) =	ssettm $0x7FFFFFFF  }
0xc7: {  	_ =	shalt  }
tec
execute0_lowered:
.L_overlay_start_1:
0x0: {  	(tag) =	ssettag $0x1  }
0x1: {  	s7 =	rddreg [dreg:$0x0]  }
0x2: {  	s13 =	rddreg [dreg:$0x1]  }
0x3: {  	s1 =	rddreg [dreg:$0x2]  }
0x4: {  	s2 =	rddreg [dreg:$0x3]  }
0x5: {  	s0 =	srdreg.scid;
	s4 =	rddreg [dreg:$0x4]  }
0x6: {  	s26 =	stileid.u32;
	s5 =	rddreg [dreg:$0x5]  }
0x7: {  	s6 =	simm.s32 $0x0;
	s18 =	simm.s32 $0x2;
	s22 =	simm.s32 $0xB200  }
0x8: {  	s23 =	simm.s32 $0x80;
	s24 =	simm.s32 $0xC600;
	s25 =	simm.s32 $0xCE00  }
0x9: {  	s28 =	simm.s32 $0x0;
	s8 =	sand.u32 $0x1, s0;
	s10 =	smul.u32 $0x2780, s26  }
0xa: {  	[smem:$0x7FF] =	sst s6;
	s31 =	sshll.u32 s26, $0x6;
	s3 =	sshll.u32 s8, $0x4  }
0xb: {  	s11 =	smul.u32 $0x27800, s8;
	_ =	strace $0x80000047;
	s8 =	ssub.s32 $0x2, s8  }
0xc: {  	s3 =	sor.u32 s26, s3;
	s29 =	sshrl.u32 s10, $0x3;
	s30 =	sshrl.u32 s8, $0x1  }
0xd: {  	s17 =	sadd.s32 s10, s1;
	s19 =	sadd.s32 s10, s2;
	s20 =	sadd.s32 s10, s4  }
0xe: {  	s26 =	simm.s32 $0x1;
	s9 =	smul.u32 $0x280, s3;
	s11 =	sadd.s32 s10, s11  }
0xf: {  	s16 =	ssub.s32 s8, s30;
	s8 =	sor.u32 $0x1C02, s31;
	s10 =	sadd.s32 s10, s5  }
0x10: {  	s17 =	sshrl.u32 s17, $0x3;
	s19 =	sshrl.u32 s19, $0x3;
	s20 =	sshrl.u32 s20, $0x3  }
0x11: {  	s14 =	sshrl.u32 s11, $0x3;
	s16 =	smax.u32 s16, $0x1;
	s12 =	sadd.s32 s9, s7  }
0x12: {  	s9 =	sadd.s32 s29, s7;
	s15 =	sadd.s32 s14, s7;
	s13 =	sadd.s32 s13, s14  }
0x13: {  	s7 =	sadd.s32 $0x14800, s9;
	s9 =	sadd.s32 $0x19800, s9;
	s11 =	sadd.s32 $0x5800, s12  }
0x14: {  	v0 =	vimm.f32 $1.000000000e+00;
	s12 =	sadd.s32 $0xA800, s12;
	s14 =	sadd.s32 $0x1E800, s15;
	s15 =	sadd.s32 $0x28600, s15  }
.LBB2_1:
0x15: {  	[spmem:s17], [sflag:s8] =	dma.local [hbm:s7], $0x4F0  }
0x16: {  	_ =	swait.ge [sflag:s18], $0x4F0  }
0x17: {  	[sflag:s18] =	ssyncset.done $0x0  }
0x18: {  	[sflag:s18] =	ssyncadd.s32 $0xFFFFFB10  }
0x19: {  	[spmem:s19], [sflag:s8] =	dma.local [hbm:s9], $0x4F0  }
0x1a: {  	_ =	swait.ge [sflag:s18], $0x4F0  }
0x1b: {  	[sflag:s18] =	ssyncset.done $0x0  }
0x1c: {  	[sflag:s18] =	ssyncadd.s32 $0xFFFFFB10  }
0x1d: {  	[spmem:s20], [sflag:s8] =	dma.local [hbm:s9], $0x4F0  }
0x1e: {  	_ =	swait.ge [sflag:s18], $0x4F0  }
0x1f: {  	[sflag:s18] =	ssyncset.done $0x0  }
0x20: {  	s29 =	sshrl.u32 s10, $0x3;
	[sflag:s18] =	ssyncadd.s32 $0xFFFFFB10  }
0x21: {  	[spmem:s29], [sflag:s8] =	dma.local [hbm:s9], $0x4F0  }
0x22: {  	_ =	swait.ge [sflag:s18], $0x4F0  }
0x23: {  	[sflag:s18] =	ssyncset.done $0x0  }
0x24: {  	s0 =	simm.s32 $0x9E00;
	[sflag:s18] =	ssyncadd.s32 $0xFFFFFB10  }
0x25: {  	[tilespmem:s0], [sflag:$0x2] =	stream.linear.gather [hbm4b:s11+s6], $0x1400, $0x38;
	[tilespmem:$0xD600] =	vst v63  }
0x26: {  	_ =	swait.ge [sflag:s18], $0x1400  }
0x27: {  	[sflag:s18] =	ssyncset.done $0x0  }
0x28: {  	[sflag:s18] =	ssyncadd.s32 $0xFFFFEC00  }
0x29: {  	[tilespmem:s22], [sflag:$0x2] =	stream.linear.gather [hbm4b:s12+s6], $0x1400, $0x38;
	[tilespmem:$0xD600] =	vst v63  }
0x2a: {  	_ =	swait.ge [sflag:s18], $0x1400  }
0x2b: {  	[sflag:s18] =	ssyncset.done $0x0  }
0x2c: {  	[sflag:s18] =	ssyncadd.s32 $0xFFFFEC00  }
0x2d: {  	[tilespmem:$0xCE00] =	vst v0  }
0x2e: {  	[tilespmem:$0xCE10] =	vst v0  }
0x2f: {  	[tilespmem:$0xCE20] =	vst v0  }
0x30: {  	[tilespmem:$0xCE30] =	vst v0  }
0x31: {  	[tilespmem:$0xCE40] =	vst v0  }
0x32: {  	[tilespmem:$0xCE50] =	vst v0  }
0x33: {  	[tilespmem:$0xCE60] =	vst v0  }
0x34: {  	[tilespmem:$0xCE70] =	vst v0  }
0x35: {  	[tilespmem:$0xCE80] =	vst v0  }
0x36: {  	[tilespmem:$0xCE90] =	vst v0  }
0x37: {  	[tilespmem:$0xCEA0] =	vst v0  }
0x38: {  	[tilespmem:$0xCEB0] =	vst v0  }
0x39: {  	[tilespmem:$0xCEC0] =	vst v0  }
0x3a: {  	[tilespmem:$0xCED0] =	vst v0  }
0x3b: {  	[tilespmem:$0xCEE0] =	vst v0  }
0x3c: {  	[tilespmem:$0xCEF0] =	vst v0  }
0x3d: {  	[tilespmem:$0xCF00] =	vst v0  }
0x3e: {  	[tilespmem:$0xCF10] =	vst v0  }
0x3f: {  	[tilespmem:$0xCF20] =	vst v0  }
0x40: {  	[tilespmem:$0xCF30] =	vst v0  }
0x41: {  	[tilespmem:$0xCF40] =	vst v0  }
0x42: {  	[tilespmem:$0xCF50] =	vst v0  }
0x43: {  	[tilespmem:$0xCF60] =	vst v0  }
0x44: {  	[tilespmem:$0xCF70] =	vst v0  }
0x45: {  	[tilespmem:$0xCF80] =	vst v0  }
0x46: {  	[tilespmem:$0xCF90] =	vst v0  }
0x47: {  	[tilespmem:$0xCFA0] =	vst v0  }
0x48: {  	[tilespmem:$0xCFB0] =	vst v0  }
0x49: {  	[tilespmem:$0xCFC0] =	vst v0  }
0x4a: {  	[tilespmem:$0xCFD0] =	vst v0  }
0x4b: {  	[tilespmem:$0xCFE0] =	vst v0  }
0x4c: {  	[tilespmem:$0xCFF0] =	vst v0  }
0x4d: {  	[tilespmem:$0xD000] =	vst v0  }
0x4e: {  	[tilespmem:$0xD010] =	vst v0  }
0x4f: {  	[tilespmem:$0xD020] =	vst v0  }
0x50: {  	[tilespmem:$0xD030] =	vst v0  }
0x51: {  	[tilespmem:$0xD040] =	vst v0  }
0x52: {  	[tilespmem:$0xD050] =	vst v0  }
0x53: {  	[tilespmem:$0xD060] =	vst v0  }
0x54: {  	[tilespmem:$0xD070] =	vst v0  }
0x55: {  	[tilespmem:$0xD080] =	vst v0  }
0x56: {  	[tilespmem:$0xD090] =	vst v0  }
0x57: {  	[tilespmem:$0xD0A0] =	vst v0  }
0x58: {  	[tilespmem:$0xD0B0] =	vst v0  }
0x59: {  	[tilespmem:$0xD0C0] =	vst v0  }
0x5a: {  	[tilespmem:$0xD0D0] =	vst v0  }
0x5b: {  	[tilespmem:$0xD0E0] =	vst v0  }
0x5c: {  	[tilespmem:$0xD0F0] =	vst v0  }
0x5d: {  	[tilespmem:$0xD100] =	vst v0  }
0x5e: {  	[tilespmem:$0xD110] =	vst v0  }
0x5f: {  	[tilespmem:$0xD120] =	vst v0  }
0x60: {  	[tilespmem:$0xD130] =	vst v0  }
0x61: {  	[tilespmem:$0xD140] =	vst v0  }
0x62: {  	[tilespmem:$0xD150] =	vst v0  }
0x63: {  	[tilespmem:$0xD160] =	vst v0  }
0x64: {  	[tilespmem:$0xD170] =	vst v0  }
0x65: {  	[tilespmem:$0xD180] =	vst v0  }
0x66: {  	[tilespmem:$0xD190] =	vst v0  }
0x67: {  	[tilespmem:$0xD1A0] =	vst v0  }
0x68: {  	[tilespmem:$0xD1B0] =	vst v0  }
0x69: {  	[tilespmem:$0xD1C0] =	vst v0  }
0x6a: {  	[tilespmem:$0xD1D0] =	vst v0  }
0x6b: {  	[tilespmem:$0xD1E0] =	vst v0  }
0x6c: {  	[tilespmem:$0xD1F0] =	vst v0  }
0x6d: {  	[tilespmem:$0xD200] =	vst v0  }
0x6e: {  	[tilespmem:$0xD210] =	vst v0  }
0x6f: {  	[tilespmem:$0xD220] =	vst v0  }
0x70: {  	[tilespmem:$0xD230] =	vst v0  }
0x71: {  	[tilespmem:$0xD240] =	vst v0  }
0x72: {  	[tilespmem:$0xD250] =	vst v0  }
0x73: {  	[tilespmem:$0xD260] =	vst v0  }
0x74: {  	[tilespmem:$0xD270] =	vst v0  }
0x75: {  	[tilespmem:$0xD280] =	vst v0  }
0x76: {  	[tilespmem:$0xD290] =	vst v0  }
0x77: {  	[tilespmem:$0xD2A0] =	vst v0  }
0x78: {  	[tilespmem:$0xD2B0] =	vst v0  }
0x79: {  	[tilespmem:$0xD2C0] =	vst v0  }
0x7a: {  	[tilespmem:$0xD2D0] =	vst v0  }
0x7b: {  	[tilespmem:$0xD2E0] =	vst v0  }
0x7c: {  	[tilespmem:$0xD2F0] =	vst v0  }
0x7d: {  	[tilespmem:$0xD300] =	vst v0  }
0x7e: {  	[tilespmem:$0xD310] =	vst v0  }
0x7f: {  	[tilespmem:$0xD320] =	vst v0  }
0x80: {  	[tilespmem:$0xD330] =	vst v0  }
0x81: {  	[tilespmem:$0xD340] =	vst v0  }
0x82: {  	[tilespmem:$0xD350] =	vst v0  }
0x83: {  	[tilespmem:$0xD360] =	vst v0  }
0x84: {  	[tilespmem:$0xD370] =	vst v0  }
0x85: {  	[tilespmem:$0xD380] =	vst v0  }
0x86: {  	[tilespmem:$0xD390] =	vst v0  }
0x87: {  	[tilespmem:$0xD3A0] =	vst v0  }
0x88: {  	[tilespmem:$0xD3B0] =	vst v0  }
0x89: {  	[tilespmem:$0xD3C0] =	vst v0  }
0x8a: {  	[tilespmem:$0xD3D0] =	vst v0  }
0x8b: {  	[tilespmem:$0xD3E0] =	vst v0  }
0x8c: {  	[tilespmem:$0xD3F0] =	vst v0  }
0x8d: {  	[tilespmem:$0xD400] =	vst v0  }
0x8e: {  	[tilespmem:$0xD410] =	vst v0  }
0x8f: {  	[tilespmem:$0xD420] =	vst v0  }
0x90: {  	[tilespmem:$0xD430] =	vst v0  }
0x91: {  	[tilespmem:$0xD440] =	vst v0  }
0x92: {  	[tilespmem:$0xD450] =	vst v0  }
0x93: {  	[tilespmem:$0xD460] =	vst v0  }
0x94: {  	[tilespmem:$0xD470] =	vst v0  }
0x95: {  	[tilespmem:$0xD480] =	vst v0  }
0x96: {  	[tilespmem:$0xD490] =	vst v0  }
0x97: {  	[tilespmem:$0xD4A0] =	vst v0  }
0x98: {  	[tilespmem:$0xD4B0] =	vst v0  }
0x99: {  	[tilespmem:$0xD4C0] =	vst v0  }
0x9a: {  	[tilespmem:$0xD4D0] =	vst v0  }
0x9b: {  	[tilespmem:$0xD4E0] =	vst v0  }
0x9c: {  	[tilespmem:$0xD4F0] =	vst v0  }
0x9d: {  	[tilespmem:$0xD500] =	vst v0  }
0x9e: {  	[tilespmem:$0xD510] =	vst v0  }
0x9f: {  	[tilespmem:$0xD520] =	vst v0  }
0xa0: {  	[tilespmem:$0xD530] =	vst v0  }
0xa1: {  	[tilespmem:$0xD540] =	vst v0  }
0xa2: {  	[tilespmem:$0xD550] =	vst v0  }
0xa3: {  	[tilespmem:$0xD560] =	vst v0  }
0xa4: {  	[tilespmem:$0xD570] =	vst v0  }
0xa5: {  	[tilespmem:$0xD580] =	vst v0  }
0xa6: {  	[tilespmem:$0xD590] =	vst v0  }
0xa7: {  	[tilespmem:$0xD5A0] =	vst v0  }
0xa8: {  	[tilespmem:$0xD5B0] =	vst v0  }
0xa9: {  	[tilespmem:$0xD5C0] =	vst v0  }
0xaa: {  	[tilespmem:$0xD5D0] =	vst v0  }
0xab: {  	[tilespmem:$0xD5E0] =	vst v0  }
0xac: {  	[tilespmem:$0xD5F0] =	vst v0  }
0xad: {  	s30 =	simm.s32 $0x9E00;
	[bflag:$0x0] =	sbarrier.arrive $0xFFFF  }
0xae: {  	[tilespmem:s24], [sflag:$0x1] =	stream.indirect.gather [spmem:s1], $0x10, s30, s23, $0xb8;
	[tilespmem:$0xD600] =	vst v63  }
0xaf: {  	s31 =	simm.s32 $0xB200  }
0xb0: {  	[spmem:s4] =	stream.indirect.scatter.add.f32 [tilespmem:s25], [sflag:$0x2], $0x10, s31, s23, $0xb8;
	[tilespmem:$0xD600] =	vst v63  }
0xb1: {  	_ =	swait.ge [sflag:s18], $0x800  }
0xb2: {  	[sflag:s18] =	ssyncset.done $0x0  }
0xb3: {  	[sflag:s18] =	ssyncadd.s32 $0xFFFFF800  }
0xb4: {  	[spmem:s5] =	stream.indirect.scatter.add.f32 [tilespmem:s25], [sflag:$0x2], $0x10, s30, s23, $0xb8;
	[tilespmem:$0xD600] =	vst v63  }
0xb5: {  	_ =	swait.ge [sflag:s18], $0x800  }
0xb6: {  	[sflag:s18] =	ssyncset.done $0x0  }
0xb7: {  	[sflag:s18] =	ssyncadd.s32 $0xFFFFF800  }
0xb8: {  	_ =	swait.ge [sflag:s26], $0x800  }
0xb9: {  	[sflag:s26] =	ssyncset.done $0x0  }
0xba: {  	[sflag:s26] =	ssyncadd.s32 $0xFFFFF800  }
0xbb: {  	[spmem:s2] =	stream.indirect.scatter.add.f32 [tilespmem:s24], [sflag:$0x2], $0x10, s31, s23, $0xb8;
	[tilespmem:$0xD600] =	vst v63  }
0xbc: {  	_ =	swait.ge [sflag:s18], $0x800  }
0xbd: {  	s30 =	simm.s32 $0x80;
	s31 =	simm.s32 $0x400;
	[sflag:s18] =	ssyncset.done $0x0  }
.LBB2_2:
0xbe: {  	s3 =	sadd.s32 $0x9E00, s30  }
0xbf: {  	[sflag:s18] =	ssyncadd.s32 $0xFFFFF800;
	s0 =	smov.u32 s31;
	s21 =	sadd.s32 $0x200, s31  }
0xc0: {  	[tilespmem:s24], [sflag:$0x1] =	stream.indirect.gather [spmem:s1], $0x10, s3, s23, $0xb8;
	[tilespmem:$0xD600] =	vst v63  }
0xc1: {  	p0 =	sne.s32 s31, $0x4E00;
	s30 =	sadd.s32 $0xB200, s30  }
0xc2: {  	[spmem:s4] =	stream.indirect.scatter.add.f32 [tilespmem:s25], [sflag:$0x2], $0x10, s30, s23, $0xb8;
	[tilespmem:$0xD600] =	vst v63  }
0xc3: {  	_ =	swait.ge [sflag:s18], $0x800  }
0xc4: {  	[sflag:s18] =	ssyncset.done $0x0  }
0xc5: {  	[sflag:s18] =	ssyncadd.s32 $0xFFFFF800  }
0xc6: {  	[spmem:s5] =	stream.indirect.scatter.add.f32 [tilespmem:s25], [sflag:$0x2], $0x10, s3, s23, $0xb8;
	[tilespmem:$0xD600] =	vst v63  }
0xc7: {  	_ =	swait.ge [sflag:s18], $0x800  }
0xc8: {  	[sflag:s18] =	ssyncset.done $0x0  }
0xc9: {  	[sflag:s18] =	ssyncadd.s32 $0xFFFFF800  }
0xca: {  	_ =	swait.ge [sflag:s26], $0x800  }
.Ltmp0:
0xcb: {  	[sflag:s26] =	ssyncset.done $0x0;
	(pc) =	sbr.rel @p0 .LBB2_2-.Ltmp0, $4  }
0xcc: {  	[sflag:s26] =	ssyncadd.s32 $0xFFFFF800  }
0xcd: {  	[spmem:s2] =	stream.indirect.scatter.add.f32 [tilespmem:s24], [sflag:$0x2], $0x10, s30, s23, $0xb8;
	[tilespmem:$0xD600] =	vst v63  }
0xce: {  	_ =	swait.ge [sflag:s18], $0x800  }
0xcf: {  	s31 =	smov.u32 s21;
	s30 =	sshra.s32 s0, $0x2;
	[sflag:s18] =	ssyncset.done $0x0  }
0xd0: {  	s0 =	sadd.s32 $0x9E00, s30;
	[sflag:s18] =	ssyncadd.s32 $0xFFFFF800  }
0xd1: {  	[tilespmem:s24], [sflag:$0x1] =	stream.indirect.gather [spmem:s1], $0x10, s0, s23, $0xb8;
	[tilespmem:$0xD600] =	vst v63  }
0xd2: {  	s3 =	sadd.s32 $0xB200, s30  }
0xd3: {  	[spmem:s4] =	stream.indirect.scatter.add.f32 [tilespmem:s25], [sflag:$0x2], $0x10, s3, s23, $0xb8;
	[tilespmem:$0xD600] =	vst v63  }
0xd4: {  	_ =	swait.ge [sflag:s18], $0x800  }
0xd5: {  	[sflag:s18] =	ssyncset.done $0x0  }
0xd6: {  	[sflag:s18] =	ssyncadd.s32 $0xFFFFF800  }
0xd7: {  	[spmem:s5] =	stream.indirect.scatter.add.f32 [tilespmem:s25], [sflag:$0x2], $0x10, s0, s23, $0xb8;
	[tilespmem:$0xD600] =	vst v63  }
0xd8: {  	_ =	swait.ge [sflag:s18], $0x800  }
0xd9: {  	[sflag:s18] =	ssyncset.done $0x0  }
0xda: {  	[sflag:s18] =	ssyncadd.s32 $0xFFFFF800  }
0xdb: {  	_ =	swait.ge [sflag:s26], $0x800  }
0xdc: {  	[sflag:s26] =	ssyncset.done $0x0  }
0xdd: {  	[sflag:s26] =	ssyncadd.s32 $0xFFFFF800  }
0xde: {  	[spmem:s2] =	stream.indirect.scatter.add.f32 [tilespmem:s24], [sflag:$0x2], $0x10, s3, s23, $0xb8;
	[tilespmem:$0xD600] =	vst v63  }
0xdf: {  	_ =	swait.ge [sflag:s18], $0x800  }
0xe0: {  	[sflag:s18] =	ssyncset.done $0x0  }
0xe1: {  	[sflag:s18] =	ssyncadd.s32 $0xFFFFF800  }
0xe2: {  	[bflag:$0x0] =	sbarrier.arrive $0xFFFF  }
0xe3: {  	[hbm:s13], [sflag:s8] =	dma.local [spmem:s19], $0x4F0  }
0xe4: {  	_ =	swait.ge [sflag:s18], $0x4F0  }
0xe5: {  	[sflag:s18] =	ssyncset.done $0x0  }
0xe6: {  	[sflag:s18] =	ssyncadd.s32 $0xFFFFFB10  }
0xe7: {  	[hbm:s14], [sflag:s8] =	dma.local [spmem:s20], $0x4F0  }
0xe8: {  	s28 =	sadd.s32 $0x1, s28;
	_ =	swait.ge [sflag:s18], $0x4F0  }
0xe9: {  	p0 =	sne.s32 s28, s16;
	[sflag:s18] =	ssyncset.done $0x0  }
.Ltmp1:
0xea: {  	[sflag:s18] =	ssyncadd.s32 $0xFFFFFB10;
	(pc) =	sbr.rel @p0 .LBB2_1-.Ltmp1, $4  }
0xeb: {  	[hbm:s15], [sflag:s8] =	dma.local [spmem:s29], $0x4F0  }
0xec: {  	_ =	swait.ge [sflag:s18], $0x4F0  }
0xed: {  	[sflag:s18] =	ssyncset.done $0x0  }
0xee: {  	[sflag:s18] =	ssyncadd.s32 $0xFFFFFB10  }
0xef: {  	_ =	sfence.sel $0x180000  }
0xf0: {  	[bflag:$0x0] =	sbarrier.arrive $0xFFFF  }
0xf1: {  	_ =	strace $0x90000047  }
0xf2: {  	s0 =	stileid.u32;
	[bflag:$0x2] =	sbarrier.arrive $0xFFFF  }
0xf3: {  	p0 =	sne.s32 s0, $0x0;
	s0 =	rddreg [dreg:$0x6]  }
0xf4: {  	s0 =	sadd.s32 @!p0 $0x100000, s0  }
0xf5: {  	[sflag:s0] =	ssyncadd.tile.s32 @!p0 $0x1;
	_ =	shalt  }
.Lfunc_end2:
_tile_overlayer_lowered:
.L_overlay_start_2:
0xf6: {  	(tag) =	ssettag $0x2  }
0xf7: {  	s0 =	rddreg [dreg:$0x0];
	s2 =	stileid.u32  }
0xf8: {  	s1 =	rddreg [dreg:$0x1];
	p0 =	sne.s32 s2, $0x0  }
0xf9: {  	s3 =	rddreg [dreg:$0x2];
	[bflag:$0x3] =	sbarrier.arrive $0xFFFF;
	s2 =	simm.s32 @!p0 $0x1C02  }
0xfa: {  	[timem:s3], [sflag:s2] =	dma.local @!p0 [hbm:s0], s1  }
0xfb: {  	s0 =	simm.s32 @!p0 $0x2  }
0xfc: {  	_ =	swait.ge @!p0 [sflag:s0], s1  }
0xfd: {  	s1 =	ssub.s32 @!p0 $0x0, s1;
	[sflag:s0] =	ssyncset.done @!p0 $0x0  }
0xfe: {  	[sflag:s0] =	ssyncadd.s32 @!p0 s1  }
0xff: {  	[bflag:$0x3] =	sbarrier.arrive $0xFFFF  }
0x100: {  	_ =	shalt  }

// kernel: kernel.18.cloned.1.call-start
scs
__scs_entry_jumppad:
0x0: {  	(pc) =	sbr.rel $0x88, $3  }
0x1: {  	(tag) =	ssettag $0x0;
	lr =	simm.s32 $0x1  }
0x2: {  	[smem:$0x3F98] =	sst lr;
	_ =	strace $0xD0000000  }
0x3: {  	_ = 	snop  }
0x4: {  	_ = 	snop  }
0x5: {  	_ = 	snop  }
0x6: {  	_ = 	snop  }
0x7: {  	_ = 	snop  }
__scs_overlays_trampoline_lowered:
0x8: {  	[smem:$0x3FA7] =	sst s0  }
0x9: {  	[smem:$0x3FA8] =	sst s1  }
0xa: {  	[smem:$0x3FA9] =	sst s2  }
0xb: {  	[smem:$0x3FAA] =	sst s3  }
0xc: {  	[smem:$0x3FAB] =	sst s4  }
0xd: {  	[smem:$0x3FAC] =	sst s5  }
0xe: {  	[smem:$0x3FAD] =	sst s6  }
0xf: {  	[smem:$0x3FAE] =	sst s7  }
0x10: {  	[smem:$0x3FAF] =	sst s8  }
0x11: {  	[smem:$0x3FB0] =	sst s9;
	s0 =	simm.s32 @!p0 $0x0  }
0x12: {  	s1 =	sld [smem:$0x3F96];
	s0 =	simm.s32 @p0 $0x1  }
0x13: {  	[smem:$0x3FB1] =	sst s0;
	s0 =	simm.s32 @!p1 $0x0  }
0x14: {  	s2 =	sld [smem:$0x3F95];
	s0 =	simm.s32 @p1 $0x1  }
0x15: {  	[smem:$0x3FB2] =	sst s0;
	s0 =	simm.s32 @!p2 $0x0  }
0x16: {  	s3 =	sld [smem:$0x3FDB];
	s0 =	simm.s32 @p2 $0x1  }
0x17: {  	s4 =	simm.s32 $0x1BF5;
	[smem:$0x3FB4] =	sst s0  }
0x18: {  	s0 =	sld [smem:$0x3F97];
	_ =	swait.ge [sflag:s4], $0x0  }
0x19: {  	s7 =	sld [smem:$0x3F98]  }
0x1a: {  	s8 =	sadd.s32 $0xFFFFE003, lr  }
0x1b: {  	s9 =	sadd.s32 $0xFFFFFEF7, lr;
	s5 =	simm.s32 $0xFFFFFFFF;
	p2 =	slt.u32 s8, $0xFFFFF086  }
0x1c: {  	p1 =	slt.u32 s9, $0xF7A;
	s5 =	simm.s32 @!p2 $0x0  }
0x1d: {  	s5 =	simm.s32 @p1 $0x1;
	p0 =	seq.s32 s7, s2  }
0x1e: {  	s7 =	smul.u32 @!p0 $0xF7A, s2;
	p2 =	seq.s32 @!p0 s5, $0x0  }
0x1f: {  	s9 =	smul.u32 $0xF7A, s1;
	s8 =	simm.s32 @!p0 $0x1BF5;
	p2 =	por !p2, p0  }
0x20: {  	[sflag:s8] =	ssyncset.s32 @!p0 $0xFFFFF086;
	s6 =	sadd.s32 @!p0 s3, s7;
	s7 =	simm.s32 @!p0 $0x108  }
0x21: {  	s3 =	sadd.s32 s3, s9;
	s6 =	sadd.s32 @!p0 $0x88, s6;
	s7 =	simm.s32 @p2 $0x1082  }
0x22: {  	[simem:s7], [sflag:s8] =	dma.local @!p0 [hbm:s6], $0xF7A  }
0x23: {  	s9 =	sor.u32 $0xD0000000, s2;
	s6 =	simm.s32 $0x108;
	_ =	swait.ge @!p0 [sflag:s8], $0x0  }
0x24: {  	s3 =	sadd.s32 $0x88, s3;
	s6 =	simm.s32 @!p1 $0x1082;
	[sflag:s4] =	ssyncset.s32 $0xFFFFF086  }
0x25: {  	[simem:s6], [sflag:s4] =	dma.local [hbm:s3], $0xF7A  }
0x26: {  	[smem:$0x3F98] =	sst s1;
	(tag) =	ssettag s2;
	_ =	strace s9  }
0x27: {  	s1 =	sld [smem:$0x3FA8]  }
0x28: {  	s2 =	sld [smem:$0x3FA9]  }
0x29: {  	s4 =	sld [smem:$0x3FAB]  }
0x2a: {  	p0 =	seq.s32 s5, $0x0;
	s5 =	sld [smem:$0x3FAC]  }
0x2b: {  	s6 =	sld [smem:$0x3FAD]  }
0x2c: {  	s7 =	sld [smem:$0x3FAE]  }
0x2d: {  	s3 =	simm.s32 $0x108;
	s8 =	sld [smem:$0x3FAF]  }
0x2e: {  	s3 =	simm.s32 @!p0 $0x1082;
	s9 =	sld [smem:$0x3FB0]  }
0x2f: {  	lr =	sadd.s32 s0, s3;
	s0 =	sld [smem:$0x3FA7]  }
0x30: {  	s3 =	sld [smem:$0x3FAA]  }
0x31: {  	[smem:$0x3FB3] =	sst s10  }
0x32: {  	s10 =	sld [smem:$0x3FB1];
	_ =	sdelay $0x3  }
0x33: {  	p0 =	seq.s32 s10, $0x1;
	s10 =	sld [smem:$0x3FB3];
	_ =	sdelay $0x3  }
0x34: {  	[smem:$0x3FB3] =	sst s10  }
0x35: {  	s10 =	sld [smem:$0x3FB2];
	_ =	sdelay $0x3  }
0x36: {  	p1 =	seq.s32 s10, $0x1;
	s10 =	sld [smem:$0x3FB3];
	_ =	sdelay $0x3  }
0x37: {  	[smem:$0x3FB3] =	sst s10  }
0x38: {  	s10 =	sld [smem:$0x3FB4]  }
0x39: {  	_ = 	snop;
	(pc) =	sbr.ind lr, $3  }
0x3a: {  	_ = 	snop  }
0x3b: {  	_ = 	snop  }
0x3c: {  	p2 =	seq.s32 s10, $0x1;
	s10 =	sld [smem:$0x3FB3]  }
0x3d: {  	_ =	shalt  }
0x3e: {  	_ =	shalt  }
0x3f: {  	_ =	shalt  }
0x40: {  	_ =	shalt  }
0x41: {  	_ =	shalt  }
0x42: {  	_ =	shalt  }
0x43: {  	_ =	shalt  }
0x44: {  	_ =	shalt  }
0x45: {  	_ =	shalt  }
0x46: {  	_ =	shalt  }
0x47: {  	_ =	shalt  }
0x48: {  	_ =	shalt  }
0x49: {  	_ =	shalt  }
0x4a: {  	_ =	shalt  }
0x4b: {  	_ =	shalt  }
0x4c: {  	_ =	shalt  }
0x4d: {  	_ =	shalt  }
0x4e: {  	_ =	shalt  }
0x4f: {  	_ =	shalt  }
0x50: {  	_ =	shalt  }
0x51: {  	_ =	shalt  }
0x52: {  	_ =	shalt  }
0x53: {  	_ =	shalt  }
0x54: {  	_ =	shalt  }
0x55: {  	_ =	shalt  }
0x56: {  	_ =	shalt  }
0x57: {  	_ =	shalt  }
0x58: {  	_ =	shalt  }
0x59: {  	_ =	shalt  }
0x5a: {  	_ =	shalt  }
0x5b: {  	_ =	shalt  }
0x5c: {  	_ =	shalt  }
0x5d: {  	_ =	shalt  }
0x5e: {  	_ =	shalt  }
0x5f: {  	_ =	shalt  }
0x60: {  	_ =	shalt  }
0x61: {  	_ =	shalt  }
0x62: {  	_ =	shalt  }
0x63: {  	_ =	shalt  }
0x64: {  	_ =	shalt  }
0x65: {  	_ =	shalt  }
0x66: {  	_ =	shalt  }
0x67: {  	_ =	shalt  }
0x68: {  	_ =	shalt  }
0x69: {  	_ =	shalt  }
0x6a: {  	_ =	shalt  }
0x6b: {  	_ =	shalt  }
0x6c: {  	_ =	shalt  }
0x6d: {  	_ =	shalt  }
0x6e: {  	_ =	shalt  }
0x6f: {  	_ =	shalt  }
0x70: {  	_ =	shalt  }
0x71: {  	_ =	shalt  }
0x72: {  	_ =	shalt  }
0x73: {  	_ =	shalt  }
0x74: {  	_ =	shalt  }
0x75: {  	_ =	shalt  }
0x76: {  	_ =	shalt  }
0x77: {  	_ =	shalt  }
0x78: {  	_ =	shalt  }
0x79: {  	_ =	shalt  }
0x7a: {  	_ =	shalt  }
0x7b: {  	_ =	shalt  }
0x7c: {  	_ =	shalt  }
0x7d: {  	_ =	shalt  }
0x7e: {  	_ =	shalt  }
0x7f: {  	_ =	shalt  }
0x80: {  	_ =	shalt  }
0x81: {  	_ =	shalt  }
0x82: {  	_ =	shalt  }
0x83: {  	_ =	shalt  }
0x84: {  	_ =	shalt  }
0x85: {  	_ =	shalt  }
0x86: {  	_ =	shalt  }
0x87: {  	_ =	shalt  }
.Lfunc_end0:
.L_simem_size_0:
called_computation.1_lowered:
.L_overlay_start_0:
0x88: {  	s2 =	sld [smem:$0x3FD9]  }
0x89: {  	s3 =	sld [smem:$0x3FFE];
	_ =	sdelay $0x1  }
0x8a: {  	s1 =	srdreg.scid  }
0x8b: {  	s0 =	sand.u32 $0x1, s1  }
0x8c: {  	s17 =	sshll.u32 s0, $0xA;
	s2 =	sadd.s32 s3, s2  }
0x8d: {  	s2 =	sadd.s32 s2, s17  }
0x8e: {  	[smem:$0x3FBF] =	sst s2  }
0x8f: {  	_ = 	snop  }
0x90: {  	s2 =	sld [smem:$0x3FD0];
	(tm) =	ssettm $0x1  }
0x91: {  	s18 =	sld [smem:$0x3FFB];
	_ =	sdelay $0x3  }
0x92: {  	_ =	strace s18  }
0x93: {  	s3 =	sld [smem:$0x3FFC];
	_ =	sdelay $0x3  }
0x94: {  	_ =	strace s3  }
0x95: {  	s3 =	sld [smem:$0x3FFD];
	_ =	sdelay $0x3  }
0x96: {  	_ =	strace s3  }
0x97: {  	_ =	strace $0x8FFFFFFF  }
0x98: {  	s19 =	sld [smem:$0x3FDB];
	_ =	sdelay $0x1  }
0x99: {  	s4 =	simm.s32 $_scs_section_size  }
0x9a: {  	s5 =	simm.s32 $_size__tile_overlayer_lowered;
	s6 =	simm.s32 $_tile_overlayer_lowered  }
0x9b: {  	s22 =	simm.s32 $0x1BFF;
	s21 =	sshll.u32 s6, $0x1;
	s3 =	sadd.s32 s4, s19  }
0x9c: {  	s7 =	simm.s32 $0x0;
	s20 =	sshll.u32 s5, $0x1;
	s5 =	sadd.s32 s21, s3  }
0x9d: {  	[timem:s7], [sflag:s22] =	dma.local [hbm:s5], s20  }
0x9e: {  	_ =	swait.ge [sflag:s22], s20  }
0x9f: {  	s4 =	ssub.s32 $0x0, s20;
	[sflag:s22] =	ssyncset.done $0x0  }
0xa0: {  	[sflag:s22] =	ssyncadd.s32 s4;
	_ =	sdelay $0x1  }
0xa1: {  	s23 =	simm.s32 $0x1B8B  }
0xa2: {  	_ =	swait.ge [sflag:s23], $0x1  }
0xa3: {  	[sflag:s23] =	ssyncset.done $0x0  }
0xa4: {  	s25 =	simm.s32 $0x1B8E;
	s24 =	sld [smem:$0x3FFE];
	[sflag:s23] =	ssyncadd.s32 $0xFFFFFFFF  }
0xa5: {  	s26 =	simm.s32 $execute0_lowered;
	[smem:$0x3FD2] =	sst s25  }
0xa6: {  	s5 =	sshll.u32 s26, $0x1;
	_ =	strace $0x80000049;
	[dreg:$0x1] =	wrdreg $0xFFFFFFFF  }
0xa7: {  	s28 =	simm.s32 $_size_execute0_lowered;
	s3 =	sadd.s32 s3, s5;
	[dreg:$0x0] =	wrdreg $0x0  }
0xa8: {  	s5 =	sshll.u32 s28, $0x1;
	[dreg:$0x2] =	wrdreg s3  }
0xa9: {  	[dreg:$0x3] =	wrdreg s5  }
0xaa: {  	[dreg:$0x4] =	wrdreg $0xC0  }
0xab: {  	_ =	task [dreg:s7], $0x5FFFF  }
0xac: {  	[dreg:$0x1] =	wrdreg $0xFFFFFFFF  }
0xad: {  	[dreg:$0x0] =	wrdreg $0x60  }
0xae: {  	[dreg:$0x2] =	wrdreg s24  }
0xaf: {  	[dreg:$0x3] =	wrdreg s2  }
0xb0: {  	[dreg:$0x4] =	wrdreg $0x0  }
0xb1: {  	[dreg:$0x5] =	wrdreg $0x27800  }
0xb2: {  	[dreg:$0x6] =	wrdreg $0x9  }
0xb3: {  	_ =	task.clear_ibuf [dreg:s7], $0x7FFFF;
	_ =	strace $0x90000049  }
0xb4: {  	s29 =	simm.s32 $0x9;
	_ =	strace $0x8000004B  }
0xb5: {  	_ =	swait.ge [sflag:s29], $0x1  }
0xb6: {  	[sflag:s29] =	ssyncadd.s32 $0xFFFFFFFF  }
0xb7: {  	_ =	strace $0x9000004B  }
0xb8: {  	_ =	sfence  }
0xb9: {  	s30 =	sld [smem:$0x0];
	_ =	sdelay $0x2  }
0xba: {  	s31 =	sshll.u32 s1, $0xD;
	s1 =	sshrl.u32 s1, $0x2  }
0xbb: {  	s3 =	sand.u32 $0x4000, s31;
	s1 =	sadd.s32 s1, s30  }
0xbc: {  	s0 =	sor.u32 s3, s0;
	s1 =	sshll.u32 s1, $0x11  }
0xbd: {  	s0 =	sor.u32 s1, s0  }
0xbe: {  	s0 =	sadd.s32 $0x8F2B, s0  }
0xbf: {  	[sflag:s0] =	ssyncadd.remote.s32 $0x1  }
0xc0: {  	_ =	sfence.sel $0xFFFF  }
0xc1: {  	[dreg:$0x0] =	wrdreg $0xFFFFFFFF;
	(pc) =	sbr.abs _section_cstart, $3  }
0xc2: {  	[dreg:$0x1] =	wrdreg $0xFFFFFFFF  }
0xc3: {  	_ =	task.clear_ibuf [dreg:s7], $0x2FFFF;
	_ =	strace $0x9FFFFFFF  }
0xc4: {  	(tm) =	ssettm $0x7FFFFFFF  }
0xc5: {  	_ =	shalt  }
tec
execute0_lowered:
.L_overlay_start_1:
0x0: {  	(tag) =	ssettag $0x1  }
0x1: {  	s5 =	rddreg [dreg:$0x0]  }
0x2: {  	s10 =	rddreg [dreg:$0x1]  }
0x3: {  	s2 =	rddreg [dreg:$0x2]  }
0x4: {  	s0 =	srdreg.scid;
	s3 =	rddreg [dreg:$0x3];
	s4 =	simm.s32 $0x0  }
0x5: {  	s15 =	simm.s32 $0x4F00;
	s16 =	simm.s32 $0x6300;
	s17 =	simm.s32 $0x80  }
0x6: {  	s18 =	simm.s32 $0x7700;
	s19 =	simm.s32 $0x7F00;
	s20 =	simm.s32 $0x1  }
0x7: {  	s21 =	simm.s32 $0x2;
	s22 =	simm.s32 $0x6280;
	s23 =	simm.s32 $0x7600  }
0x8: {  	s24 =	simm.s32 $0x7680;
	s6 =	sand.u32 $0x1, s0;
	s0 =	stileid.u32  }
0x9: {  	s25 =	simm.s32 $0x0;
	[smem:$0x7FF] =	sst s4;
	s8 =	smul.u32 $0x2780, s0  }
0xa: {  	s1 =	sshll.u32 s6, $0x4;
	s11 =	ssub.s32 $0x2, s6;
	s12 =	smul.u32 $0x27800, s6  }
0xb: {  	s31 =	sshll.u32 s0, $0x6;
	s7 =	sor.u32 s0, s1;
	s1 =	rddreg [dreg:$0x4]  }
0xc: {  	_ =	strace $0x8000004A;
	s30 =	sshrl.u32 s11, $0x1;
	s6 =	sor.u32 $0x1C03, s31  }
0xd: {  	s7 =	smul.u32 $0x280, s7;
	s29 =	sshrl.u32 s8, $0x3;
	s11 =	ssub.s32 s11, s30  }
0xe: {  	s13 =	sadd.s32 s8, s2;
	s12 =	sadd.s32 s8, s12;
	s14 =	sadd.s32 s8, s3  }
0xf: {  	s12 =	sshrl.u32 s12, $0x3;
	s11 =	smax.u32 s11, $0x1;
	s14 =	sshrl.u32 s14, $0x3  }
0x10: {  	s9 =	sadd.s32 s7, s5;
	s7 =	sadd.s32 s29, s5;
	s10 =	sadd.s32 s10, s12  }
0x11: {  	s12 =	sshrl.u32 s13, $0x3;
	s13 =	simm.s32 $0x3;
	s5 =	sadd.s32 $0x14800, s7  }
0x12: {  	s7 =	sadd.s32 $0x19800, s7;
	s8 =	sadd.s32 $0x5800, s9;
	s9 =	sadd.s32 $0xA800, s9  }
.LBB2_1:
0x13: {  	[spmem:s12], [sflag:s6] =	dma.local [hbm:s5], $0x4F0  }
0x14: {  	_ =	swait.ge [sflag:s13], $0x4F0  }
0x15: {  	[sflag:s13] =	ssyncset.done $0x0  }
0x16: {  	[sflag:s13] =	ssyncadd.s32 $0xFFFFFB10  }
0x17: {  	[spmem:s14], [sflag:s6] =	dma.local [hbm:s7], $0x4F0  }
0x18: {  	_ =	swait.ge [sflag:s13], $0x4F0  }
0x19: {  	[sflag:s13] =	ssyncset.done $0x0  }
0x1a: {  	[sflag:s13] =	ssyncadd.s32 $0xFFFFFB10  }
0x1b: {  	[tilespmem:s15], [sflag:$0x3] =	stream.linear.gather [hbm4b:s8+s4], $0x1400, $0x38;
	[tilespmem:$0x8700] =	vst v63  }
0x1c: {  	_ =	swait.ge [sflag:s13], $0x1400  }
0x1d: {  	[sflag:s13] =	ssyncset.done $0x0  }
0x1e: {  	[sflag:s13] =	ssyncadd.s32 $0xFFFFEC00  }
0x1f: {  	[tilespmem:s16], [sflag:$0x3] =	stream.linear.gather [hbm4b:s9+s4], $0x1400, $0x38;
	[tilespmem:$0x8700] =	vst v63  }
0x20: {  	_ =	swait.ge [sflag:s13], $0x1400  }
0x21: {  	[sflag:s13] =	ssyncset.done $0x0  }
0x22: {  	[sflag:s13] =	ssyncadd.s32 $0xFFFFEC00  }
0x23: {  	[bflag:$0x0] =	sbarrier.arrive $0xFFFF  }
0x24: {  	[tilespmem:s18], [sflag:$0x1] =	stream.indirect.gather [spmem:s2], $0x10, s15, s17, $0xb8;
	[tilespmem:$0x8700] =	vst v63  }
0x25: {  	s26 =	simm.s32 $0x4F80  }
0x26: {  	[tilespmem:s19], [sflag:$0x2] =	stream.indirect.gather [spmem:s2], $0x10, s26, s17, $0xb8;
	[tilespmem:$0x8700] =	vst v63  }
0x27: {  	_ =	swait.ge [sflag:s20], $0x800  }
0x28: {  	[sflag:s20] =	ssyncset.done $0x0  }
0x29: {  	s29 =	simm.s32 $0x6300;
	[sflag:s20] =	ssyncadd.s32 $0xFFFFF800  }
0x2a: {  	[spmem:s3] =	stream.indirect.scatter.add.f32 [tilespmem:s18], [sflag:$0x3], $0x10, s29, s17, $0xb8;
	[tilespmem:$0x8700] =	vst v63  }
0x2b: {  	_ =	swait.ge [sflag:s13], $0x800  }
0x2c: {  	[sflag:s13] =	ssyncset.done $0x0  }
0x2d: {  	s30 =	simm.s32 $0x5000;
	[sflag:s13] =	ssyncadd.s32 $0xFFFFF800  }
0x2e: {  	[tilespmem:s18], [sflag:$0x1] =	stream.indirect.gather [spmem:s2], $0x10, s30, s17, $0xb8;
	[tilespmem:$0x8700] =	vst v63  }
0x2f: {  	_ =	swait.ge [sflag:s21], $0x800  }
0x30: {  	[sflag:s21] =	ssyncset.done $0x0  }
0x31: {  	s31 =	simm.s32 $0x6380;
	[sflag:s21] =	ssyncadd.s32 $0xFFFFF800  }
0x32: {  	[spmem:s3] =	stream.indirect.scatter.add.f32 [tilespmem:s19], [sflag:$0x3], $0x10, s31, s17, $0xb8;
	[tilespmem:$0x8700] =	vst v63  }
0x33: {  	_ =	swait.ge [sflag:s13], $0x800  }
0x34: {  	s28 =	simm.s32 $0x800;
	s26 =	simm.s32 $0x100;
	[sflag:s13] =	ssyncset.done $0x0  }
.LBB2_2:
0x35: {  	s29 =	sadd.s32 $0x4F80, s26  }
0x36: {  	[sflag:s13] =	ssyncadd.s32 $0xFFFFF800;
	s30 =	smov.u32 s28;
	s31 =	sadd.s32 $0x400, s28  }
0x37: {  	[tilespmem:s19], [sflag:$0x2] =	stream.indirect.gather [spmem:s2], $0x10, s29, s17, $0xb8;
	[tilespmem:$0x8700] =	vst v63  }
0x38: {  	p0 =	sne.s32 s28, $0x4800;
	_ =	swait.ge [sflag:s20], $0x800  }
0x39: {  	[sflag:s20] =	ssyncset.done $0x0  }
0x3a: {  	s28 =	sadd.s32 $0x6300, s26;
	[sflag:s20] =	ssyncadd.s32 $0xFFFFF800  }
0x3b: {  	[spmem:s3] =	stream.indirect.scatter.add.f32 [tilespmem:s18], [sflag:$0x3], $0x10, s28, s17, $0xb8;
	[tilespmem:$0x8700] =	vst v63  }
0x3c: {  	_ =	swait.ge [sflag:s13], $0x800  }
0x3d: {  	[sflag:s13] =	ssyncset.done $0x0  }
0x3e: {  	s28 =	sadd.s32 $0x5000, s26;
	[sflag:s13] =	ssyncadd.s32 $0xFFFFF800  }
0x3f: {  	[tilespmem:s18], [sflag:$0x1] =	stream.indirect.gather [spmem:s2], $0x10, s28, s17, $0xb8;
	[tilespmem:$0x8700] =	vst v63  }
0x40: {  	_ =	swait.ge [sflag:s21], $0x800  }
.Ltmp0:
0x41: {  	[sflag:s21] =	ssyncset.done $0x0;
	(pc) =	sbr.rel @p0 .LBB2_2-.Ltmp0, $4  }
0x42: {  	s26 =	sadd.s32 $0x6380, s26;
	[sflag:s21] =	ssyncadd.s32 $0xFFFFF800  }
0x43: {  	[spmem:s3] =	stream.indirect.scatter.add.f32 [tilespmem:s19], [sflag:$0x3], $0x10, s26, s17, $0xb8;
	[tilespmem:$0x8700] =	vst v63  }
0x44: {  	_ =	swait.ge [sflag:s13], $0x800  }
0x45: {  	s28 =	smov.u32 s31;
	s26 =	sshra.s32 s30, $0x2;
	[sflag:s13] =	ssyncset.done $0x0  }
0x46: {  	s28 =	sadd.s32 $0x4F80, s26;
	[sflag:s13] =	ssyncadd.s32 $0xFFFFF800  }
0x47: {  	[tilespmem:s19], [sflag:$0x2] =	stream.indirect.gather [spmem:s2], $0x10, s28, s17, $0xb8;
	[tilespmem:$0x8700] =	vst v63  }
0x48: {  	_ =	swait.ge [sflag:s20], $0x800  }
0x49: {  	[sflag:s20] =	ssyncset.done $0x0  }
0x4a: {  	s29 =	sadd.s32 $0x6300, s26;
	[sflag:s20] =	ssyncadd.s32 $0xFFFFF800  }
0x4b: {  	[spmem:s3] =	stream.indirect.scatter.add.f32 [tilespmem:s18], [sflag:$0x3], $0x10, s29, s17, $0xb8;
	[tilespmem:$0x8700] =	vst v63  }
0x4c: {  	_ =	swait.ge [sflag:s13], $0x800  }
0x4d: {  	[sflag:s13] =	ssyncset.done $0x0  }
0x4e: {  	s30 =	sadd.s32 $0x5000, s26;
	[sflag:s13] =	ssyncadd.s32 $0xFFFFF800  }
0x4f: {  	[tilespmem:s18], [sflag:$0x1] =	stream.indirect.gather [spmem:s2], $0x10, s30, s17, $0xb8;
	[tilespmem:$0x8700] =	vst v63  }
0x50: {  	_ =	swait.ge [sflag:s21], $0x800  }
0x51: {  	[sflag:s21] =	ssyncset.done $0x0  }
0x52: {  	s31 =	sadd.s32 $0x6380, s26;
	[sflag:s21] =	ssyncadd.s32 $0xFFFFF800  }
0x53: {  	[spmem:s3] =	stream.indirect.scatter.add.f32 [tilespmem:s19], [sflag:$0x3], $0x10, s31, s17, $0xb8;
	[tilespmem:$0x8700] =	vst v63  }
0x54: {  	_ =	swait.ge [sflag:s13], $0x800  }
0x55: {  	[sflag:s13] =	ssyncset.done $0x0  }
0x56: {  	[sflag:s13] =	ssyncadd.s32 $0xFFFFF800  }
0x57: {  	[tilespmem:s19], [sflag:$0x2] =	stream.indirect.gather [spmem:s2], $0x10, s22, s17, $0xb8;
	[tilespmem:$0x8700] =	vst v63  }
0x58: {  	_ =	swait.ge [sflag:s20], $0x800  }
0x59: {  	[sflag:s20] =	ssyncset.done $0x0  }
0x5a: {  	[sflag:s20] =	ssyncadd.s32 $0xFFFFF800  }
0x5b: {  	[spmem:s3] =	stream.indirect.scatter.add.f32 [tilespmem:s18], [sflag:$0x3], $0x10, s23, s17, $0xb8;
	[tilespmem:$0x8700] =	vst v63  }
0x5c: {  	_ =	swait.ge [sflag:s13], $0x800  }
0x5d: {  	[sflag:s13] =	ssyncset.done $0x0  }
0x5e: {  	[sflag:s13] =	ssyncadd.s32 $0xFFFFF800  }
0x5f: {  	_ =	swait.ge [sflag:s21], $0x800  }
0x60: {  	[sflag:s21] =	ssyncset.done $0x0  }
0x61: {  	[sflag:s21] =	ssyncadd.s32 $0xFFFFF800  }
0x62: {  	[spmem:s3] =	stream.indirect.scatter.add.f32 [tilespmem:s19], [sflag:$0x3], $0x10, s24, s17, $0xb8;
	[tilespmem:$0x8700] =	vst v63  }
0x63: {  	_ =	swait.ge [sflag:s13], $0x800  }
0x64: {  	s25 =	sadd.s32 $0x1, s25;
	[sflag:s13] =	ssyncset.done $0x0  }
0x65: {  	p0 =	sne.s32 s25, s11;
	[sflag:s13] =	ssyncadd.s32 $0xFFFFF800  }
.Ltmp1:
0x66: {  	[bflag:$0x0] =	sbarrier.arrive $0xFFFF;
	(pc) =	sbr.rel @p0 .LBB2_1-.Ltmp1, $4  }
0x67: {  	[hbm:s10], [sflag:s6] =	dma.local [spmem:s14], $0x4F0  }
0x68: {  	_ =	swait.ge [sflag:s13], $0x4F0  }
0x69: {  	[sflag:s13] =	ssyncset.done $0x0  }
0x6a: {  	[sflag:s13] =	ssyncadd.s32 $0xFFFFFB10  }
0x6b: {  	_ =	sfence.sel $0x180000  }
0x6c: {  	[bflag:$0x0] =	sbarrier.arrive $0xFFFF  }
0x6d: {  	p0 =	sne.s32 s0, $0x0;
	_ =	strace $0x9000004A  }
0x6e: {  	s0 =	sadd.s32 @!p0 $0x100000, s1;
	[bflag:$0x2] =	sbarrier.arrive $0xFFFF  }
0x6f: {  	[sflag:s0] =	ssyncadd.tile.s32 @!p0 $0x1;
	_ =	shalt  }
.Lfunc_end2:
_tile_overlayer_lowered:
.L_overlay_start_2:
0x70: {  	(tag) =	ssettag $0x2  }
0x71: {  	s0 =	rddreg [dreg:$0x0];
	s2 =	stileid.u32  }
0x72: {  	s1 =	rddreg [dreg:$0x1];
	p0 =	sne.s32 s2, $0x0  }
0x73: {  	s3 =	rddreg [dreg:$0x2];
	[bflag:$0x3] =	sbarrier.arrive $0xFFFF;
	s2 =	simm.s32 @!p0 $0x1C03  }
0x74: {  	[timem:s3], [sflag:s2] =	dma.local @!p0 [hbm:s0], s1  }
0x75: {  	s0 =	simm.s32 @!p0 $0x3  }
0x76: {  	_ =	swait.ge @!p0 [sflag:s0], s1  }
0x77: {  	s1 =	ssub.s32 @!p0 $0x0, s1;
	[sflag:s0] =	ssyncset.done @!p0 $0x0  }
0x78: {  	[sflag:s0] =	ssyncadd.s32 @!p0 s1  }
0x79: {  	[bflag:$0x3] =	sbarrier.arrive $0xFFFF  }
0x7a: {  	_ =	shalt  }

// kernel: kernel.21.cloned.1.call-start
scs
__scs_entry_jumppad:
0x0: {  	(pc) =	sbr.rel $0x88, $3  }
0x1: {  	(tag) =	ssettag $0x0;
	lr =	simm.s32 $0x1  }
0x2: {  	[smem:$0x3F98] =	sst lr;
	_ =	strace $0xD0000000  }
0x3: {  	_ = 	snop  }
0x4: {  	_ = 	snop  }
0x5: {  	_ = 	snop  }
0x6: {  	_ = 	snop  }
0x7: {  	_ = 	snop  }
__scs_overlays_trampoline_lowered:
0x8: {  	[smem:$0x3FA7] =	sst s0  }
0x9: {  	[smem:$0x3FA8] =	sst s1  }
0xa: {  	[smem:$0x3FA9] =	sst s2  }
0xb: {  	[smem:$0x3FAA] =	sst s3  }
0xc: {  	[smem:$0x3FAB] =	sst s4  }
0xd: {  	[smem:$0x3FAC] =	sst s5  }
0xe: {  	[smem:$0x3FAD] =	sst s6  }
0xf: {  	[smem:$0x3FAE] =	sst s7  }
0x10: {  	[smem:$0x3FAF] =	sst s8  }
0x11: {  	[smem:$0x3FB0] =	sst s9;
	s0 =	simm.s32 @!p0 $0x0  }
0x12: {  	s1 =	sld [smem:$0x3F96];
	s0 =	simm.s32 @p0 $0x1  }
0x13: {  	[smem:$0x3FB1] =	sst s0;
	s0 =	simm.s32 @!p1 $0x0  }
0x14: {  	s2 =	sld [smem:$0x3F95];
	s0 =	simm.s32 @p1 $0x1  }
0x15: {  	[smem:$0x3FB2] =	sst s0;
	s0 =	simm.s32 @!p2 $0x0  }
0x16: {  	s3 =	sld [smem:$0x3FDB];
	s0 =	simm.s32 @p2 $0x1  }
0x17: {  	s4 =	simm.s32 $0x1BF5;
	[smem:$0x3FB4] =	sst s0  }
0x18: {  	s0 =	sld [smem:$0x3F97];
	_ =	swait.ge [sflag:s4], $0x0  }
0x19: {  	s7 =	sld [smem:$0x3F98]  }
0x1a: {  	s8 =	sadd.s32 $0xFFFFE003, lr  }
0x1b: {  	s9 =	sadd.s32 $0xFFFFFEF7, lr;
	s5 =	simm.s32 $0xFFFFFFFF;
	p2 =	slt.u32 s8, $0xFFFFF086  }
0x1c: {  	p1 =	slt.u32 s9, $0xF7A;
	s5 =	simm.s32 @!p2 $0x0  }
0x1d: {  	s5 =	simm.s32 @p1 $0x1;
	p0 =	seq.s32 s7, s2  }
0x1e: {  	s7 =	smul.u32 @!p0 $0xF7A, s2;
	p2 =	seq.s32 @!p0 s5, $0x0  }
0x1f: {  	s9 =	smul.u32 $0xF7A, s1;
	s8 =	simm.s32 @!p0 $0x1BF5;
	p2 =	por !p2, p0  }
0x20: {  	[sflag:s8] =	ssyncset.s32 @!p0 $0xFFFFF086;
	s6 =	sadd.s32 @!p0 s3, s7;
	s7 =	simm.s32 @!p0 $0x108  }
0x21: {  	s3 =	sadd.s32 s3, s9;
	s6 =	sadd.s32 @!p0 $0x88, s6;
	s7 =	simm.s32 @p2 $0x1082  }
0x22: {  	[simem:s7], [sflag:s8] =	dma.local @!p0 [hbm:s6], $0xF7A  }
0x23: {  	s9 =	sor.u32 $0xD0000000, s2;
	s6 =	simm.s32 $0x108;
	_ =	swait.ge @!p0 [sflag:s8], $0x0  }
0x24: {  	s3 =	sadd.s32 $0x88, s3;
	s6 =	simm.s32 @!p1 $0x1082;
	[sflag:s4] =	ssyncset.s32 $0xFFFFF086  }
0x25: {  	[simem:s6], [sflag:s4] =	dma.local [hbm:s3], $0xF7A  }
0x26: {  	[smem:$0x3F98] =	sst s1;
	(tag) =	ssettag s2;
	_ =	strace s9  }
0x27: {  	s1 =	sld [smem:$0x3FA8]  }
0x28: {  	s2 =	sld [smem:$0x3FA9]  }
0x29: {  	s4 =	sld [smem:$0x3FAB]  }
0x2a: {  	p0 =	seq.s32 s5, $0x0;
	s5 =	sld [smem:$0x3FAC]  }
0x2b: {  	s6 =	sld [smem:$0x3FAD]  }
0x2c: {  	s7 =	sld [smem:$0x3FAE]  }
0x2d: {  	s3 =	simm.s32 $0x108;
	s8 =	sld [smem:$0x3FAF]  }
0x2e: {  	s3 =	simm.s32 @!p0 $0x1082;
	s9 =	sld [smem:$0x3FB0]  }
0x2f: {  	lr =	sadd.s32 s0, s3;
	s0 =	sld [smem:$0x3FA7]  }
0x30: {  	s3 =	sld [smem:$0x3FAA]  }
0x31: {  	[smem:$0x3FB3] =	sst s10  }
0x32: {  	s10 =	sld [smem:$0x3FB1];
	_ =	sdelay $0x3  }
0x33: {  	p0 =	seq.s32 s10, $0x1;
	s10 =	sld [smem:$0x3FB3];
	_ =	sdelay $0x3  }
0x34: {  	[smem:$0x3FB3] =	sst s10  }
0x35: {  	s10 =	sld [smem:$0x3FB2];
	_ =	sdelay $0x3  }
0x36: {  	p1 =	seq.s32 s10, $0x1;
	s10 =	sld [smem:$0x3FB3];
	_ =	sdelay $0x3  }
0x37: {  	[smem:$0x3FB3] =	sst s10  }
0x38: {  	s10 =	sld [smem:$0x3FB4]  }
0x39: {  	_ = 	snop;
	(pc) =	sbr.ind lr, $3  }
0x3a: {  	_ = 	snop  }
0x3b: {  	_ = 	snop  }
0x3c: {  	p2 =	seq.s32 s10, $0x1;
	s10 =	sld [smem:$0x3FB3]  }
0x3d: {  	_ =	shalt  }
0x3e: {  	_ =	shalt  }
0x3f: {  	_ =	shalt  }
0x40: {  	_ =	shalt  }
0x41: {  	_ =	shalt  }
0x42: {  	_ =	shalt  }
0x43: {  	_ =	shalt  }
0x44: {  	_ =	shalt  }
0x45: {  	_ =	shalt  }
0x46: {  	_ =	shalt  }
0x47: {  	_ =	shalt  }
0x48: {  	_ =	shalt  }
0x49: {  	_ =	shalt  }
0x4a: {  	_ =	shalt  }
0x4b: {  	_ =	shalt  }
0x4c: {  	_ =	shalt  }
0x4d: {  	_ =	shalt  }
0x4e: {  	_ =	shalt  }
0x4f: {  	_ =	shalt  }
0x50: {  	_ =	shalt  }
0x51: {  	_ =	shalt  }
0x52: {  	_ =	shalt  }
0x53: {  	_ =	shalt  }
0x54: {  	_ =	shalt  }
0x55: {  	_ =	shalt  }
0x56: {  	_ =	shalt  }
0x57: {  	_ =	shalt  }
0x58: {  	_ =	shalt  }
0x59: {  	_ =	shalt  }
0x5a: {  	_ =	shalt  }
0x5b: {  	_ =	shalt  }
0x5c: {  	_ =	shalt  }
0x5d: {  	_ =	shalt  }
0x5e: {  	_ =	shalt  }
0x5f: {  	_ =	shalt  }
0x60: {  	_ =	shalt  }
0x61: {  	_ =	shalt  }
0x62: {  	_ =	shalt  }
0x63: {  	_ =	shalt  }
0x64: {  	_ =	shalt  }
0x65: {  	_ =	shalt  }
0x66: {  	_ =	shalt  }
0x67: {  	_ =	shalt  }
0x68: {  	_ =	shalt  }
0x69: {  	_ =	shalt  }
0x6a: {  	_ =	shalt  }
0x6b: {  	_ =	shalt  }
0x6c: {  	_ =	shalt  }
0x6d: {  	_ =	shalt  }
0x6e: {  	_ =	shalt  }
0x6f: {  	_ =	shalt  }
0x70: {  	_ =	shalt  }
0x71: {  	_ =	shalt  }
0x72: {  	_ =	shalt  }
0x73: {  	_ =	shalt  }
0x74: {  	_ =	shalt  }
0x75: {  	_ =	shalt  }
0x76: {  	_ =	shalt  }
0x77: {  	_ =	shalt  }
0x78: {  	_ =	shalt  }
0x79: {  	_ =	shalt  }
0x7a: {  	_ =	shalt  }
0x7b: {  	_ =	shalt  }
0x7c: {  	_ =	shalt  }
0x7d: {  	_ =	shalt  }
0x7e: {  	_ =	shalt  }
0x7f: {  	_ =	shalt  }
0x80: {  	_ =	shalt  }
0x81: {  	_ =	shalt  }
0x82: {  	_ =	shalt  }
0x83: {  	_ =	shalt  }
0x84: {  	_ =	shalt  }
0x85: {  	_ =	shalt  }
0x86: {  	_ =	shalt  }
0x87: {  	_ =	shalt  }
.Lfunc_end0:
.L_simem_size_0:
called_computation.2_lowered:
.L_overlay_start_0:
0x88: {  	s2 =	sld [smem:$0x3FD9]  }
0x89: {  	s3 =	sld [smem:$0x3FFE];
	_ =	sdelay $0x1  }
0x8a: {  	s1 =	srdreg.scid  }
0x8b: {  	s0 =	sand.u32 $0x1, s1  }
0x8c: {  	s17 =	sshll.u32 s0, $0xA;
	s2 =	sadd.s32 s3, s2  }
0x8d: {  	s2 =	sadd.s32 s2, s17  }
0x8e: {  	[smem:$0x3FBF] =	sst s2  }
0x8f: {  	_ = 	snop  }
0x90: {  	s2 =	sld [smem:$0x3FD0];
	(tm) =	ssettm $0x1  }
0x91: {  	s18 =	sld [smem:$0x3FFB];
	_ =	sdelay $0x3  }
0x92: {  	_ =	strace s18  }
0x93: {  	s3 =	sld [smem:$0x3FFC];
	_ =	sdelay $0x3  }
0x94: {  	_ =	strace s3  }
0x95: {  	s3 =	sld [smem:$0x3FFD];
	_ =	sdelay $0x3  }
0x96: {  	_ =	strace s3  }
0x97: {  	_ =	strace $0x8FFFFFFF  }
0x98: {  	s19 =	sld [smem:$0x3FDB];
	_ =	sdelay $0x1  }
0x99: {  	s4 =	simm.s32 $_scs_section_size  }
0x9a: {  	s5 =	simm.s32 $_size__tile_overlayer_lowered;
	s6 =	simm.s32 $_tile_overlayer_lowered  }
0x9b: {  	s22 =	simm.s32 $0x1BFF;
	s21 =	sshll.u32 s6, $0x1;
	s3 =	sadd.s32 s4, s19  }
0x9c: {  	s7 =	simm.s32 $0x0;
	s20 =	sshll.u32 s5, $0x1;
	s5 =	sadd.s32 s21, s3  }
0x9d: {  	[timem:s7], [sflag:s22] =	dma.local [hbm:s5], s20  }
0x9e: {  	_ =	swait.ge [sflag:s22], s20  }
0x9f: {  	s4 =	ssub.s32 $0x0, s20;
	[sflag:s22] =	ssyncset.done $0x0  }
0xa0: {  	[sflag:s22] =	ssyncadd.s32 s4;
	_ =	sdelay $0x1  }
0xa1: {  	s23 =	simm.s32 $0x1B8B  }
0xa2: {  	_ =	swait.ge [sflag:s23], $0x1  }
0xa3: {  	[sflag:s23] =	ssyncset.done $0x0  }
0xa4: {  	s25 =	simm.s32 $0x1B8E;
	s24 =	sld [smem:$0x3FFE];
	[sflag:s23] =	ssyncadd.s32 $0xFFFFFFFF  }
0xa5: {  	s26 =	simm.s32 $execute0_lowered;
	[smem:$0x3FD2] =	sst s25  }
0xa6: {  	s5 =	sshll.u32 s26, $0x1;
	_ =	strace $0x8000004C;
	[dreg:$0x1] =	wrdreg $0xFFFFFFFF  }
0xa7: {  	s28 =	simm.s32 $_size_execute0_lowered;
	s3 =	sadd.s32 s3, s5;
	[dreg:$0x0] =	wrdreg $0x0  }
0xa8: {  	s5 =	sshll.u32 s28, $0x1;
	[dreg:$0x2] =	wrdreg s3  }
0xa9: {  	[dreg:$0x3] =	wrdreg s5  }
0xaa: {  	[dreg:$0x4] =	wrdreg $0xC0  }
0xab: {  	_ =	task [dreg:s7], $0x5FFFF  }
0xac: {  	[dreg:$0x1] =	wrdreg $0xFFFFFFFF  }
0xad: {  	[dreg:$0x0] =	wrdreg $0x60  }
0xae: {  	[dreg:$0x2] =	wrdreg s24  }
0xaf: {  	[dreg:$0x3] =	wrdreg s2  }
0xb0: {  	[dreg:$0x4] =	wrdreg $0x0  }
0xb1: {  	[dreg:$0x5] =	wrdreg $0x27800  }
0xb2: {  	[dreg:$0x6] =	wrdreg $0x9  }
0xb3: {  	_ =	task.clear_ibuf [dreg:s7], $0x7FFFF;
	_ =	strace $0x9000004C  }
0xb4: {  	s29 =	simm.s32 $0x9;
	_ =	strace $0x8000004E  }
0xb5: {  	_ =	swait.ge [sflag:s29], $0x1  }
0xb6: {  	[sflag:s29] =	ssyncadd.s32 $0xFFFFFFFF  }
0xb7: {  	_ =	strace $0x9000004E  }
0xb8: {  	_ =	sfence  }
0xb9: {  	s30 =	sld [smem:$0x0];
	_ =	sdelay $0x2  }
0xba: {  	s31 =	sshll.u32 s1, $0xD;
	s1 =	sshrl.u32 s1, $0x2  }
0xbb: {  	s3 =	sand.u32 $0x4000, s31;
	s1 =	sadd.s32 s1, s30  }
0xbc: {  	s0 =	sor.u32 s3, s0;
	s1 =	sshll.u32 s1, $0x11  }
0xbd: {  	s0 =	sor.u32 s1, s0  }
0xbe: {  	s0 =	sadd.s32 $0x8F2B, s0  }
0xbf: {  	[sflag:s0] =	ssyncadd.remote.s32 $0x1  }
0xc0: {  	_ =	sfence.sel $0xFFFF  }
0xc1: {  	[dreg:$0x0] =	wrdreg $0xFFFFFFFF;
	(pc) =	sbr.abs _section_cstart, $3  }
0xc2: {  	[dreg:$0x1] =	wrdreg $0xFFFFFFFF  }
0xc3: {  	_ =	task.clear_ibuf [dreg:s7], $0x2FFFF;
	_ =	strace $0x9FFFFFFF  }
0xc4: {  	(tm) =	ssettm $0x7FFFFFFF  }
0xc5: {  	_ =	shalt  }
tec
execute0_lowered:
.L_overlay_start_1:
0x0: {  	(tag) =	ssettag $0x1  }
0x1: {  	s5 =	rddreg [dreg:$0x0]  }
0x2: {  	s10 =	rddreg [dreg:$0x1]  }
0x3: {  	s2 =	rddreg [dreg:$0x2]  }
0x4: {  	s0 =	srdreg.scid;
	s3 =	rddreg [dreg:$0x3];
	s4 =	simm.s32 $0x0  }
0x5: {  	s15 =	simm.s32 $0x4F00;
	s16 =	simm.s32 $0x6300;
	s17 =	simm.s32 $0x80  }
0x6: {  	s18 =	simm.s32 $0x7700;
	s19 =	simm.s32 $0x7F00;
	s20 =	simm.s32 $0x1  }
0x7: {  	s21 =	simm.s32 $0x2;
	s22 =	simm.s32 $0x6280;
	s23 =	simm.s32 $0x7600  }
0x8: {  	s24 =	simm.s32 $0x7680;
	s6 =	sand.u32 $0x1, s0;
	s0 =	stileid.u32  }
0x9: {  	s25 =	simm.s32 $0x0;
	[smem:$0x7FF] =	sst s4;
	s8 =	smul.u32 $0x2780, s0  }
0xa: {  	s1 =	sshll.u32 s6, $0x4;
	s11 =	ssub.s32 $0x2, s6;
	s12 =	smul.u32 $0x27800, s6  }
0xb: {  	s31 =	sshll.u32 s0, $0x6;
	s7 =	sor.u32 s0, s1;
	s1 =	rddreg [dreg:$0x4]  }
0xc: {  	_ =	strace $0x8000004D;
	s30 =	sshrl.u32 s11, $0x1;
	s6 =	sor.u32 $0x1C03, s31  }
0xd: {  	s7 =	smul.u32 $0x280, s7;
	s29 =	sshrl.u32 s8, $0x3;
	s11 =	ssub.s32 s11, s30  }
0xe: {  	s13 =	sadd.s32 s8, s2;
	s12 =	sadd.s32 s8, s12;
	s14 =	sadd.s32 s8, s3  }
0xf: {  	s12 =	sshrl.u32 s12, $0x3;
	s11 =	smax.u32 s11, $0x1;
	s14 =	sshrl.u32 s14, $0x3  }
0x10: {  	s9 =	sadd.s32 s7, s5;
	s7 =	sadd.s32 s29, s5;
	s10 =	sadd.s32 s10, s12  }
0x11: {  	s12 =	sshrl.u32 s13, $0x3;
	s13 =	simm.s32 $0x3;
	s5 =	sadd.s32 $0x14800, s7  }
0x12: {  	s7 =	sadd.s32 $0x19800, s7;
	s8 =	sadd.s32 $0x5800, s9;
	s9 =	sadd.s32 $0xA800, s9  }
.LBB2_1:
0x13: {  	[spmem:s12], [sflag:s6] =	dma.local [hbm:s5], $0x4F0  }
0x14: {  	_ =	swait.ge [sflag:s13], $0x4F0  }
0x15: {  	[sflag:s13] =	ssyncset.done $0x0  }
0x16: {  	[sflag:s13] =	ssyncadd.s32 $0xFFFFFB10  }
0x17: {  	[spmem:s14], [sflag:s6] =	dma.local [hbm:s7], $0x4F0  }
0x18: {  	_ =	swait.ge [sflag:s13], $0x4F0  }
0x19: {  	[sflag:s13] =	ssyncset.done $0x0  }
0x1a: {  	[sflag:s13] =	ssyncadd.s32 $0xFFFFFB10  }
0x1b: {  	[tilespmem:s15], [sflag:$0x3] =	stream.linear.gather [hbm4b:s8+s4], $0x1400, $0x38;
	[tilespmem:$0x8700] =	vst v63  }
0x1c: {  	_ =	swait.ge [sflag:s13], $0x1400  }
0x1d: {  	[sflag:s13] =	ssyncset.done $0x0  }
0x1e: {  	[sflag:s13] =	ssyncadd.s32 $0xFFFFEC00  }
0x1f: {  	[tilespmem:s16], [sflag:$0x3] =	stream.linear.gather [hbm4b:s9+s4], $0x1400, $0x38;
	[tilespmem:$0x8700] =	vst v63  }
0x20: {  	_ =	swait.ge [sflag:s13], $0x1400  }
0x21: {  	[sflag:s13] =	ssyncset.done $0x0  }
0x22: {  	[sflag:s13] =	ssyncadd.s32 $0xFFFFEC00  }
0x23: {  	[bflag:$0x0] =	sbarrier.arrive $0xFFFF  }
0x24: {  	[tilespmem:s18], [sflag:$0x1] =	stream.indirect.gather [spmem:s2], $0x10, s15, s17, $0xb8;
	[tilespmem:$0x8700] =	vst v63  }
0x25: {  	s26 =	simm.s32 $0x4F80  }
0x26: {  	[tilespmem:s19], [sflag:$0x2] =	stream.indirect.gather [spmem:s2], $0x10, s26, s17, $0xb8;
	[tilespmem:$0x8700] =	vst v63  }
0x27: {  	_ =	swait.ge [sflag:s20], $0x800  }
0x28: {  	[sflag:s20] =	ssyncset.done $0x0  }
0x29: {  	s29 =	simm.s32 $0x6300;
	[sflag:s20] =	ssyncadd.s32 $0xFFFFF800  }
0x2a: {  	[spmem:s3] =	stream.indirect.scatter.add.f32 [tilespmem:s18], [sflag:$0x3], $0x10, s29, s17, $0xb8;
	[tilespmem:$0x8700] =	vst v63  }
0x2b: {  	_ =	swait.ge [sflag:s13], $0x800  }
0x2c: {  	[sflag:s13] =	ssyncset.done $0x0  }
0x2d: {  	s30 =	simm.s32 $0x5000;
	[sflag:s13] =	ssyncadd.s32 $0xFFFFF800  }
0x2e: {  	[tilespmem:s18], [sflag:$0x1] =	stream.indirect.gather [spmem:s2], $0x10, s30, s17, $0xb8;
	[tilespmem:$0x8700] =	vst v63  }
0x2f: {  	_ =	swait.ge [sflag:s21], $0x800  }
0x30: {  	[sflag:s21] =	ssyncset.done $0x0  }
0x31: {  	s31 =	simm.s32 $0x6380;
	[sflag:s21] =	ssyncadd.s32 $0xFFFFF800  }
0x32: {  	[spmem:s3] =	stream.indirect.scatter.add.f32 [tilespmem:s19], [sflag:$0x3], $0x10, s31, s17, $0xb8;
	[tilespmem:$0x8700] =	vst v63  }
0x33: {  	_ =	swait.ge [sflag:s13], $0x800  }
0x34: {  	s28 =	simm.s32 $0x800;
	s26 =	simm.s32 $0x100;
	[sflag:s13] =	ssyncset.done $0x0  }
.LBB2_2:
0x35: {  	s29 =	sadd.s32 $0x4F80, s26  }
0x36: {  	[sflag:s13] =	ssyncadd.s32 $0xFFFFF800;
	s30 =	smov.u32 s28;
	s31 =	sadd.s32 $0x400, s28  }
0x37: {  	[tilespmem:s19], [sflag:$0x2] =	stream.indirect.gather [spmem:s2], $0x10, s29, s17, $0xb8;
	[tilespmem:$0x8700] =	vst v63  }
0x38: {  	p0 =	sne.s32 s28, $0x4800;
	_ =	swait.ge [sflag:s20], $0x800  }
0x39: {  	[sflag:s20] =	ssyncset.done $0x0  }
0x3a: {  	s28 =	sadd.s32 $0x6300, s26;
	[sflag:s20] =	ssyncadd.s32 $0xFFFFF800  }
0x3b: {  	[spmem:s3] =	stream.indirect.scatter.add.f32 [tilespmem:s18], [sflag:$0x3], $0x10, s28, s17, $0xb8;
	[tilespmem:$0x8700] =	vst v63  }
0x3c: {  	_ =	swait.ge [sflag:s13], $0x800  }
0x3d: {  	[sflag:s13] =	ssyncset.done $0x0  }
0x3e: {  	s28 =	sadd.s32 $0x5000, s26;
	[sflag:s13] =	ssyncadd.s32 $0xFFFFF800  }
0x3f: {  	[tilespmem:s18], [sflag:$0x1] =	stream.indirect.gather [spmem:s2], $0x10, s28, s17, $0xb8;
	[tilespmem:$0x8700] =	vst v63  }
0x40: {  	_ =	swait.ge [sflag:s21], $0x800  }
.Ltmp0:
0x41: {  	[sflag:s21] =	ssyncset.done $0x0;
	(pc) =	sbr.rel @p0 .LBB2_2-.Ltmp0, $4  }
0x42: {  	s26 =	sadd.s32 $0x6380, s26;
	[sflag:s21] =	ssyncadd.s32 $0xFFFFF800  }
0x43: {  	[spmem:s3] =	stream.indirect.scatter.add.f32 [tilespmem:s19], [sflag:$0x3], $0x10, s26, s17, $0xb8;
	[tilespmem:$0x8700] =	vst v63  }
0x44: {  	_ =	swait.ge [sflag:s13], $0x800  }
0x45: {  	s28 =	smov.u32 s31;
	s26 =	sshra.s32 s30, $0x2;
	[sflag:s13] =	ssyncset.done $0x0  }
0x46: {  	s28 =	sadd.s32 $0x4F80, s26;
	[sflag:s13] =	ssyncadd.s32 $0xFFFFF800  }
0x47: {  	[tilespmem:s19], [sflag:$0x2] =	stream.indirect.gather [spmem:s2], $0x10, s28, s17, $0xb8;
	[tilespmem:$0x8700] =	vst v63  }
0x48: {  	_ =	swait.ge [sflag:s20], $0x800  }
0x49: {  	[sflag:s20] =	ssyncset.done $0x0  }
0x4a: {  	s29 =	sadd.s32 $0x6300, s26;
	[sflag:s20] =	ssyncadd.s32 $0xFFFFF800  }
0x4b: {  	[spmem:s3] =	stream.indirect.scatter.add.f32 [tilespmem:s18], [sflag:$0x3], $0x10, s29, s17, $0xb8;
	[tilespmem:$0x8700] =	vst v63  }
0x4c: {  	_ =	swait.ge [sflag:s13], $0x800  }
0x4d: {  	[sflag:s13] =	ssyncset.done $0x0  }
0x4e: {  	s30 =	sadd.s32 $0x5000, s26;
	[sflag:s13] =	ssyncadd.s32 $0xFFFFF800  }
0x4f: {  	[tilespmem:s18], [sflag:$0x1] =	stream.indirect.gather [spmem:s2], $0x10, s30, s17, $0xb8;
	[tilespmem:$0x8700] =	vst v63  }
0x50: {  	_ =	swait.ge [sflag:s21], $0x800  }
0x51: {  	[sflag:s21] =	ssyncset.done $0x0  }
0x52: {  	s31 =	sadd.s32 $0x6380, s26;
	[sflag:s21] =	ssyncadd.s32 $0xFFFFF800  }
0x53: {  	[spmem:s3] =	stream.indirect.scatter.add.f32 [tilespmem:s19], [sflag:$0x3], $0x10, s31, s17, $0xb8;
	[tilespmem:$0x8700] =	vst v63  }
0x54: {  	_ =	swait.ge [sflag:s13], $0x800  }
0x55: {  	[sflag:s13] =	ssyncset.done $0x0  }
0x56: {  	[sflag:s13] =	ssyncadd.s32 $0xFFFFF800  }
0x57: {  	[tilespmem:s19], [sflag:$0x2] =	stream.indirect.gather [spmem:s2], $0x10, s22, s17, $0xb8;
	[tilespmem:$0x8700] =	vst v63  }
0x58: {  	_ =	swait.ge [sflag:s20], $0x800  }
0x59: {  	[sflag:s20] =	ssyncset.done $0x0  }
0x5a: {  	[sflag:s20] =	ssyncadd.s32 $0xFFFFF800  }
0x5b: {  	[spmem:s3] =	stream.indirect.scatter.add.f32 [tilespmem:s18], [sflag:$0x3], $0x10, s23, s17, $0xb8;
	[tilespmem:$0x8700] =	vst v63  }
0x5c: {  	_ =	swait.ge [sflag:s13], $0x800  }
0x5d: {  	[sflag:s13] =	ssyncset.done $0x0  }
0x5e: {  	[sflag:s13] =	ssyncadd.s32 $0xFFFFF800  }
0x5f: {  	_ =	swait.ge [sflag:s21], $0x800  }
0x60: {  	[sflag:s21] =	ssyncset.done $0x0  }
0x61: {  	[sflag:s21] =	ssyncadd.s32 $0xFFFFF800  }
0x62: {  	[spmem:s3] =	stream.indirect.scatter.add.f32 [tilespmem:s19], [sflag:$0x3], $0x10, s24, s17, $0xb8;
	[tilespmem:$0x8700] =	vst v63  }
0x63: {  	_ =	swait.ge [sflag:s13], $0x800  }
0x64: {  	s25 =	sadd.s32 $0x1, s25;
	[sflag:s13] =	ssyncset.done $0x0  }
0x65: {  	p0 =	sne.s32 s25, s11;
	[sflag:s13] =	ssyncadd.s32 $0xFFFFF800  }
.Ltmp1:
0x66: {  	[bflag:$0x0] =	sbarrier.arrive $0xFFFF;
	(pc) =	sbr.rel @p0 .LBB2_1-.Ltmp1, $4  }
0x67: {  	[hbm:s10], [sflag:s6] =	dma.local [spmem:s14], $0x4F0  }
0x68: {  	_ =	swait.ge [sflag:s13], $0x4F0  }
0x69: {  	[sflag:s13] =	ssyncset.done $0x0  }
0x6a: {  	[sflag:s13] =	ssyncadd.s32 $0xFFFFFB10  }
0x6b: {  	_ =	sfence.sel $0x180000  }
0x6c: {  	[bflag:$0x0] =	sbarrier.arrive $0xFFFF  }
0x6d: {  	p0 =	sne.s32 s0, $0x0;
	_ =	strace $0x9000004D  }
0x6e: {  	s0 =	sadd.s32 @!p0 $0x100000, s1;
	[bflag:$0x2] =	sbarrier.arrive $0xFFFF  }
0x6f: {  	[sflag:s0] =	ssyncadd.tile.s32 @!p0 $0x1;
	_ =	shalt  }
.Lfunc_end2:
_tile_overlayer_lowered:
.L_overlay_start_2:
0x70: {  	(tag) =	ssettag $0x2  }
0x71: {  	s0 =	rddreg [dreg:$0x0];
	s2 =	stileid.u32  }
0x72: {  	s1 =	rddreg [dreg:$0x1];
	p0 =	sne.s32 s2, $0x0  }
0x73: {  	s3 =	rddreg [dreg:$0x2];
	[bflag:$0x3] =	sbarrier.arrive $0xFFFF;
	s2 =	simm.s32 @!p0 $0x1C03  }
0x74: {  	[timem:s3], [sflag:s2] =	dma.local @!p0 [hbm:s0], s1  }
0x75: {  	s0 =	simm.s32 @!p0 $0x3  }
0x76: {  	_ =	swait.ge @!p0 [sflag:s0], s1  }
0x77: {  	s1 =	ssub.s32 @!p0 $0x0, s1;
	[sflag:s0] =	ssyncset.done @!p0 $0x0  }
0x78: {  	[sflag:s0] =	ssyncadd.s32 @!p0 s1  }
0x79: {  	[bflag:$0x3] =	sbarrier.arrive $0xFFFF  }
0x7a: {  	_ =	shalt  }

// kernel: kernel.24.cloned.1.call-start
scs
__scs_entry_jumppad:
0x0: {  	(pc) =	sbr.rel $0x88, $3  }
0x1: {  	(tag) =	ssettag $0x0;
	lr =	simm.s32 $0x1  }
0x2: {  	[smem:$0x3F98] =	sst lr;
	_ =	strace $0xD0000000  }
0x3: {  	_ = 	snop  }
0x4: {  	_ = 	snop  }
0x5: {  	_ = 	snop  }
0x6: {  	_ = 	snop  }
0x7: {  	_ = 	snop  }
__scs_overlays_trampoline_lowered:
0x8: {  	[smem:$0x3FA7] =	sst s0  }
0x9: {  	[smem:$0x3FA8] =	sst s1  }
0xa: {  	[smem:$0x3FA9] =	sst s2  }
0xb: {  	[smem:$0x3FAA] =	sst s3  }
0xc: {  	[smem:$0x3FAB] =	sst s4  }
0xd: {  	[smem:$0x3FAC] =	sst s5  }
0xe: {  	[smem:$0x3FAD] =	sst s6  }
0xf: {  	[smem:$0x3FAE] =	sst s7  }
0x10: {  	[smem:$0x3FAF] =	sst s8  }
0x11: {  	[smem:$0x3FB0] =	sst s9;
	s0 =	simm.s32 @!p0 $0x0  }
0x12: {  	s1 =	sld [smem:$0x3F96];
	s0 =	simm.s32 @p0 $0x1  }
0x13: {  	[smem:$0x3FB1] =	sst s0;
	s0 =	simm.s32 @!p1 $0x0  }
0x14: {  	s2 =	sld [smem:$0x3F95];
	s0 =	simm.s32 @p1 $0x1  }
0x15: {  	[smem:$0x3FB2] =	sst s0;
	s0 =	simm.s32 @!p2 $0x0  }
0x16: {  	s3 =	sld [smem:$0x3FDB];
	s0 =	simm.s32 @p2 $0x1  }
0x17: {  	s4 =	simm.s32 $0x1BF5;
	[smem:$0x3FB4] =	sst s0  }
0x18: {  	s0 =	sld [smem:$0x3F97];
	_ =	swait.ge [sflag:s4], $0x0  }
0x19: {  	s7 =	sld [smem:$0x3F98]  }
0x1a: {  	s8 =	sadd.s32 $0xFFFFE003, lr  }
0x1b: {  	s9 =	sadd.s32 $0xFFFFFEF7, lr;
	s5 =	simm.s32 $0xFFFFFFFF;
	p2 =	slt.u32 s8, $0xFFFFF086  }
0x1c: {  	p1 =	slt.u32 s9, $0xF7A;
	s5 =	simm.s32 @!p2 $0x0  }
0x1d: {  	s5 =	simm.s32 @p1 $0x1;
	p0 =	seq.s32 s7, s2  }
0x1e: {  	s7 =	smul.u32 @!p0 $0xF7A, s2;
	p2 =	seq.s32 @!p0 s5, $0x0  }
0x1f: {  	s9 =	smul.u32 $0xF7A, s1;
	s8 =	simm.s32 @!p0 $0x1BF5;
	p2 =	por !p2, p0  }
0x20: {  	[sflag:s8] =	ssyncset.s32 @!p0 $0xFFFFF086;
	s6 =	sadd.s32 @!p0 s3, s7;
	s7 =	simm.s32 @!p0 $0x108  }
0x21: {  	s3 =	sadd.s32 s3, s9;
	s6 =	sadd.s32 @!p0 $0x88, s6;
	s7 =	simm.s32 @p2 $0x1082  }
0x22: {  	[simem:s7], [sflag:s8] =	dma.local @!p0 [hbm:s6], $0xF7A  }
0x23: {  	s9 =	sor.u32 $0xD0000000, s2;
	s6 =	simm.s32 $0x108;
	_ =	swait.ge @!p0 [sflag:s8], $0x0  }
0x24: {  	s3 =	sadd.s32 $0x88, s3;
	s6 =	simm.s32 @!p1 $0x1082;
	[sflag:s4] =	ssyncset.s32 $0xFFFFF086  }
0x25: {  	[simem:s6], [sflag:s4] =	dma.local [hbm:s3], $0xF7A  }
0x26: {  	[smem:$0x3F98] =	sst s1;
	(tag) =	ssettag s2;
	_ =	strace s9  }
0x27: {  	s1 =	sld [smem:$0x3FA8]  }
0x28: {  	s2 =	sld [smem:$0x3FA9]  }
0x29: {  	s4 =	sld [smem:$0x3FAB]  }
0x2a: {  	p0 =	seq.s32 s5, $0x0;
	s5 =	sld [smem:$0x3FAC]  }
0x2b: {  	s6 =	sld [smem:$0x3FAD]  }
0x2c: {  	s7 =	sld [smem:$0x3FAE]  }
0x2d: {  	s3 =	simm.s32 $0x108;
	s8 =	sld [smem:$0x3FAF]  }
0x2e: {  	s3 =	simm.s32 @!p0 $0x1082;
	s9 =	sld [smem:$0x3FB0]  }
0x2f: {  	lr =	sadd.s32 s0, s3;
	s0 =	sld [smem:$0x3FA7]  }
0x30: {  	s3 =	sld [smem:$0x3FAA]  }
0x31: {  	[smem:$0x3FB3] =	sst s10  }
0x32: {  	s10 =	sld [smem:$0x3FB1];
	_ =	sdelay $0x3  }
0x33: {  	p0 =	seq.s32 s10, $0x1;
	s10 =	sld [smem:$0x3FB3];
	_ =	sdelay $0x3  }
0x34: {  	[smem:$0x3FB3] =	sst s10  }
0x35: {  	s10 =	sld [smem:$0x3FB2];
	_ =	sdelay $0x3  }
0x36: {  	p1 =	seq.s32 s10, $0x1;
	s10 =	sld [smem:$0x3FB3];
	_ =	sdelay $0x3  }
0x37: {  	[smem:$0x3FB3] =	sst s10  }
0x38: {  	s10 =	sld [smem:$0x3FB4]  }
0x39: {  	_ = 	snop;
	(pc) =	sbr.ind lr, $3  }
0x3a: {  	_ = 	snop  }
0x3b: {  	_ = 	snop  }
0x3c: {  	p2 =	seq.s32 s10, $0x1;
	s10 =	sld [smem:$0x3FB3]  }
0x3d: {  	_ =	shalt  }
0x3e: {  	_ =	shalt  }
0x3f: {  	_ =	shalt  }
0x40: {  	_ =	shalt  }
0x41: {  	_ =	shalt  }
0x42: {  	_ =	shalt  }
0x43: {  	_ =	shalt  }
0x44: {  	_ =	shalt  }
0x45: {  	_ =	shalt  }
0x46: {  	_ =	shalt  }
0x47: {  	_ =	shalt  }
0x48: {  	_ =	shalt  }
0x49: {  	_ =	shalt  }
0x4a: {  	_ =	shalt  }
0x4b: {  	_ =	shalt  }
0x4c: {  	_ =	shalt  }
0x4d: {  	_ =	shalt  }
0x4e: {  	_ =	shalt  }
0x4f: {  	_ =	shalt  }
0x50: {  	_ =	shalt  }
0x51: {  	_ =	shalt  }
0x52: {  	_ =	shalt  }
0x53: {  	_ =	shalt  }
0x54: {  	_ =	shalt  }
0x55: {  	_ =	shalt  }
0x56: {  	_ =	shalt  }
0x57: {  	_ =	shalt  }
0x58: {  	_ =	shalt  }
0x59: {  	_ =	shalt  }
0x5a: {  	_ =	shalt  }
0x5b: {  	_ =	shalt  }
0x5c: {  	_ =	shalt  }
0x5d: {  	_ =	shalt  }
0x5e: {  	_ =	shalt  }
0x5f: {  	_ =	shalt  }
0x60: {  	_ =	shalt  }
0x61: {  	_ =	shalt  }
0x62: {  	_ =	shalt  }
0x63: {  	_ =	shalt  }
0x64: {  	_ =	shalt  }
0x65: {  	_ =	shalt  }
0x66: {  	_ =	shalt  }
0x67: {  	_ =	shalt  }
0x68: {  	_ =	shalt  }
0x69: {  	_ =	shalt  }
0x6a: {  	_ =	shalt  }
0x6b: {  	_ =	shalt  }
0x6c: {  	_ =	shalt  }
0x6d: {  	_ =	shalt  }
0x6e: {  	_ =	shalt  }
0x6f: {  	_ =	shalt  }
0x70: {  	_ =	shalt  }
0x71: {  	_ =	shalt  }
0x72: {  	_ =	shalt  }
0x73: {  	_ =	shalt  }
0x74: {  	_ =	shalt  }
0x75: {  	_ =	shalt  }
0x76: {  	_ =	shalt  }
0x77: {  	_ =	shalt  }
0x78: {  	_ =	shalt  }
0x79: {  	_ =	shalt  }
0x7a: {  	_ =	shalt  }
0x7b: {  	_ =	shalt  }
0x7c: {  	_ =	shalt  }
0x7d: {  	_ =	shalt  }
0x7e: {  	_ =	shalt  }
0x7f: {  	_ =	shalt  }
0x80: {  	_ =	shalt  }
0x81: {  	_ =	shalt  }
0x82: {  	_ =	shalt  }
0x83: {  	_ =	shalt  }
0x84: {  	_ =	shalt  }
0x85: {  	_ =	shalt  }
0x86: {  	_ =	shalt  }
0x87: {  	_ =	shalt  }
.Lfunc_end0:
.L_simem_size_0:
called_computation.3_lowered:
.L_overlay_start_0:
0x88: {  	s2 =	sld [smem:$0x3FD9]  }
0x89: {  	s3 =	sld [smem:$0x3FFE];
	_ =	sdelay $0x1  }
0x8a: {  	s1 =	srdreg.scid  }
0x8b: {  	s0 =	sand.u32 $0x1, s1  }
0x8c: {  	s17 =	sshll.u32 s0, $0xA;
	s2 =	sadd.s32 s3, s2  }
0x8d: {  	s2 =	sadd.s32 s2, s17  }
0x8e: {  	[smem:$0x3FBF] =	sst s2  }
0x8f: {  	_ = 	snop  }
0x90: {  	s2 =	sld [smem:$0x3FD0];
	(tm) =	ssettm $0x1  }
0x91: {  	s18 =	sld [smem:$0x3FFB];
	_ =	sdelay $0x3  }
0x92: {  	_ =	strace s18  }
0x93: {  	s3 =	sld [smem:$0x3FFC];
	_ =	sdelay $0x3  }
0x94: {  	_ =	strace s3  }
0x95: {  	s3 =	sld [smem:$0x3FFD];
	_ =	sdelay $0x3  }
0x96: {  	_ =	strace s3  }
0x97: {  	_ =	strace $0x8FFFFFFF  }
0x98: {  	s19 =	sld [smem:$0x3FDB];
	_ =	sdelay $0x1  }
0x99: {  	s4 =	simm.s32 $_scs_section_size  }
0x9a: {  	s5 =	simm.s32 $_size__tile_overlayer_lowered;
	s6 =	simm.s32 $_tile_overlayer_lowered  }
0x9b: {  	s22 =	simm.s32 $0x1BFF;
	s21 =	sshll.u32 s6, $0x1;
	s3 =	sadd.s32 s4, s19  }
0x9c: {  	s7 =	simm.s32 $0x0;
	s20 =	sshll.u32 s5, $0x1;
	s5 =	sadd.s32 s21, s3  }
0x9d: {  	[timem:s7], [sflag:s22] =	dma.local [hbm:s5], s20  }
0x9e: {  	_ =	swait.ge [sflag:s22], s20  }
0x9f: {  	s4 =	ssub.s32 $0x0, s20;
	[sflag:s22] =	ssyncset.done $0x0  }
0xa0: {  	[sflag:s22] =	ssyncadd.s32 s4;
	_ =	sdelay $0x1  }
0xa1: {  	s23 =	simm.s32 $0x1B8B  }
0xa2: {  	_ =	swait.ge [sflag:s23], $0x1  }
0xa3: {  	[sflag:s23] =	ssyncset.done $0x0  }
0xa4: {  	s25 =	simm.s32 $0x1B8E;
	s24 =	sld [smem:$0x3FFE];
	[sflag:s23] =	ssyncadd.s32 $0xFFFFFFFF  }
0xa5: {  	s26 =	simm.s32 $execute0_lowered;
	[smem:$0x3FD2] =	sst s25  }
0xa6: {  	s5 =	sshll.u32 s26, $0x1;
	_ =	strace $0x8000004F;
	[dreg:$0x1] =	wrdreg $0xFFFFFFFF  }
0xa7: {  	s28 =	simm.s32 $_size_execute0_lowered;
	s3 =	sadd.s32 s3, s5;
	[dreg:$0x0] =	wrdreg $0x0  }
0xa8: {  	s5 =	sshll.u32 s28, $0x1;
	[dreg:$0x2] =	wrdreg s3  }
0xa9: {  	[dreg:$0x3] =	wrdreg s5  }
0xaa: {  	[dreg:$0x4] =	wrdreg $0xC0  }
0xab: {  	_ =	task [dreg:s7], $0x5FFFF  }
0xac: {  	[dreg:$0x1] =	wrdreg $0xFFFFFFFF  }
0xad: {  	[dreg:$0x0] =	wrdreg $0x60  }
0xae: {  	[dreg:$0x2] =	wrdreg s24  }
0xaf: {  	[dreg:$0x3] =	wrdreg s2  }
0xb0: {  	[dreg:$0x4] =	wrdreg $0x0  }
0xb1: {  	[dreg:$0x5] =	wrdreg $0x27800  }
0xb2: {  	[dreg:$0x6] =	wrdreg $0x4F000  }
0xb3: {  	[dreg:$0x7] =	wrdreg $0x9  }
0xb4: {  	_ =	task.clear_ibuf [dreg:s7], $0x8FFFF;
	_ =	strace $0x9000004F  }
0xb5: {  	s29 =	simm.s32 $0x9;
	_ =	strace $0x80000051  }
0xb6: {  	_ =	swait.ge [sflag:s29], $0x1  }
0xb7: {  	[sflag:s29] =	ssyncadd.s32 $0xFFFFFFFF  }
0xb8: {  	_ =	strace $0x90000051  }
0xb9: {  	_ =	sfence  }
0xba: {  	s30 =	sld [smem:$0x0];
	_ =	sdelay $0x2  }
0xbb: {  	s31 =	sshll.u32 s1, $0xD;
	s1 =	sshrl.u32 s1, $0x2  }
0xbc: {  	s3 =	sand.u32 $0x4000, s31;
	s1 =	sadd.s32 s1, s30  }
0xbd: {  	s0 =	sor.u32 s3, s0;
	s1 =	sshll.u32 s1, $0x11  }
0xbe: {  	s0 =	sor.u32 s1, s0  }
0xbf: {  	s0 =	sadd.s32 $0x8F2B, s0  }
0xc0: {  	[sflag:s0] =	ssyncadd.remote.s32 $0x1  }
0xc1: {  	_ =	sfence.sel $0xFFFF  }
0xc2: {  	[dreg:$0x0] =	wrdreg $0xFFFFFFFF;
	(pc) =	sbr.abs _section_cstart, $3  }
0xc3: {  	[dreg:$0x1] =	wrdreg $0xFFFFFFFF  }
0xc4: {  	_ =	task.clear_ibuf [dreg:s7], $0x2FFFF;
	_ =	strace $0x9FFFFFFF  }
0xc5: {  	(tm) =	ssettm $0x7FFFFFFF  }
tec
execute0_lowered:
.L_overlay_start_1:
0x0: {  	(tag) =	ssettag $0x1  }
0x1: {  	s0 =	rddreg [dreg:$0x0]  }
0x2: {  	s3 =	rddreg [dreg:$0x1]  }
0x3: {  	s1 =	rddreg [dreg:$0x2]  }
0x4: {  	s2 =	rddreg [dreg:$0x3]  }
0x5: {  	s5 =	srdreg.scid;
	s4 =	rddreg [dreg:$0x4]  }
0x6: {  	s10 =	stileid.u32;
	s7 =	simm.s32 $0x0;
	s15 =	simm.s32 $0x3  }
0x7: {  	s28 =	simm.s32 $0xC680;
	s29 =	simm.s32 $0xD680;
	s30 =	simm.s32 $0x1  }
0x8: {  	s31 =	simm.s32 $0xDE80;
	s5 =	sand.u32 $0x1, s5;
	s8 =	smul.u32 $0x2780, s10  }
0x9: {  	[smem:$0x7FF] =	sst s7;
	s19 =	sshll.u32 s10, $0x6;
	s6 =	sshll.u32 s5, $0x4  }
0xa: {  	_ =	strace $0x80000050;
	s9 =	ssub.s32 $0x2, s5;
	s5 =	smul.u32 $0x27800, s5  }
0xb: {  	s7 =	sor.u32 $0x1C03, s19;
	s19 =	simm.s32 $0x8A80;
	s6 =	sor.u32 s10, s6  }
0xc: {  	v0 =	vimm.s32 $0xEFCDAB89;
	v1 =	vimm.s32 $0x67452301;
	s17 =	sshrl.u32 s8, $0x3;
	s18 =	sshrl.u32 s9, $0x1;
	s20 =	sadd.s32 s8, s1  }
0xd: {  	v2 =	vimm.s32 $0xDCFE98BA;
	v3 =	vimm.s32 $0x54761032;
	s21 =	sadd.s32 s8, s2;
	s6 =	smul.u32 $0x280, s6;
	s9 =	ssub.s32 s9, s18  }
0xe: {  	v4 =	vimm.s32 $0xBA98FEDC;
	v5 =	vimm.s32 $0x32107654;
	v6 =	vimm.s32 $0xFEDCBA98;
	s5 =	sadd.s32 s8, s5;
	s8 =	sadd.s32 s8, s4;
	s26 =	sshrl.u32 s20, $0x3  }
0xf: {  	v7 =	vimm.s32 $0x76543210;
	v0 =	vunpack.c.l.s4.s8 v0;
	v1 =	vunpack.c.l.s4.s8 v1;
	s16 =	sshrl.u32 s21, $0x3;
	s18 =	simm.s32 $0x7680;
	s25 =	smax.u32 s9, $0x1  }
0x10: {  	v2 =	vunpack.c.l.s4.s8 v2;
	v3 =	vunpack.c.l.s4.s8 v3;
	v4 =	vunpack.c.l.s4.s8 v4;
	[dreg:$0xd] =	wrdreg s26;
	s6 =	sadd.s32 s6, s0;
	s0 =	sadd.s32 s17, s0  }
0x11: {  	v5 =	vunpack.c.l.s4.s8 v5;
	v6 =	vunpack.c.l.s4.s8 v6;
	v7 =	vunpack.c.l.s4.s8 v7;
	s20 =	simm.s32 $0x80;
	[dreg:$0xc] =	wrdreg s25;
	s11 =	sadd.s32 $0x14800, s0  }
0x12: {  	v0 =	vunpack.c.0.s8.s32 v0;
	v1 =	vunpack.c.0.s8.s32 v1;
	v2 =	vunpack.c.0.s8.s32 v2;
	s21 =	simm.s32 $0x0;
	s12 =	sadd.s32 $0xF800, s0;
	[dreg:$0x6] =	wrdreg s11  }
0x13: {  	v3 =	vunpack.c.0.s8.s32 v3;
	v4 =	vunpack.c.0.s8.s32 v4;
	v5 =	vunpack.c.0.s8.s32 v5;
	s22 =	sshrl.u32 s5, $0x3;
	s0 =	sadd.s32 $0x19800, s0;
	[dreg:$0x7] =	wrdreg s12  }
0x14: {  	v0 =	vcombine.low v1, v0;
	v1 =	vunpack.c.0.s8.s32 v6;
	s26 =	simm.s32 $0xB680;
	s23 =	sadd.s32 $0x5800, s6;
	[dreg:$0x8] =	wrdreg s0  }
0x15: {  	v2 =	vcombine.low v3, v2;
	v3 =	vcombine.low v5, v4;
	v4 =	vunpack.c.0.s8.s32 v7;
	s17 =	sshrl.u32 s8, $0x3;
	s24 =	sadd.s32 $0xA800, s6;
	[dreg:$0x9] =	wrdreg s23  }
0x16: {  	s25 =	simm.s32 $0xA680;
	v0 =	vand.u32 $0xF, v0;
	v5 =	vand.u32 $0xF, v1;
	[dreg:$0xa] =	wrdreg s24;
	s0 =	sadd.s32 s3, s22  }
0x17: {  	v1 =	vand.u32 $0xF, v2;
	v2 =	vand.u32 $0xF, v3;
	v3 =	vcombine.low v5, v4;
	s3 =	simm.s32 $0x2;
	[dreg:$0xb] =	wrdreg s0;
	s0 =	simm.s32 $0xE680  }
.LBB2_1:
0x18: {  	s5 =	rddreg [dreg:$0x6]  }
0x19: {  	s6 =	rddreg [dreg:$0xd]  }
0x1a: {  	[spmem:s6], [sflag:s7] =	dma.local [hbm:s5], $0x4F0  }
0x1b: {  	_ =	swait.ge [sflag:s15], $0x4F0  }
0x1c: {  	[sflag:s15] =	ssyncset.done $0x0  }
0x1d: {  	s9 =	rddreg [dreg:$0x7];
	[sflag:s15] =	ssyncadd.s32 $0xFFFFFB10  }
0x1e: {  	[spmem:s16], [sflag:s7] =	dma.local [hbm:s9], $0x4F0  }
0x1f: {  	_ =	swait.ge [sflag:s15], $0x4F0  }
0x20: {  	[sflag:s15] =	ssyncset.done $0x0  }
0x21: {  	s10 =	rddreg [dreg:$0x8];
	[sflag:s15] =	ssyncadd.s32 $0xFFFFFB10  }
0x22: {  	[spmem:s17], [sflag:s7] =	dma.local [hbm:s10], $0x4F0  }
0x23: {  	_ =	swait.ge [sflag:s15], $0x4F0  }
0x24: {  	[sflag:s15] =	ssyncset.done $0x0  }
0x25: {  	s11 =	simm.s32 $0x0;
	s12 =	rddreg [dreg:$0x9];
	[sflag:s15] =	ssyncadd.s32 $0xFFFFFB10  }
0x26: {  	[tilespmem:s18], [sflag:$0x3] =	stream.linear.gather [hbm4b:s12+s11], $0x1400, $0x38;
	[tilespmem:$0xEE80] =	vst v63  }
0x27: {  	_ =	swait.ge [sflag:s15], $0x1400  }
0x28: {  	[sflag:s15] =	ssyncset.done $0x0  }
0x29: {  	s13 =	rddreg [dreg:$0xa];
	[sflag:s15] =	ssyncadd.s32 $0xFFFFEC00  }
0x2a: {  	[tilespmem:s19], [sflag:$0x3] =	stream.linear.gather [hbm4b:s13+s11], $0x1400, $0x38;
	[tilespmem:$0xEE80] =	vst v63  }
0x2b: {  	_ =	swait.ge [sflag:s15], $0x1400  }
0x2c: {  	[sflag:s15] =	ssyncset.done $0x0  }
0x2d: {  	[sflag:s15] =	ssyncadd.s32 $0xFFFFEC00  }
0x2e: {  	s14 =	simm.s32 $0x9E80;
	[bflag:$0x0] =	sbarrier.arrive $0xFFFF  }
0x2f: {  	[tilespmem:s14], [sflag:$0x1] =	stream.indirect.gather [spmem:s1], $0x10, s18, s20, $0xb8;
	[tilespmem:$0xEE80] =	vst v63  }
0x30: {  	s22 =	simm.s32 $0xAE80  }
0x31: {  	[tilespmem:s22], [sflag:$0x1] =	stream.indirect.gather [spmem:s1], $0x10, s19, s20, $0xb8;
	[tilespmem:$0xEE80] =	vst v63  }
0x32: {  	s23 =	simm.s32 $0xBE80  }
0x33: {  	[tilespmem:s23], [sflag:$0x1] =	stream.indirect.gather [spmem:s2], $0x10, s18, s20, $0xb8;
	[tilespmem:$0xEE80] =	vst v63  }
0x34: {  	s24 =	simm.s32 $0xCE80;
	s22 =	simm.s32 $0x0  }
0x35: {  	[tilespmem:s24], [sflag:$0x1] =	stream.indirect.gather [spmem:s2], $0x10, s19, s20, $0xb8;
	[tilespmem:$0xEE80] =	vst v63  }
.LBB2_2:
0x36: {  	s5 =	sshll.u32 s22, $0x8  }
0x37: {  	s23 =	sadd.s32 $0x7700, s5  }
0x38: {  	[tilespmem:s25], [sflag:$0x2] =	stream.indirect.gather [spmem:s1], $0x10, s23, s20, $0xb8;
	[tilespmem:$0xEE80] =	vst v63  }
0x39: {  	s24 =	sadd.s32 $0x8B00, s5  }
0x3a: {  	[tilespmem:s26], [sflag:$0x2] =	stream.indirect.gather [spmem:s1], $0x10, s24, s20, $0xb8;
	[tilespmem:$0xEE80] =	vst v63  }
0x3b: {  	_ = 	snop  }
0x3c: {  	[tilespmem:s28], [sflag:$0x2] =	stream.indirect.gather [spmem:s2], $0x10, s23, s20, $0xb8;
	[tilespmem:$0xEE80] =	vst v63  }
0x3d: {  	_ = 	snop  }
0x3e: {  	[tilespmem:s29], [sflag:$0x2] =	stream.indirect.gather [spmem:s2], $0x10, s24, s20, $0xb8;
	[tilespmem:$0xEE80] =	vst v63  }
0x3f: {  	_ =	swait.ge [sflag:s30], $0x800  }
0x40: {  	[sflag:s30] =	ssyncset.done $0x0  }
0x41: {  	[sflag:s30] =	ssyncadd.s32 $0xFFFFF800  }
0x42: {  	_ =	swait.ge [sflag:s30], $0x800  }
0x43: {  	[sflag:s30] =	ssyncset.done $0x0  }
0x44: {  	[sflag:s30] =	ssyncadd.s32 $0xFFFFF800  }
0x45: {  	_ =	swait.ge [sflag:s30], $0x800  }
0x46: {  	[sflag:s30] =	ssyncset.done $0x0  }
0x47: {  	[sflag:s30] =	ssyncadd.s32 $0xFFFFF800  }
0x48: {  	_ =	swait.ge [sflag:s30], $0x800  }
0x49: {  	[sflag:s30] =	ssyncset.done $0x0  }
0x4a: {  	s8 =	simm.s32 $0x9EC0;
	[sflag:s30] =	ssyncadd.s32 $0xFFFFF800  }
0x4b: {  	s6 =	simm.s32 $0xAEC0;
	v4 =	vld [tilespmem:s8+$0x30]  }
0x4c: {  	v5 =	vld [tilespmem:s6+$0x30]  }
0x4d: {  	v10 =	vld [tilespmem:s6+$0xFFFFFFC0]  }
0x4e: {  	v6 =	vld [tilespmem:s8+$0xFFFFFFD0]  }
0x4f: {  	v7 =	vld [tilespmem:s6+$0xFFFFFFD0]  }
0x50: {  	v8 =	vld [tilespmem:s8+$0xFFFFFFE0]  }
0x51: {  	v9 =	vld [tilespmem:s6+$0xFFFFFFE0]  }
0x52: {  	v12 =	vld [tilespmem:s8+$0xFFFFFFF0]  }
0x53: {  	v13 =	vld [tilespmem:s6+$0xFFFFFFF0]  }
0x54: {  	v15 =	vld [tilespmem:s6+$0x0]  }
0x55: {  	v11 =	vsub.f32 v4, v5;
	v4 =	vsub.f32 v6, v7;
	v7 =	vld [tilespmem:s8+$0x0]  }
0x56: {  	v17 =	vld [tilespmem:s8+$0x10]  }
0x57: {  	v5 =	vsub.f32 v8, v9;
	v8 =	vld [tilespmem:s6+$0x10];
	v14 =	vmul.f32 v11, v11  }
0x58: {  	v20 =	vld [tilespmem:s8+$0xFFFFFFC0]  }
0x59: {  	v16 =	vmul.f32 v4, v4;
	v6 =	vperm.xlane v14, v0  }
0x5a: {  	v18 =	vld [tilespmem:s6+$0x20];
	v7 =	vsub.f32 v7, v15  }
0x5b: {  	v9 =	vadd.f32 v14, v6;
	v14 =	vperm.xlane v16, v0;
	v6 =	vsub.f32 v12, v13;
	v12 =	vld [tilespmem:s8+$0x20]  }
0x5c: {  	v8 =	vsub.f32 v17, v8;
	v13 =	vmul.f32 v5, v5;
	v22 =	vmul.f32 v7, v7  }
0x5d: {  	v10 =	vsub.f32 v20, v10;
	v19 =	vperm.xlane v9, v1;
	v21 =	vmul.f32 v6, v6  }
0x5e: {  	v24 =	vmul.f32 v8, v8;
	v15 =	vperm.xlane v13, v0;
	v14 =	vadd.f32 v16, v14  }
0x5f: {  	v23 =	vperm.xlane v22, v0;
	v16 =	vadd.f32 v9, v19;
	v19 =	vperm.xlane v21, v0  }
0x60: {  	v17 =	vperm.xlane v14, v1;
	v13 =	vadd.f32 v13, v15;
	v9 =	vsub.f32 v12, v18  }
0x61: {  	v18 =	vperm.xlane v24, v0;
	v22 =	vadd.f32 v22, v23;
	v15 =	vperm.xlane v16, v2  }
0x62: {  	s9 =	simm.s32 $0xCEC0;
	v12 =	vperm.xlane v13, v1;
	v19 =	vadd.f32 v21, v19;
	v21 =	vmul.f32 v10, v10  }
0x63: {  	v25 =	vld [tilespmem:s9+$0x30];
	s8 =	simm.s32 $0xBEC0;
	v14 =	vadd.f32 v14, v17;
	v20 =	vmul.f32 v9, v9;
	v18 =	vadd.f32 v24, v18  }
0x64: {  	v15 =	vadd.f32 v16, v15;
	v16 =	vld [tilespmem:s8+$0x30];
	v24 =	vperm.xlane v19, v1;
	v27 =	vperm.xlane v21, v0  }
0x65: {  	v12 =	vadd.f32 v13, v12;
	v23 =	vperm.xlane v20, v0;
	v28 =	vperm.xlane v18, v1  }
0x66: {  	v26 =	vperm.xlane v15, v3;
	v21 =	vadd.f32 v21, v27;
	v19 =	vadd.f32 v19, v24  }
0x67: {  	v24 =	vperm.xlane v12, v2;
	v20 =	vadd.f32 v20, v23;
	v18 =	vadd.f32 v18, v28  }
0x68: {  	v15 =	vadd.f32 v15, v26;
	v26 =	vperm.xlane v22, v1;
	v13 =	vperm.xlane v21, v1  }
0x69: {  	v12 =	vadd.f32 v12, v24;
	v16 =	vmul.f32 v25, v16;
	v25 =	vperm.xlane v20, v1  }
0x6a: {  	v23 =	vshrl.u32 v15, $0x1;
	v15 =	vmul.f32 $5.000000000e-01, v15;
	v22 =	vadd.f32 v22, v26  }
0x6b: {  	v13 =	vadd.f32 v21, v13;
	v21 =	vperm.xlane v14, v2;
	v44 =	vperm.xlane v12, v3  }
0x6c: {  	v23 =	vsub.s32 $0x5F3759DF, v23;
	v17 =	vperm.xlane v16, v0;
	v20 =	vadd.f32 v20, v25  }
0x6d: {  	v27 =	vmul.f32 v23, v15;
	v25 =	vperm.xlane v13, v2;
	v14 =	vadd.f32 v14, v21  }
0x6e: {  	v43 =	vperm.xlane v22, v2;
	v12 =	vadd.f32 v12, v44;
	v16 =	vadd.f32 v17, v16  }
0x6f: {  	v17 =	vmul.f32 v23, v27;
	v27 =	vperm.xlane v19, v2;
	v13 =	vadd.f32 v13, v25  }
0x70: {  	v25 =	vperm.xlane v20, v2;
	v22 =	vadd.f32 v22, v43;
	v47 =	vshrl.u32 v12, $0x1  }
0x71: {  	v12 =	vmul.f32 $5.000000000e-01, v12;
	v26 =	vperm.xlane v16, v1;
	v17 =	vsub.f32 $1.500000000e+00, v17  }
0x72: {  	v28 =	vsub.s32 $0x5F3759DF, v47;
	v24 =	vperm.xlane v13, v3;
	v19 =	vadd.f32 v19, v27  }
0x73: {  	v52 =	vmul.f32 v28, v12;
	v16 =	vadd.f32 v26, v16;
	v17 =	vmul.f32 v23, v17  }
0x74: {  	v20 =	vadd.f32 v20, v25;
	v23 =	vperm.xlane v18, v2;
	v32 =	vperm.xlane v19, v3  }
0x75: {  	v13 =	vadd.f32 v13, v24;
	v24 =	vperm.xlane v22, v3;
	v21 =	vperm.xlane v16, v2  }
0x76: {  	v31 =	vld [tilespmem:s9+$0xFFFFFFE0];
	v15 =	vmul.f32 v17, v15;
	v18 =	vadd.f32 v18, v23;
	v23 =	vperm.xlane v14, v3  }
0x77: {  	v46 =	vld [tilespmem:s9+$0x10];
	v35 =	vshrl.u32 v13, $0x1;
	v19 =	vadd.f32 v19, v32;
	v22 =	vadd.f32 v22, v24  }
0x78: {  	v27 =	vld [tilespmem:s8+$0xFFFFFFD0];
	v13 =	vmul.f32 $5.000000000e-01, v13;
	v16 =	vadd.f32 v21, v16;
	v15 =	vmul.f32 v15, v17  }
0x79: {  	v24 =	vld [tilespmem:s8+$0x10];
	v34 =	vperm.xlane v18, v3;
	v14 =	vadd.f32 v14, v23;
	v37 =	vshrl.u32 v19, $0x1  }
0x7a: {  	v21 =	vld [tilespmem:s9+$0xFFFFFFD0];
	v19 =	vmul.f32 $5.000000000e-01, v19;
	v38 =	vshrl.u32 v22, $0x1;
	v22 =	vmul.f32 $5.000000000e-01, v22  }
0x7b: {  	v30 =	vld [tilespmem:s8+$0xFFFFFFE0];
	v25 =	vperm.xlane v16, v3;
	v48 =	vsub.s32 $0x5F3759DF, v37;
	v49 =	vsub.s32 $0x5F3759DF, v38  }
0x7c: {  	v45 =	vld [tilespmem:s9+$0x0];
	v15 =	vsub.f32 $1.500000000e+00, v15;
	v18 =	vadd.f32 v18, v34;
	v53 =	vmul.f32 v48, v19  }
0x7d: {  	v23 =	vld [tilespmem:s8+$0x0];
	v54 =	vmul.f32 v49, v22;
	v16 =	vadd.f32 v25, v16;
	v25 =	vperm.xlane v20, v3  }
0x7e: {  	v24 =	vmul.f32 v46, v24;
	v15 =	vmul.f32 v15, v17  }
0x7f: {  	v39 =	vmul.f32 $5.000000000e-01, v18;
	v21 =	vmul.f32 v21, v27  }
0x80: {  	v18 =	vshrl.u32 v18, $0x1;
	v27 =	vmul.f32 v31, v30;
	v34 =	vmul.f32 v48, v53  }
0x81: {  	v33 =	vld [tilespmem:s8+$0xFFFFFFF0];
	v20 =	vadd.f32 v20, v25;
	v25 =	vshrl.u32 v14, $0x1;
	v14 =	vmul.f32 $5.000000000e-01, v14  }
0x82: {  	v17 =	vld [tilespmem:s9+$0xFFFFFFF0];
	v23 =	vmul.f32 v45, v23;
	v18 =	vsub.s32 $0x5F3759DF, v18;
	v58 =	vperm.xlane v24, v0  }
0x83: {  	v16 =	vmul.f32 v15, v16;
	v55 =	vmul.f32 v18, v39  }
0x84: {  	v25 =	vsub.s32 $0x5F3759DF, v25;
	v41 =	vperm.xlane v21, v0;
	v42 =	vperm.xlane v27, v0  }
0x85: {  	v40 =	vmul.f32 $5.000000000e-01, v20;
	v51 =	vmul.f32 v25, v14  }
0x86: {  	v29 =	vld [tilespmem:s9+$0xFFFFFFC0];
	v44 =	vperm.xlane v23, v0;
	v24 =	vadd.f32 v58, v24;
	v16 =	vmul.f32 v16, v15  }
0x87: {  	v26 =	vld [tilespmem:s8+$0xFFFFFFC0];
	v21 =	vadd.f32 v41, v21;
	v17 =	vmul.f32 v17, v33;
	v32 =	vmul.f32 v25, v51  }
0x88: {  	v27 =	vadd.f32 v42, v27;
	v33 =	vmul.f32 v28, v52;
	v62 =	vperm.xlane v24, v1  }
0x89: {  	v23 =	vadd.f32 v44, v23;
	v15 =	vmul.f32 v16, v15;
	v41 =	vperm.xlane v21, v1  }
0x8a: {  	v34 =	vsub.f32 $1.500000000e+00, v34;
	v42 =	vperm.xlane v27, v1;
	v43 =	vperm.xlane v17, v0  }
0x8b: {  	v36 =	vld [tilespmem:s8+$0x20];
	v32 =	vsub.f32 $1.500000000e+00, v32;
	v33 =	vsub.f32 $1.500000000e+00, v33;
	v44 =	vperm.xlane v23, v1  }
0x8c: {  	v16 =	vld [tilespmem:s9+$0x20];
	v11 =	vmul.f32 v15, v11;
	v15 =	vshrl.u32 v20, $0x1;
	v20 =	vmul.f32 v29, v26  }
0x8d: {  	v26 =	vsub.s32 $0x5F3759DF, v35;
	v35 =	vmul.f32 v49, v54;
	v29 =	vmul.f32 v48, v34  }
0x8e: {  	v21 =	vadd.f32 v41, v21;
	v50 =	vmul.f32 v26, v13;
	v25 =	vmul.f32 v25, v32  }
0x8f: {  	v15 =	vsub.s32 $0x5F3759DF, v15;
	v28 =	vmul.f32 v28, v33;
	v56 =	vperm.xlane v20, v0  }
0x90: {  	v17 =	vadd.f32 v43, v17;
	v57 =	vmul.f32 v15, v40;
	v47 =	vperm.xlane v21, v2  }
0x91: {  	v24 =	vadd.f32 v62, v24;
	v16 =	vmul.f32 v16, v36;
	v31 =	vmul.f32 v26, v50  }
0x92: {  	v35 =	vsub.f32 $1.500000000e+00, v35;
	v36 =	vmul.f32 v18, v55;
	v43 =	vperm.xlane v17, v1  }
0x93: {  	v14 =	vmul.f32 v25, v14;
	v12 =	vmul.f32 v28, v12;
	v20 =	vadd.f32 v56, v20  }
0x94: {  	v59 =	vmul.f32 v15, v57;
	v30 =	vmul.f32 v49, v35;
	v49 =	vsub.f32 $0.0e+00, v11  }
0x95: {  	v21 =	vadd.f32 v47, v21;
	v45 =	vperm.xlane v16, v0;
	v31 =	vsub.f32 $1.500000000e+00, v31  }
0x96: {  	v61 =	vsub.f32 $1.500000000e+00, v36;
	v17 =	vadd.f32 v43, v17;
	v14 =	vmul.f32 v14, v25  }
0x97: {  	v12 =	vmul.f32 v12, v28;
	v60 =	vperm.xlane v20, v1;
	v63 =	vsub.f32 $1.500000000e+00, v59  }
0x98: {  	v22 =	vmul.f32 v30, v22;
	v16 =	vadd.f32 v45, v16;
	v26 =	vmul.f32 v26, v31  }
0x99: {  	v31 =	vmul.f32 v18, v61;
	v18 =	vmul.f32 v29, v19;
	v19 =	vadd.f32 v44, v23  }
0x9a: {  	v50 =	vperm.xlane v17, v2;
	v14 =	vsub.f32 $1.500000000e+00, v14;
	v32 =	vmul.f32 v15, v63  }
0x9b: {  	v20 =	vadd.f32 v60, v20;
	v45 =	vperm.xlane v16, v1;
	v13 =	vmul.f32 v26, v13  }
0x9c: {  	v15 =	vadd.f32 v42, v27;
	v23 =	vmul.f32 v31, v39;
	v51 =	vperm.xlane v19, v2  }
0x9d: {  	v54 =	vadd.f32 v50, v17;
	v17 =	vmul.f32 v22, v30;
	v27 =	vperm.xlane v20, v2  }
0x9e: {  	v46 =	vmul.f32 v32, v40;
	v48 =	vperm.xlane v15, v2;
	v16 =	vadd.f32 v45, v16  }
0x9f: {  	v13 =	vmul.f32 v13, v26;
	v19 =	vadd.f32 v51, v19;
	v57 =	vsub.f32 $1.500000000e+00, v17  }
0xa0: {  	v59 =	vperm.xlane v54, v3;
	v17 =	vmul.f32 v14, v25;
	v20 =	vadd.f32 v27, v20  }
0xa1: {  	v27 =	vperm.xlane v24, v2;
	v53 =	vadd.f32 v48, v15;
	v15 =	vmul.f32 v18, v29  }
0xa2: {  	v12 =	vsub.f32 $1.500000000e+00, v12;
	v18 =	vmul.f32 v23, v31;
	v52 =	vperm.xlane v16, v2  }
0xa3: {  	v13 =	vsub.f32 $1.500000000e+00, v13;
	v60 =	vperm.xlane v19, v3;
	v14 =	vmul.f32 v57, v30  }
0xa4: {  	v22 =	vadd.f32 v27, v24;
	v23 =	vperm.xlane v20, v3;
	v27 =	vperm.xlane v21, v3  }
0xa5: {  	v55 =	vsub.f32 $1.500000000e+00, v15;
	v56 =	vperm.xlane v53, v3;
	v58 =	vsub.f32 $1.500000000e+00, v18  }
0xa6: {  	v18 =	vmul.f32 v12, v28;
	v24 =	vadd.f32 v52, v16;
	v16 =	vmul.f32 v46, v32  }
0xa7: {  	v15 =	vmul.f32 v13, v26;
	v62 =	vadd.f32 v23, v20;
	v26 =	vadd.f32 v27, v21  }
0xa8: {  	v23 =	vperm.xlane v22, v3;
	v25 =	vadd.f32 v56, v53;
	v27 =	vadd.f32 v59, v54  }
0xa9: {  	v13 =	vmul.f32 v58, v31;
	v20 =	vadd.f32 v60, v19;
	v63 =	vperm.xlane v24, v3  }
0xaa: {  	s10 =	simm.s32 $0xDEC0;
	v61 =	vsub.f32 $1.500000000e+00, v16;
	v16 =	vmul.f32 v55, v29;
	v21 =	vmul.f32 v15, v62  }
0xab: {  	s12 =	simm.s32 $0xE6C0;
	[tilespmem:s10+$0x30] =	vst v11;
	v23 =	vadd.f32 v23, v22;
	v11 =	vmul.f32 v17, v26;
	v22 =	vmul.f32 v18, v25  }
0xac: {  	s13 =	simm.s32 $0x0;
	s14 =	simm.s32 $0x9F40;
	s11 =	simm.s32 $0xE6C0;
	[tilespmem:s12+$0x30] =	vst v49;
	v12 =	vmul.f32 v61, v32;
	v24 =	vadd.f32 v63, v24;
	v19 =	vmul.f32 v16, v27  }
.LBB2_3:
0xad: {  	v25 =	vld [tilespmem:s14+$0x30];
	v20 =	vmul.f32 v14, v20;
	v23 =	vmul.f32 v13, v23;
	s6 =	sadd.s32 $0x80, s6  }
0xae: {  	s13 =	sadd.s32 $0x8, s13;
	v21 =	vmul.f32 v21, v15;
	v24 =	vmul.f32 v12, v24;
	v26 =	vld [tilespmem:s6+$0x30]  }
0xaf: {  	v11 =	vmul.f32 v11, v17;
	p0 =	slt.u32 s13, $0x78;
	v22 =	vmul.f32 v22, v18;
	v27 =	vld [tilespmem:s6+$0xFFFFFFC0]  }
0xb0: {  	v19 =	vmul.f32 v19, v16;
	v20 =	vmul.f32 v20, v14;
	v28 =	vld [tilespmem:s14+$0xFFFFFFD0]  }
0xb1: {  	v23 =	vmul.f32 v23, v13;
	v24 =	vmul.f32 v24, v12;
	v29 =	vld [tilespmem:s6+$0xFFFFFFD0]  }
0xb2: {  	v15 =	vmul.f32 v21, v15;
	v11 =	vmul.f32 v11, v17;
	v30 =	vld [tilespmem:s14+$0xFFFFFFE0]  }
0xb3: {  	v18 =	vmul.f32 v22, v18;
	v16 =	vmul.f32 v19, v16;
	v21 =	vld [tilespmem:s6+$0xFFFFFFE0];
	v17 =	vsub.f32 v25, v26  }
0xb4: {  	v20 =	vmul.f32 v20, v14;
	v22 =	vmul.f32 v23, v13;
	v19 =	vld [tilespmem:s14+$0xFFFFFFF0]  }
0xb5: {  	v24 =	vmul.f32 v24, v12;
	v23 =	vld [tilespmem:s6+$0xFFFFFFF0];
	v25 =	vmul.f32 v17, v17  }
0xb6: {  	v10 =	vmul.f32 v15, v10;
	v13 =	vmul.f32 v11, v4;
	v26 =	vld [tilespmem:s14+$0x0];
	v4 =	vsub.f32 v28, v29  }
0xb7: {  	v14 =	vmul.f32 v18, v5;
	v28 =	vld [tilespmem:s6+$0x0];
	v11 =	vperm.xlane v25, v0  }
0xb8: {  	v15 =	vmul.f32 v16, v6;
	v18 =	vmul.f32 v4, v4;
	v5 =	vsub.f32 v30, v21;
	v21 =	vld [tilespmem:s14+$0x10];
	[tilespmem:s10+$0xFFFFFFC0] =	vst v10  }
0xb9: {  	v16 =	vmul.f32 v20, v7;
	v12 =	vmul.f32 v22, v8;
	v29 =	vld [tilespmem:s6+$0x10];
	v25 =	vadd.f32 v25, v11;
	[tilespmem:s10+$0xFFFFFFD0] =	vst v13  }
0xba: {  	v8 =	vperm.xlane v18, v0;
	v20 =	vmul.f32 v5, v5;
	v6 =	vsub.f32 v19, v23;
	v19 =	vld [tilespmem:s14+$0x20];
	[tilespmem:s10+$0xFFFFFFE0] =	vst v14  }
0xbb: {  	v10 =	vsub.f32 $0.0e+00, v10;
	v11 =	vmul.f32 v24, v9;
	v22 =	vld [tilespmem:s6+$0x20];
	v23 =	vperm.xlane v25, v1;
	[tilespmem:s10+$0xFFFFFFF0] =	vst v15  }
0xbc: {  	v24 =	vld [tilespmem:s14+$0xFFFFFFC0];
	v9 =	vperm.xlane v20, v0;
	v30 =	vmul.f32 v6, v6;
	v7 =	vsub.f32 v26, v28;
	[tilespmem:s10+$0x0] =	vst v16  }
0xbd: {  	v18 =	vadd.f32 v18, v8;
	v23 =	vadd.f32 v25, v23;
	[tilespmem:s12+$0xFFFFFFC0] =	vst v10  }
0xbe: {  	v25 =	vperm.xlane v30, v0;
	v26 =	vmul.f32 v7, v7;
	v8 =	vsub.f32 v21, v29;
	[tilespmem:s10+$0x10] =	vst v12  }
0xbf: {  	v21 =	vperm.xlane v18, v1;
	v20 =	vadd.f32 v20, v9;
	v28 =	vperm.xlane v23, v2;
	[tilespmem:s10+$0x20] =	vst v11  }
0xc0: {  	s8 =	sadd.s32 $0x80, s8;
	v29 =	vperm.xlane v26, v0;
	v31 =	vmul.f32 v8, v8;
	v9 =	vsub.f32 v19, v22  }
0xc1: {  	s9 =	sadd.s32 $0x80, s9;
	v22 =	vperm.xlane v20, v1;
	v10 =	vsub.f32 v24, v27;
	v23 =	vadd.f32 v23, v28;
	v24 =	vld [tilespmem:s8+$0x30]  }
0xc2: {  	v25 =	vadd.f32 v30, v25;
	v27 =	vperm.xlane v31, v0;
	v28 =	vmul.f32 v9, v9;
	v30 =	vld [tilespmem:s9+$0x30]  }
0xc3: {  	v26 =	vadd.f32 v26, v29;
	v32 =	vmul.f32 v10, v10;
	v19 =	vld [tilespmem:s8+$0xFFFFFFC0];
	v29 =	vperm.xlane v23, v3  }
0xc4: {  	v34 =	vperm.xlane v25, v1;
	v33 =	vld [tilespmem:s9+$0xFFFFFFC0];
	v27 =	vadd.f32 v31, v27;
	v31 =	vperm.xlane v28, v0  }
0xc5: {  	v37 =	vperm.xlane v26, v1;
	v35 =	vperm.xlane v32, v0;
	v36 =	vld [tilespmem:s8+$0xFFFFFFD0];
	v23 =	vadd.f32 v23, v29  }
0xc6: {  	v18 =	vadd.f32 v18, v21;
	v21 =	vld [tilespmem:s9+$0xFFFFFFD0];
	v29 =	vperm.xlane v27, v1;
	v28 =	vadd.f32 v28, v31  }
0xc7: {  	v31 =	vld [tilespmem:s8+$0xFFFFFFE0];
	v24 =	vmul.f32 v30, v24;
	v30 =	vshrl.u32 v23, $0x1;
	v23 =	vmul.f32 $5.000000000e-01, v23  }
0xc8: {  	v32 =	vadd.f32 v32, v35;
	v35 =	vld [tilespmem:s9+$0xFFFFFFE0];
	v38 =	vperm.xlane v28, v1;
	v30 =	vsub.s32 $0x5F3759DF, v30  }
0xc9: {  	v20 =	vadd.f32 v20, v22;
	v22 =	vld [tilespmem:s8+$0xFFFFFFF0];
	v39 =	vperm.xlane v24, v0;
	v40 =	vmul.f32 v30, v23  }
0xca: {  	v25 =	vadd.f32 v25, v34;
	v26 =	vadd.f32 v26, v37;
	v41 =	vperm.xlane v32, v1;
	v34 =	vld [tilespmem:s9+$0xFFFFFFF0]  }
0xcb: {  	v27 =	vadd.f32 v27, v29;
	v37 =	vld [tilespmem:s8+$0x0];
	v24 =	vadd.f32 v39, v24;
	v29 =	vmul.f32 v30, v40  }
0xcc: {  	v28 =	vadd.f32 v28, v38;
	v32 =	vadd.f32 v32, v41;
	v39 =	vperm.xlane v18, v2;
	v40 =	vld [tilespmem:s9+$0x0]  }
0xcd: {  	v38 =	vperm.xlane v20, v2;
	v41 =	vld [tilespmem:s8+$0x10];
	v42 =	vperm.xlane v24, v1;
	v29 =	vsub.f32 $1.500000000e+00, v29  }
0xce: {  	v43 =	vperm.xlane v32, v2;
	v18 =	vadd.f32 v18, v39;
	v39 =	vperm.xlane v25, v2;
	v44 =	vld [tilespmem:s9+$0x10]  }
0xcf: {  	v45 =	vperm.xlane v26, v2;
	v46 =	vld [tilespmem:s8+$0x20];
	v24 =	vadd.f32 v42, v24;
	v29 =	vmul.f32 v30, v29  }
0xd0: {  	v30 =	vadd.f32 v32, v43;
	v32 =	vperm.xlane v27, v2;
	v42 =	vperm.xlane v28, v2;
	v43 =	vld [tilespmem:s9+$0x20]  }
0xd1: {  	v20 =	vadd.f32 v20, v38;
	v38 =	vperm.xlane v24, v2;
	v23 =	vmul.f32 v29, v23  }
0xd2: {  	v26 =	vadd.f32 v26, v45;
	v25 =	vadd.f32 v25, v39;
	v47 =	vperm.xlane v30, v3  }
0xd3: {  	v27 =	vadd.f32 v27, v32;
	v24 =	vadd.f32 v38, v24;
	v23 =	vmul.f32 v23, v29  }
0xd4: {  	v32 =	vperm.xlane v18, v3;
	v28 =	vadd.f32 v28, v42;
	v38 =	vperm.xlane v20, v3  }
0xd5: {  	v39 =	vperm.xlane v25, v3;
	v42 =	vperm.xlane v24, v3;
	v23 =	vsub.f32 $1.500000000e+00, v23  }
0xd6: {  	v45 =	vperm.xlane v26, v3;
	v30 =	vadd.f32 v30, v47;
	v47 =	vperm.xlane v27, v3  }
0xd7: {  	v48 =	vperm.xlane v28, v3;
	v24 =	vadd.f32 v42, v24;
	v23 =	vmul.f32 v23, v29  }
0xd8: {  	v32 =	vadd.f32 v18, v32;
	v38 =	vadd.f32 v20, v38;
	v29 =	vshrl.u32 v30, $0x1  }
0xd9: {  	v26 =	vadd.f32 v26, v45;
	v25 =	vadd.f32 v25, v39;
	v24 =	vmul.f32 v23, v24  }
0xda: {  	v18 =	vmul.f32 $5.000000000e-01, v30;
	v27 =	vadd.f32 v27, v47;
	v28 =	vadd.f32 v28, v48  }
0xdb: {  	v20 =	vmul.f32 $5.000000000e-01, v32;
	v30 =	vshrl.u32 v32, $0x1;
	v24 =	vmul.f32 v24, v23  }
0xdc: {  	v39 =	vshrl.u32 v25, $0x1;
	v32 =	vshrl.u32 v38, $0x1;
	v38 =	vmul.f32 $5.000000000e-01, v38  }
0xdd: {  	v25 =	vmul.f32 $5.000000000e-01, v25;
	v42 =	vshrl.u32 v26, $0x1;
	v23 =	vmul.f32 v24, v23  }
0xde: {  	v24 =	vmul.f32 $5.000000000e-01, v26;
	v26 =	vshrl.u32 v27, $0x1;
	v27 =	vmul.f32 $5.000000000e-01, v27  }
0xdf: {  	v45 =	vshrl.u32 v28, $0x1;
	v28 =	vmul.f32 $5.000000000e-01, v28;
	v17 =	vmul.f32 v23, v17  }
0xe0: {  	v19 =	vmul.f32 v33, v19;
	v21 =	vmul.f32 v21, v36;
	v23 =	vsub.s32 $0x5F3759DF, v29  }
0xe1: {  	s10 =	sadd.s32 $0x80, s10;
	v22 =	vmul.f32 v34, v22;
	v29 =	vmul.f32 v35, v31;
	v31 =	vsub.f32 $0.0e+00, v17  }
0xe2: {  	s12 =	sadd.s32 $0x80, s12;
	v33 =	vmul.f32 v40, v37;
	v34 =	vmul.f32 v44, v41;
	v30 =	vsub.s32 $0x5F3759DF, v30;
	[tilespmem:s10+$0x30] =	vst v17  }
0xe3: {  	v35 =	vmul.f32 v43, v46;
	v17 =	vsub.s32 $0x5F3759DF, v32;
	v32 =	vsub.s32 $0x5F3759DF, v39;
	[tilespmem:s12+$0x30] =	vst v31  }
0xe4: {  	v36 =	vsub.s32 $0x5F3759DF, v45;
	v26 =	vsub.s32 $0x5F3759DF, v26;
	v31 =	vsub.s32 $0x5F3759DF, v42  }
0xe5: {  	v13 =	vsub.f32 $0.0e+00, v13;
	v37 =	vmul.f32 v23, v18;
	v39 =	vmul.f32 v30, v20  }
0xe6: {  	v14 =	vsub.f32 $0.0e+00, v14;
	v40 =	vmul.f32 v17, v38;
	v41 =	vmul.f32 v32, v25  }
0xe7: {  	v43 =	vmul.f32 v26, v27;
	v42 =	vmul.f32 v31, v24;
	[tilespmem:s11+$0xFFFFFFD0] =	vst v13;
	v13 =	vsub.f32 $0.0e+00, v15  }
0xe8: {  	v44 =	vmul.f32 v36, v28;
	v15 =	vperm.xlane v19, v0;
	[tilespmem:s11+$0xFFFFFFE0] =	vst v14;
	v14 =	vsub.f32 $0.0e+00, v16  }
0xe9: {  	v12 =	vsub.f32 $0.0e+00, v12;
	v45 =	vperm.xlane v29, v0;
	v16 =	vperm.xlane v21, v0;
	[tilespmem:s11+$0xFFFFFFF0] =	vst v13  }
0xea: {  	v13 =	vadd.f32 v15, v19;
	v15 =	vperm.xlane v22, v0;
	v19 =	vperm.xlane v33, v0;
	[tilespmem:s11+$0x0] =	vst v14  }
0xeb: {  	v14 =	vadd.f32 v16, v21;
	v16 =	vperm.xlane v34, v0;
	v21 =	vperm.xlane v35, v0;
	[tilespmem:s11+$0x10] =	vst v12  }
0xec: {  	v29 =	vadd.f32 v45, v29;
	v12 =	vmul.f32 v23, v37;
	v37 =	vmul.f32 v30, v39  }
0xed: {  	v39 =	vmul.f32 v17, v40;
	v15 =	vadd.f32 v15, v22;
	v22 =	vmul.f32 v32, v41  }
0xee: {  	v19 =	vadd.f32 v19, v33;
	v33 =	vmul.f32 v31, v42;
	v40 =	vmul.f32 v26, v43  }
0xef: {  	v16 =	vadd.f32 v16, v34;
	v21 =	vadd.f32 v21, v35;
	v34 =	vmul.f32 v36, v44  }
0xf0: {  	v35 =	vperm.xlane v13, v1;
	v12 =	vsub.f32 $1.500000000e+00, v12;
	v37 =	vsub.f32 $1.500000000e+00, v37  }
0xf1: {  	v41 =	vperm.xlane v14, v1;
	v39 =	vsub.f32 $1.500000000e+00, v39;
	v22 =	vsub.f32 $1.500000000e+00, v22  }
0xf2: {  	v42 =	vperm.xlane v29, v1;
	v33 =	vsub.f32 $1.500000000e+00, v33;
	v40 =	vsub.f32 $1.500000000e+00, v40  }
0xf3: {  	v43 =	vperm.xlane v15, v1;
	v44 =	vperm.xlane v19, v1;
	v34 =	vsub.f32 $1.500000000e+00, v34  }
0xf4: {  	v13 =	vadd.f32 v35, v13;
	v35 =	vperm.xlane v16, v1;
	v45 =	vperm.xlane v21, v1  }
0xf5: {  	v14 =	vadd.f32 v41, v14;
	v12 =	vmul.f32 v23, v12;
	v23 =	vmul.f32 v30, v37  }
0xf6: {  	v29 =	vadd.f32 v42, v29;
	v30 =	vmul.f32 v17, v39;
	v22 =	vmul.f32 v32, v22  }
0xf7: {  	v15 =	vadd.f32 v43, v15;
	v31 =	vmul.f32 v31, v33;
	v26 =	vmul.f32 v26, v40  }
0xf8: {  	v17 =	vadd.f32 v44, v19;
	v16 =	vadd.f32 v35, v16;
	v19 =	vmul.f32 v36, v34  }
0xf9: {  	v21 =	vadd.f32 v45, v21;
	v18 =	vmul.f32 v12, v18;
	v20 =	vmul.f32 v23, v20  }
0xfa: {  	v11 =	vsub.f32 $0.0e+00, v11;
	v32 =	vmul.f32 v30, v38;
	v25 =	vmul.f32 v22, v25  }
0xfb: {  	v24 =	vmul.f32 v31, v24;
	v27 =	vmul.f32 v26, v27  }
0xfc: {  	v33 =	vperm.xlane v13, v2;
	v28 =	vmul.f32 v19, v28;
	[tilespmem:s11+$0x20] =	vst v11;
	s11 =	smov.u32 s12  }
0xfd: {  	v34 =	vperm.xlane v29, v2;
	v11 =	vperm.xlane v14, v2  }
0xfe: {  	v35 =	vperm.xlane v17, v2;
	v13 =	vadd.f32 v33, v13;
	v33 =	vperm.xlane v15, v2  }
0xff: {  	v36 =	vperm.xlane v21, v2;
	v11 =	vadd.f32 v11, v14;
	v14 =	vperm.xlane v16, v2  }
0x100: {  	v29 =	vadd.f32 v34, v29;
	v18 =	vmul.f32 v18, v12;
	v20 =	vmul.f32 v20, v23  }
0x101: {  	v32 =	vmul.f32 v32, v30;
	v33 =	vadd.f32 v33, v15;
	v15 =	vmul.f32 v25, v22  }
0x102: {  	v25 =	vadd.f32 v35, v17;
	v17 =	vmul.f32 v24, v31;
	v24 =	vmul.f32 v27, v26  }
0x103: {  	v34 =	vadd.f32 v36, v21;
	v27 =	vadd.f32 v14, v16;
	v14 =	vmul.f32 v28, v19  }
0x104: {  	v18 =	vsub.f32 $1.500000000e+00, v18;
	v20 =	vsub.f32 $1.500000000e+00, v20;
	v16 =	vperm.xlane v13, v3  }
0x105: {  	v21 =	vperm.xlane v11, v3;
	v28 =	vsub.f32 $1.500000000e+00, v32;
	v32 =	vsub.f32 $1.500000000e+00, v15  }
0x106: {  	v35 =	vperm.xlane v29, v3;
	v36 =	vsub.f32 $1.500000000e+00, v17;
	v24 =	vsub.f32 $1.500000000e+00, v24  }
0x107: {  	v37 =	vperm.xlane v33, v3;
	v38 =	vperm.xlane v25, v3;
	v39 =	vsub.f32 $1.500000000e+00, v14  }
0x108: {  	v42 =	vperm.xlane v34, v3;
	v40 =	vadd.f32 v16, v13;
	v41 =	vperm.xlane v27, v3  }
0x109: {  	v17 =	vmul.f32 v20, v23;
	v15 =	vmul.f32 v18, v12;
	v11 =	vadd.f32 v21, v11  }
.Ltmp0:
0x10a: {  	v29 =	vadd.f32 v35, v29;
	v18 =	vmul.f32 v28, v30;
	v16 =	vmul.f32 v32, v22;
	(pc) =	sbr.rel @p0 .LBB2_3-.Ltmp0, $4  }
0x10b: {  	v28 =	vadd.f32 v37, v33;
	v14 =	vmul.f32 v36, v31;
	v13 =	vmul.f32 v24, v26  }
0x10c: {  	v20 =	vadd.f32 v38, v25;
	v23 =	vadd.f32 v41, v27;
	v12 =	vmul.f32 v39, v19  }
0x10d: {  	v24 =	vadd.f32 v42, v34;
	v21 =	vmul.f32 v15, v40;
	v11 =	vmul.f32 v17, v11  }
0x10e: {  	s14 =	sadd.s32 $0x80, s14;
	v22 =	vmul.f32 v18, v29;
	v19 =	vmul.f32 v16, v28  }
0x10f: {  	v20 =	vmul.f32 v14, v20;
	v23 =	vmul.f32 v13, v23  }
0x110: {  	v21 =	vmul.f32 v21, v15;
	v11 =	vmul.f32 v11, v17  }
0x111: {  	v22 =	vmul.f32 v22, v18;
	v19 =	vmul.f32 v19, v16  }
0x112: {  	v20 =	vmul.f32 v20, v14;
	v15 =	vmul.f32 v21, v15  }
0x113: {  	v21 =	vmul.f32 v23, v13;
	v11 =	vmul.f32 v11, v17  }
0x114: {  	v17 =	vmul.f32 v22, v18;
	v10 =	vmul.f32 v15, v10  }
0x115: {  	v15 =	vmul.f32 v19, v16;
	v4 =	vmul.f32 v11, v4  }
0x116: {  	v11 =	vmul.f32 v20, v14;
	v5 =	vmul.f32 v17, v5;
	[tilespmem:s10+$0xFFFFFFC0] =	vst v10  }
0x117: {  	v24 =	vmul.f32 v12, v24;
	v6 =	vmul.f32 v15, v6;
	[tilespmem:s10+$0xFFFFFFD0] =	vst v4  }
0x118: {  	v13 =	vmul.f32 v21, v13;
	v7 =	vmul.f32 v11, v7;
	[tilespmem:s10+$0xFFFFFFE0] =	vst v5  }
0x119: {  	v14 =	vmul.f32 v24, v12;
	v10 =	vsub.f32 $0.0e+00, v10;
	[tilespmem:s10+$0xFFFFFFF0] =	vst v6  }
0x11a: {  	v8 =	vmul.f32 v13, v8;
	[tilespmem:s10+$0x0] =	vst v7  }
0x11b: {  	v11 =	vmul.f32 v14, v12;
	v4 =	vsub.f32 $0.0e+00, v4;
	[tilespmem:s12+$0xFFFFFFC0] =	vst v10  }
0x11c: {  	v5 =	vsub.f32 $0.0e+00, v5;
	[tilespmem:s10+$0x10] =	vst v8  }
0x11d: {  	v9 =	vmul.f32 v11, v9;
	[tilespmem:s11+$0xFFFFFFD0] =	vst v4  }
0x11e: {  	v4 =	vsub.f32 $0.0e+00, v6;
	[tilespmem:s11+$0xFFFFFFE0] =	vst v5  }
0x11f: {  	v5 =	vsub.f32 $0.0e+00, v7;
	[tilespmem:s10+$0x20] =	vst v9  }
0x120: {  	[tilespmem:s11+$0xFFFFFFF0] =	vst v4;
	v4 =	vsub.f32 $0.0e+00, v8  }
0x121: {  	[tilespmem:s11+$0x0] =	vst v5;
	v5 =	vsub.f32 $0.0e+00, v9  }
0x122: {  	[tilespmem:s11+$0x10] =	vst v4  }
0x123: {  	s6 =	sadd.s32 $0x8A80, s5;
	[tilespmem:s11+$0x20] =	vst v5  }
0x124: {  	[spmem:s4] =	stream.indirect.scatter.add.f32 [tilespmem:s31], [sflag:$0x3], $0x10, s6, s20, $0xb8;
	[tilespmem:$0xEE80] =	vst v63  }
0x125: {  	_ =	swait.ge [sflag:s15], $0x800  }
0x126: {  	[sflag:s15] =	ssyncset.done $0x0  }
0x127: {  	s13 =	sadd.s32 $0x7680, s5;
	[sflag:s15] =	ssyncadd.s32 $0xFFFFF800  }
0x128: {  	[spmem:s4] =	stream.indirect.scatter.add.f32 [tilespmem:s0], [sflag:$0x3], $0x10, s13, s20, $0xb8;
	[tilespmem:$0xEE80] =	vst v63  }
0x129: {  	p0 =	seq.s32 s22, $0x13;
	_ =	swait.ge [sflag:s15], $0x800  }
0x12a: {  	s8 =	simm.s32 @!p0 $0x80;
	[sflag:s15] =	ssyncset.done $0x0  }
0x12b: {  	s9 =	simm.s32 @!p0 $0x9E80;
	s6 =	sadd.s32 @!p0 $0x7780, s5;
	[sflag:s15] =	ssyncadd.s32 $0xFFFFF800  }
0x12c: {  	[tilespmem:s9], [sflag:$0x1] =	stream.indirect.gather @!p0 [spmem:s1], $0x10, s6, s8, $0xb8;
	[tilespmem:$0xEE80] =	vst v63  }
0x12d: {  	s5 =	sadd.s32 @!p0 $0x8B80, s5;
	s9 =	simm.s32 @!p0 $0xAE80  }
0x12e: {  	[tilespmem:s9], [sflag:$0x1] =	stream.indirect.gather @!p0 [spmem:s1], $0x10, s5, s8, $0xb8;
	[tilespmem:$0xEE80] =	vst v63  }
0x12f: {  	s9 =	simm.s32 @!p0 $0xBE80  }
0x130: {  	[tilespmem:s9], [sflag:$0x1] =	stream.indirect.gather @!p0 [spmem:s2], $0x10, s6, s8, $0xb8;
	[tilespmem:$0xEE80] =	vst v63  }
0x131: {  	s6 =	simm.s32 @!p0 $0xCE80  }
0x132: {  	[tilespmem:s6], [sflag:$0x1] =	stream.indirect.gather @!p0 [spmem:s2], $0x10, s5, s8, $0xb8;
	[tilespmem:$0xEE80] =	vst v63  }
0x133: {  	_ =	swait.ge [sflag:s3], $0x800  }
0x134: {  	[sflag:s3] =	ssyncset.done $0x0  }
0x135: {  	[sflag:s3] =	ssyncadd.s32 $0xFFFFF800  }
0x136: {  	_ =	swait.ge [sflag:s3], $0x800  }
0x137: {  	[sflag:s3] =	ssyncset.done $0x0  }
0x138: {  	[sflag:s3] =	ssyncadd.s32 $0xFFFFF800  }
0x139: {  	_ =	swait.ge [sflag:s3], $0x800  }
0x13a: {  	[sflag:s3] =	ssyncset.done $0x0  }
0x13b: {  	[sflag:s3] =	ssyncadd.s32 $0xFFFFF800  }
0x13c: {  	_ =	swait.ge [sflag:s3], $0x800  }
0x13d: {  	[sflag:s3] =	ssyncset.done $0x0  }
0x13e: {  	s14 =	simm.s32 $0xA6F0;
	[sflag:s3] =	ssyncadd.s32 $0xFFFFF800  }
0x13f: {  	s5 =	simm.s32 $0xB6F0;
	v4 =	vld [tilespmem:s14+$0x0]  }
0x140: {  	v5 =	vld [tilespmem:s5+$0x0]  }
0x141: {  	v10 =	vld [tilespmem:s5+$0xFFFFFF90]  }
0x142: {  	v6 =	vld [tilespmem:s14+$0xFFFFFFA0]  }
0x143: {  	v7 =	vld [tilespmem:s5+$0xFFFFFFA0]  }
0x144: {  	v8 =	vld [tilespmem:s14+$0xFFFFFFB0]  }
0x145: {  	v9 =	vld [tilespmem:s5+$0xFFFFFFB0]  }
0x146: {  	v12 =	vld [tilespmem:s14+$0xFFFFFFC0]  }
0x147: {  	v13 =	vld [tilespmem:s5+$0xFFFFFFC0]  }
0x148: {  	v15 =	vld [tilespmem:s5+$0xFFFFFFD0]  }
0x149: {  	v11 =	vsub.f32 v4, v5;
	v4 =	vsub.f32 v6, v7;
	v7 =	vld [tilespmem:s14+$0xFFFFFFD0]  }
0x14a: {  	v17 =	vld [tilespmem:s14+$0xFFFFFFE0]  }
0x14b: {  	v5 =	vsub.f32 v8, v9;
	v8 =	vld [tilespmem:s5+$0xFFFFFFE0];
	v14 =	vmul.f32 v11, v11  }
0x14c: {  	v20 =	vld [tilespmem:s14+$0xFFFFFF90]  }
0x14d: {  	v16 =	vmul.f32 v4, v4;
	v6 =	vperm.xlane v14, v0  }
0x14e: {  	v18 =	vld [tilespmem:s5+$0xFFFFFFF0];
	v7 =	vsub.f32 v7, v15  }
0x14f: {  	v9 =	vadd.f32 v14, v6;
	v14 =	vperm.xlane v16, v0;
	v6 =	vsub.f32 v12, v13;
	v12 =	vld [tilespmem:s14+$0xFFFFFFF0]  }
0x150: {  	v8 =	vsub.f32 v17, v8;
	v13 =	vmul.f32 v5, v5;
	v22 =	vmul.f32 v7, v7  }
0x151: {  	v10 =	vsub.f32 v20, v10;
	v19 =	vperm.xlane v9, v1;
	v21 =	vmul.f32 v6, v6  }
0x152: {  	v24 =	vmul.f32 v8, v8;
	v15 =	vperm.xlane v13, v0;
	v14 =	vadd.f32 v16, v14  }
0x153: {  	v23 =	vperm.xlane v22, v0;
	v16 =	vadd.f32 v9, v19;
	v19 =	vperm.xlane v21, v0  }
0x154: {  	v17 =	vperm.xlane v14, v1;
	v13 =	vadd.f32 v13, v15;
	v9 =	vsub.f32 v12, v18  }
0x155: {  	v18 =	vperm.xlane v24, v0;
	v22 =	vadd.f32 v22, v23;
	v15 =	vperm.xlane v16, v2  }
0x156: {  	s8 =	simm.s32 $0xD6F0;
	v12 =	vperm.xlane v13, v1;
	v19 =	vadd.f32 v21, v19;
	v21 =	vmul.f32 v10, v10  }
0x157: {  	s6 =	simm.s32 $0xC6F0;
	v25 =	vld [tilespmem:s8+$0x0];
	v14 =	vadd.f32 v14, v17;
	v20 =	vmul.f32 v9, v9;
	v18 =	vadd.f32 v24, v18  }
0x158: {  	v15 =	vadd.f32 v16, v15;
	v16 =	vld [tilespmem:s6+$0x0];
	v24 =	vperm.xlane v19, v1;
	v27 =	vperm.xlane v21, v0  }
0x159: {  	v12 =	vadd.f32 v13, v12;
	v23 =	vperm.xlane v20, v0;
	v28 =	vperm.xlane v18, v1  }
0x15a: {  	v26 =	vperm.xlane v15, v3;
	v21 =	vadd.f32 v21, v27;
	v19 =	vadd.f32 v19, v24  }
0x15b: {  	v24 =	vperm.xlane v12, v2;
	v20 =	vadd.f32 v20, v23;
	v18 =	vadd.f32 v18, v28  }
0x15c: {  	v15 =	vadd.f32 v15, v26;
	v26 =	vperm.xlane v22, v1;
	v13 =	vperm.xlane v21, v1  }
0x15d: {  	v12 =	vadd.f32 v12, v24;
	v16 =	vmul.f32 v25, v16;
	v25 =	vperm.xlane v20, v1  }
0x15e: {  	v23 =	vshrl.u32 v15, $0x1;
	v15 =	vmul.f32 $5.000000000e-01, v15;
	v22 =	vadd.f32 v22, v26  }
0x15f: {  	v13 =	vadd.f32 v21, v13;
	v21 =	vperm.xlane v14, v2;
	v44 =	vperm.xlane v12, v3  }
0x160: {  	v23 =	vsub.s32 $0x5F3759DF, v23;
	v17 =	vperm.xlane v16, v0;
	v20 =	vadd.f32 v20, v25  }
0x161: {  	v27 =	vmul.f32 v23, v15;
	v25 =	vperm.xlane v13, v2;
	v14 =	vadd.f32 v14, v21  }
0x162: {  	v43 =	vperm.xlane v22, v2;
	v12 =	vadd.f32 v12, v44;
	v16 =	vadd.f32 v17, v16  }
0x163: {  	v17 =	vmul.f32 v23, v27;
	v27 =	vperm.xlane v19, v2;
	v13 =	vadd.f32 v13, v25  }
0x164: {  	v25 =	vperm.xlane v20, v2;
	v22 =	vadd.f32 v22, v43;
	v47 =	vshrl.u32 v12, $0x1  }
0x165: {  	v12 =	vmul.f32 $5.000000000e-01, v12;
	v26 =	vperm.xlane v16, v1;
	v17 =	vsub.f32 $1.500000000e+00, v17  }
0x166: {  	v28 =	vsub.s32 $0x5F3759DF, v47;
	v24 =	vperm.xlane v13, v3;
	v19 =	vadd.f32 v19, v27  }
0x167: {  	v52 =	vmul.f32 v28, v12;
	v16 =	vadd.f32 v26, v16;
	v17 =	vmul.f32 v23, v17  }
0x168: {  	v20 =	vadd.f32 v20, v25;
	v23 =	vperm.xlane v18, v2;
	v32 =	vperm.xlane v19, v3  }
0x169: {  	v13 =	vadd.f32 v13, v24;
	v24 =	vperm.xlane v22, v3;
	v21 =	vperm.xlane v16, v2  }
0x16a: {  	v30 =	vld [tilespmem:s6+$0xFFFFFFB0];
	v15 =	vmul.f32 v17, v15;
	v18 =	vadd.f32 v18, v23;
	v23 =	vperm.xlane v14, v3  }
0x16b: {  	v46 =	vld [tilespmem:s8+$0xFFFFFFE0];
	v35 =	vshrl.u32 v13, $0x1;
	v19 =	vadd.f32 v19, v32;
	v22 =	vadd.f32 v22, v24  }
0x16c: {  	v27 =	vld [tilespmem:s6+$0xFFFFFFA0];
	v13 =	vmul.f32 $5.000000000e-01, v13;
	v16 =	vadd.f32 v21, v16;
	v15 =	vmul.f32 v15, v17  }
0x16d: {  	v24 =	vld [tilespmem:s6+$0xFFFFFFE0];
	v34 =	vperm.xlane v18, v3;
	v14 =	vadd.f32 v14, v23;
	v37 =	vshrl.u32 v19, $0x1  }
0x16e: {  	v21 =	vld [tilespmem:s8+$0xFFFFFFA0];
	v19 =	vmul.f32 $5.000000000e-01, v19;
	v38 =	vshrl.u32 v22, $0x1;
	v22 =	vmul.f32 $5.000000000e-01, v22  }
0x16f: {  	v31 =	vld [tilespmem:s8+$0xFFFFFFB0];
	v25 =	vperm.xlane v16, v3;
	v48 =	vsub.s32 $0x5F3759DF, v37;
	v49 =	vsub.s32 $0x5F3759DF, v38  }
0x170: {  	v45 =	vld [tilespmem:s8+$0xFFFFFFD0];
	v15 =	vsub.f32 $1.500000000e+00, v15;
	v18 =	vadd.f32 v18, v34;
	v53 =	vmul.f32 v48, v19  }
0x171: {  	v23 =	vld [tilespmem:s6+$0xFFFFFFD0];
	v54 =	vmul.f32 v49, v22;
	v16 =	vadd.f32 v25, v16;
	v25 =	vperm.xlane v20, v3  }
0x172: {  	v24 =	vmul.f32 v46, v24;
	v15 =	vmul.f32 v15, v17  }
0x173: {  	v39 =	vmul.f32 $5.000000000e-01, v18;
	v21 =	vmul.f32 v21, v27  }
0x174: {  	v18 =	vshrl.u32 v18, $0x1;
	v27 =	vmul.f32 v31, v30;
	v34 =	vmul.f32 v48, v53  }
0x175: {  	v33 =	vld [tilespmem:s6+$0xFFFFFFC0];
	v20 =	vadd.f32 v20, v25;
	v25 =	vshrl.u32 v14, $0x1;
	v14 =	vmul.f32 $5.000000000e-01, v14  }
0x176: {  	v17 =	vld [tilespmem:s8+$0xFFFFFFC0];
	v23 =	vmul.f32 v45, v23;
	v18 =	vsub.s32 $0x5F3759DF, v18;
	v58 =	vperm.xlane v24, v0  }
0x177: {  	v16 =	vmul.f32 v15, v16;
	v55 =	vmul.f32 v18, v39  }
0x178: {  	v25 =	vsub.s32 $0x5F3759DF, v25;
	v41 =	vperm.xlane v21, v0;
	v42 =	vperm.xlane v27, v0  }
0x179: {  	v40 =	vmul.f32 $5.000000000e-01, v20;
	v51 =	vmul.f32 v25, v14  }
0x17a: {  	v29 =	vld [tilespmem:s8+$0xFFFFFF90];
	v44 =	vperm.xlane v23, v0;
	v24 =	vadd.f32 v58, v24;
	v16 =	vmul.f32 v16, v15  }
0x17b: {  	v26 =	vld [tilespmem:s6+$0xFFFFFF90];
	v21 =	vadd.f32 v41, v21;
	v17 =	vmul.f32 v17, v33;
	v32 =	vmul.f32 v25, v51  }
0x17c: {  	v27 =	vadd.f32 v42, v27;
	v33 =	vmul.f32 v28, v52;
	v62 =	vperm.xlane v24, v1  }
0x17d: {  	v23 =	vadd.f32 v44, v23;
	v15 =	vmul.f32 v16, v15;
	v41 =	vperm.xlane v21, v1  }
0x17e: {  	v34 =	vsub.f32 $1.500000000e+00, v34;
	v42 =	vperm.xlane v27, v1;
	v43 =	vperm.xlane v17, v0  }
0x17f: {  	v36 =	vld [tilespmem:s6+$0xFFFFFFF0];
	v32 =	vsub.f32 $1.500000000e+00, v32;
	v33 =	vsub.f32 $1.500000000e+00, v33;
	v44 =	vperm.xlane v23, v1  }
0x180: {  	v16 =	vld [tilespmem:s8+$0xFFFFFFF0];
	v11 =	vmul.f32 v15, v11;
	v15 =	vshrl.u32 v20, $0x1;
	v20 =	vmul.f32 v29, v26  }
0x181: {  	v26 =	vsub.s32 $0x5F3759DF, v35;
	v35 =	vmul.f32 v49, v54;
	v29 =	vmul.f32 v48, v34  }
0x182: {  	v21 =	vadd.f32 v41, v21;
	v50 =	vmul.f32 v26, v13;
	v25 =	vmul.f32 v25, v32  }
0x183: {  	v15 =	vsub.s32 $0x5F3759DF, v15;
	v28 =	vmul.f32 v28, v33;
	v56 =	vperm.xlane v20, v0  }
0x184: {  	v17 =	vadd.f32 v43, v17;
	v57 =	vmul.f32 v15, v40;
	v47 =	vperm.xlane v21, v2  }
0x185: {  	v24 =	vadd.f32 v62, v24;
	v16 =	vmul.f32 v16, v36;
	v31 =	vmul.f32 v26, v50  }
0x186: {  	v35 =	vsub.f32 $1.500000000e+00, v35;
	v36 =	vmul.f32 v18, v55;
	v43 =	vperm.xlane v17, v1  }
0x187: {  	v14 =	vmul.f32 v25, v14;
	v12 =	vmul.f32 v28, v12;
	v20 =	vadd.f32 v56, v20  }
0x188: {  	v59 =	vmul.f32 v15, v57;
	v30 =	vmul.f32 v49, v35;
	v49 =	vsub.f32 $0.0e+00, v11  }
0x189: {  	v21 =	vadd.f32 v47, v21;
	v45 =	vperm.xlane v16, v0;
	v31 =	vsub.f32 $1.500000000e+00, v31  }
0x18a: {  	v61 =	vsub.f32 $1.500000000e+00, v36;
	v17 =	vadd.f32 v43, v17;
	v14 =	vmul.f32 v14, v25  }
0x18b: {  	v12 =	vmul.f32 v12, v28;
	v60 =	vperm.xlane v20, v1;
	v63 =	vsub.f32 $1.500000000e+00, v59  }
0x18c: {  	v22 =	vmul.f32 v30, v22;
	v16 =	vadd.f32 v45, v16;
	v26 =	vmul.f32 v26, v31  }
0x18d: {  	v31 =	vmul.f32 v18, v61;
	v18 =	vmul.f32 v29, v19;
	v19 =	vadd.f32 v44, v23  }
0x18e: {  	v50 =	vperm.xlane v17, v2;
	v14 =	vsub.f32 $1.500000000e+00, v14;
	v32 =	vmul.f32 v15, v63  }
0x18f: {  	v20 =	vadd.f32 v60, v20;
	v45 =	vperm.xlane v16, v1;
	v13 =	vmul.f32 v26, v13  }
0x190: {  	v15 =	vadd.f32 v42, v27;
	v23 =	vmul.f32 v31, v39;
	v51 =	vperm.xlane v19, v2  }
0x191: {  	v54 =	vadd.f32 v50, v17;
	v17 =	vmul.f32 v22, v30;
	v27 =	vperm.xlane v20, v2  }
0x192: {  	v46 =	vmul.f32 v32, v40;
	v48 =	vperm.xlane v15, v2;
	v16 =	vadd.f32 v45, v16  }
0x193: {  	v13 =	vmul.f32 v13, v26;
	v19 =	vadd.f32 v51, v19;
	v57 =	vsub.f32 $1.500000000e+00, v17  }
0x194: {  	v59 =	vperm.xlane v54, v3;
	v17 =	vmul.f32 v14, v25;
	v20 =	vadd.f32 v27, v20  }
0x195: {  	v27 =	vperm.xlane v24, v2;
	v53 =	vadd.f32 v48, v15;
	v15 =	vmul.f32 v18, v29  }
0x196: {  	v12 =	vsub.f32 $1.500000000e+00, v12;
	v18 =	vmul.f32 v23, v31;
	v52 =	vperm.xlane v16, v2  }
0x197: {  	v13 =	vsub.f32 $1.500000000e+00, v13;
	v60 =	vperm.xlane v19, v3;
	v14 =	vmul.f32 v57, v30  }
0x198: {  	v22 =	vadd.f32 v27, v24;
	v23 =	vperm.xlane v20, v3;
	v27 =	vperm.xlane v21, v3  }
0x199: {  	v55 =	vsub.f32 $1.500000000e+00, v15;
	v56 =	vperm.xlane v53, v3;
	v58 =	vsub.f32 $1.500000000e+00, v18  }
0x19a: {  	v18 =	vmul.f32 v12, v28;
	v24 =	vadd.f32 v52, v16;
	v16 =	vmul.f32 v46, v32  }
0x19b: {  	v15 =	vmul.f32 v13, v26;
	v62 =	vadd.f32 v23, v20;
	v26 =	vadd.f32 v27, v21  }
0x19c: {  	v23 =	vperm.xlane v22, v3;
	v25 =	vadd.f32 v56, v53;
	v27 =	vadd.f32 v59, v54  }
0x19d: {  	v13 =	vmul.f32 v58, v31;
	v20 =	vadd.f32 v60, v19;
	v63 =	vperm.xlane v24, v3  }
0x19e: {  	s9 =	simm.s32 $0xDEC0;
	v61 =	vsub.f32 $1.500000000e+00, v16;
	v16 =	vmul.f32 v55, v29;
	v21 =	vmul.f32 v15, v62  }
0x19f: {  	s11 =	simm.s32 $0xE6C0;
	[tilespmem:s9+$0x30] =	vst v11;
	v23 =	vadd.f32 v23, v22;
	v11 =	vmul.f32 v17, v26;
	v22 =	vmul.f32 v18, v25  }
0x1a0: {  	s12 =	simm.s32 $0x0;
	s10 =	simm.s32 $0xE6C0;
	s13 =	simm.s32 $0xA770;
	[tilespmem:s11+$0x30] =	vst v49;
	v12 =	vmul.f32 v61, v32;
	v24 =	vadd.f32 v63, v24;
	v19 =	vmul.f32 v16, v27  }
.LBB2_5:
0x1a1: {  	v25 =	vld [tilespmem:s13+$0x0];
	v20 =	vmul.f32 v14, v20;
	v23 =	vmul.f32 v13, v23;
	s5 =	sadd.s32 $0x80, s5  }
0x1a2: {  	s12 =	sadd.s32 $0x8, s12;
	v21 =	vmul.f32 v21, v15;
	v24 =	vmul.f32 v12, v24;
	v26 =	vld [tilespmem:s5+$0x0]  }
0x1a3: {  	v11 =	vmul.f32 v11, v17;
	p0 =	slt.u32 s12, $0x78;
	v22 =	vmul.f32 v22, v18;
	v27 =	vld [tilespmem:s5+$0xFFFFFF90]  }
0x1a4: {  	v19 =	vmul.f32 v19, v16;
	v20 =	vmul.f32 v20, v14;
	v28 =	vld [tilespmem:s13+$0xFFFFFFA0]  }
0x1a5: {  	v23 =	vmul.f32 v23, v13;
	v24 =	vmul.f32 v24, v12;
	v29 =	vld [tilespmem:s5+$0xFFFFFFA0]  }
0x1a6: {  	v15 =	vmul.f32 v21, v15;
	v11 =	vmul.f32 v11, v17;
	v30 =	vld [tilespmem:s13+$0xFFFFFFB0]  }
0x1a7: {  	v18 =	vmul.f32 v22, v18;
	v16 =	vmul.f32 v19, v16;
	v21 =	vld [tilespmem:s5+$0xFFFFFFB0];
	v17 =	vsub.f32 v25, v26  }
0x1a8: {  	v20 =	vmul.f32 v20, v14;
	v22 =	vmul.f32 v23, v13;
	v19 =	vld [tilespmem:s13+$0xFFFFFFC0]  }
0x1a9: {  	v24 =	vmul.f32 v24, v12;
	v23 =	vld [tilespmem:s5+$0xFFFFFFC0];
	v25 =	vmul.f32 v17, v17  }
0x1aa: {  	v10 =	vmul.f32 v15, v10;
	v13 =	vmul.f32 v11, v4;
	v26 =	vld [tilespmem:s13+$0xFFFFFFD0];
	v4 =	vsub.f32 v28, v29  }
0x1ab: {  	v14 =	vmul.f32 v18, v5;
	v28 =	vld [tilespmem:s5+$0xFFFFFFD0];
	v11 =	vperm.xlane v25, v0  }
0x1ac: {  	v15 =	vmul.f32 v16, v6;
	v18 =	vmul.f32 v4, v4;
	v5 =	vsub.f32 v30, v21;
	v21 =	vld [tilespmem:s13+$0xFFFFFFE0];
	[tilespmem:s9+$0xFFFFFFC0] =	vst v10  }
0x1ad: {  	v16 =	vmul.f32 v20, v7;
	v12 =	vmul.f32 v22, v8;
	v29 =	vld [tilespmem:s5+$0xFFFFFFE0];
	v25 =	vadd.f32 v25, v11;
	[tilespmem:s9+$0xFFFFFFD0] =	vst v13  }
0x1ae: {  	v8 =	vperm.xlane v18, v0;
	v20 =	vmul.f32 v5, v5;
	v6 =	vsub.f32 v19, v23;
	v19 =	vld [tilespmem:s13+$0xFFFFFFF0];
	[tilespmem:s9+$0xFFFFFFE0] =	vst v14  }
0x1af: {  	v10 =	vsub.f32 $0.0e+00, v10;
	v11 =	vmul.f32 v24, v9;
	v22 =	vld [tilespmem:s5+$0xFFFFFFF0];
	v23 =	vperm.xlane v25, v1;
	[tilespmem:s9+$0xFFFFFFF0] =	vst v15  }
0x1b0: {  	v24 =	vld [tilespmem:s13+$0xFFFFFF90];
	v9 =	vperm.xlane v20, v0;
	v30 =	vmul.f32 v6, v6;
	v7 =	vsub.f32 v26, v28;
	[tilespmem:s9+$0x0] =	vst v16  }
0x1b1: {  	v18 =	vadd.f32 v18, v8;
	v23 =	vadd.f32 v25, v23;
	[tilespmem:s11+$0xFFFFFFC0] =	vst v10  }
0x1b2: {  	v25 =	vperm.xlane v30, v0;
	v26 =	vmul.f32 v7, v7;
	v8 =	vsub.f32 v21, v29;
	[tilespmem:s9+$0x10] =	vst v12  }
0x1b3: {  	v21 =	vperm.xlane v18, v1;
	v20 =	vadd.f32 v20, v9;
	v28 =	vperm.xlane v23, v2;
	[tilespmem:s9+$0x20] =	vst v11  }
0x1b4: {  	s6 =	sadd.s32 $0x80, s6;
	v29 =	vperm.xlane v26, v0;
	v31 =	vmul.f32 v8, v8;
	v9 =	vsub.f32 v19, v22  }
0x1b5: {  	s8 =	sadd.s32 $0x80, s8;
	v22 =	vperm.xlane v20, v1;
	v10 =	vsub.f32 v24, v27;
	v23 =	vadd.f32 v23, v28;
	v24 =	vld [tilespmem:s6+$0x0]  }
0x1b6: {  	v25 =	vadd.f32 v30, v25;
	v27 =	vperm.xlane v31, v0;
	v28 =	vmul.f32 v9, v9;
	v30 =	vld [tilespmem:s8+$0x0]  }
0x1b7: {  	v26 =	vadd.f32 v26, v29;
	v32 =	vmul.f32 v10, v10;
	v19 =	vld [tilespmem:s6+$0xFFFFFF90];
	v29 =	vperm.xlane v23, v3  }
0x1b8: {  	v34 =	vperm.xlane v25, v1;
	v33 =	vld [tilespmem:s8+$0xFFFFFF90];
	v27 =	vadd.f32 v31, v27;
	v31 =	vperm.xlane v28, v0  }
0x1b9: {  	v37 =	vperm.xlane v26, v1;
	v35 =	vperm.xlane v32, v0;
	v36 =	vld [tilespmem:s6+$0xFFFFFFA0];
	v23 =	vadd.f32 v23, v29  }
0x1ba: {  	v18 =	vadd.f32 v18, v21;
	v21 =	vld [tilespmem:s8+$0xFFFFFFA0];
	v29 =	vperm.xlane v27, v1;
	v28 =	vadd.f32 v28, v31  }
0x1bb: {  	v31 =	vld [tilespmem:s6+$0xFFFFFFB0];
	v24 =	vmul.f32 v30, v24;
	v30 =	vshrl.u32 v23, $0x1;
	v23 =	vmul.f32 $5.000000000e-01, v23  }
0x1bc: {  	v32 =	vadd.f32 v32, v35;
	v35 =	vld [tilespmem:s8+$0xFFFFFFB0];
	v38 =	vperm.xlane v28, v1;
	v30 =	vsub.s32 $0x5F3759DF, v30  }
0x1bd: {  	v20 =	vadd.f32 v20, v22;
	v22 =	vld [tilespmem:s6+$0xFFFFFFC0];
	v39 =	vperm.xlane v24, v0;
	v40 =	vmul.f32 v30, v23  }
0x1be: {  	v25 =	vadd.f32 v25, v34;
	v26 =	vadd.f32 v26, v37;
	v41 =	vperm.xlane v32, v1;
	v34 =	vld [tilespmem:s8+$0xFFFFFFC0]  }
0x1bf: {  	v27 =	vadd.f32 v27, v29;
	v37 =	vld [tilespmem:s6+$0xFFFFFFD0];
	v24 =	vadd.f32 v39, v24;
	v29 =	vmul.f32 v30, v40  }
0x1c0: {  	v28 =	vadd.f32 v28, v38;
	v32 =	vadd.f32 v32, v41;
	v39 =	vperm.xlane v18, v2;
	v40 =	vld [tilespmem:s8+$0xFFFFFFD0]  }
0x1c1: {  	v38 =	vperm.xlane v20, v2;
	v41 =	vld [tilespmem:s6+$0xFFFFFFE0];
	v42 =	vperm.xlane v24, v1;
	v29 =	vsub.f32 $1.500000000e+00, v29  }
0x1c2: {  	v43 =	vperm.xlane v32, v2;
	v18 =	vadd.f32 v18, v39;
	v39 =	vperm.xlane v25, v2;
	v44 =	vld [tilespmem:s8+$0xFFFFFFE0]  }
0x1c3: {  	v45 =	vperm.xlane v26, v2;
	v46 =	vld [tilespmem:s6+$0xFFFFFFF0];
	v24 =	vadd.f32 v42, v24;
	v29 =	vmul.f32 v30, v29  }
0x1c4: {  	v30 =	vadd.f32 v32, v43;
	v32 =	vperm.xlane v27, v2;
	v42 =	vperm.xlane v28, v2;
	v43 =	vld [tilespmem:s8+$0xFFFFFFF0]  }
0x1c5: {  	v20 =	vadd.f32 v20, v38;
	v38 =	vperm.xlane v24, v2;
	v23 =	vmul.f32 v29, v23  }
0x1c6: {  	v26 =	vadd.f32 v26, v45;
	v25 =	vadd.f32 v25, v39;
	v47 =	vperm.xlane v30, v3  }
0x1c7: {  	v27 =	vadd.f32 v27, v32;
	v24 =	vadd.f32 v38, v24;
	v23 =	vmul.f32 v23, v29  }
0x1c8: {  	v32 =	vperm.xlane v18, v3;
	v28 =	vadd.f32 v28, v42;
	v38 =	vperm.xlane v20, v3  }
0x1c9: {  	v39 =	vperm.xlane v25, v3;
	v42 =	vperm.xlane v24, v3;
	v23 =	vsub.f32 $1.500000000e+00, v23  }
0x1ca: {  	v45 =	vperm.xlane v26, v3;
	v30 =	vadd.f32 v30, v47;
	v47 =	vperm.xlane v27, v3  }
0x1cb: {  	v48 =	vperm.xlane v28, v3;
	v24 =	vadd.f32 v42, v24;
	v23 =	vmul.f32 v23, v29  }
0x1cc: {  	v32 =	vadd.f32 v18, v32;
	v38 =	vadd.f32 v20, v38;
	v29 =	vshrl.u32 v30, $0x1  }
0x1cd: {  	v26 =	vadd.f32 v26, v45;
	v25 =	vadd.f32 v25, v39;
	v24 =	vmul.f32 v23, v24  }
0x1ce: {  	v18 =	vmul.f32 $5.000000000e-01, v30;
	v27 =	vadd.f32 v27, v47;
	v28 =	vadd.f32 v28, v48  }
0x1cf: {  	v20 =	vmul.f32 $5.000000000e-01, v32;
	v30 =	vshrl.u32 v32, $0x1;
	v24 =	vmul.f32 v24, v23  }
0x1d0: {  	v39 =	vshrl.u32 v25, $0x1;
	v32 =	vshrl.u32 v38, $0x1;
	v38 =	vmul.f32 $5.000000000e-01, v38  }
0x1d1: {  	v25 =	vmul.f32 $5.000000000e-01, v25;
	v42 =	vshrl.u32 v26, $0x1;
	v23 =	vmul.f32 v24, v23  }
0x1d2: {  	v24 =	vmul.f32 $5.000000000e-01, v26;
	v26 =	vshrl.u32 v27, $0x1;
	v27 =	vmul.f32 $5.000000000e-01, v27  }
0x1d3: {  	v45 =	vshrl.u32 v28, $0x1;
	v28 =	vmul.f32 $5.000000000e-01, v28;
	v17 =	vmul.f32 v23, v17  }
0x1d4: {  	v19 =	vmul.f32 v33, v19;
	v21 =	vmul.f32 v21, v36;
	v23 =	vsub.s32 $0x5F3759DF, v29  }
0x1d5: {  	s9 =	sadd.s32 $0x80, s9;
	v22 =	vmul.f32 v34, v22;
	v29 =	vmul.f32 v35, v31;
	v31 =	vsub.f32 $0.0e+00, v17  }
0x1d6: {  	s11 =	sadd.s32 $0x80, s11;
	v33 =	vmul.f32 v40, v37;
	v34 =	vmul.f32 v44, v41;
	v30 =	vsub.s32 $0x5F3759DF, v30;
	[tilespmem:s9+$0x30] =	vst v17  }
0x1d7: {  	v35 =	vmul.f32 v43, v46;
	v17 =	vsub.s32 $0x5F3759DF, v32;
	v32 =	vsub.s32 $0x5F3759DF, v39;
	[tilespmem:s11+$0x30] =	vst v31  }
0x1d8: {  	v36 =	vsub.s32 $0x5F3759DF, v45;
	v26 =	vsub.s32 $0x5F3759DF, v26;
	v31 =	vsub.s32 $0x5F3759DF, v42  }
0x1d9: {  	v13 =	vsub.f32 $0.0e+00, v13;
	v37 =	vmul.f32 v23, v18;
	v39 =	vmul.f32 v30, v20  }
0x1da: {  	v14 =	vsub.f32 $0.0e+00, v14;
	v40 =	vmul.f32 v17, v38;
	v41 =	vmul.f32 v32, v25  }
0x1db: {  	v43 =	vmul.f32 v26, v27;
	v42 =	vmul.f32 v31, v24;
	[tilespmem:s10+$0xFFFFFFD0] =	vst v13;
	v13 =	vsub.f32 $0.0e+00, v15  }
0x1dc: {  	v44 =	vmul.f32 v36, v28;
	v15 =	vperm.xlane v19, v0;
	[tilespmem:s10+$0xFFFFFFE0] =	vst v14;
	v14 =	vsub.f32 $0.0e+00, v16  }
0x1dd: {  	v12 =	vsub.f32 $0.0e+00, v12;
	v45 =	vperm.xlane v29, v0;
	v16 =	vperm.xlane v21, v0;
	[tilespmem:s10+$0xFFFFFFF0] =	vst v13  }
0x1de: {  	v13 =	vadd.f32 v15, v19;
	v15 =	vperm.xlane v22, v0;
	v19 =	vperm.xlane v33, v0;
	[tilespmem:s10+$0x0] =	vst v14  }
0x1df: {  	v14 =	vadd.f32 v16, v21;
	v16 =	vperm.xlane v34, v0;
	v21 =	vperm.xlane v35, v0;
	[tilespmem:s10+$0x10] =	vst v12  }
0x1e0: {  	v29 =	vadd.f32 v45, v29;
	v12 =	vmul.f32 v23, v37;
	v37 =	vmul.f32 v30, v39  }
0x1e1: {  	v39 =	vmul.f32 v17, v40;
	v15 =	vadd.f32 v15, v22;
	v22 =	vmul.f32 v32, v41  }
0x1e2: {  	v19 =	vadd.f32 v19, v33;
	v33 =	vmul.f32 v31, v42;
	v40 =	vmul.f32 v26, v43  }
0x1e3: {  	v16 =	vadd.f32 v16, v34;
	v21 =	vadd.f32 v21, v35;
	v34 =	vmul.f32 v36, v44  }
0x1e4: {  	v35 =	vperm.xlane v13, v1;
	v12 =	vsub.f32 $1.500000000e+00, v12;
	v37 =	vsub.f32 $1.500000000e+00, v37  }
0x1e5: {  	v41 =	vperm.xlane v14, v1;
	v39 =	vsub.f32 $1.500000000e+00, v39;
	v22 =	vsub.f32 $1.500000000e+00, v22  }
0x1e6: {  	v42 =	vperm.xlane v29, v1;
	v33 =	vsub.f32 $1.500000000e+00, v33;
	v40 =	vsub.f32 $1.500000000e+00, v40  }
0x1e7: {  	v43 =	vperm.xlane v15, v1;
	v44 =	vperm.xlane v19, v1;
	v34 =	vsub.f32 $1.500000000e+00, v34  }
0x1e8: {  	v13 =	vadd.f32 v35, v13;
	v35 =	vperm.xlane v16, v1;
	v45 =	vperm.xlane v21, v1  }
0x1e9: {  	v14 =	vadd.f32 v41, v14;
	v12 =	vmul.f32 v23, v12;
	v23 =	vmul.f32 v30, v37  }
0x1ea: {  	v29 =	vadd.f32 v42, v29;
	v30 =	vmul.f32 v17, v39;
	v22 =	vmul.f32 v32, v22  }
0x1eb: {  	v15 =	vadd.f32 v43, v15;
	v31 =	vmul.f32 v31, v33;
	v26 =	vmul.f32 v26, v40  }
0x1ec: {  	v17 =	vadd.f32 v44, v19;
	v16 =	vadd.f32 v35, v16;
	v19 =	vmul.f32 v36, v34  }
0x1ed: {  	v21 =	vadd.f32 v45, v21;
	v18 =	vmul.f32 v12, v18;
	v20 =	vmul.f32 v23, v20  }
0x1ee: {  	v11 =	vsub.f32 $0.0e+00, v11;
	v32 =	vmul.f32 v30, v38;
	v25 =	vmul.f32 v22, v25  }
0x1ef: {  	v24 =	vmul.f32 v31, v24;
	v27 =	vmul.f32 v26, v27  }
0x1f0: {  	v33 =	vperm.xlane v13, v2;
	v28 =	vmul.f32 v19, v28;
	[tilespmem:s10+$0x20] =	vst v11;
	s10 =	smov.u32 s11  }
0x1f1: {  	v34 =	vperm.xlane v29, v2;
	v11 =	vperm.xlane v14, v2  }
0x1f2: {  	v35 =	vperm.xlane v17, v2;
	v13 =	vadd.f32 v33, v13;
	v33 =	vperm.xlane v15, v2  }
0x1f3: {  	v36 =	vperm.xlane v21, v2;
	v11 =	vadd.f32 v11, v14;
	v14 =	vperm.xlane v16, v2  }
0x1f4: {  	v29 =	vadd.f32 v34, v29;
	v18 =	vmul.f32 v18, v12;
	v20 =	vmul.f32 v20, v23  }
0x1f5: {  	v32 =	vmul.f32 v32, v30;
	v33 =	vadd.f32 v33, v15;
	v15 =	vmul.f32 v25, v22  }
0x1f6: {  	v25 =	vadd.f32 v35, v17;
	v17 =	vmul.f32 v24, v31;
	v24 =	vmul.f32 v27, v26  }
0x1f7: {  	v34 =	vadd.f32 v36, v21;
	v27 =	vadd.f32 v14, v16;
	v14 =	vmul.f32 v28, v19  }
0x1f8: {  	v18 =	vsub.f32 $1.500000000e+00, v18;
	v20 =	vsub.f32 $1.500000000e+00, v20;
	v16 =	vperm.xlane v13, v3  }
0x1f9: {  	v21 =	vperm.xlane v11, v3;
	v28 =	vsub.f32 $1.500000000e+00, v32;
	v32 =	vsub.f32 $1.500000000e+00, v15  }
0x1fa: {  	v35 =	vperm.xlane v29, v3;
	v36 =	vsub.f32 $1.500000000e+00, v17;
	v24 =	vsub.f32 $1.500000000e+00, v24  }
0x1fb: {  	v37 =	vperm.xlane v33, v3;
	v38 =	vperm.xlane v25, v3;
	v39 =	vsub.f32 $1.500000000e+00, v14  }
0x1fc: {  	v42 =	vperm.xlane v34, v3;
	v40 =	vadd.f32 v16, v13;
	v41 =	vperm.xlane v27, v3  }
0x1fd: {  	v17 =	vmul.f32 v20, v23;
	v15 =	vmul.f32 v18, v12;
	v11 =	vadd.f32 v21, v11  }
.Ltmp1:
0x1fe: {  	v29 =	vadd.f32 v35, v29;
	v18 =	vmul.f32 v28, v30;
	v16 =	vmul.f32 v32, v22;
	(pc) =	sbr.rel @p0 .LBB2_5-.Ltmp1, $4  }
0x1ff: {  	v28 =	vadd.f32 v37, v33;
	v14 =	vmul.f32 v36, v31;
	v13 =	vmul.f32 v24, v26  }
0x200: {  	v20 =	vadd.f32 v38, v25;
	v23 =	vadd.f32 v41, v27;
	v12 =	vmul.f32 v39, v19  }
0x201: {  	v24 =	vadd.f32 v42, v34;
	v21 =	vmul.f32 v15, v40;
	v11 =	vmul.f32 v17, v11  }
0x202: {  	s13 =	sadd.s32 $0x80, s13;
	v22 =	vmul.f32 v18, v29;
	v19 =	vmul.f32 v16, v28  }
0x203: {  	v20 =	vmul.f32 v14, v20  }
0x204: {  	v23 =	vmul.f32 v13, v23;
	v21 =	vmul.f32 v21, v15  }
0x205: {  	v24 =	vmul.f32 v12, v24;
	v11 =	vmul.f32 v11, v17  }
0x206: {  	v22 =	vmul.f32 v22, v18;
	v19 =	vmul.f32 v19, v16  }
0x207: {  	v20 =	vmul.f32 v20, v14;
	v15 =	vmul.f32 v21, v15  }
0x208: {  	v58 =	vmul.f32 v23, v13;
	v11 =	vmul.f32 v11, v17  }
0x209: {  	v59 =	vmul.f32 v22, v18;
	v10 =	vmul.f32 v15, v10  }
0x20a: {  	v60 =	vmul.f32 v19, v16;
	v4 =	vmul.f32 v11, v4  }
0x20b: {  	v61 =	vmul.f32 v20, v14;
	v5 =	vmul.f32 v59, v5;
	[tilespmem:s9+$0xFFFFFFC0] =	vst v10  }
0x20c: {  	v62 =	vmul.f32 v24, v12;
	v6 =	vmul.f32 v60, v6;
	[tilespmem:s9+$0xFFFFFFD0] =	vst v4  }
0x20d: {  	v13 =	vmul.f32 v58, v13;
	v7 =	vmul.f32 v61, v7;
	[tilespmem:s9+$0xFFFFFFE0] =	vst v5  }
0x20e: {  	v63 =	vmul.f32 v62, v12;
	v10 =	vsub.f32 $0.0e+00, v10;
	[tilespmem:s9+$0xFFFFFFF0] =	vst v6  }
0x20f: {  	v8 =	vmul.f32 v13, v8;
	[tilespmem:s9+$0x0] =	vst v7  }
0x210: {  	v9 =	vmul.f32 v63, v9;
	[tilespmem:s11+$0xFFFFFFC0] =	vst v10  }
0x211: {  	v4 =	vsub.f32 $0.0e+00, v4;
	[tilespmem:s9+$0x10] =	vst v8  }
0x212: {  	v5 =	vsub.f32 $0.0e+00, v5;
	[tilespmem:s9+$0x20] =	vst v9  }
0x213: {  	[tilespmem:s10+$0xFFFFFFD0] =	vst v4;
	v4 =	vsub.f32 $0.0e+00, v6  }
0x214: {  	[tilespmem:s10+$0xFFFFFFE0] =	vst v5;
	v5 =	vsub.f32 $0.0e+00, v7  }
0x215: {  	[tilespmem:s10+$0xFFFFFFF0] =	vst v4;
	v4 =	vsub.f32 $0.0e+00, v8  }
0x216: {  	[tilespmem:s10+$0x0] =	vst v5;
	v5 =	vsub.f32 $0.0e+00, v9  }
0x217: {  	[tilespmem:s10+$0x10] =	vst v4  }
0x218: {  	[tilespmem:s10+$0x20] =	vst v5  }
0x219: {  	[spmem:s4] =	stream.indirect.scatter.add.f32 [tilespmem:s31], [sflag:$0x3], $0x10, s24, s20, $0xb8;
	[tilespmem:$0xEE80] =	vst v63  }
0x21a: {  	s22 =	sadd.s32 $0x1, s22;
	_ =	swait.ge [sflag:s15], $0x800  }
0x21b: {  	p0 =	sne.s32 s22, $0x14;
	[sflag:s15] =	ssyncset.done $0x0  }
.Ltmp2:
0x21c: {  	[sflag:s15] =	ssyncadd.s32 $0xFFFFF800;
	(pc) =	sbr.rel @p0 .LBB2_2-.Ltmp2, $4  }
0x21d: {  	[spmem:s4] =	stream.indirect.scatter.add.f32 [tilespmem:s0], [sflag:$0x3], $0x10, s23, s20, $0xb8;
	[tilespmem:$0xEE80] =	vst v63  }
0x21e: {  	_ =	swait.ge [sflag:s15], $0x800  }
0x21f: {  	[sflag:s15] =	ssyncset.done $0x0  }
0x220: {  	[sflag:s15] =	ssyncadd.s32 $0xFFFFF800  }
0x221: {  	[bflag:$0x0] =	sbarrier.arrive $0xFFFF  }
0x222: {  	s5 =	rddreg [dreg:$0xb]  }
0x223: {  	[hbm:s5], [sflag:s7] =	dma.local [spmem:s17], $0x4F0  }
0x224: {  	_ =	swait.ge [sflag:s15], $0x4F0  }
0x225: {  	s21 =	sadd.s32 $0x1, s21;
	s24 =	rddreg [dreg:$0xc]  }
0x226: {  	p0 =	sne.s32 s21, s24  }
.Ltmp3:
0x227: {  	_ = 	snop;
	(pc) =	sbr.rel @p0 .LBB2_1-.Ltmp3, $3  }
0x228: {  	_ =	sdelay $0x1  }
0x229: {  	[sflag:s15] =	ssyncset.done $0x0  }
0x22a: {  	[sflag:s15] =	ssyncadd.s32 $0xFFFFFB10  }
0x22b: {  	_ =	sfence.sel $0x180000  }
0x22c: {  	[bflag:$0x0] =	sbarrier.arrive $0xFFFF  }
0x22d: {  	_ =	strace $0x90000050  }
0x22e: {  	s0 =	stileid.u32;
	[bflag:$0x2] =	sbarrier.arrive $0xFFFF  }
0x22f: {  	p0 =	sne.s32 s0, $0x0;
	s0 =	rddreg [dreg:$0x5]  }
0x230: {  	s0 =	sadd.s32 @!p0 $0x100000, s0  }
0x231: {  	[sflag:s0] =	ssyncadd.tile.s32 @!p0 $0x1;
	_ =	shalt  }
.Lfunc_end2:
_tile_overlayer_lowered:
.L_overlay_start_2:
0x232: {  	(tag) =	ssettag $0x2  }
0x233: {  	s0 =	rddreg [dreg:$0x0];
	s2 =	stileid.u32  }
0x234: {  	s1 =	rddreg [dreg:$0x1];
	p0 =	sne.s32 s2, $0x0  }
0x235: {  	s3 =	rddreg [dreg:$0x2];
	[bflag:$0x3] =	sbarrier.arrive $0xFFFF;
	s2 =	simm.s32 @!p0 $0x1C03  }
0x236: {  	[timem:s3], [sflag:s2] =	dma.local @!p0 [hbm:s0], s1  }
0x237: {  	s0 =	simm.s32 @!p0 $0x3  }
0x238: {  	_ =	swait.ge @!p0 [sflag:s0], s1  }
0x239: {  	s1 =	ssub.s32 @!p0 $0x0, s1;
	[sflag:s0] =	ssyncset.done @!p0 $0x0  }
0x23a: {  	[sflag:s0] =	ssyncadd.s32 @!p0 s1  }
0x23b: {  	[bflag:$0x3] =	sbarrier.arrive $0xFFFF  }
0x23c: {  	_ =	shalt  }

// kernel: kernel.27.cloned.1.call-start
scs
__scs_entry_jumppad:
0x0: {  	(pc) =	sbr.rel $0x88, $3  }
0x1: {  	(tag) =	ssettag $0x0;
	lr =	simm.s32 $0x1  }
0x2: {  	[smem:$0x3F98] =	sst lr;
	_ =	strace $0xD0000000  }
0x3: {  	_ = 	snop  }
0x4: {  	_ = 	snop  }
0x5: {  	_ = 	snop  }
0x6: {  	_ = 	snop  }
0x7: {  	_ = 	snop  }
__scs_overlays_trampoline_lowered:
0x8: {  	[smem:$0x3FA7] =	sst s0  }
0x9: {  	[smem:$0x3FA8] =	sst s1  }
0xa: {  	[smem:$0x3FA9] =	sst s2  }
0xb: {  	[smem:$0x3FAA] =	sst s3  }
0xc: {  	[smem:$0x3FAB] =	sst s4  }
0xd: {  	[smem:$0x3FAC] =	sst s5  }
0xe: {  	[smem:$0x3FAD] =	sst s6  }
0xf: {  	[smem:$0x3FAE] =	sst s7  }
0x10: {  	[smem:$0x3FAF] =	sst s8  }
0x11: {  	[smem:$0x3FB0] =	sst s9;
	s0 =	simm.s32 @!p0 $0x0  }
0x12: {  	s1 =	sld [smem:$0x3F96];
	s0 =	simm.s32 @p0 $0x1  }
0x13: {  	[smem:$0x3FB1] =	sst s0;
	s0 =	simm.s32 @!p1 $0x0  }
0x14: {  	s2 =	sld [smem:$0x3F95];
	s0 =	simm.s32 @p1 $0x1  }
0x15: {  	[smem:$0x3FB2] =	sst s0;
	s0 =	simm.s32 @!p2 $0x0  }
0x16: {  	s3 =	sld [smem:$0x3FDB];
	s0 =	simm.s32 @p2 $0x1  }
0x17: {  	s4 =	simm.s32 $0x1BF5;
	[smem:$0x3FB4] =	sst s0  }
0x18: {  	s0 =	sld [smem:$0x3F97];
	_ =	swait.ge [sflag:s4], $0x0  }
0x19: {  	s7 =	sld [smem:$0x3F98]  }
0x1a: {  	s8 =	sadd.s32 $0xFFFFE003, lr  }
0x1b: {  	s9 =	sadd.s32 $0xFFFFFEF7, lr;
	s5 =	simm.s32 $0xFFFFFFFF;
	p2 =	slt.u32 s8, $0xFFFFF086  }
0x1c: {  	p1 =	slt.u32 s9, $0xF7A;
	s5 =	simm.s32 @!p2 $0x0  }
0x1d: {  	s5 =	simm.s32 @p1 $0x1;
	p0 =	seq.s32 s7, s2  }
0x1e: {  	s7 =	smul.u32 @!p0 $0xF7A, s2;
	p2 =	seq.s32 @!p0 s5, $0x0  }
0x1f: {  	s9 =	smul.u32 $0xF7A, s1;
	s8 =	simm.s32 @!p0 $0x1BF5;
	p2 =	por !p2, p0  }
0x20: {  	[sflag:s8] =	ssyncset.s32 @!p0 $0xFFFFF086;
	s6 =	sadd.s32 @!p0 s3, s7;
	s7 =	simm.s32 @!p0 $0x108  }
0x21: {  	s3 =	sadd.s32 s3, s9;
	s6 =	sadd.s32 @!p0 $0x88, s6;
	s7 =	simm.s32 @p2 $0x1082  }
0x22: {  	[simem:s7], [sflag:s8] =	dma.local @!p0 [hbm:s6], $0xF7A  }
0x23: {  	s9 =	sor.u32 $0xD0000000, s2;
	s6 =	simm.s32 $0x108;
	_ =	swait.ge @!p0 [sflag:s8], $0x0  }
0x24: {  	s3 =	sadd.s32 $0x88, s3;
	s6 =	simm.s32 @!p1 $0x1082;
	[sflag:s4] =	ssyncset.s32 $0xFFFFF086  }
0x25: {  	[simem:s6], [sflag:s4] =	dma.local [hbm:s3], $0xF7A  }
0x26: {  	[smem:$0x3F98] =	sst s1;
	(tag) =	ssettag s2;
	_ =	strace s9  }
0x27: {  	s1 =	sld [smem:$0x3FA8]  }
0x28: {  	s2 =	sld [smem:$0x3FA9]  }
0x29: {  	s4 =	sld [smem:$0x3FAB]  }
0x2a: {  	p0 =	seq.s32 s5, $0x0;
	s5 =	sld [smem:$0x3FAC]  }
0x2b: {  	s6 =	sld [smem:$0x3FAD]  }
0x2c: {  	s7 =	sld [smem:$0x3FAE]  }
0x2d: {  	s3 =	simm.s32 $0x108;
	s8 =	sld [smem:$0x3FAF]  }
0x2e: {  	s3 =	simm.s32 @!p0 $0x1082;
	s9 =	sld [smem:$0x3FB0]  }
0x2f: {  	lr =	sadd.s32 s0, s3;
	s0 =	sld [smem:$0x3FA7]  }
0x30: {  	s3 =	sld [smem:$0x3FAA]  }
0x31: {  	[smem:$0x3FB3] =	sst s10  }
0x32: {  	s10 =	sld [smem:$0x3FB1];
	_ =	sdelay $0x3  }
0x33: {  	p0 =	seq.s32 s10, $0x1;
	s10 =	sld [smem:$0x3FB3];
	_ =	sdelay $0x3  }
0x34: {  	[smem:$0x3FB3] =	sst s10  }
0x35: {  	s10 =	sld [smem:$0x3FB2];
	_ =	sdelay $0x3  }
0x36: {  	p1 =	seq.s32 s10, $0x1;
	s10 =	sld [smem:$0x3FB3];
	_ =	sdelay $0x3  }
0x37: {  	[smem:$0x3FB3] =	sst s10  }
0x38: {  	s10 =	sld [smem:$0x3FB4]  }
0x39: {  	_ = 	snop;
	(pc) =	sbr.ind lr, $3  }
0x3a: {  	_ = 	snop  }
0x3b: {  	_ = 	snop  }
0x3c: {  	p2 =	seq.s32 s10, $0x1;
	s10 =	sld [smem:$0x3FB3]  }
0x3d: {  	_ =	shalt  }
0x3e: {  	_ =	shalt  }
0x3f: {  	_ =	shalt  }
0x40: {  	_ =	shalt  }
0x41: {  	_ =	shalt  }
0x42: {  	_ =	shalt  }
0x43: {  	_ =	shalt  }
0x44: {  	_ =	shalt  }
0x45: {  	_ =	shalt  }
0x46: {  	_ =	shalt  }
0x47: {  	_ =	shalt  }
0x48: {  	_ =	shalt  }
0x49: {  	_ =	shalt  }
0x4a: {  	_ =	shalt  }
0x4b: {  	_ =	shalt  }
0x4c: {  	_ =	shalt  }
0x4d: {  	_ =	shalt  }
0x4e: {  	_ =	shalt  }
0x4f: {  	_ =	shalt  }
0x50: {  	_ =	shalt  }
0x51: {  	_ =	shalt  }
0x52: {  	_ =	shalt  }
0x53: {  	_ =	shalt  }
0x54: {  	_ =	shalt  }
0x55: {  	_ =	shalt  }
0x56: {  	_ =	shalt  }
0x57: {  	_ =	shalt  }
0x58: {  	_ =	shalt  }
0x59: {  	_ =	shalt  }
0x5a: {  	_ =	shalt  }
0x5b: {  	_ =	shalt  }
0x5c: {  	_ =	shalt  }
0x5d: {  	_ =	shalt  }
0x5e: {  	_ =	shalt  }
0x5f: {  	_ =	shalt  }
0x60: {  	_ =	shalt  }
0x61: {  	_ =	shalt  }
0x62: {  	_ =	shalt  }
0x63: {  	_ =	shalt  }
0x64: {  	_ =	shalt  }
0x65: {  	_ =	shalt  }
0x66: {  	_ =	shalt  }
0x67: {  	_ =	shalt  }
0x68: {  	_ =	shalt  }
0x69: {  	_ =	shalt  }
0x6a: {  	_ =	shalt  }
0x6b: {  	_ =	shalt  }
0x6c: {  	_ =	shalt  }
0x6d: {  	_ =	shalt  }
0x6e: {  	_ =	shalt  }
0x6f: {  	_ =	shalt  }
0x70: {  	_ =	shalt  }
0x71: {  	_ =	shalt  }
0x72: {  	_ =	shalt  }
0x73: {  	_ =	shalt  }
0x74: {  	_ =	shalt  }
0x75: {  	_ =	shalt  }
0x76: {  	_ =	shalt  }
0x77: {  	_ =	shalt  }
0x78: {  	_ =	shalt  }
0x79: {  	_ =	shalt  }
0x7a: {  	_ =	shalt  }
0x7b: {  	_ =	shalt  }
0x7c: {  	_ =	shalt  }
0x7d: {  	_ =	shalt  }
0x7e: {  	_ =	shalt  }
0x7f: {  	_ =	shalt  }
0x80: {  	_ =	shalt  }
0x81: {  	_ =	shalt  }
0x82: {  	_ =	shalt  }
0x83: {  	_ =	shalt  }
0x84: {  	_ =	shalt  }
0x85: {  	_ =	shalt  }
0x86: {  	_ =	shalt  }
0x87: {  	_ =	shalt  }
.Lfunc_end0:
.L_simem_size_0:
called_computation.4_lowered:
.L_overlay_start_0:
0x88: {  	s2 =	sld [smem:$0x3FD9]  }
0x89: {  	s3 =	sld [smem:$0x3FFE];
	_ =	sdelay $0x1  }
0x8a: {  	s1 =	srdreg.scid  }
0x8b: {  	s0 =	sand.u32 $0x1, s1  }
0x8c: {  	s17 =	sshll.u32 s0, $0xA;
	s2 =	sadd.s32 s3, s2  }
0x8d: {  	s2 =	sadd.s32 s2, s17  }
0x8e: {  	[smem:$0x3FBF] =	sst s2  }
0x8f: {  	_ = 	snop  }
0x90: {  	s2 =	sld [smem:$0x3FD0];
	(tm) =	ssettm $0x1  }
0x91: {  	s18 =	sld [smem:$0x3FFB];
	_ =	sdelay $0x3  }
0x92: {  	_ =	strace s18  }
0x93: {  	s3 =	sld [smem:$0x3FFC];
	_ =	sdelay $0x3  }
0x94: {  	_ =	strace s3  }
0x95: {  	s3 =	sld [smem:$0x3FFD];
	_ =	sdelay $0x3  }
0x96: {  	_ =	strace s3  }
0x97: {  	_ =	strace $0x8FFFFFFF  }
0x98: {  	s19 =	sld [smem:$0x3FDB];
	_ =	sdelay $0x1  }
0x99: {  	s4 =	simm.s32 $_scs_section_size  }
0x9a: {  	s5 =	simm.s32 $_size__tile_overlayer_lowered;
	s6 =	simm.s32 $_tile_overlayer_lowered  }
0x9b: {  	s22 =	simm.s32 $0x1BFF;
	s21 =	sshll.u32 s6, $0x1;
	s3 =	sadd.s32 s4, s19  }
0x9c: {  	s7 =	simm.s32 $0x0;
	s20 =	sshll.u32 s5, $0x1;
	s5 =	sadd.s32 s21, s3  }
0x9d: {  	[timem:s7], [sflag:s22] =	dma.local [hbm:s5], s20  }
0x9e: {  	_ =	swait.ge [sflag:s22], s20  }
0x9f: {  	s4 =	ssub.s32 $0x0, s20;
	[sflag:s22] =	ssyncset.done $0x0  }
0xa0: {  	[sflag:s22] =	ssyncadd.s32 s4;
	_ =	sdelay $0x1  }
0xa1: {  	s23 =	simm.s32 $0x1B8B  }
0xa2: {  	_ =	swait.ge [sflag:s23], $0x1  }
0xa3: {  	[sflag:s23] =	ssyncset.done $0x0  }
0xa4: {  	s25 =	simm.s32 $0x1B8E;
	s24 =	sld [smem:$0x3FFE];
	[sflag:s23] =	ssyncadd.s32 $0xFFFFFFFF  }
0xa5: {  	s26 =	simm.s32 $execute0_lowered;
	[smem:$0x3FD2] =	sst s25  }
0xa6: {  	s5 =	sshll.u32 s26, $0x1;
	_ =	strace $0x80000052;
	[dreg:$0x1] =	wrdreg $0xFFFFFFFF  }
0xa7: {  	s28 =	simm.s32 $_size_execute0_lowered;
	s3 =	sadd.s32 s3, s5;
	[dreg:$0x0] =	wrdreg $0x0  }
0xa8: {  	s5 =	sshll.u32 s28, $0x1;
	[dreg:$0x2] =	wrdreg s3  }
0xa9: {  	[dreg:$0x3] =	wrdreg s5  }
0xaa: {  	[dreg:$0x4] =	wrdreg $0xC0  }
0xab: {  	_ =	task [dreg:s7], $0x5FFFF  }
0xac: {  	[dreg:$0x1] =	wrdreg $0xFFFFFFFF  }
0xad: {  	[dreg:$0x0] =	wrdreg $0x60  }
0xae: {  	[dreg:$0x2] =	wrdreg s24  }
0xaf: {  	[dreg:$0x3] =	wrdreg s2  }
0xb0: {  	[dreg:$0x4] =	wrdreg $0x0  }
0xb1: {  	[dreg:$0x5] =	wrdreg $0x27800  }
0xb2: {  	[dreg:$0x6] =	wrdreg $0x9  }
0xb3: {  	_ =	task.clear_ibuf [dreg:s7], $0x7FFFF;
	_ =	strace $0x90000052  }
0xb4: {  	s29 =	simm.s32 $0x9;
	_ =	strace $0x80000054  }
0xb5: {  	_ =	swait.ge [sflag:s29], $0x1  }
0xb6: {  	[sflag:s29] =	ssyncadd.s32 $0xFFFFFFFF  }
0xb7: {  	_ =	strace $0x90000054  }
0xb8: {  	_ =	sfence  }
0xb9: {  	s30 =	sld [smem:$0x0];
	_ =	sdelay $0x2  }
0xba: {  	s31 =	sshll.u32 s1, $0xD;
	s1 =	sshrl.u32 s1, $0x2  }
0xbb: {  	s3 =	sand.u32 $0x4000, s31;
	s1 =	sadd.s32 s1, s30  }
0xbc: {  	s0 =	sor.u32 s3, s0;
	s1 =	sshll.u32 s1, $0x11  }
0xbd: {  	s0 =	sor.u32 s1, s0  }
0xbe: {  	s0 =	sadd.s32 $0x8F2B, s0  }
0xbf: {  	[sflag:s0] =	ssyncadd.remote.s32 $0x1  }
0xc0: {  	_ =	sfence.sel $0xFFFF  }
0xc1: {  	[dreg:$0x0] =	wrdreg $0xFFFFFFFF;
	(pc) =	sbr.abs _section_cstart, $3  }
0xc2: {  	[dreg:$0x1] =	wrdreg $0xFFFFFFFF  }
0xc3: {  	_ =	task.clear_ibuf [dreg:s7], $0x2FFFF;
	_ =	strace $0x9FFFFFFF  }
0xc4: {  	(tm) =	ssettm $0x7FFFFFFF  }
0xc5: {  	_ =	shalt  }
tec
execute0_lowered:
.L_overlay_start_1:
0x0: {  	(tag) =	ssettag $0x1  }
0x1: {  	s5 =	rddreg [dreg:$0x0]  }
0x2: {  	s10 =	rddreg [dreg:$0x1]  }
0x3: {  	s2 =	rddreg [dreg:$0x2]  }
0x4: {  	s0 =	srdreg.scid;
	s3 =	rddreg [dreg:$0x3];
	s4 =	simm.s32 $0x0  }
0x5: {  	s15 =	simm.s32 $0x4F00;
	s16 =	simm.s32 $0x6300;
	s17 =	simm.s32 $0x80  }
0x6: {  	s18 =	simm.s32 $0x7700;
	s19 =	simm.s32 $0x7F00;
	s20 =	simm.s32 $0x1  }
0x7: {  	s21 =	simm.s32 $0x2;
	s22 =	simm.s32 $0x6280;
	s23 =	simm.s32 $0x7600  }
0x8: {  	s24 =	simm.s32 $0x7680;
	s6 =	sand.u32 $0x1, s0;
	s0 =	stileid.u32  }
0x9: {  	s25 =	simm.s32 $0x0;
	[smem:$0x7FF] =	sst s4;
	s8 =	smul.u32 $0x2780, s0  }
0xa: {  	s1 =	sshll.u32 s6, $0x4;
	s11 =	ssub.s32 $0x2, s6;
	s12 =	smul.u32 $0x27800, s6  }
0xb: {  	s31 =	sshll.u32 s0, $0x6;
	s7 =	sor.u32 s0, s1;
	s1 =	rddreg [dreg:$0x4]  }
0xc: {  	_ =	strace $0x80000053;
	s30 =	sshrl.u32 s11, $0x1;
	s6 =	sor.u32 $0x1C03, s31  }
0xd: {  	s7 =	smul.u32 $0x280, s7;
	s29 =	sshrl.u32 s8, $0x3;
	s11 =	ssub.s32 s11, s30  }
0xe: {  	s13 =	sadd.s32 s8, s2;
	s12 =	sadd.s32 s8, s12;
	s14 =	sadd.s32 s8, s3  }
0xf: {  	s12 =	sshrl.u32 s12, $0x3;
	s11 =	smax.u32 s11, $0x1;
	s14 =	sshrl.u32 s14, $0x3  }
0x10: {  	s9 =	sadd.s32 s7, s5;
	s7 =	sadd.s32 s29, s5;
	s10 =	sadd.s32 s10, s12  }
0x11: {  	s12 =	sshrl.u32 s13, $0x3;
	s13 =	simm.s32 $0x3;
	s5 =	sadd.s32 $0xF800, s7  }
0x12: {  	s7 =	sadd.s32 $0x19800, s7;
	s8 =	sadd.s32 $0xA800, s9;
	s9 =	sadd.s32 $0x5800, s9  }
.LBB2_1:
0x13: {  	[spmem:s12], [sflag:s6] =	dma.local [hbm:s5], $0x4F0  }
0x14: {  	_ =	swait.ge [sflag:s13], $0x4F0  }
0x15: {  	[sflag:s13] =	ssyncset.done $0x0  }
0x16: {  	[sflag:s13] =	ssyncadd.s32 $0xFFFFFB10  }
0x17: {  	[spmem:s14], [sflag:s6] =	dma.local [hbm:s7], $0x4F0  }
0x18: {  	_ =	swait.ge [sflag:s13], $0x4F0  }
0x19: {  	[sflag:s13] =	ssyncset.done $0x0  }
0x1a: {  	[sflag:s13] =	ssyncadd.s32 $0xFFFFFB10  }
0x1b: {  	[tilespmem:s15], [sflag:$0x3] =	stream.linear.gather [hbm4b:s8+s4], $0x1400, $0x38;
	[tilespmem:$0x8700] =	vst v63  }
0x1c: {  	_ =	swait.ge [sflag:s13], $0x1400  }
0x1d: {  	[sflag:s13] =	ssyncset.done $0x0  }
0x1e: {  	[sflag:s13] =	ssyncadd.s32 $0xFFFFEC00  }
0x1f: {  	[tilespmem:s16], [sflag:$0x3] =	stream.linear.gather [hbm4b:s9+s4], $0x1400, $0x38;
	[tilespmem:$0x8700] =	vst v63  }
0x20: {  	_ =	swait.ge [sflag:s13], $0x1400  }
0x21: {  	[sflag:s13] =	ssyncset.done $0x0  }
0x22: {  	[sflag:s13] =	ssyncadd.s32 $0xFFFFEC00  }
0x23: {  	[bflag:$0x0] =	sbarrier.arrive $0xFFFF  }
0x24: {  	[tilespmem:s18], [sflag:$0x1] =	stream.indirect.gather [spmem:s2], $0x10, s15, s17, $0xb8;
	[tilespmem:$0x8700] =	vst v63  }
0x25: {  	s26 =	simm.s32 $0x4F80  }
0x26: {  	[tilespmem:s19], [sflag:$0x2] =	stream.indirect.gather [spmem:s2], $0x10, s26, s17, $0xb8;
	[tilespmem:$0x8700] =	vst v63  }
0x27: {  	_ =	swait.ge [sflag:s20], $0x800  }
0x28: {  	[sflag:s20] =	ssyncset.done $0x0  }
0x29: {  	s29 =	simm.s32 $0x6300;
	[sflag:s20] =	ssyncadd.s32 $0xFFFFF800  }
0x2a: {  	[spmem:s3] =	stream.indirect.scatter.add.f32 [tilespmem:s18], [sflag:$0x3], $0x10, s29, s17, $0xb8;
	[tilespmem:$0x8700] =	vst v63  }
0x2b: {  	_ =	swait.ge [sflag:s13], $0x800  }
0x2c: {  	[sflag:s13] =	ssyncset.done $0x0  }
0x2d: {  	s30 =	simm.s32 $0x5000;
	[sflag:s13] =	ssyncadd.s32 $0xFFFFF800  }
0x2e: {  	[tilespmem:s18], [sflag:$0x1] =	stream.indirect.gather [spmem:s2], $0x10, s30, s17, $0xb8;
	[tilespmem:$0x8700] =	vst v63  }
0x2f: {  	_ =	swait.ge [sflag:s21], $0x800  }
0x30: {  	[sflag:s21] =	ssyncset.done $0x0  }
0x31: {  	s31 =	simm.s32 $0x6380;
	[sflag:s21] =	ssyncadd.s32 $0xFFFFF800  }
0x32: {  	[spmem:s3] =	stream.indirect.scatter.add.f32 [tilespmem:s19], [sflag:$0x3], $0x10, s31, s17, $0xb8;
	[tilespmem:$0x8700] =	vst v63  }
0x33: {  	_ =	swait.ge [sflag:s13], $0x800  }
0x34: {  	s28 =	simm.s32 $0x800;
	s26 =	simm.s32 $0x100;
	[sflag:s13] =	ssyncset.done $0x0  }
.LBB2_2:
0x35: {  	s29 =	sadd.s32 $0x4F80, s26  }
0x36: {  	[sflag:s13] =	ssyncadd.s32 $0xFFFFF800;
	s30 =	smov.u32 s28;
	s31 =	sadd.s32 $0x400, s28  }
0x37: {  	[tilespmem:s19], [sflag:$0x2] =	stream.indirect.gather [spmem:s2], $0x10, s29, s17, $0xb8;
	[tilespmem:$0x8700] =	vst v63  }
0x38: {  	p0 =	sne.s32 s28, $0x4800;
	_ =	swait.ge [sflag:s20], $0x800  }
0x39: {  	[sflag:s20] =	ssyncset.done $0x0  }
0x3a: {  	s28 =	sadd.s32 $0x6300, s26;
	[sflag:s20] =	ssyncadd.s32 $0xFFFFF800  }
0x3b: {  	[spmem:s3] =	stream.indirect.scatter.add.f32 [tilespmem:s18], [sflag:$0x3], $0x10, s28, s17, $0xb8;
	[tilespmem:$0x8700] =	vst v63  }
0x3c: {  	_ =	swait.ge [sflag:s13], $0x800  }
0x3d: {  	[sflag:s13] =	ssyncset.done $0x0  }
0x3e: {  	s28 =	sadd.s32 $0x5000, s26;
	[sflag:s13] =	ssyncadd.s32 $0xFFFFF800  }
0x3f: {  	[tilespmem:s18], [sflag:$0x1] =	stream.indirect.gather [spmem:s2], $0x10, s28, s17, $0xb8;
	[tilespmem:$0x8700] =	vst v63  }
0x40: {  	_ =	swait.ge [sflag:s21], $0x800  }
.Ltmp0:
0x41: {  	[sflag:s21] =	ssyncset.done $0x0;
	(pc) =	sbr.rel @p0 .LBB2_2-.Ltmp0, $4  }
0x42: {  	s26 =	sadd.s32 $0x6380, s26;
	[sflag:s21] =	ssyncadd.s32 $0xFFFFF800  }
0x43: {  	[spmem:s3] =	stream.indirect.scatter.add.f32 [tilespmem:s19], [sflag:$0x3], $0x10, s26, s17, $0xb8;
	[tilespmem:$0x8700] =	vst v63  }
0x44: {  	_ =	swait.ge [sflag:s13], $0x800  }
0x45: {  	s28 =	smov.u32 s31;
	s26 =	sshra.s32 s30, $0x2;
	[sflag:s13] =	ssyncset.done $0x0  }
0x46: {  	s28 =	sadd.s32 $0x4F80, s26;
	[sflag:s13] =	ssyncadd.s32 $0xFFFFF800  }
0x47: {  	[tilespmem:s19], [sflag:$0x2] =	stream.indirect.gather [spmem:s2], $0x10, s28, s17, $0xb8;
	[tilespmem:$0x8700] =	vst v63  }
0x48: {  	_ =	swait.ge [sflag:s20], $0x800  }
0x49: {  	[sflag:s20] =	ssyncset.done $0x0  }
0x4a: {  	s29 =	sadd.s32 $0x6300, s26;
	[sflag:s20] =	ssyncadd.s32 $0xFFFFF800  }
0x4b: {  	[spmem:s3] =	stream.indirect.scatter.add.f32 [tilespmem:s18], [sflag:$0x3], $0x10, s29, s17, $0xb8;
	[tilespmem:$0x8700] =	vst v63  }
0x4c: {  	_ =	swait.ge [sflag:s13], $0x800  }
0x4d: {  	[sflag:s13] =	ssyncset.done $0x0  }
0x4e: {  	s30 =	sadd.s32 $0x5000, s26;
	[sflag:s13] =	ssyncadd.s32 $0xFFFFF800  }
0x4f: {  	[tilespmem:s18], [sflag:$0x1] =	stream.indirect.gather [spmem:s2], $0x10, s30, s17, $0xb8;
	[tilespmem:$0x8700] =	vst v63  }
0x50: {  	_ =	swait.ge [sflag:s21], $0x800  }
0x51: {  	[sflag:s21] =	ssyncset.done $0x0  }
0x52: {  	s31 =	sadd.s32 $0x6380, s26;
	[sflag:s21] =	ssyncadd.s32 $0xFFFFF800  }
0x53: {  	[spmem:s3] =	stream.indirect.scatter.add.f32 [tilespmem:s19], [sflag:$0x3], $0x10, s31, s17, $0xb8;
	[tilespmem:$0x8700] =	vst v63  }
0x54: {  	_ =	swait.ge [sflag:s13], $0x800  }
0x55: {  	[sflag:s13] =	ssyncset.done $0x0  }
0x56: {  	[sflag:s13] =	ssyncadd.s32 $0xFFFFF800  }
0x57: {  	[tilespmem:s19], [sflag:$0x2] =	stream.indirect.gather [spmem:s2], $0x10, s22, s17, $0xb8;
	[tilespmem:$0x8700] =	vst v63  }
0x58: {  	_ =	swait.ge [sflag:s20], $0x800  }
0x59: {  	[sflag:s20] =	ssyncset.done $0x0  }
0x5a: {  	[sflag:s20] =	ssyncadd.s32 $0xFFFFF800  }
0x5b: {  	[spmem:s3] =	stream.indirect.scatter.add.f32 [tilespmem:s18], [sflag:$0x3], $0x10, s23, s17, $0xb8;
	[tilespmem:$0x8700] =	vst v63  }
0x5c: {  	_ =	swait.ge [sflag:s13], $0x800  }
0x5d: {  	[sflag:s13] =	ssyncset.done $0x0  }
0x5e: {  	[sflag:s13] =	ssyncadd.s32 $0xFFFFF800  }
0x5f: {  	_ =	swait.ge [sflag:s21], $0x800  }
0x60: {  	[sflag:s21] =	ssyncset.done $0x0  }
0x61: {  	[sflag:s21] =	ssyncadd.s32 $0xFFFFF800  }
0x62: {  	[spmem:s3] =	stream.indirect.scatter.add.f32 [tilespmem:s19], [sflag:$0x3], $0x10, s24, s17, $0xb8;
	[tilespmem:$0x8700] =	vst v63  }
0x63: {  	_ =	swait.ge [sflag:s13], $0x800  }
0x64: {  	s25 =	sadd.s32 $0x1, s25;
	[sflag:s13] =	ssyncset.done $0x0  }
0x65: {  	p0 =	sne.s32 s25, s11;
	[sflag:s13] =	ssyncadd.s32 $0xFFFFF800  }
.Ltmp1:
0x66: {  	[bflag:$0x0] =	sbarrier.arrive $0xFFFF;
	(pc) =	sbr.rel @p0 .LBB2_1-.Ltmp1, $4  }
0x67: {  	[hbm:s10], [sflag:s6] =	dma.local [spmem:s14], $0x4F0  }
0x68: {  	_ =	swait.ge [sflag:s13], $0x4F0  }
0x69: {  	[sflag:s13] =	ssyncset.done $0x0  }
0x6a: {  	[sflag:s13] =	ssyncadd.s32 $0xFFFFFB10  }
0x6b: {  	_ =	sfence.sel $0x180000  }
0x6c: {  	[bflag:$0x0] =	sbarrier.arrive $0xFFFF  }
0x6d: {  	p0 =	sne.s32 s0, $0x0;
	_ =	strace $0x90000053  }
0x6e: {  	s0 =	sadd.s32 @!p0 $0x100000, s1;
	[bflag:$0x2] =	sbarrier.arrive $0xFFFF  }
0x6f: {  	[sflag:s0] =	ssyncadd.tile.s32 @!p0 $0x1;
	_ =	shalt  }
.Lfunc_end2:
_tile_overlayer_lowered:
.L_overlay_start_2:
0x70: {  	(tag) =	ssettag $0x2  }
0x71: {  	s0 =	rddreg [dreg:$0x0];
	s2 =	stileid.u32  }
0x72: {  	s1 =	rddreg [dreg:$0x1];
	p0 =	sne.s32 s2, $0x0  }
0x73: {  	s3 =	rddreg [dreg:$0x2];
	[bflag:$0x3] =	sbarrier.arrive $0xFFFF;
	s2 =	simm.s32 @!p0 $0x1C03  }
0x74: {  	[timem:s3], [sflag:s2] =	dma.local @!p0 [hbm:s0], s1  }
0x75: {  	s0 =	simm.s32 @!p0 $0x3  }
0x76: {  	_ =	swait.ge @!p0 [sflag:s0], s1  }
0x77: {  	s1 =	ssub.s32 @!p0 $0x0, s1;
	[sflag:s0] =	ssyncset.done @!p0 $0x0  }
0x78: {  	[sflag:s0] =	ssyncadd.s32 @!p0 s1  }
0x79: {  	[bflag:$0x3] =	sbarrier.arrive $0xFFFF  }
0x7a: {  	_ =	shalt  }

// kernel: kernel.30.cloned.1.call-start
scs
__scs_entry_jumppad:
0x0: {  	(pc) =	sbr.rel $0x88, $3  }
0x1: {  	(tag) =	ssettag $0x0;
	lr =	simm.s32 $0x1  }
0x2: {  	[smem:$0x3F98] =	sst lr;
	_ =	strace $0xD0000000  }
0x3: {  	_ = 	snop  }
0x4: {  	_ = 	snop  }
0x5: {  	_ = 	snop  }
0x6: {  	_ = 	snop  }
0x7: {  	_ = 	snop  }
__scs_overlays_trampoline_lowered:
0x8: {  	[smem:$0x3FA7] =	sst s0  }
0x9: {  	[smem:$0x3FA8] =	sst s1  }
0xa: {  	[smem:$0x3FA9] =	sst s2  }
0xb: {  	[smem:$0x3FAA] =	sst s3  }
0xc: {  	[smem:$0x3FAB] =	sst s4  }
0xd: {  	[smem:$0x3FAC] =	sst s5  }
0xe: {  	[smem:$0x3FAD] =	sst s6  }
0xf: {  	[smem:$0x3FAE] =	sst s7  }
0x10: {  	[smem:$0x3FAF] =	sst s8  }
0x11: {  	[smem:$0x3FB0] =	sst s9;
	s0 =	simm.s32 @!p0 $0x0  }
0x12: {  	s1 =	sld [smem:$0x3F96];
	s0 =	simm.s32 @p0 $0x1  }
0x13: {  	[smem:$0x3FB1] =	sst s0;
	s0 =	simm.s32 @!p1 $0x0  }
0x14: {  	s2 =	sld [smem:$0x3F95];
	s0 =	simm.s32 @p1 $0x1  }
0x15: {  	[smem:$0x3FB2] =	sst s0;
	s0 =	simm.s32 @!p2 $0x0  }
0x16: {  	s3 =	sld [smem:$0x3FDB];
	s0 =	simm.s32 @p2 $0x1  }
0x17: {  	s4 =	simm.s32 $0x1BF5;
	[smem:$0x3FB4] =	sst s0  }
0x18: {  	s0 =	sld [smem:$0x3F97];
	_ =	swait.ge [sflag:s4], $0x0  }
0x19: {  	s7 =	sld [smem:$0x3F98]  }
0x1a: {  	s8 =	sadd.s32 $0xFFFFE003, lr  }
0x1b: {  	s9 =	sadd.s32 $0xFFFFFEF7, lr;
	s5 =	simm.s32 $0xFFFFFFFF;
	p2 =	slt.u32 s8, $0xFFFFF086  }
0x1c: {  	p1 =	slt.u32 s9, $0xF7A;
	s5 =	simm.s32 @!p2 $0x0  }
0x1d: {  	s5 =	simm.s32 @p1 $0x1;
	p0 =	seq.s32 s7, s2  }
0x1e: {  	s7 =	smul.u32 @!p0 $0xF7A, s2;
	p2 =	seq.s32 @!p0 s5, $0x0  }
0x1f: {  	s9 =	smul.u32 $0xF7A, s1;
	s8 =	simm.s32 @!p0 $0x1BF5;
	p2 =	por !p2, p0  }
0x20: {  	[sflag:s8] =	ssyncset.s32 @!p0 $0xFFFFF086;
	s6 =	sadd.s32 @!p0 s3, s7;
	s7 =	simm.s32 @!p0 $0x108  }
0x21: {  	s3 =	sadd.s32 s3, s9;
	s6 =	sadd.s32 @!p0 $0x88, s6;
	s7 =	simm.s32 @p2 $0x1082  }
0x22: {  	[simem:s7], [sflag:s8] =	dma.local @!p0 [hbm:s6], $0xF7A  }
0x23: {  	s9 =	sor.u32 $0xD0000000, s2;
	s6 =	simm.s32 $0x108;
	_ =	swait.ge @!p0 [sflag:s8], $0x0  }
0x24: {  	s3 =	sadd.s32 $0x88, s3;
	s6 =	simm.s32 @!p1 $0x1082;
	[sflag:s4] =	ssyncset.s32 $0xFFFFF086  }
0x25: {  	[simem:s6], [sflag:s4] =	dma.local [hbm:s3], $0xF7A  }
0x26: {  	[smem:$0x3F98] =	sst s1;
	(tag) =	ssettag s2;
	_ =	strace s9  }
0x27: {  	s1 =	sld [smem:$0x3FA8]  }
0x28: {  	s2 =	sld [smem:$0x3FA9]  }
0x29: {  	s4 =	sld [smem:$0x3FAB]  }
0x2a: {  	p0 =	seq.s32 s5, $0x0;
	s5 =	sld [smem:$0x3FAC]  }
0x2b: {  	s6 =	sld [smem:$0x3FAD]  }
0x2c: {  	s7 =	sld [smem:$0x3FAE]  }
0x2d: {  	s3 =	simm.s32 $0x108;
	s8 =	sld [smem:$0x3FAF]  }
0x2e: {  	s3 =	simm.s32 @!p0 $0x1082;
	s9 =	sld [smem:$0x3FB0]  }
0x2f: {  	lr =	sadd.s32 s0, s3;
	s0 =	sld [smem:$0x3FA7]  }
0x30: {  	s3 =	sld [smem:$0x3FAA]  }
0x31: {  	[smem:$0x3FB3] =	sst s10  }
0x32: {  	s10 =	sld [smem:$0x3FB1];
	_ =	sdelay $0x3  }
0x33: {  	p0 =	seq.s32 s10, $0x1;
	s10 =	sld [smem:$0x3FB3];
	_ =	sdelay $0x3  }
0x34: {  	[smem:$0x3FB3] =	sst s10  }
0x35: {  	s10 =	sld [smem:$0x3FB2];
	_ =	sdelay $0x3  }
0x36: {  	p1 =	seq.s32 s10, $0x1;
	s10 =	sld [smem:$0x3FB3];
	_ =	sdelay $0x3  }
0x37: {  	[smem:$0x3FB3] =	sst s10  }
0x38: {  	s10 =	sld [smem:$0x3FB4]  }
0x39: {  	_ = 	snop;
	(pc) =	sbr.ind lr, $3  }
0x3a: {  	_ = 	snop  }
0x3b: {  	_ = 	snop  }
0x3c: {  	p2 =	seq.s32 s10, $0x1;
	s10 =	sld [smem:$0x3FB3]  }
0x3d: {  	_ =	shalt  }
0x3e: {  	_ =	shalt  }
0x3f: {  	_ =	shalt  }
0x40: {  	_ =	shalt  }
0x41: {  	_ =	shalt  }
0x42: {  	_ =	shalt  }
0x43: {  	_ =	shalt  }
0x44: {  	_ =	shalt  }
0x45: {  	_ =	shalt  }
0x46: {  	_ =	shalt  }
0x47: {  	_ =	shalt  }
0x48: {  	_ =	shalt  }
0x49: {  	_ =	shalt  }
0x4a: {  	_ =	shalt  }
0x4b: {  	_ =	shalt  }
0x4c: {  	_ =	shalt  }
0x4d: {  	_ =	shalt  }
0x4e: {  	_ =	shalt  }
0x4f: {  	_ =	shalt  }
0x50: {  	_ =	shalt  }
0x51: {  	_ =	shalt  }
0x52: {  	_ =	shalt  }
0x53: {  	_ =	shalt  }
0x54: {  	_ =	shalt  }
0x55: {  	_ =	shalt  }
0x56: {  	_ =	shalt  }
0x57: {  	_ =	shalt  }
0x58: {  	_ =	shalt  }
0x59: {  	_ =	shalt  }
0x5a: {  	_ =	shalt  }
0x5b: {  	_ =	shalt  }
0x5c: {  	_ =	shalt  }
0x5d: {  	_ =	shalt  }
0x5e: {  	_ =	shalt  }
0x5f: {  	_ =	shalt  }
0x60: {  	_ =	shalt  }
0x61: {  	_ =	shalt  }
0x62: {  	_ =	shalt  }
0x63: {  	_ =	shalt  }
0x64: {  	_ =	shalt  }
0x65: {  	_ =	shalt  }
0x66: {  	_ =	shalt  }
0x67: {  	_ =	shalt  }
0x68: {  	_ =	shalt  }
0x69: {  	_ =	shalt  }
0x6a: {  	_ =	shalt  }
0x6b: {  	_ =	shalt  }
0x6c: {  	_ =	shalt  }
0x6d: {  	_ =	shalt  }
0x6e: {  	_ =	shalt  }
0x6f: {  	_ =	shalt  }
0x70: {  	_ =	shalt  }
0x71: {  	_ =	shalt  }
0x72: {  	_ =	shalt  }
0x73: {  	_ =	shalt  }
0x74: {  	_ =	shalt  }
0x75: {  	_ =	shalt  }
0x76: {  	_ =	shalt  }
0x77: {  	_ =	shalt  }
0x78: {  	_ =	shalt  }
0x79: {  	_ =	shalt  }
0x7a: {  	_ =	shalt  }
0x7b: {  	_ =	shalt  }
0x7c: {  	_ =	shalt  }
0x7d: {  	_ =	shalt  }
0x7e: {  	_ =	shalt  }
0x7f: {  	_ =	shalt  }
0x80: {  	_ =	shalt  }
0x81: {  	_ =	shalt  }
0x82: {  	_ =	shalt  }
0x83: {  	_ =	shalt  }
0x84: {  	_ =	shalt  }
0x85: {  	_ =	shalt  }
0x86: {  	_ =	shalt  }
0x87: {  	_ =	shalt  }
.Lfunc_end0:
.L_simem_size_0:
called_computation.5_lowered:
.L_overlay_start_0:
0x88: {  	s2 =	sld [smem:$0x3FD9]  }
0x89: {  	s3 =	sld [smem:$0x3FFE];
	_ =	sdelay $0x1  }
0x8a: {  	s1 =	srdreg.scid  }
0x8b: {  	s0 =	sand.u32 $0x1, s1  }
0x8c: {  	s17 =	sshll.u32 s0, $0xA;
	s2 =	sadd.s32 s3, s2  }
0x8d: {  	s2 =	sadd.s32 s2, s17  }
0x8e: {  	[smem:$0x3FBF] =	sst s2  }
0x8f: {  	_ = 	snop  }
0x90: {  	s2 =	sld [smem:$0x3FD0];
	(tm) =	ssettm $0x1  }
0x91: {  	s18 =	sld [smem:$0x3FFB];
	_ =	sdelay $0x3  }
0x92: {  	_ =	strace s18  }
0x93: {  	s3 =	sld [smem:$0x3FFC];
	_ =	sdelay $0x3  }
0x94: {  	_ =	strace s3  }
0x95: {  	s3 =	sld [smem:$0x3FFD];
	_ =	sdelay $0x3  }
0x96: {  	_ =	strace s3  }
0x97: {  	_ =	strace $0x8FFFFFFF  }
0x98: {  	s19 =	sld [smem:$0x3FDB];
	_ =	sdelay $0x1  }
0x99: {  	s4 =	simm.s32 $_scs_section_size  }
0x9a: {  	s5 =	simm.s32 $_size__tile_overlayer_lowered;
	s6 =	simm.s32 $_tile_overlayer_lowered  }
0x9b: {  	s22 =	simm.s32 $0x1BFF;
	s21 =	sshll.u32 s6, $0x1;
	s3 =	sadd.s32 s4, s19  }
0x9c: {  	s7 =	simm.s32 $0x0;
	s20 =	sshll.u32 s5, $0x1;
	s5 =	sadd.s32 s21, s3  }
0x9d: {  	[timem:s7], [sflag:s22] =	dma.local [hbm:s5], s20  }
0x9e: {  	_ =	swait.ge [sflag:s22], s20  }
0x9f: {  	s4 =	ssub.s32 $0x0, s20;
	[sflag:s22] =	ssyncset.done $0x0  }
0xa0: {  	[sflag:s22] =	ssyncadd.s32 s4;
	_ =	sdelay $0x1  }
0xa1: {  	s23 =	simm.s32 $0x1B8B  }
0xa2: {  	_ =	swait.ge [sflag:s23], $0x1  }
0xa3: {  	[sflag:s23] =	ssyncset.done $0x0  }
0xa4: {  	s25 =	simm.s32 $0x1B8E;
	s24 =	sld [smem:$0x3FFE];
	[sflag:s23] =	ssyncadd.s32 $0xFFFFFFFF  }
0xa5: {  	s26 =	simm.s32 $execute0_lowered;
	[smem:$0x3FD2] =	sst s25  }
0xa6: {  	s5 =	sshll.u32 s26, $0x1;
	_ =	strace $0x80000055;
	[dreg:$0x1] =	wrdreg $0xFFFFFFFF  }
0xa7: {  	s28 =	simm.s32 $_size_execute0_lowered;
	s3 =	sadd.s32 s3, s5;
	[dreg:$0x0] =	wrdreg $0x0  }
0xa8: {  	s5 =	sshll.u32 s28, $0x1;
	[dreg:$0x2] =	wrdreg s3  }
0xa9: {  	[dreg:$0x3] =	wrdreg s5  }
0xaa: {  	[dreg:$0x4] =	wrdreg $0xC0  }
0xab: {  	_ =	task [dreg:s7], $0x5FFFF  }
0xac: {  	[dreg:$0x1] =	wrdreg $0xFFFFFFFF  }
0xad: {  	[dreg:$0x0] =	wrdreg $0x60  }
0xae: {  	[dreg:$0x2] =	wrdreg s24  }
0xaf: {  	[dreg:$0x3] =	wrdreg s2  }
0xb0: {  	[dreg:$0x4] =	wrdreg $0x0  }
0xb1: {  	[dreg:$0x5] =	wrdreg $0x27800  }
0xb2: {  	[dreg:$0x6] =	wrdreg $0x9  }
0xb3: {  	_ =	task.clear_ibuf [dreg:s7], $0x7FFFF;
	_ =	strace $0x90000055  }
0xb4: {  	s29 =	simm.s32 $0x9;
	_ =	strace $0x80000057  }
0xb5: {  	_ =	swait.ge [sflag:s29], $0x1  }
0xb6: {  	[sflag:s29] =	ssyncadd.s32 $0xFFFFFFFF  }
0xb7: {  	_ =	strace $0x90000057  }
0xb8: {  	_ =	sfence  }
0xb9: {  	s30 =	sld [smem:$0x0];
	_ =	sdelay $0x2  }
0xba: {  	s31 =	sshll.u32 s1, $0xD;
	s1 =	sshrl.u32 s1, $0x2  }
0xbb: {  	s3 =	sand.u32 $0x4000, s31;
	s1 =	sadd.s32 s1, s30  }
0xbc: {  	s0 =	sor.u32 s3, s0;
	s1 =	sshll.u32 s1, $0x11  }
0xbd: {  	s0 =	sor.u32 s1, s0  }
0xbe: {  	s0 =	sadd.s32 $0x8F2B, s0  }
0xbf: {  	[sflag:s0] =	ssyncadd.remote.s32 $0x1  }
0xc0: {  	_ =	sfence.sel $0xFFFF  }
0xc1: {  	[dreg:$0x0] =	wrdreg $0xFFFFFFFF;
	(pc) =	sbr.abs _section_cstart, $3  }
0xc2: {  	[dreg:$0x1] =	wrdreg $0xFFFFFFFF  }
0xc3: {  	_ =	task.clear_ibuf [dreg:s7], $0x2FFFF;
	_ =	strace $0x9FFFFFFF  }
0xc4: {  	(tm) =	ssettm $0x7FFFFFFF  }
0xc5: {  	_ =	shalt  }
tec
execute0_lowered:
.L_overlay_start_1:
0x0: {  	(tag) =	ssettag $0x1  }
0x1: {  	s5 =	rddreg [dreg:$0x0]  }
0x2: {  	s10 =	rddreg [dreg:$0x1]  }
0x3: {  	s2 =	rddreg [dreg:$0x2]  }
0x4: {  	s0 =	srdreg.scid;
	s3 =	rddreg [dreg:$0x3];
	s4 =	simm.s32 $0x0  }
0x5: {  	s15 =	simm.s32 $0x4F00;
	s16 =	simm.s32 $0x6300;
	s17 =	simm.s32 $0x80  }
0x6: {  	s18 =	simm.s32 $0x7700;
	s19 =	simm.s32 $0x7F00;
	s20 =	simm.s32 $0x1  }
0x7: {  	s21 =	simm.s32 $0x2;
	s22 =	simm.s32 $0x6280;
	s23 =	simm.s32 $0x7600  }
0x8: {  	s24 =	simm.s32 $0x7680;
	s6 =	sand.u32 $0x1, s0;
	s0 =	stileid.u32  }
0x9: {  	s25 =	simm.s32 $0x0;
	[smem:$0x7FF] =	sst s4;
	s8 =	smul.u32 $0x2780, s0  }
0xa: {  	s1 =	sshll.u32 s6, $0x4;
	s11 =	ssub.s32 $0x2, s6;
	s12 =	smul.u32 $0x27800, s6  }
0xb: {  	s31 =	sshll.u32 s0, $0x6;
	s7 =	sor.u32 s0, s1;
	s1 =	rddreg [dreg:$0x4]  }
0xc: {  	_ =	strace $0x80000056;
	s30 =	sshrl.u32 s11, $0x1;
	s6 =	sor.u32 $0x1C03, s31  }
0xd: {  	s7 =	smul.u32 $0x280, s7;
	s29 =	sshrl.u32 s8, $0x3;
	s11 =	ssub.s32 s11, s30  }
0xe: {  	s13 =	sadd.s32 s8, s2;
	s12 =	sadd.s32 s8, s12;
	s14 =	sadd.s32 s8, s3  }
0xf: {  	s12 =	sshrl.u32 s12, $0x3;
	s11 =	smax.u32 s11, $0x1;
	s14 =	sshrl.u32 s14, $0x3  }
0x10: {  	s9 =	sadd.s32 s7, s5;
	s7 =	sadd.s32 s29, s5;
	s10 =	sadd.s32 s10, s12  }
0x11: {  	s12 =	sshrl.u32 s13, $0x3;
	s13 =	simm.s32 $0x3;
	s5 =	sadd.s32 $0xF800, s7  }
0x12: {  	s7 =	sadd.s32 $0x19800, s7;
	s8 =	sadd.s32 $0xA800, s9;
	s9 =	sadd.s32 $0x5800, s9  }
.LBB2_1:
0x13: {  	[spmem:s12], [sflag:s6] =	dma.local [hbm:s5], $0x4F0  }
0x14: {  	_ =	swait.ge [sflag:s13], $0x4F0  }
0x15: {  	[sflag:s13] =	ssyncset.done $0x0  }
0x16: {  	[sflag:s13] =	ssyncadd.s32 $0xFFFFFB10  }
0x17: {  	[spmem:s14], [sflag:s6] =	dma.local [hbm:s7], $0x4F0  }
0x18: {  	_ =	swait.ge [sflag:s13], $0x4F0  }
0x19: {  	[sflag:s13] =	ssyncset.done $0x0  }
0x1a: {  	[sflag:s13] =	ssyncadd.s32 $0xFFFFFB10  }
0x1b: {  	[tilespmem:s15], [sflag:$0x3] =	stream.linear.gather [hbm4b:s8+s4], $0x1400, $0x38;
	[tilespmem:$0x8700] =	vst v63  }
0x1c: {  	_ =	swait.ge [sflag:s13], $0x1400  }
0x1d: {  	[sflag:s13] =	ssyncset.done $0x0  }
0x1e: {  	[sflag:s13] =	ssyncadd.s32 $0xFFFFEC00  }
0x1f: {  	[tilespmem:s16], [sflag:$0x3] =	stream.linear.gather [hbm4b:s9+s4], $0x1400, $0x38;
	[tilespmem:$0x8700] =	vst v63  }
0x20: {  	_ =	swait.ge [sflag:s13], $0x1400  }
0x21: {  	[sflag:s13] =	ssyncset.done $0x0  }
0x22: {  	[sflag:s13] =	ssyncadd.s32 $0xFFFFEC00  }
0x23: {  	[bflag:$0x0] =	sbarrier.arrive $0xFFFF  }
0x24: {  	[tilespmem:s18], [sflag:$0x1] =	stream.indirect.gather [spmem:s2], $0x10, s15, s17, $0xb8;
	[tilespmem:$0x8700] =	vst v63  }
0x25: {  	s26 =	simm.s32 $0x4F80  }
0x26: {  	[tilespmem:s19], [sflag:$0x2] =	stream.indirect.gather [spmem:s2], $0x10, s26, s17, $0xb8;
	[tilespmem:$0x8700] =	vst v63  }
0x27: {  	_ =	swait.ge [sflag:s20], $0x800  }
0x28: {  	[sflag:s20] =	ssyncset.done $0x0  }
0x29: {  	s29 =	simm.s32 $0x6300;
	[sflag:s20] =	ssyncadd.s32 $0xFFFFF800  }
0x2a: {  	[spmem:s3] =	stream.indirect.scatter.add.f32 [tilespmem:s18], [sflag:$0x3], $0x10, s29, s17, $0xb8;
	[tilespmem:$0x8700] =	vst v63  }
0x2b: {  	_ =	swait.ge [sflag:s13], $0x800  }
0x2c: {  	[sflag:s13] =	ssyncset.done $0x0  }
0x2d: {  	s30 =	simm.s32 $0x5000;
	[sflag:s13] =	ssyncadd.s32 $0xFFFFF800  }
0x2e: {  	[tilespmem:s18], [sflag:$0x1] =	stream.indirect.gather [spmem:s2], $0x10, s30, s17, $0xb8;
	[tilespmem:$0x8700] =	vst v63  }
0x2f: {  	_ =	swait.ge [sflag:s21], $0x800  }
0x30: {  	[sflag:s21] =	ssyncset.done $0x0  }
0x31: {  	s31 =	simm.s32 $0x6380;
	[sflag:s21] =	ssyncadd.s32 $0xFFFFF800  }
0x32: {  	[spmem:s3] =	stream.indirect.scatter.add.f32 [tilespmem:s19], [sflag:$0x3], $0x10, s31, s17, $0xb8;
	[tilespmem:$0x8700] =	vst v63  }
0x33: {  	_ =	swait.ge [sflag:s13], $0x800  }
0x34: {  	s28 =	simm.s32 $0x800;
	s26 =	simm.s32 $0x100;
	[sflag:s13] =	ssyncset.done $0x0  }
.LBB2_2:
0x35: {  	s29 =	sadd.s32 $0x4F80, s26  }
0x36: {  	[sflag:s13] =	ssyncadd.s32 $0xFFFFF800;
	s30 =	smov.u32 s28;
	s31 =	sadd.s32 $0x400, s28  }
0x37: {  	[tilespmem:s19], [sflag:$0x2] =	stream.indirect.gather [spmem:s2], $0x10, s29, s17, $0xb8;
	[tilespmem:$0x8700] =	vst v63  }
0x38: {  	p0 =	sne.s32 s28, $0x4800;
	_ =	swait.ge [sflag:s20], $0x800  }
0x39: {  	[sflag:s20] =	ssyncset.done $0x0  }
0x3a: {  	s28 =	sadd.s32 $0x6300, s26;
	[sflag:s20] =	ssyncadd.s32 $0xFFFFF800  }
0x3b: {  	[spmem:s3] =	stream.indirect.scatter.add.f32 [tilespmem:s18], [sflag:$0x3], $0x10, s28, s17, $0xb8;
	[tilespmem:$0x8700] =	vst v63  }
0x3c: {  	_ =	swait.ge [sflag:s13], $0x800  }
0x3d: {  	[sflag:s13] =	ssyncset.done $0x0  }
0x3e: {  	s28 =	sadd.s32 $0x5000, s26;
	[sflag:s13] =	ssyncadd.s32 $0xFFFFF800  }
0x3f: {  	[tilespmem:s18], [sflag:$0x1] =	stream.indirect.gather [spmem:s2], $0x10, s28, s17, $0xb8;
	[tilespmem:$0x8700] =	vst v63  }
0x40: {  	_ =	swait.ge [sflag:s21], $0x800  }
.Ltmp0:
0x41: {  	[sflag:s21] =	ssyncset.done $0x0;
	(pc) =	sbr.rel @p0 .LBB2_2-.Ltmp0, $4  }
0x42: {  	s26 =	sadd.s32 $0x6380, s26;
	[sflag:s21] =	ssyncadd.s32 $0xFFFFF800  }
0x43: {  	[spmem:s3] =	stream.indirect.scatter.add.f32 [tilespmem:s19], [sflag:$0x3], $0x10, s26, s17, $0xb8;
	[tilespmem:$0x8700] =	vst v63  }
0x44: {  	_ =	swait.ge [sflag:s13], $0x800  }
0x45: {  	s28 =	smov.u32 s31;
	s26 =	sshra.s32 s30, $0x2;
	[sflag:s13] =	ssyncset.done $0x0  }
0x46: {  	s28 =	sadd.s32 $0x4F80, s26;
	[sflag:s13] =	ssyncadd.s32 $0xFFFFF800  }
0x47: {  	[tilespmem:s19], [sflag:$0x2] =	stream.indirect.gather [spmem:s2], $0x10, s28, s17, $0xb8;
	[tilespmem:$0x8700] =	vst v63  }
0x48: {  	_ =	swait.ge [sflag:s20], $0x800  }
0x49: {  	[sflag:s20] =	ssyncset.done $0x0  }
0x4a: {  	s29 =	sadd.s32 $0x6300, s26;
	[sflag:s20] =	ssyncadd.s32 $0xFFFFF800  }
0x4b: {  	[spmem:s3] =	stream.indirect.scatter.add.f32 [tilespmem:s18], [sflag:$0x3], $0x10, s29, s17, $0xb8;
	[tilespmem:$0x8700] =	vst v63  }
0x4c: {  	_ =	swait.ge [sflag:s13], $0x800  }
0x4d: {  	[sflag:s13] =	ssyncset.done $0x0  }
0x4e: {  	s30 =	sadd.s32 $0x5000, s26;
	[sflag:s13] =	ssyncadd.s32 $0xFFFFF800  }
0x4f: {  	[tilespmem:s18], [sflag:$0x1] =	stream.indirect.gather [spmem:s2], $0x10, s30, s17, $0xb8;
	[tilespmem:$0x8700] =	vst v63  }
0x50: {  	_ =	swait.ge [sflag:s21], $0x800  }
0x51: {  	[sflag:s21] =	ssyncset.done $0x0  }
0x52: {  	s31 =	sadd.s32 $0x6380, s26;
	[sflag:s21] =	ssyncadd.s32 $0xFFFFF800  }
0x53: {  	[spmem:s3] =	stream.indirect.scatter.add.f32 [tilespmem:s19], [sflag:$0x3], $0x10, s31, s17, $0xb8;
	[tilespmem:$0x8700] =	vst v63  }
0x54: {  	_ =	swait.ge [sflag:s13], $0x800  }
0x55: {  	[sflag:s13] =	ssyncset.done $0x0  }
0x56: {  	[sflag:s13] =	ssyncadd.s32 $0xFFFFF800  }
0x57: {  	[tilespmem:s19], [sflag:$0x2] =	stream.indirect.gather [spmem:s2], $0x10, s22, s17, $0xb8;
	[tilespmem:$0x8700] =	vst v63  }
0x58: {  	_ =	swait.ge [sflag:s20], $0x800  }
0x59: {  	[sflag:s20] =	ssyncset.done $0x0  }
0x5a: {  	[sflag:s20] =	ssyncadd.s32 $0xFFFFF800  }
0x5b: {  	[spmem:s3] =	stream.indirect.scatter.add.f32 [tilespmem:s18], [sflag:$0x3], $0x10, s23, s17, $0xb8;
	[tilespmem:$0x8700] =	vst v63  }
0x5c: {  	_ =	swait.ge [sflag:s13], $0x800  }
0x5d: {  	[sflag:s13] =	ssyncset.done $0x0  }
0x5e: {  	[sflag:s13] =	ssyncadd.s32 $0xFFFFF800  }
0x5f: {  	_ =	swait.ge [sflag:s21], $0x800  }
0x60: {  	[sflag:s21] =	ssyncset.done $0x0  }
0x61: {  	[sflag:s21] =	ssyncadd.s32 $0xFFFFF800  }
0x62: {  	[spmem:s3] =	stream.indirect.scatter.add.f32 [tilespmem:s19], [sflag:$0x3], $0x10, s24, s17, $0xb8;
	[tilespmem:$0x8700] =	vst v63  }
0x63: {  	_ =	swait.ge [sflag:s13], $0x800  }
0x64: {  	s25 =	sadd.s32 $0x1, s25;
	[sflag:s13] =	ssyncset.done $0x0  }
0x65: {  	p0 =	sne.s32 s25, s11;
	[sflag:s13] =	ssyncadd.s32 $0xFFFFF800  }
.Ltmp1:
0x66: {  	[bflag:$0x0] =	sbarrier.arrive $0xFFFF;
	(pc) =	sbr.rel @p0 .LBB2_1-.Ltmp1, $4  }
0x67: {  	[hbm:s10], [sflag:s6] =	dma.local [spmem:s14], $0x4F0  }
0x68: {  	_ =	swait.ge [sflag:s13], $0x4F0  }
0x69: {  	[sflag:s13] =	ssyncset.done $0x0  }
0x6a: {  	[sflag:s13] =	ssyncadd.s32 $0xFFFFFB10  }
0x6b: {  	_ =	sfence.sel $0x180000  }
0x6c: {  	[bflag:$0x0] =	sbarrier.arrive $0xFFFF  }
0x6d: {  	p0 =	sne.s32 s0, $0x0;
	_ =	strace $0x90000056  }
0x6e: {  	s0 =	sadd.s32 @!p0 $0x100000, s1;
	[bflag:$0x2] =	sbarrier.arrive $0xFFFF  }
0x6f: {  	[sflag:s0] =	ssyncadd.tile.s32 @!p0 $0x1;
	_ =	shalt  }
.Lfunc_end2:
_tile_overlayer_lowered:
.L_overlay_start_2:
0x70: {  	(tag) =	ssettag $0x2  }
0x71: {  	s0 =	rddreg [dreg:$0x0];
	s2 =	stileid.u32  }
0x72: {  	s1 =	rddreg [dreg:$0x1];
	p0 =	sne.s32 s2, $0x0  }
0x73: {  	s3 =	rddreg [dreg:$0x2];
	[bflag:$0x3] =	sbarrier.arrive $0xFFFF;
	s2 =	simm.s32 @!p0 $0x1C03  }
0x74: {  	[timem:s3], [sflag:s2] =	dma.local @!p0 [hbm:s0], s1  }
0x75: {  	s0 =	simm.s32 @!p0 $0x3  }
0x76: {  	_ =	swait.ge @!p0 [sflag:s0], s1  }
0x77: {  	s1 =	ssub.s32 @!p0 $0x0, s1;
	[sflag:s0] =	ssyncset.done @!p0 $0x0  }
0x78: {  	[sflag:s0] =	ssyncadd.s32 @!p0 s1  }
0x79: {  	[bflag:$0x3] =	sbarrier.arrive $0xFFFF  }
0x7a: {  	_ =	shalt  }

</sc_bundles>
